<compile_context>
chip_gen: v7x
topology: tpu7x:2x2x1
jax: 0.10.2.dev20260603
libtpu: 0.0.44.dev20260713+nightly
codegen_flags: <defaults>
</compile_context>

<pallas_src>
import jax
import jax.numpy as jnp
from jax import lax
from jax.experimental import pallas as pl
from jax.experimental.pallas import tpu as pltpu
from jax.experimental.pallas import tpu_sc as plsc

NC, NS, L = 2, 16, 16
NW = NC * NS
B = 16384
D = 128
BPW = B // NW
CH = 128
NCHUNK = BPW // CH
NSLOT = 2
GP = CH // L
PST = L + 1


def _tree_sum(vals):
    vals = list(vals)
    while len(vals) > 1:
        nxt = [a + b for a, b in zip(vals[0::2], vals[1::2])]
        if len(vals) % 2:
            nxt.append(vals[-1])
        vals = nxt
    return vals[0]


def _sc_body(vi_hbm, vj_hbm, a_hbm, b_hbm, out_hbm,
             idxa_v, idxb_v, rows_a, rows_b, pbuf, out_v, sems, isem):
    wid = lax.axis_index("s") * NC + lax.axis_index("c")
    base = wid * BPW
    lanes = lax.iota(jnp.int32, L)

    cpa = pltpu.async_copy(vi_hbm.at[pl.ds(base, BPW)], idxa_v, isem)
    cpb = pltpu.async_copy(vj_hbm.at[pl.ds(base, BPW)], idxb_v, isem)
    cpa.wait()
    cpb.wait()

    def start(ch, slot):
        ia = idxa_v.at[pl.ds(ch * CH, CH)]
        ib = idxb_v.at[pl.ds(ch * CH, CH)]
        pltpu.async_copy(a_hbm.at[ia], rows_a.at[slot], sems.at[slot])
        pltpu.async_copy(b_hbm.at[ib], rows_b.at[slot], sems.at[slot])

    def drain(slot):
        pltpu.make_async_copy(a_hbm.at[idxa_v.at[pl.ds(0, CH)]],
                              rows_a.at[slot], sems.at[slot]).wait()
        pltpu.make_async_copy(b_hbm.at[idxb_v.at[pl.ds(0, CH)]],
                              rows_b.at[slot], sems.at[slot]).wait()

    for p in range(NSLOT - 1):
        start(p, p)

    def chunk(ch, carry):
        slot = lax.rem(ch, NSLOT)

        @pl.when(ch + NSLOT - 1 < NCHUNK)
        def _():
            start(ch + NSLOT - 1, lax.rem(ch + NSLOT - 1, NSLOT))

        drain(slot)
        ra = rows_a.at[slot]
        rb = rows_b.at[slot]

        @plsc.parallel_loop(0, GP, unroll=2)
        def group(g):
            pb = g * (L * PST)
            for r in range(L):
                row = g * L + r
                acc = _tree_sum(ra[row, pl.ds(e * L, L)] * rb[row, pl.ds(e * L, L)]
                                for e in range(D // L))
                pbuf[pl.ds(pb + r * PST, L)] = acc
            csum = _tree_sum(plsc.load_gather(pbuf, [pb + lanes * PST + l])
                             for l in range(L))
            out_v[pl.ds(ch * CH + g * L, L)] = csum

        return carry

    lax.fori_loop(0, NCHUNK, chunk, 0)
    pltpu.sync_copy(out_v, out_hbm.at[pl.ds(base, BPW)])


def kernel(v_i, v_j, first_emb, second_emb, context_emb):
    del first_emb
    mesh = plsc.VectorSubcoreMesh(core_axis_name="c", subcore_axis_name="s",
                                  num_cores=NC, num_subcores=NS)
    f = pl.kernel(
        _sc_body,
        out_type=jax.ShapeDtypeStruct((B,), jnp.float32),
        mesh=mesh,
        compiler_params=pltpu.CompilerParams(
            needs_layout_passes=False,
            disable_bounds_checks=True,
            disable_semaphore_checks=True,
            skip_device_barrier=True,
        ),
        scratch_types=[
            pltpu.VMEM((BPW,), jnp.int32),
            pltpu.VMEM((BPW,), jnp.int32),
            pltpu.VMEM((NSLOT, CH, D), jnp.float32),
            pltpu.VMEM((NSLOT, CH, D), jnp.float32),
            pltpu.VMEM((GP * L * PST,), jnp.float32),
            pltpu.VMEM((BPW,), jnp.float32),
            pltpu.SemaphoreType.DMA((NSLOT,)),
            pltpu.SemaphoreType.DMA,
        ],
    )
    return f(v_i.astype(jnp.int32), v_j.astype(jnp.int32),
             second_emb, context_emb)

# --- scband reference (transcript-rebuilt; emitter-appended) ---
"""Pipeline reference for scband-linemodel-52304111731134 (READ-ONLY COPY).

The authoritative reference and input builder live on the scoring server;
editing this copy changes nothing except your own understanding.
"""

import jax, jax.numpy as jnp
import numpy as np

NUM_NODES = 1000000
EMB = 128
BATCH = 16384

def setup_inputs(seed: int = 0) -> dict:
    key = jax.random.key(seed)
    k1, k2, k3, k4, k5 = jax.random.split(key, 5)
    v_i = jax.random.randint(k1, (BATCH,), 0, NUM_NODES, dtype=jnp.int64 if jax.config.jax_enable_x64 else jnp.int32)
    v_j = jax.random.randint(k2, (BATCH,), 0, NUM_NODES, dtype=jnp.int64 if jax.config.jax_enable_x64 else jnp.int32)
    first_emb = jax.random.normal(k3, (NUM_NODES, EMB), dtype=jnp.float32) * 0.02
    second_emb = jax.random.normal(k4, (NUM_NODES, EMB), dtype=jnp.float32) * 0.02
    context_emb = jax.random.normal(k5, (NUM_NODES, EMB), dtype=jnp.float32) * 0.02
    return {"v_i": v_i, "v_j": v_j, "first_emb": first_emb, "second_emb": second_emb, "context_emb": context_emb}

def reference(v_i, v_j, first_emb, second_emb, context_emb):
    # order == 'second'
    v_i_emb = jnp.take(first_emb, v_i, axis=0)
    v_j_emb = jnp.take(first_emb, v_j, axis=0)
    v_i_emb_second = jnp.take(second_emb, v_i, axis=0)
    v_j_context_emb = jnp.take(context_emb, v_j, axis=0)
    first_order = jnp.sum(v_i_emb * v_j_emb, axis=-1)
    second_order = jnp.sum(v_i_emb_second * v_j_context_emb, axis=-1)
    return second_order

if __name__ == "__main__":
    import jax
    _d = setup_inputs()
    print(jax.jit(kernel)(*tuple(_d.values())))

</pallas_src>

<mosaic_0001>
#map = affine_map<(d0, d1) -> (0)>
#map1 = affine_map<(d0, d1) -> (0, 0)>
module attributes {stable_mosaic.version = 14 : i64} {
  func.func @_sc_body(%arg0: i32, %arg1: i32, %arg2: memref<16384xi32, #tpu.memory_space<hbm>>, %arg3: memref<16384xi32, #tpu.memory_space<hbm>>, %arg4: memref<1000000x128xf32, #tpu.memory_space<hbm>>, %arg5: memref<1000000x128xf32, #tpu.memory_space<hbm>>, %arg6: memref<16384xf32, #tpu.memory_space<hbm>>, %arg7: memref<512xi32, #tpu.memory_space<vmem>>, %arg8: memref<512xi32, #tpu.memory_space<vmem>>, %arg9: memref<2x128x128xf32, #tpu.memory_space<vmem>>, %arg10: memref<2x128x128xf32, #tpu.memory_space<vmem>>, %arg11: memref<2176xf32, #tpu.memory_space<vmem>>, %arg12: memref<512xf32, #tpu.memory_space<vmem>>, %arg13: memref<2x!tpu.dma_semaphore, #tpu.memory_space<semaphore_mem>>, %arg14: memref<!tpu.dma_semaphore, #tpu.memory_space<semaphore_mem>>) attributes {dimension_semantics = [#tpu.dimension_semantics<core_parallel>, #tpu.dimension_semantics<subcore_parallel>], iteration_bounds = array<i64: 2, 16>, scalar_prefetch = 0 : i64, scratch_operands = 8 : i64, tpu.core_type = #tpu.core_type<sc_vector_subcore>, window_params = [{transform_indices = #map}, {transform_indices = #map}, {transform_indices = #map1}, {transform_indices = #map1}, {transform_indices = #map}]} {
    %mul3A = arith.constant 2 : i32
    %mul3A_0 = arith.muli %arg1, %mul3A : i32
    %add3A = arith.addi %mul3A_0, %arg0 : i32
    %mul3A_1 = arith.constant 512 : i32
    %mul3A_2 = arith.muli %add3A, %mul3A_1 : i32
    %iota3A = tpu.iota {dimensions = array<i32: 0>} : vector<16xi32>
    %dma_start3A = tpu.memref_slice %arg2[%mul3A_2] : memref<16384xi32, #tpu.memory_space<hbm>> -> memref<512xi32, #tpu.memory_space<hbm>>
    %dma_start3A_3 = tpu.memref_slice %arg2[%mul3A_2] : memref<16384xi32, #tpu.memory_space<hbm>> -> memref<512xi32, #tpu.memory_space<hbm>>
    tpu.enqueue_dma source(%dma_start3A_3 : memref<512xi32, #tpu.memory_space<hbm>>) target(%arg7 : memref<512xi32, #tpu.memory_space<vmem>>) target_semaphore(%arg14 : memref<!tpu.dma_semaphore, #tpu.memory_space<semaphore_mem>>)
    %dma_start3A_4 = tpu.memref_slice %arg3[%mul3A_2] : memref<16384xi32, #tpu.memory_space<hbm>> -> memref<512xi32, #tpu.memory_space<hbm>>
    %dma_start3A_5 = tpu.memref_slice %arg3[%mul3A_2] : memref<16384xi32, #tpu.memory_space<hbm>> -> memref<512xi32, #tpu.memory_space<hbm>>
    tpu.enqueue_dma source(%dma_start3A_5 : memref<512xi32, #tpu.memory_space<hbm>>) target(%arg8 : memref<512xi32, #tpu.memory_space<vmem>>) target_semaphore(%arg14 : memref<!tpu.dma_semaphore, #tpu.memory_space<semaphore_mem>>)
    %dma_wait3A = tpu.memref_slice %arg2[%mul3A_2] : memref<16384xi32, #tpu.memory_space<hbm>> -> memref<512xi32, #tpu.memory_space<hbm>>
    %dma_wait3A_6 = tpu.memref_slice %arg2[%mul3A_2] : memref<16384xi32, #tpu.memory_space<hbm>> -> memref<512xi32, #tpu.memory_space<hbm>>
    tpu.wait_dma2 semaphore(%arg14 : memref<!tpu.dma_semaphore, #tpu.memory_space<semaphore_mem>>) src(%dma_wait3A_6 : memref<512xi32, #tpu.memory_space<hbm>>) dst(%arg7 : memref<512xi32, #tpu.memory_space<vmem>>)
    %dma_wait3A_7 = tpu.memref_slice %arg3[%mul3A_2] : memref<16384xi32, #tpu.memory_space<hbm>> -> memref<512xi32, #tpu.memory_space<hbm>>
    %dma_wait3A_8 = tpu.memref_slice %arg3[%mul3A_2] : memref<16384xi32, #tpu.memory_space<hbm>> -> memref<512xi32, #tpu.memory_space<hbm>>
    tpu.wait_dma2 semaphore(%arg14 : memref<!tpu.dma_semaphore, #tpu.memory_space<semaphore_mem>>) src(%dma_wait3A_8 : memref<512xi32, #tpu.memory_space<hbm>>) dst(%arg8 : memref<512xi32, #tpu.memory_space<vmem>>)
    %dma_start3A_9 = arith.constant 0 : i32
    %dma_start3A_10 = arith.constant 0 : i32
    %dma_start3A_11 = arith.constant 0 : i32
    %dma_start3A_12 = arith.constant 0 : i32
    %dma_start3A_13 = tpu.memref_slice %arg9[%dma_start3A_9, %dma_start3A_11, %dma_start3A_12] : memref<2x128x128xf32, #tpu.memory_space<vmem>> -> memref<1x128x128xf32, #tpu.memory_space<vmem>>
    %dma_start3A_14 = tpu.memref_squeeze %dma_start3A_13 : memref<1x128x128xf32, #tpu.memory_space<vmem>> -> memref<128x128xf32, #tpu.memory_space<vmem>>
    %dma_start3A_15 = arith.constant 0 : i32
    %dma_start3A_16 = tpu.memref_slice %arg7[%dma_start3A_15] : memref<512xi32, #tpu.memory_space<vmem>> -> memref<128xi32, #tpu.memory_space<vmem>>
    %dma_start3A_17 = arith.constant 0 : i32
    %dma_start3A_18 = arith.constant 0 : i32
    %dma_start3A_19 = tpu.memref_slice %arg4[%dma_start3A_17, %dma_start3A_18] : memref<1000000x128xf32, #tpu.memory_space<hbm>> -> memref<1000000x128xf32, #tpu.memory_space<hbm>>
    %dma_start3A_20 = tpu.memref_slice %arg13[%dma_start3A_10] : memref<2x!tpu.dma_semaphore, #tpu.memory_space<semaphore_mem>> -> memref<1x!tpu.dma_semaphore, #tpu.memory_space<semaphore_mem>>
    %dma_start3A_21 = tpu.memref_squeeze %dma_start3A_20 : memref<1x!tpu.dma_semaphore, #tpu.memory_space<semaphore_mem>> -> memref<!tpu.dma_semaphore, #tpu.memory_space<semaphore_mem>>
    tpu.enqueue_indirect_dma source(%dma_start3A_19 : memref<1000000x128xf32, #tpu.memory_space<hbm>>) target(%dma_start3A_14 : memref<128x128xf32, #tpu.memory_space<vmem>>) offsets(%dma_start3A_16 : memref<128xi32, #tpu.memory_space<vmem>>) semaphore(%dma_start3A_21 : memref<!tpu.dma_semaphore, #tpu.memory_space<semaphore_mem>>)
    %dma_start3A_22 = arith.constant 0 : i32
    %dma_start3A_23 = arith.constant 0 : i32
    %dma_start3A_24 = arith.constant 0 : i32
    %dma_start3A_25 = arith.constant 0 : i32
    %dma_start3A_26 = tpu.memref_slice %arg10[%dma_start3A_22, %dma_start3A_24, %dma_start3A_25] : memref<2x128x128xf32, #tpu.memory_space<vmem>> -> memref<1x128x128xf32, #tpu.memory_space<vmem>>
    %dma_start3A_27 = tpu.memref_squeeze %dma_start3A_26 : memref<1x128x128xf32, #tpu.memory_space<vmem>> -> memref<128x128xf32, #tpu.memory_space<vmem>>
    %dma_start3A_28 = arith.constant 0 : i32
    %dma_start3A_29 = tpu.memref_slice %arg8[%dma_start3A_28] : memref<512xi32, #tpu.memory_space<vmem>> -> memref<128xi32, #tpu.memory_space<vmem>>
    %dma_start3A_30 = arith.constant 0 : i32
    %dma_start3A_31 = arith.constant 0 : i32
    %dma_start3A_32 = tpu.memref_slice %arg5[%dma_start3A_30, %dma_start3A_31] : memref<1000000x128xf32, #tpu.memory_space<hbm>> -> memref<1000000x128xf32, #tpu.memory_space<hbm>>
    %dma_start3A_33 = tpu.memref_slice %arg13[%dma_start3A_23] : memref<2x!tpu.dma_semaphore, #tpu.memory_space<semaphore_mem>> -> memref<1x!tpu.dma_semaphore, #tpu.memory_space<semaphore_mem>>
    %dma_start3A_34 = tpu.memref_squeeze %dma_start3A_33 : memref<1x!tpu.dma_semaphore, #tpu.memory_space<semaphore_mem>> -> memref<!tpu.dma_semaphore, #tpu.memory_space<semaphore_mem>>
    tpu.enqueue_indirect_dma source(%dma_start3A_32 : memref<1000000x128xf32, #tpu.memory_space<hbm>>) target(%dma_start3A_27 : memref<128x128xf32, #tpu.memory_space<vmem>>) offsets(%dma_start3A_29 : memref<128xi32, #tpu.memory_space<vmem>>) semaphore(%dma_start3A_34 : memref<!tpu.dma_semaphore, #tpu.memory_space<semaphore_mem>>)
    %scan3A = arith.constant 0 : i32
    %scan3A_35 = arith.constant 0 : i32
    %scan3A_36 = arith.constant 4 : i32
    %scan3A_37 = arith.addi %scan3A_35, %scan3A_36 : i32
    %scan3A_38 = arith.constant 1 : i32
    scf.for %scan3A_40 = %scan3A_35 to %scan3A_37 step %scan3A_38  : i32 {
      %rem3A = arith.constant 2 : i32
      %rem3A_41 = arith.remsi %scan3A_40, %rem3A : i32
      %add3A_42 = arith.constant 2 : i32
      %add3A_43 = arith.addi %scan3A_40, %add3A_42 : i32
      %sub3A = arith.constant 1 : i32
      %sub3A_44 = arith.subi %add3A_43, %sub3A : i32
      %lt3A = arith.constant 4 : i32
      %lt3A_45 = arith.cmpi slt, %sub3A_44, %lt3A : i32
      %convert_element_type3A = arith.extui %lt3A_45 : i1 to i32
      %cond3A = arith.constant 0 : i32
      %cond3A_46 = arith.cmpi ne, %convert_element_type3A, %cond3A : i32
      scf.if %cond3A_46 {
        %add3A_71 = arith.constant 2 : i32
        %add3A_72 = arith.addi %scan3A_40, %add3A_71 : i32
        %sub3A_73 = arith.constant 1 : i32
        %sub3A_74 = arith.subi %add3A_72, %sub3A_73 : i32
        %add3A_75 = arith.constant 2 : i32
        %add3A_76 = arith.addi %scan3A_40, %add3A_75 : i32
        %sub3A_77 = arith.constant 1 : i32
        %sub3A_78 = arith.subi %add3A_76, %sub3A_77 : i32
        %rem3A_79 = arith.constant 2 : i32
        %rem3A_80 = arith.remsi %sub3A_78, %rem3A_79 : i32
        %mul3A_81 = arith.constant 128 : i32
        %mul3A_82 = arith.muli %sub3A_74, %mul3A_81 : i32
        %mul3A_83 = arith.constant 128 : i32
        %mul3A_84 = arith.muli %sub3A_74, %mul3A_83 : i32
        %dma_start3A_85 = arith.constant 0 : i32
        %dma_start3A_86 = arith.constant 0 : i32
        %dma_start3A_87 = tpu.memref_slice %arg9[%rem3A_80, %dma_start3A_85, %dma_start3A_86] : memref<2x128x128xf32, #tpu.memory_space<vmem>> -> memref<1x128x128xf32, #tpu.memory_space<vmem>>
        %dma_start3A_88 = tpu.memref_squeeze %dma_start3A_87 : memref<1x128x128xf32, #tpu.memory_space<vmem>> -> memref<128x128xf32, #tpu.memory_space<vmem>>
        %dma_start3A_89 = tpu.memref_slice %arg7[%mul3A_82] : memref<512xi32, #tpu.memory_space<vmem>> -> memref<128xi32, #tpu.memory_space<vmem>>
        %dma_start3A_90 = arith.constant 0 : i32
        %dma_start3A_91 = arith.constant 0 : i32
        %dma_start3A_92 = tpu.memref_slice %arg4[%dma_start3A_90, %dma_start3A_91] : memref<1000000x128xf32, #tpu.memory_space<hbm>> -> memref<1000000x128xf32, #tpu.memory_space<hbm>>
        %dma_start3A_93 = tpu.memref_slice %arg13[%rem3A_80] : memref<2x!tpu.dma_semaphore, #tpu.memory_space<semaphore_mem>> -> memref<1x!tpu.dma_semaphore, #tpu.memory_space<semaphore_mem>>
        %dma_start3A_94 = tpu.memref_squeeze %dma_start3A_93 : memref<1x!tpu.dma_semaphore, #tpu.memory_space<semaphore_mem>> -> memref<!tpu.dma_semaphore, #tpu.memory_space<semaphore_mem>>
        tpu.enqueue_indirect_dma source(%dma_start3A_92 : memref<1000000x128xf32, #tpu.memory_space<hbm>>) target(%dma_start3A_88 : memref<128x128xf32, #tpu.memory_space<vmem>>) offsets(%dma_start3A_89 : memref<128xi32, #tpu.memory_space<vmem>>) semaphore(%dma_start3A_94 : memref<!tpu.dma_semaphore, #tpu.memory_space<semaphore_mem>>)
        %dma_start3A_95 = arith.constant 0 : i32
        %dma_start3A_96 = arith.constant 0 : i32
        %dma_start3A_97 = tpu.memref_slice %arg10[%rem3A_80, %dma_start3A_95, %dma_start3A_96] : memref<2x128x128xf32, #tpu.memory_space<vmem>> -> memref<1x128x128xf32, #tpu.memory_space<vmem>>
        %dma_start3A_98 = tpu.memref_squeeze %dma_start3A_97 : memref<1x128x128xf32, #tpu.memory_space<vmem>> -> memref<128x128xf32, #tpu.memory_space<vmem>>
        %dma_start3A_99 = tpu.memref_slice %arg8[%mul3A_84] : memref<512xi32, #tpu.memory_space<vmem>> -> memref<128xi32, #tpu.memory_space<vmem>>
        %dma_start3A_100 = arith.constant 0 : i32
        %dma_start3A_101 = arith.constant 0 : i32
        %dma_start3A_102 = tpu.memref_slice %arg5[%dma_start3A_100, %dma_start3A_101] : memref<1000000x128xf32, #tpu.memory_space<hbm>> -> memref<1000000x128xf32, #tpu.memory_space<hbm>>
        %dma_start3A_103 = tpu.memref_slice %arg13[%rem3A_80] : memref<2x!tpu.dma_semaphore, #tpu.memory_space<semaphore_mem>> -> memref<1x!tpu.dma_semaphore, #tpu.memory_space<semaphore_mem>>
        %dma_start3A_104 = tpu.memref_squeeze %dma_start3A_103 : memref<1x!tpu.dma_semaphore, #tpu.memory_space<semaphore_mem>> -> memref<!tpu.dma_semaphore, #tpu.memory_space<semaphore_mem>>
        tpu.enqueue_indirect_dma source(%dma_start3A_102 : memref<1000000x128xf32, #tpu.memory_space<hbm>>) target(%dma_start3A_98 : memref<128x128xf32, #tpu.memory_space<vmem>>) offsets(%dma_start3A_99 : memref<128xi32, #tpu.memory_space<vmem>>) semaphore(%dma_start3A_104 : memref<!tpu.dma_semaphore, #tpu.memory_space<semaphore_mem>>)
      } else {
      }
      %dma_wait3A_47 = arith.constant 0 : i32
      %dma_wait3A_48 = arith.constant 0 : i32
      %dma_wait3A_49 = tpu.memref_slice %arg9[%rem3A_41, %dma_wait3A_47, %dma_wait3A_48] : memref<2x128x128xf32, #tpu.memory_space<vmem>> -> memref<1x128x128xf32, #tpu.memory_space<vmem>>
      %dma_wait3A_50 = tpu.memref_squeeze %dma_wait3A_49 : memref<1x128x128xf32, #tpu.memory_space<vmem>> -> memref<128x128xf32, #tpu.memory_space<vmem>>
      %dma_wait3A_51 = arith.constant 0 : i32
      %dma_wait3A_52 = tpu.memref_slice %arg7[%dma_wait3A_51] : memref<512xi32, #tpu.memory_space<vmem>> -> memref<128xi32, #tpu.memory_space<vmem>>
      %dma_wait3A_53 = arith.constant 0 : i32
      %dma_wait3A_54 = arith.constant 0 : i32
      %dma_wait3A_55 = tpu.memref_slice %arg4[%dma_wait3A_53, %dma_wait3A_54] : memref<1000000x128xf32, #tpu.memory_space<hbm>> -> memref<1000000x128xf32, #tpu.memory_space<hbm>>
      %dma_wait3A_56 = tpu.memref_slice %arg13[%rem3A_41] : memref<2x!tpu.dma_semaphore, #tpu.memory_space<semaphore_mem>> -> memref<1x!tpu.dma_semaphore, #tpu.memory_space<semaphore_mem>>
      %dma_wait3A_57 = tpu.memref_squeeze %dma_wait3A_56 : memref<1x!tpu.dma_semaphore, #tpu.memory_space<semaphore_mem>> -> memref<!tpu.dma_semaphore, #tpu.memory_space<semaphore_mem>>
      tpu.wait_indirect_dma semaphore(%dma_wait3A_57 : memref<!tpu.dma_semaphore, #tpu.memory_space<semaphore_mem>>) src(%dma_wait3A_55 : memref<1000000x128xf32, #tpu.memory_space<hbm>>) dst(%dma_wait3A_50 : memref<128x128xf32, #tpu.memory_space<vmem>>)
      %dma_wait3A_58 = arith.constant 0 : i32
      %dma_wait3A_59 = arith.constant 0 : i32
      %dma_wait3A_60 = tpu.memref_slice %arg10[%rem3A_41, %dma_wait3A_58, %dma_wait3A_59] : memref<2x128x128xf32, #tpu.memory_space<vmem>> -> memref<1x128x128xf32, #tpu.memory_space<vmem>>
      %dma_wait3A_61 = tpu.memref_squeeze %dma_wait3A_60 : memref<1x128x128xf32, #tpu.memory_space<vmem>> -> memref<128x128xf32, #tpu.memory_space<vmem>>
      %dma_wait3A_62 = arith.constant 0 : i32
      %dma_wait3A_63 = tpu.memref_slice %arg8[%dma_wait3A_62] : memref<512xi32, #tpu.memory_space<vmem>> -> memref<128xi32, #tpu.memory_space<vmem>>
      %dma_wait3A_64 = arith.constant 0 : i32
      %dma_wait3A_65 = arith.constant 0 : i32
      %dma_wait3A_66 = tpu.memref_slice %arg5[%dma_wait3A_64, %dma_wait3A_65] : memref<1000000x128xf32, #tpu.memory_space<hbm>> -> memref<1000000x128xf32, #tpu.memory_space<hbm>>
      %dma_wait3A_67 = tpu.memref_slice %arg13[%rem3A_41] : memref<2x!tpu.dma_semaphore, #tpu.memory_space<semaphore_mem>> -> memref<1x!tpu.dma_semaphore, #tpu.memory_space<semaphore_mem>>
      %dma_wait3A_68 = tpu.memref_squeeze %dma_wait3A_67 : memref<1x!tpu.dma_semaphore, #tpu.memory_space<semaphore_mem>> -> memref<!tpu.dma_semaphore, #tpu.memory_space<semaphore_mem>>
      tpu.wait_indirect_dma semaphore(%dma_wait3A_68 : memref<!tpu.dma_semaphore, #tpu.memory_space<semaphore_mem>>) src(%dma_wait3A_66 : memref<1000000x128xf32, #tpu.memory_space<hbm>>) dst(%dma_wait3A_61 : memref<128x128xf32, #tpu.memory_space<vmem>>)
      %parallel_loop3A = arith.constant 0 : i32
      %parallel_loop3A_69 = arith.constant 8 : i32
      %parallel_loop3A_70 = arith.constant 1 : i32
      scf.for %parallel_loop3A_71 = %parallel_loop3A to %parallel_loop3A_69 step %parallel_loop3A_70  : i32 {
        %parallel_loop3A_72 = arith.constant 272 : i32
        %parallel_loop3A_73 = arith.muli %parallel_loop3A_71, %parallel_loop3A_72 : i32
        %parallel_loop3A_74 = arith.constant 16 : i32
        %parallel_loop3A_75 = arith.muli %parallel_loop3A_71, %parallel_loop3A_74 : i32
        %parallel_loop3A_76 = arith.constant 0 : i32
        %parallel_loop3A_77 = arith.addi %parallel_loop3A_75, %parallel_loop3A_76 : i32
        %parallel_loop3A_78 = arith.constant 0 : i32
        %parallel_loop3A_79 = arith.constant 0 : i32
        %parallel_loop3A_80 = tpu.memref_slice %arg9[%rem3A_41, %parallel_loop3A_78, %parallel_loop3A_79] : memref<2x128x128xf32, #tpu.memory_space<vmem>> -> memref<1x128x128xf32, #tpu.memory_space<vmem>>
        %parallel_loop3A_81 = tpu.memref_squeeze %parallel_loop3A_80 : memref<1x128x128xf32, #tpu.memory_space<vmem>> -> memref<128x128xf32, #tpu.memory_space<vmem>>
        %parallel_loop3A_82 = arith.index_cast %parallel_loop3A_77 : i32 to index
        %parallel_loop3A_83 = arith.constant 0 : index
        %parallel_loop3A_84 = tpu.vector_load %parallel_loop3A_81[%parallel_loop3A_82, %parallel_loop3A_83] {strides = array<i32>} : memref<128x128xf32, #tpu.memory_space<vmem>>, vector<16xf32>,
        %parallel_loop3A_85 = arith.constant 0 : i32
        %parallel_loop3A_86 = arith.constant 0 : i32
        %parallel_loop3A_87 = tpu.memref_slice %arg10[%rem3A_41, %parallel_loop3A_85, %parallel_loop3A_86] : memref<2x128x128xf32, #tpu.memory_space<vmem>> -> memref<1x128x128xf32, #tpu.memory_space<vmem>>
        %parallel_loop3A_88 = tpu.memref_squeeze %parallel_loop3A_87 : memref<1x128x128xf32, #tpu.memory_space<vmem>> -> memref<128x128xf32, #tpu.memory_space<vmem>>
        %parallel_loop3A_89 = arith.index_cast %parallel_loop3A_77 : i32 to index
        %parallel_loop3A_90 = arith.constant 0 : index
        %parallel_loop3A_91 = tpu.vector_load %parallel_loop3A_88[%parallel_loop3A_89, %parallel_loop3A_90] {strides = array<i32>} : memref<128x128xf32, #tpu.memory_space<vmem>>, vector<16xf32>,
        %parallel_loop3A_92 = arith.mulf %parallel_loop3A_84, %parallel_loop3A_91 : vector<16xf32>
        %parallel_loop3A_93 = arith.constant 0 : i32
        %parallel_loop3A_94 = arith.constant 0 : i32
        %parallel_loop3A_95 = tpu.memref_slice %arg9[%rem3A_41, %parallel_loop3A_93, %parallel_loop3A_94] : memref<2x128x128xf32, #tpu.memory_space<vmem>> -> memref<1x128x128xf32, #tpu.memory_space<vmem>>
        %parallel_loop3A_96 = tpu.memref_squeeze %parallel_loop3A_95 : memref<1x128x128xf32, #tpu.memory_space<vmem>> -> memref<128x128xf32, #tpu.memory_space<vmem>>
        %parallel_loop3A_97 = arith.index_cast %parallel_loop3A_77 : i32 to index
        %parallel_loop3A_98 = arith.constant 16 : index
        %parallel_loop3A_99 = tpu.vector_load %parallel_loop3A_96[%parallel_loop3A_97, %parallel_loop3A_98] {strides = array<i32>} : memref<128x128xf32, #tpu.memory_space<vmem>>, vector<16xf32>,
        %parallel_loop3A_100 = arith.constant 0 : i32
        %parallel_loop3A_101 = arith.constant 0 : i32
        %parallel_loop3A_102 = tpu.memref_slice %arg10[%rem3A_41, %parallel_loop3A_100, %parallel_loop3A_101] : memref<2x128x128xf32, #tpu.memory_space<vmem>> -> memref<1x128x128xf32, #tpu.memory_space<vmem>>
        %parallel_loop3A_103 = tpu.memref_squeeze %parallel_loop3A_102 : memref<1x128x128xf32, #tpu.memory_space<vmem>> -> memref<128x128xf32, #tpu.memory_space<vmem>>
        %parallel_loop3A_104 = arith.index_cast %parallel_loop3A_77 : i32 to index
        %parallel_loop3A_105 = arith.constant 16 : index
        %parallel_loop3A_106 = tpu.vector_load %parallel_loop3A_103[%parallel_loop3A_104, %parallel_loop3A_105] {strides = array<i32>} : memref<128x128xf32, #tpu.memory_space<vmem>>, vector<16xf32>,
        %parallel_loop3A_107 = arith.mulf %parallel_loop3A_99, %parallel_loop3A_106 : vector<16xf32>
        %parallel_loop3A_108 = arith.constant 0 : i32
        %parallel_loop3A_109 = arith.constant 0 : i32
        %parallel_loop3A_110 = tpu.memref_slice %arg9[%rem3A_41, %parallel_loop3A_108, %parallel_loop3A_109] : memref<2x128x128xf32, #tpu.memory_space<vmem>> -> memref<1x128x128xf32, #tpu.memory_space<vmem>>
        %parallel_loop3A_111 = tpu.memref_squeeze %parallel_loop3A_110 : memref<1x128x128xf32, #tpu.memory_space<vmem>> -> memref<128x128xf32, #tpu.memory_space<vmem>>
        %parallel_loop3A_112 = arith.index_cast %parallel_loop3A_77 : i32 to index
        %parallel_loop3A_113 = arith.constant 32 : index
        %parallel_loop3A_114 = tpu.vector_load %parallel_loop3A_111[%parallel_loop3A_112, %parallel_loop3A_113] {strides = array<i32>} : memref<128x128xf32, #tpu.memory_space<vmem>>, vector<16xf32>,
        %parallel_loop3A_115 = arith.constant 0 : i32
        %parallel_loop3A_116 = arith.constant 0 : i32
        %parallel_loop3A_117 = tpu.memref_slice %arg10[%rem3A_41, %parallel_loop3A_115, %parallel_loop3A_116] : memref<2x128x128xf32, #tpu.memory_space<vmem>> -> memref<1x128x128xf32, #tpu.memory_space<vmem>>
        %parallel_loop3A_118 = tpu.memref_squeeze %parallel_loop3A_117 : memref<1x128x128xf32, #tpu.memory_space<vmem>> -> memref<128x128xf32, #tpu.memory_space<vmem>>
        %parallel_loop3A_119 = arith.index_cast %parallel_loop3A_77 : i32 to index
        %parallel_loop3A_120 = arith.constant 32 : index
        %parallel_loop3A_121 = tpu.vector_load %parallel_loop3A_118[%parallel_loop3A_119, %parallel_loop3A_120] {strides = array<i32>} : memref<128x128xf32, #tpu.memory_space<vmem>>, vector<16xf32>,
        %parallel_loop3A_122 = arith.mulf %parallel_loop3A_114, %parallel_loop3A_121 : vector<16xf32>
        %parallel_loop3A_123 = arith.constant 0 : i32
        %parallel_loop3A_124 = arith.constant 0 : i32
        %parallel_loop3A_125 = tpu.memref_slice %arg9[%rem3A_41, %parallel_loop3A_123, %parallel_loop3A_124] : memref<2x128x128xf32, #tpu.memory_space<vmem>> -> memref<1x128x128xf32, #tpu.memory_space<vmem>>
        %parallel_loop3A_126 = tpu.memref_squeeze %parallel_loop3A_125 : memref<1x128x128xf32, #tpu.memory_space<vmem>> -> memref<128x128xf32, #tpu.memory_space<vmem>>
        %parallel_loop3A_127 = arith.index_cast %parallel_loop3A_77 : i32 to index
        %parallel_loop3A_128 = arith.constant 48 : index
        %parallel_loop3A_129 = tpu.vector_load %parallel_loop3A_126[%parallel_loop3A_127, %parallel_loop3A_128] {strides = array<i32>} : memref<128x128xf32, #tpu.memory_space<vmem>>, vector<16xf32>,
        %parallel_loop3A_130 = arith.constant 0 : i32
        %parallel_loop3A_131 = arith.constant 0 : i32
        %parallel_loop3A_132 = tpu.memref_slice %arg10[%rem3A_41, %parallel_loop3A_130, %parallel_loop3A_131] : memref<2x128x128xf32, #tpu.memory_space<vmem>> -> memref<1x128x128xf32, #tpu.memory_space<vmem>>
        %parallel_loop3A_133 = tpu.memref_squeeze %parallel_loop3A_132 : memref<1x128x128xf32, #tpu.memory_space<vmem>> -> memref<128x128xf32, #tpu.memory_space<vmem>>
        %parallel_loop3A_134 = arith.index_cast %parallel_loop3A_77 : i32 to index
        %parallel_loop3A_135 = arith.constant 48 : index
        %parallel_loop3A_136 = tpu.vector_load %parallel_loop3A_133[%parallel_loop3A_134, %parallel_loop3A_135] {strides = array<i32>} : memref<128x128xf32, #tpu.memory_space<vmem>>, vector<16xf32>,
        %parallel_loop3A_137 = arith.mulf %parallel_loop3A_129, %parallel_loop3A_136 : vector<16xf32>
        %parallel_loop3A_138 = arith.constant 0 : i32
        %parallel_loop3A_139 = arith.constant 0 : i32
        %parallel_loop3A_140 = tpu.memref_slice %arg9[%rem3A_41, %parallel_loop3A_138, %parallel_loop3A_139] : memref<2x128x128xf32, #tpu.memory_space<vmem>> -> memref<1x128x128xf32, #tpu.memory_space<vmem>>
        %parallel_loop3A_141 = tpu.memref_squeeze %parallel_loop3A_140 : memref<1x128x128xf32, #tpu.memory_space<vmem>> -> memref<128x128xf32, #tpu.memory_space<vmem>>
        %parallel_loop3A_142 = arith.index_cast %parallel_loop3A_77 : i32 to index
        %parallel_loop3A_143 = arith.constant 64 : index
        %parallel_loop3A_144 = tpu.vector_load %parallel_loop3A_141[%parallel_loop3A_142, %parallel_loop3A_143] {strides = array<i32>} : memref<128x128xf32, #tpu.memory_space<vmem>>, vector<16xf32>,
        %parallel_loop3A_145 = arith.constant 0 : i32
        %parallel_loop3A_146 = arith.constant 0 : i32
        %parallel_loop3A_147 = tpu.memref_slice %arg10[%rem3A_41, %parallel_loop3A_145, %parallel_loop3A_146] : memref<2x128x128xf32, #tpu.memory_space<vmem>> -> memref<1x128x128xf32, #tpu.memory_space<vmem>>
        %parallel_loop3A_148 = tpu.memref_squeeze %parallel_loop3A_147 : memref<1x128x128xf32, #tpu.memory_space<vmem>> -> memref<128x128xf32, #tpu.memory_space<vmem>>
        %parallel_loop3A_149 = arith.index_cast %parallel_loop3A_77 : i32 to index
        %parallel_loop3A_150 = arith.constant 64 : index
        %parallel_loop3A_151 = tpu.vector_load %parallel_loop3A_148[%parallel_loop3A_149, %parallel_loop3A_150] {strides = array<i32>} : memref<128x128xf32, #tpu.memory_space<vmem>>, vector<16xf32>,
        %parallel_loop3A_152 = arith.mulf %parallel_loop3A_144, %parallel_loop3A_151 : vector<16xf32>
        %parallel_loop3A_153 = arith.constant 0 : i32
        %parallel_loop3A_154 = arith.constant 0 : i32
        %parallel_loop3A_155 = tpu.memref_slice %arg9[%rem3A_41, %parallel_loop3A_153, %parallel_loop3A_154] : memref<2x128x128xf32, #tpu.memory_space<vmem>> -> memref<1x128x128xf32, #tpu.memory_space<vmem>>
        %parallel_loop3A_156 = tpu.memref_squeeze %parallel_loop3A_155 : memref<1x128x128xf32, #tpu.memory_space<vmem>> -> memref<128x128xf32, #tpu.memory_space<vmem>>
        %parallel_loop3A_157 = arith.index_cast %parallel_loop3A_77 : i32 to index
        %parallel_loop3A_158 = arith.constant 80 : index
        %parallel_loop3A_159 = tpu.vector_load %parallel_loop3A_156[%parallel_loop3A_157, %parallel_loop3A_158] {strides = array<i32>} : memref<128x128xf32, #tpu.memory_space<vmem>>, vector<16xf32>,
        %parallel_loop3A_160 = arith.constant 0 : i32
        %parallel_loop3A_161 = arith.constant 0 : i32
        %parallel_loop3A_162 = tpu.memref_slice %arg10[%rem3A_41, %parallel_loop3A_160, %parallel_loop3A_161] : memref<2x128x128xf32, #tpu.memory_space<vmem>> -> memref<1x128x128xf32, #tpu.memory_space<vmem>>
        %parallel_loop3A_163 = tpu.memref_squeeze %parallel_loop3A_162 : memref<1x128x128xf32, #tpu.memory_space<vmem>> -> memref<128x128xf32, #tpu.memory_space<vmem>>
        %parallel_loop3A_164 = arith.index_cast %parallel_loop3A_77 : i32 to index
        %parallel_loop3A_165 = arith.constant 80 : index
        %parallel_loop3A_166 = tpu.vector_load %parallel_loop3A_163[%parallel_loop3A_164, %parallel_loop3A_165] {strides = array<i32>} : memref<128x128xf32, #tpu.memory_space<vmem>>, vector<16xf32>,
        %parallel_loop3A_167 = arith.mulf %parallel_loop3A_159, %parallel_loop3A_166 : vector<16xf32>
        %parallel_loop3A_168 = arith.constant 0 : i32
        %parallel_loop3A_169 = arith.constant 0 : i32
        %parallel_loop3A_170 = tpu.memref_slice %arg9[%rem3A_41, %parallel_loop3A_168, %parallel_loop3A_169] : memref<2x128x128xf32, #tpu.memory_space<vmem>> -> memref<1x128x128xf32, #tpu.memory_space<vmem>>
        %parallel_loop3A_171 = tpu.memref_squeeze %parallel_loop3A_170 : memref<1x128x128xf32, #tpu.memory_space<vmem>> -> memref<128x128xf32, #tpu.memory_space<vmem>>
        %parallel_loop3A_172 = arith.index_cast %parallel_loop3A_77 : i32 to index
        %parallel_loop3A_173 = arith.constant 96 : index
        %parallel_loop3A_174 = tpu.vector_load %parallel_loop3A_171[%parallel_loop3A_172, %parallel_loop3A_173] {strides = array<i32>} : memref<128x128xf32, #tpu.memory_space<vmem>>, vector<16xf32>,
        %parallel_loop3A_175 = arith.constant 0 : i32
        %parallel_loop3A_176 = arith.constant 0 : i32
        %parallel_loop3A_177 = tpu.memref_slice %arg10[%rem3A_41, %parallel_loop3A_175, %parallel_loop3A_176] : memref<2x128x128xf32, #tpu.memory_space<vmem>> -> memref<1x128x128xf32, #tpu.memory_space<vmem>>
        %parallel_loop3A_178 = tpu.memref_squeeze %parallel_loop3A_177 : memref<1x128x128xf32, #tpu.memory_space<vmem>> -> memref<128x128xf32, #tpu.memory_space<vmem>>
        %parallel_loop3A_179 = arith.index_cast %parallel_loop3A_77 : i32 to index
        %parallel_loop3A_180 = arith.constant 96 : index
        %parallel_loop3A_181 = tpu.vector_load %parallel_loop3A_178[%parallel_loop3A_179, %parallel_loop3A_180] {strides = array<i32>} : memref<128x128xf32, #tpu.memory_space<vmem>>, vector<16xf32>,
        %parallel_loop3A_182 = arith.mulf %parallel_loop3A_174, %parallel_loop3A_181 : vector<16xf32>
        %parallel_loop3A_183 = arith.constant 0 : i32
        %parallel_loop3A_184 = arith.constant 0 : i32
        %parallel_loop3A_185 = tpu.memref_slice %arg9[%rem3A_41, %parallel_loop3A_183, %parallel_loop3A_184] : memref<2x128x128xf32, #tpu.memory_space<vmem>> -> memref<1x128x128xf32, #tpu.memory_space<vmem>>
        %parallel_loop3A_186 = tpu.memref_squeeze %parallel_loop3A_185 : memref<1x128x128xf32, #tpu.memory_space<vmem>> -> memref<128x128xf32, #tpu.memory_space<vmem>>
        %parallel_loop3A_187 = arith.index_cast %parallel_loop3A_77 : i32 to index
        %parallel_loop3A_188 = arith.constant 112 : index
        %parallel_loop3A_189 = tpu.vector_load %parallel_loop3A_186[%parallel_loop3A_187, %parallel_loop3A_188] {strides = array<i32>} : memref<128x128xf32, #tpu.memory_space<vmem>>, vector<16xf32>,
        %parallel_loop3A_190 = arith.constant 0 : i32
        %parallel_loop3A_191 = arith.constant 0 : i32
        %parallel_loop3A_192 = tpu.memref_slice %arg10[%rem3A_41, %parallel_loop3A_190, %parallel_loop3A_191] : memref<2x128x128xf32, #tpu.memory_space<vmem>> -> memref<1x128x128xf32, #tpu.memory_space<vmem>>
        %parallel_loop3A_193 = tpu.memref_squeeze %parallel_loop3A_192 : memref<1x128x128xf32, #tpu.memory_space<vmem>> -> memref<128x128xf32, #tpu.memory_space<vmem>>
        %parallel_loop3A_194 = arith.index_cast %parallel_loop3A_77 : i32 to index
        %parallel_loop3A_195 = arith.constant 112 : index
        %parallel_loop3A_196 = tpu.vector_load %parallel_loop3A_193[%parallel_loop3A_194, %parallel_loop3A_195] {strides = array<i32>} : memref<128x128xf32, #tpu.memory_space<vmem>>, vector<16xf32>,
        %parallel_loop3A_197 = arith.mulf %parallel_loop3A_189, %parallel_loop3A_196 : vector<16xf32>
        %parallel_loop3A_198 = arith.addf %parallel_loop3A_92, %parallel_loop3A_107 : vector<16xf32>
        %parallel_loop3A_199 = arith.addf %parallel_loop3A_122, %parallel_loop3A_137 : vector<16xf32>
        %parallel_loop3A_200 = arith.addf %parallel_loop3A_152, %parallel_loop3A_167 : vector<16xf32>
        %parallel_loop3A_201 = arith.addf %parallel_loop3A_182, %parallel_loop3A_197 : vector<16xf32>
        %parallel_loop3A_202 = arith.addf %parallel_loop3A_198, %parallel_loop3A_199 : vector<16xf32>
        %parallel_loop3A_203 = arith.addf %parallel_loop3A_200, %parallel_loop3A_201 : vector<16xf32>
        %parallel_loop3A_204 = arith.addf %parallel_loop3A_202, %parallel_loop3A_203 : vector<16xf32>
        %parallel_loop3A_205 = arith.constant 0 : i32
        %parallel_loop3A_206 = arith.addi %parallel_loop3A_73, %parallel_loop3A_205 : i32
        %parallel_loop3A_207 = arith.index_cast %parallel_loop3A_206 : i32 to index
        %parallel_loop3A_208 = tpu.vector_load %arg11[%parallel_loop3A_207] {strides = array<i32>} : memref<2176xf32, #tpu.memory_space<vmem>>, vector<16xf32>,
        tpu.vector_store %arg11[%parallel_loop3A_207], %parallel_loop3A_204 {strides = array<i32>} : memref<2176xf32, #tpu.memory_space<vmem>>, vector<16xf32>,
        %parallel_loop3A_209 = arith.constant 16 : i32
        %parallel_loop3A_210 = arith.muli %parallel_loop3A_71, %parallel_loop3A_209 : i32
        %parallel_loop3A_211 = arith.constant 1 : i32
        %parallel_loop3A_212 = arith.addi %parallel_loop3A_210, %parallel_loop3A_211 : i32
        %parallel_loop3A_213 = arith.constant 0 : i32
        %parallel_loop3A_214 = arith.constant 0 : i32
        %parallel_loop3A_215 = tpu.memref_slice %arg9[%rem3A_41, %parallel_loop3A_213, %parallel_loop3A_214] : memref<2x128x128xf32, #tpu.memory_space<vmem>> -> memref<1x128x128xf32, #tpu.memory_space<vmem>>
        %parallel_loop3A_216 = tpu.memref_squeeze %parallel_loop3A_215 : memref<1x128x128xf32, #tpu.memory_space<vmem>> -> memref<128x128xf32, #tpu.memory_space<vmem>>
        %parallel_loop3A_217 = arith.index_cast %parallel_loop3A_212 : i32 to index
        %parallel_loop3A_218 = arith.constant 0 : index
        %parallel_loop3A_219 = tpu.vector_load %parallel_loop3A_216[%parallel_loop3A_217, %parallel_loop3A_218] {strides = array<i32>} : memref<128x128xf32, #tpu.memory_space<vmem>>, vector<16xf32>,
        %parallel_loop3A_220 = arith.constant 0 : i32
        %parallel_loop3A_221 = arith.constant 0 : i32
        %parallel_loop3A_222 = tpu.memref_slice %arg10[%rem3A_41, %parallel_loop3A_220, %parallel_loop3A_221] : memref<2x128x128xf32, #tpu.memory_space<vmem>> -> memref<1x128x128xf32, #tpu.memory_space<vmem>>
        %parallel_loop3A_223 = tpu.memref_squeeze %parallel_loop3A_222 : memref<1x128x128xf32, #tpu.memory_space<vmem>> -> memref<128x128xf32, #tpu.memory_space<vmem>>
        %parallel_loop3A_224 = arith.index_cast %parallel_loop3A_212 : i32 to index
        %parallel_loop3A_225 = arith.constant 0 : index
        %parallel_loop3A_226 = tpu.vector_load %parallel_loop3A_223[%parallel_loop3A_224, %parallel_loop3A_225] {strides = array<i32>} : memref<128x128xf32, #tpu.memory_space<vmem>>, vector<16xf32>,
        %parallel_loop3A_227 = arith.mulf %parallel_loop3A_219, %parallel_loop3A_226 : vector<16xf32>
        %parallel_loop3A_228 = arith.constant 0 : i32
        %parallel_loop3A_229 = arith.constant 0 : i32
        %parallel_loop3A_230 = tpu.memref_slice %arg9[%rem3A_41, %parallel_loop3A_228, %parallel_loop3A_229] : memref<2x128x128xf32, #tpu.memory_space<vmem>> -> memref<1x128x128xf32, #tpu.memory_space<vmem>>
        %parallel_loop3A_231 = tpu.memref_squeeze %parallel_loop3A_230 : memref<1x128x128xf32, #tpu.memory_space<vmem>> -> memref<128x128xf32, #tpu.memory_space<vmem>>
        %parallel_loop3A_232 = arith.index_cast %parallel_loop3A_212 : i32 to index
        %parallel_loop3A_233 = arith.constant 16 : index
        %parallel_loop3A_234 = tpu.vector_load %parallel_loop3A_231[%parallel_loop3A_232, %parallel_loop3A_233] {strides = array<i32>} : memref<128x128xf32, #tpu.memory_space<vmem>>, vector<16xf32>,
        %parallel_loop3A_235 = arith.constant 0 : i32
        %parallel_loop3A_236 = arith.constant 0 : i32
        %parallel_loop3A_237 = tpu.memref_slice %arg10[%rem3A_41, %parallel_loop3A_235, %parallel_loop3A_236] : memref<2x128x128xf32, #tpu.memory_space<vmem>> -> memref<1x128x128xf32, #tpu.memory_space<vmem>>
        %parallel_loop3A_238 = tpu.memref_squeeze %parallel_loop3A_237 : memref<1x128x128xf32, #tpu.memory_space<vmem>> -> memref<128x128xf32, #tpu.memory_space<vmem>>
        %parallel_loop3A_239 = arith.index_cast %parallel_loop3A_212 : i32 to index
        %parallel_loop3A_240 = arith.constant 16 : index
        %parallel_loop3A_241 = tpu.vector_load %parallel_loop3A_238[%parallel_loop3A_239, %parallel_loop3A_240] {strides = array<i32>} : memref<128x128xf32, #tpu.memory_space<vmem>>, vector<16xf32>,
        %parallel_loop3A_242 = arith.mulf %parallel_loop3A_234, %parallel_loop3A_241 : vector<16xf32>
        %parallel_loop3A_243 = arith.constant 0 : i32
        %parallel_loop3A_244 = arith.constant 0 : i32
        %parallel_loop3A_245 = tpu.memref_slice %arg9[%rem3A_41, %parallel_loop3A_243, %parallel_loop3A_244] : memref<2x128x128xf32, #tpu.memory_space<vmem>> -> memref<1x128x128xf32, #tpu.memory_space<vmem>>
        %parallel_loop3A_246 = tpu.memref_squeeze %parallel_loop3A_245 : memref<1x128x128xf32, #tpu.memory_space<vmem>> -> memref<128x128xf32, #tpu.memory_space<vmem>>
        %parallel_loop3A_247 = arith.index_cast %parallel_loop3A_212 : i32 to index
        %parallel_loop3A_248 = arith.constant 32 : index
        %parallel_loop3A_249 = tpu.vector_load %parallel_loop3A_246[%parallel_loop3A_247, %parallel_loop3A_248] {strides = array<i32>} : memref<128x128xf32, #tpu.memory_space<vmem>>, vector<16xf32>,
        %parallel_loop3A_250 = arith.constant 0 : i32
        %parallel_loop3A_251 = arith.constant 0 : i32
        %parallel_loop3A_252 = tpu.memref_slice %arg10[%rem3A_41, %parallel_loop3A_250, %parallel_loop3A_251] : memref<2x128x128xf32, #tpu.memory_space<vmem>> -> memref<1x128x128xf32, #tpu.memory_space<vmem>>
        %parallel_loop3A_253 = tpu.memref_squeeze %parallel_loop3A_252 : memref<1x128x128xf32, #tpu.memory_space<vmem>> -> memref<128x128xf32, #tpu.memory_space<vmem>>
        %parallel_loop3A_254 = arith.index_cast %parallel_loop3A_212 : i32 to index
        %parallel_loop3A_255 = arith.constant 32 : index
        %parallel_loop3A_256 = tpu.vector_load %parallel_loop3A_253[%parallel_loop3A_254, %parallel_loop3A_255] {strides = array<i32>} : memref<128x128xf32, #tpu.memory_space<vmem>>, vector<16xf32>,
        %parallel_loop3A_257 = arith.mulf %parallel_loop3A_249, %parallel_loop3A_256 : vector<16xf32>
        %parallel_loop3A_258 = arith.constant 0 : i32
        %parallel_loop3A_259 = arith.constant 0 : i32
        %parallel_loop3A_260 = tpu.memref_slice %arg9[%rem3A_41, %parallel_loop3A_258, %parallel_loop3A_259] : memref<2x128x128xf32, #tpu.memory_space<vmem>> -> memref<1x128x128xf32, #tpu.memory_space<vmem>>
        %parallel_loop3A_261 = tpu.memref_squeeze %parallel_loop3A_260 : memref<1x128x128xf32, #tpu.memory_space<vmem>> -> memref<128x128xf32, #tpu.memory_space<vmem>>
        %parallel_loop3A_262 = arith.index_cast %parallel_loop3A_212 : i32 to index
        %parallel_loop3A_263 = arith.constant 48 : index
        %parallel_loop3A_264 = tpu.vector_load %parallel_loop3A_261[%parallel_loop3A_262, %parallel_loop3A_263] {strides = array<i32>} : memref<128x128xf32, #tpu.memory_space<vmem>>, vector<16xf32>,
        %parallel_loop3A_265 = arith.constant 0 : i32
        %parallel_loop3A_266 = arith.constant 0 : i32
        %parallel_loop3A_267 = tpu.memref_slice %arg10[%rem3A_41, %parallel_loop3A_265, %parallel_loop3A_266] : memref<2x128x128xf32, #tpu.memory_space<vmem>> -> memref<1x128x128xf32, #tpu.memory_space<vmem>>
        %parallel_loop3A_268 = tpu.memref_squeeze %parallel_loop3A_267 : memref<1x128x128xf32, #tpu.memory_space<vmem>> -> memref<128x128xf32, #tpu.memory_space<vmem>>
        %parallel_loop3A_269 = arith.index_cast %parallel_loop3A_212 : i32 to index
        %parallel_loop3A_270 = arith.constant 48 : index
        %parallel_loop3A_271 = tpu.vector_load %parallel_loop3A_268[%parallel_loop3A_269, %parallel_loop3A_270] {strides = array<i32>} : memref<128x128xf32, #tpu.memory_space<vmem>>, vector<16xf32>,
        %parallel_loop3A_272 = arith.mulf %parallel_loop3A_264, %parallel_loop3A_271 : vector<16xf32>
        %parallel_loop3A_273 = arith.constant 0 : i32
        %parallel_loop3A_274 = arith.constant 0 : i32
        %parallel_loop3A_275 = tpu.memref_slice %arg9[%rem3A_41, %parallel_loop3A_273, %parallel_loop3A_274] : memref<2x128x128xf32, #tpu.memory_space<vmem>> -> memref<1x128x128xf32, #tpu.memory_space<vmem>>
        %parallel_loop3A_276 = tpu.memref_squeeze %parallel_loop3A_275 : memref<1x128x128xf32, #tpu.memory_space<vmem>> -> memref<128x128xf32, #tpu.memory_space<vmem>>
        %parallel_loop3A_277 = arith.index_cast %parallel_loop3A_212 : i32 to index
        %parallel_loop3A_278 = arith.constant 64 : index
        %parallel_loop3A_279 = tpu.vector_load %parallel_loop3A_276[%parallel_loop3A_277, %parallel_loop3A_278] {strides = array<i32>} : memref<128x128xf32, #tpu.memory_space<vmem>>, vector<16xf32>,
        %parallel_loop3A_280 = arith.constant 0 : i32
        %parallel_loop3A_281 = arith.constant 0 : i32
        %parallel_loop3A_282 = tpu.memref_slice %arg10[%rem3A_41, %parallel_loop3A_280, %parallel_loop3A_281] : memref<2x128x128xf32, #tpu.memory_space<vmem>> -> memref<1x128x128xf32, #tpu.memory_space<vmem>>
        %parallel_loop3A_283 = tpu.memref_squeeze %parallel_loop3A_282 : memref<1x128x128xf32, #tpu.memory_space<vmem>> -> memref<128x128xf32, #tpu.memory_space<vmem>>
        %parallel_loop3A_284 = arith.index_cast %parallel_loop3A_212 : i32 to index
        %parallel_loop3A_285 = arith.constant 64 : index
        %parallel_loop3A_286 = tpu.vector_load %parallel_loop3A_283[%parallel_loop3A_284, %parallel_loop3A_285] {strides = array<i32>} : memref<128x128xf32, #tpu.memory_space<vmem>>, vector<16xf32>,
        %parallel_loop3A_287 = arith.mulf %parallel_loop3A_279, %parallel_loop3A_286 : vector<16xf32>
        %parallel_loop3A_288 = arith.constant 0 : i32
        %parallel_loop3A_289 = arith.constant 0 : i32
        %parallel_loop3A_290 = tpu.memref_slice %arg9[%rem3A_41, %parallel_loop3A_288, %parallel_loop3A_289] : memref<2x128x128xf32, #tpu.memory_space<vmem>> -> memref<1x128x128xf32, #tpu.memory_space<vmem>>
        %parallel_loop3A_291 = tpu.memref_squeeze %parallel_loop3A_290 : memref<1x128x128xf32, #tpu.memory_space<vmem>> -> memref<128x128xf32, #tpu.memory_space<vmem>>
        %parallel_loop3A_292 = arith.index_cast %parallel_loop3A_212 : i32 to index
        %parallel_loop3A_293 = arith.constant 80 : index
        %parallel_loop3A_294 = tpu.vector_load %parallel_loop3A_291[%parallel_loop3A_292, %parallel_loop3A_293] {strides = array<i32>} : memref<128x128xf32, #tpu.memory_space<vmem>>, vector<16xf32>,
        %parallel_loop3A_295 = arith.constant 0 : i32
        %parallel_loop3A_296 = arith.constant 0 : i32
        %parallel_loop3A_297 = tpu.memref_slice %arg10[%rem3A_41, %parallel_loop3A_295, %parallel_loop3A_296] : memref<2x128x128xf32, #tpu.memory_space<vmem>> -> memref<1x128x128xf32, #tpu.memory_space<vmem>>
        %parallel_loop3A_298 = tpu.memref_squeeze %parallel_loop3A_297 : memref<1x128x128xf32, #tpu.memory_space<vmem>> -> memref<128x128xf32, #tpu.memory_space<vmem>>
        %parallel_loop3A_299 = arith.index_cast %parallel_loop3A_212 : i32 to index
        %parallel_loop3A_300 = arith.constant 80 : index
        %parallel_loop3A_301 = tpu.vector_load %parallel_loop3A_298[%parallel_loop3A_299, %parallel_loop3A_300] {strides = array<i32>} : memref<128x128xf32, #tpu.memory_space<vmem>>, vector<16xf32>,
        %parallel_loop3A_302 = arith.mulf %parallel_loop3A_294, %parallel_loop3A_301 : vector<16xf32>
        %parallel_loop3A_303 = arith.constant 0 : i32
        %parallel_loop3A_304 = arith.constant 0 : i32
        %parallel_loop3A_305 = tpu.memref_slice %arg9[%rem3A_41, %parallel_loop3A_303, %parallel_loop3A_304] : memref<2x128x128xf32, #tpu.memory_space<vmem>> -> memref<1x128x128xf32, #tpu.memory_space<vmem>>
        %parallel_loop3A_306 = tpu.memref_squeeze %parallel_loop3A_305 : memref<1x128x128xf32, #tpu.memory_space<vmem>> -> memref<128x128xf32, #tpu.memory_space<vmem>>
        %parallel_loop3A_307 = arith.index_cast %parallel_loop3A_212 : i32 to index
        %parallel_loop3A_308 = arith.constant 96 : index
        %parallel_loop3A_309 = tpu.vector_load %parallel_loop3A_306[%parallel_loop3A_307, %parallel_loop3A_308] {strides = array<i32>} : memref<128x128xf32, #tpu.memory_space<vmem>>, vector<16xf32>,
        %parallel_loop3A_310 = arith.constant 0 : i32
        %parallel_loop3A_311 = arith.constant 0 : i32
        %parallel_loop3A_312 = tpu.memref_slice %arg10[%rem3A_41, %parallel_loop3A_310, %parallel_loop3A_311] : memref<2x128x128xf32, #tpu.memory_space<vmem>> -> memref<1x128x128xf32, #tpu.memory_space<vmem>>
        %parallel_loop3A_313 = tpu.memref_squeeze %parallel_loop3A_312 : memref<1x128x128xf32, #tpu.memory_space<vmem>> -> memref<128x128xf32, #tpu.memory_space<vmem>>
        %parallel_loop3A_314 = arith.index_cast %parallel_loop3A_212 : i32 to index
        %parallel_loop3A_315 = arith.constant 96 : index
        %parallel_loop3A_316 = tpu.vector_load %parallel_loop3A_313[%parallel_loop3A_314, %parallel_loop3A_315] {strides = array<i32>} : memref<128x128xf32, #tpu.memory_space<vmem>>, vector<16xf32>,
        %parallel_loop3A_317 = arith.mulf %parallel_loop3A_309, %parallel_loop3A_316 : vector<16xf32>
        %parallel_loop3A_318 = arith.constant 0 : i32
        %parallel_loop3A_319 = arith.constant 0 : i32
        %parallel_loop3A_320 = tpu.memref_slice %arg9[%rem3A_41, %parallel_loop3A_318, %parallel_loop3A_319] : memref<2x128x128xf32, #tpu.memory_space<vmem>> -> memref<1x128x128xf32, #tpu.memory_space<vmem>>
        %parallel_loop3A_321 = tpu.memref_squeeze %parallel_loop3A_320 : memref<1x128x128xf32, #tpu.memory_space<vmem>> -> memref<128x128xf32, #tpu.memory_space<vmem>>
        %parallel_loop3A_322 = arith.index_cast %parallel_loop3A_212 : i32 to index
        %parallel_loop3A_323 = arith.constant 112 : index
        %parallel_loop3A_324 = tpu.vector_load %parallel_loop3A_321[%parallel_loop3A_322, %parallel_loop3A_323] {strides = array<i32>} : memref<128x128xf32, #tpu.memory_space<vmem>>, vector<16xf32>,
        %parallel_loop3A_325 = arith.constant 0 : i32
        %parallel_loop3A_326 = arith.constant 0 : i32
        %parallel_loop3A_327 = tpu.memref_slice %arg10[%rem3A_41, %parallel_loop3A_325, %parallel_loop3A_326] : memref<2x128x128xf32, #tpu.memory_space<vmem>> -> memref<1x128x128xf32, #tpu.memory_space<vmem>>
        %parallel_loop3A_328 = tpu.memref_squeeze %parallel_loop3A_327 : memref<1x128x128xf32, #tpu.memory_space<vmem>> -> memref<128x128xf32, #tpu.memory_space<vmem>>
        %parallel_loop3A_329 = arith.index_cast %parallel_loop3A_212 : i32 to index
        %parallel_loop3A_330 = arith.constant 112 : index
        %parallel_loop3A_331 = tpu.vector_load %parallel_loop3A_328[%parallel_loop3A_329, %parallel_loop3A_330] {strides = array<i32>} : memref<128x128xf32, #tpu.memory_space<vmem>>, vector<16xf32>,
        %parallel_loop3A_332 = arith.mulf %parallel_loop3A_324, %parallel_loop3A_331 : vector<16xf32>
        %parallel_loop3A_333 = arith.addf %parallel_loop3A_227, %parallel_loop3A_242 : vector<16xf32>
        %parallel_loop3A_334 = arith.addf %parallel_loop3A_257, %parallel_loop3A_272 : vector<16xf32>
        %parallel_loop3A_335 = arith.addf %parallel_loop3A_287, %parallel_loop3A_302 : vector<16xf32>
        %parallel_loop3A_336 = arith.addf %parallel_loop3A_317, %parallel_loop3A_332 : vector<16xf32>
        %parallel_loop3A_337 = arith.addf %parallel_loop3A_333, %parallel_loop3A_334 : vector<16xf32>
        %parallel_loop3A_338 = arith.addf %parallel_loop3A_335, %parallel_loop3A_336 : vector<16xf32>
        %parallel_loop3A_339 = arith.addf %parallel_loop3A_337, %parallel_loop3A_338 : vector<16xf32>
        %parallel_loop3A_340 = arith.constant 17 : i32
        %parallel_loop3A_341 = arith.addi %parallel_loop3A_73, %parallel_loop3A_340 : i32
        %parallel_loop3A_342 = arith.index_cast %parallel_loop3A_341 : i32 to index
        %parallel_loop3A_343 = tpu.vector_load %arg11[%parallel_loop3A_342] {strides = array<i32>} : memref<2176xf32, #tpu.memory_space<vmem>>, vector<16xf32>,
        tpu.vector_store %arg11[%parallel_loop3A_342], %parallel_loop3A_339 {strides = array<i32>} : memref<2176xf32, #tpu.memory_space<vmem>>, vector<16xf32>,
        %parallel_loop3A_344 = arith.constant 16 : i32
        %parallel_loop3A_345 = arith.muli %parallel_loop3A_71, %parallel_loop3A_344 : i32
        %parallel_loop3A_346 = arith.constant 2 : i32
        %parallel_loop3A_347 = arith.addi %parallel_loop3A_345, %parallel_loop3A_346 : i32
        %parallel_loop3A_348 = arith.constant 0 : i32
        %parallel_loop3A_349 = arith.constant 0 : i32
        %parallel_loop3A_350 = tpu.memref_slice %arg9[%rem3A_41, %parallel_loop3A_348, %parallel_loop3A_349] : memref<2x128x128xf32, #tpu.memory_space<vmem>> -> memref<1x128x128xf32, #tpu.memory_space<vmem>>
        %parallel_loop3A_351 = tpu.memref_squeeze %parallel_loop3A_350 : memref<1x128x128xf32, #tpu.memory_space<vmem>> -> memref<128x128xf32, #tpu.memory_space<vmem>>
        %parallel_loop3A_352 = arith.index_cast %parallel_loop3A_347 : i32 to index
        %parallel_loop3A_353 = arith.constant 0 : index
        %parallel_loop3A_354 = tpu.vector_load %parallel_loop3A_351[%parallel_loop3A_352, %parallel_loop3A_353] {strides = array<i32>} : memref<128x128xf32, #tpu.memory_space<vmem>>, vector<16xf32>,
        %parallel_loop3A_355 = arith.constant 0 : i32
        %parallel_loop3A_356 = arith.constant 0 : i32
        %parallel_loop3A_357 = tpu.memref_slice %arg10[%rem3A_41, %parallel_loop3A_355, %parallel_loop3A_356] : memref<2x128x128xf32, #tpu.memory_space<vmem>> -> memref<1x128x128xf32, #tpu.memory_space<vmem>>
        %parallel_loop3A_358 = tpu.memref_squeeze %parallel_loop3A_357 : memref<1x128x128xf32, #tpu.memory_space<vmem>> -> memref<128x128xf32, #tpu.memory_space<vmem>>
        %parallel_loop3A_359 = arith.index_cast %parallel_loop3A_347 : i32 to index
        %parallel_loop3A_360 = arith.constant 0 : index
        %parallel_loop3A_361 = tpu.vector_load %parallel_loop3A_358[%parallel_loop3A_359, %parallel_loop3A_360] {strides = array<i32>} : memref<128x128xf32, #tpu.memory_space<vmem>>, vector<16xf32>,
        %parallel_loop3A_362 = arith.mulf %parallel_loop3A_354, %parallel_loop3A_361 : vector<16xf32>
        %parallel_loop3A_363 = arith.constant 0 : i32
        %parallel_loop3A_364 = arith.constant 0 : i32
        %parallel_loop3A_365 = tpu.memref_slice %arg9[%rem3A_41, %parallel_loop3A_363, %parallel_loop3A_364] : memref<2x128x128xf32, #tpu.memory_space<vmem>> -> memref<1x128x128xf32, #tpu.memory_space<vmem>>
        %parallel_loop3A_366 = tpu.memref_squeeze %parallel_loop3A_365 : memref<1x128x128xf32, #tpu.memory_space<vmem>> -> memref<128x128xf32, #tpu.memory_space<vmem>>
        %parallel_loop3A_367 = arith.index_cast %parallel_loop3A_347 : i32 to index
        %parallel_loop3A_368 = arith.constant 16 : index
        %parallel_loop3A_369 = tpu.vector_load %parallel_loop3A_366[%parallel_loop3A_367, %parallel_loop3A_368] {strides = array<i32>} : memref<128x128xf32, #tpu.memory_space<vmem>>, vector<16xf32>,
        %parallel_loop3A_370 = arith.constant 0 : i32
        %parallel_loop3A_371 = arith.constant 0 : i32
        %parallel_loop3A_372 = tpu.memref_slice %arg10[%rem3A_41, %parallel_loop3A_370, %parallel_loop3A_371] : memref<2x128x128xf32, #tpu.memory_space<vmem>> -> memref<1x128x128xf32, #tpu.memory_space<vmem>>
        %parallel_loop3A_373 = tpu.memref_squeeze %parallel_loop3A_372 : memref<1x128x128xf32, #tpu.memory_space<vmem>> -> memref<128x128xf32, #tpu.memory_space<vmem>>
        %parallel_loop3A_374 = arith.index_cast %parallel_loop3A_347 : i32 to index
        %parallel_loop3A_375 = arith.constant 16 : index
        %parallel_loop3A_376 = tpu.vector_load %parallel_loop3A_373[%parallel_loop3A_374, %parallel_loop3A_375] {strides = array<i32>} : memref<128x128xf32, #tpu.memory_space<vmem>>, vector<16xf32>,
        %parallel_loop3A_377 = arith.mulf %parallel_loop3A_369, %parallel_loop3A_376 : vector<16xf32>
        %parallel_loop3A_378 = arith.constant 0 : i32
        %parallel_loop3A_379 = arith.constant 0 : i32
        %parallel_loop3A_380 = tpu.memref_slice %arg9[%rem3A_41, %parallel_loop3A_378, %parallel_loop3A_379] : memref<2x128x128xf32, #tpu.memory_space<vmem>> -> memref<1x128x128xf32, #tpu.memory_space<vmem>>
        %parallel_loop3A_381 = tpu.memref_squeeze %parallel_loop3A_380 : memref<1x128x128xf32, #tpu.memory_space<vmem>> -> memref<128x128xf32, #tpu.memory_space<vmem>>
        %parallel_loop3A_382 = arith.index_cast %parallel_loop3A_347 : i32 to index
        %parallel_loop3A_383 = arith.constant 32 : index
        %parallel_loop3A_384 = tpu.vector_load %parallel_loop3A_381[%parallel_loop3A_382, %parallel_loop3A_383] {strides = array<i32>} : memref<128x128xf32, #tpu.memory_space<vmem>>, vector<16xf32>,
        %parallel_loop3A_385 = arith.constant 0 : i32
        %parallel_loop3A_386 = arith.constant 0 : i32
        %parallel_loop3A_387 = tpu.memref_slice %arg10[%rem3A_41, %parallel_loop3A_385, %parallel_loop3A_386] : memref<2x128x128xf32, #tpu.memory_space<vmem>> -> memref<1x128x128xf32, #tpu.memory_space<vmem>>
        %parallel_loop3A_388 = tpu.memref_squeeze %parallel_loop3A_387 : memref<1x128x128xf32, #tpu.memory_space<vmem>> -> memref<128x128xf32, #tpu.memory_space<vmem>>
        %parallel_loop3A_389 = arith.index_cast %parallel_loop3A_347 : i32 to index
        %parallel_loop3A_390 = arith.constant 32 : index
        %parallel_loop3A_391 = tpu.vector_load %parallel_loop3A_388[%parallel_loop3A_389, %parallel_loop3A_390] {strides = array<i32>} : memref<128x128xf32, #tpu.memory_space<vmem>>, vector<16xf32>,
        %parallel_loop3A_392 = arith.mulf %parallel_loop3A_384, %parallel_loop3A_391 : vector<16xf32>
        %parallel_loop3A_393 = arith.constant 0 : i32
        %parallel_loop3A_394 = arith.constant 0 : i32
        %parallel_loop3A_395 = tpu.memref_slice %arg9[%rem3A_41, %parallel_loop3A_393, %parallel_loop3A_394] : memref<2x128x128xf32, #tpu.memory_space<vmem>> -> memref<1x128x128xf32, #tpu.memory_space<vmem>>
        %parallel_loop3A_396 = tpu.memref_squeeze %parallel_loop3A_395 : memref<1x128x128xf32, #tpu.memory_space<vmem>> -> memref<128x128xf32, #tpu.memory_space<vmem>>
        %parallel_loop3A_397 = arith.index_cast %parallel_loop3A_347 : i32 to index
        %parallel_loop3A_398 = arith.constant 48 : index
        %parallel_loop3A_399 = tpu.vector_load %parallel_loop3A_396[%parallel_loop3A_397, %parallel_loop3A_398] {strides = array<i32>} : memref<128x128xf32, #tpu.memory_space<vmem>>, vector<16xf32>,
        %parallel_loop3A_400 = arith.constant 0 : i32
        %parallel_loop3A_401 = arith.constant 0 : i32
        %parallel_loop3A_402 = tpu.memref_slice %arg10[%rem3A_41, %parallel_loop3A_400, %parallel_loop3A_401] : memref<2x128x128xf32, #tpu.memory_space<vmem>> -> memref<1x128x128xf32, #tpu.memory_space<vmem>>
        %parallel_loop3A_403 = tpu.memref_squeeze %parallel_loop3A_402 : memref<1x128x128xf32, #tpu.memory_space<vmem>> -> memref<128x128xf32, #tpu.memory_space<vmem>>
        %parallel_loop3A_404 = arith.index_cast %parallel_loop3A_347 : i32 to index
        %parallel_loop3A_405 = arith.constant 48 : index
        %parallel_loop3A_406 = tpu.vector_load %parallel_loop3A_403[%parallel_loop3A_404, %parallel_loop3A_405] {strides = array<i32>} : memref<128x128xf32, #tpu.memory_space<vmem>>, vector<16xf32>,
        %parallel_loop3A_407 = arith.mulf %parallel_loop3A_399, %parallel_loop3A_406 : vector<16xf32>
        %parallel_loop3A_408 = arith.constant 0 : i32
        %parallel_loop3A_409 = arith.constant 0 : i32
        %parallel_loop3A_410 = tpu.memref_slice %arg9[%rem3A_41, %parallel_loop3A_408, %parallel_loop3A_409] : memref<2x128x128xf32, #tpu.memory_space<vmem>> -> memref<1x128x128xf32, #tpu.memory_space<vmem>>
        %parallel_loop3A_411 = tpu.memref_squeeze %parallel_loop3A_410 : memref<1x128x128xf32, #tpu.memory_space<vmem>> -> memref<128x128xf32, #tpu.memory_space<vmem>>
        %parallel_loop3A_412 = arith.index_cast %parallel_loop3A_347 : i32 to index
        %parallel_loop3A_413 = arith.constant 64 : index
        %parallel_loop3A_414 = tpu.vector_load %parallel_loop3A_411[%parallel_loop3A_412, %parallel_loop3A_413] {strides = array<i32>} : memref<128x128xf32, #tpu.memory_space<vmem>>, vector<16xf32>,
        %parallel_loop3A_415 = arith.constant 0 : i32
        %parallel_loop3A_416 = arith.constant 0 : i32
        %parallel_loop3A_417 = tpu.memref_slice %arg10[%rem3A_41, %parallel_loop3A_415, %parallel_loop3A_416] : memref<2x128x128xf32, #tpu.memory_space<vmem>> -> memref<1x128x128xf32, #tpu.memory_space<vmem>>
        %parallel_loop3A_418 = tpu.memref_squeeze %parallel_loop3A_417 : memref<1x128x128xf32, #tpu.memory_space<vmem>> -> memref<128x128xf32, #tpu.memory_space<vmem>>
        %parallel_loop3A_419 = arith.index_cast %parallel_loop3A_347 : i32 to index
        %parallel_loop3A_420 = arith.constant 64 : index
        %parallel_loop3A_421 = tpu.vector_load %parallel_loop3A_418[%parallel_loop3A_419, %parallel_loop3A_420] {strides = array<i32>} : memref<128x128xf32, #tpu.memory_space<vmem>>, vector<16xf32>,
        %parallel_loop3A_422 = arith.mulf %parallel_loop3A_414, %parallel_loop3A_421 : vector<16xf32>
        %parallel_loop3A_423 = arith.constant 0 : i32
        %parallel_loop3A_424 = arith.constant 0 : i32
        %parallel_loop3A_425 = tpu.memref_slice %arg9[%rem3A_41, %parallel_loop3A_423, %parallel_loop3A_424] : memref<2x128x128xf32, #tpu.memory_space<vmem>> -> memref<1x128x128xf32, #tpu.memory_space<vmem>>
        %parallel_loop3A_426 = tpu.memref_squeeze %parallel_loop3A_425 : memref<1x128x128xf32, #tpu.memory_space<vmem>> -> memref<128x128xf32, #tpu.memory_space<vmem>>
        %parallel_loop3A_427 = arith.index_cast %parallel_loop3A_347 : i32 to index
        %parallel_loop3A_428 = arith.constant 80 : index
        %parallel_loop3A_429 = tpu.vector_load %parallel_loop3A_426[%parallel_loop3A_427, %parallel_loop3A_428] {strides = array<i32>} : memref<128x128xf32, #tpu.memory_space<vmem>>, vector<16xf32>,
        %parallel_loop3A_430 = arith.constant 0 : i32
        %parallel_loop3A_431 = arith.constant 0 : i32
        %parallel_loop3A_432 = tpu.memref_slice %arg10[%rem3A_41, %parallel_loop3A_430, %parallel_loop3A_431] : memref<2x128x128xf32, #tpu.memory_space<vmem>> -> memref<1x128x128xf32, #tpu.memory_space<vmem>>
        %parallel_loop3A_433 = tpu.memref_squeeze %parallel_loop3A_432 : memref<1x128x128xf32, #tpu.memory_space<vmem>> -> memref<128x128xf32, #tpu.memory_space<vmem>>
        %parallel_loop3A_434 = arith.index_cast %parallel_loop3A_347 : i32 to index
        %parallel_loop3A_435 = arith.constant 80 : index
        %parallel_loop3A_436 = tpu.vector_load %parallel_loop3A_433[%parallel_loop3A_434, %parallel_loop3A_435] {strides = array<i32>} : memref<128x128xf32, #tpu.memory_space<vmem>>, vector<16xf32>,
        %parallel_loop3A_437 = arith.mulf %parallel_loop3A_429, %parallel_loop3A_436 : vector<16xf32>
        %parallel_loop3A_438 = arith.constant 0 : i32
        %parallel_loop3A_439 = arith.constant 0 : i32
        %parallel_loop3A_440 = tpu.memref_slice %arg9[%rem3A_41, %parallel_loop3A_438, %parallel_loop3A_439] : memref<2x128x128xf32, #tpu.memory_space<vmem>> -> memref<1x128x128xf32, #tpu.memory_space<vmem>>
        %parallel_loop3A_441 = tpu.memref_squeeze %parallel_loop3A_440 : memref<1x128x128xf32, #tpu.memory_space<vmem>> -> memref<128x128xf32, #tpu.memory_space<vmem>>
        %parallel_loop3A_442 = arith.index_cast %parallel_loop3A_347 : i32 to index
        %parallel_loop3A_443 = arith.constant 96 : index
        %parallel_loop3A_444 = tpu.vector_load %parallel_loop3A_441[%parallel_loop3A_442, %parallel_loop3A_443] {strides = array<i32>} : memref<128x128xf32, #tpu.memory_space<vmem>>, vector<16xf32>,
        %parallel_loop3A_445 = arith.constant 0 : i32
        %parallel_loop3A_446 = arith.constant 0 : i32
        %parallel_loop3A_447 = tpu.memref_slice %arg10[%rem3A_41, %parallel_loop3A_445, %parallel_loop3A_446] : memref<2x128x128xf32, #tpu.memory_space<vmem>> -> memref<1x128x128xf32, #tpu.memory_space<vmem>>
        %parallel_loop3A_448 = tpu.memref_squeeze %parallel_loop3A_447 : memref<1x128x128xf32, #tpu.memory_space<vmem>> -> memref<128x128xf32, #tpu.memory_space<vmem>>
        %parallel_loop3A_449 = arith.index_cast %parallel_loop3A_347 : i32 to index
        %parallel_loop3A_450 = arith.constant 96 : index
        %parallel_loop3A_451 = tpu.vector_load %parallel_loop3A_448[%parallel_loop3A_449, %parallel_loop3A_450] {strides = array<i32>} : memref<128x128xf32, #tpu.memory_space<vmem>>, vector<16xf32>,
        %parallel_loop3A_452 = arith.mulf %parallel_loop3A_444, %parallel_loop3A_451 : vector<16xf32>
        %parallel_loop3A_453 = arith.constant 0 : i32
        %parallel_loop3A_454 = arith.constant 0 : i32
        %parallel_loop3A_455 = tpu.memref_slice %arg9[%rem3A_41, %parallel_loop3A_453, %parallel_loop3A_454] : memref<2x128x128xf32, #tpu.memory_space<vmem>> -> memref<1x128x128xf32, #tpu.memory_space<vmem>>
        %parallel_loop3A_456 = tpu.memref_squeeze %parallel_loop3A_455 : memref<1x128x128xf32, #tpu.memory_space<vmem>> -> memref<128x128xf32, #tpu.memory_space<vmem>>
        %parallel_loop3A_457 = arith.index_cast %parallel_loop3A_347 : i32 to index
        %parallel_loop3A_458 = arith.constant 112 : index
        %parallel_loop3A_459 = tpu.vector_load %parallel_loop3A_456[%parallel_loop3A_457, %parallel_loop3A_458] {strides = array<i32>} : memref<128x128xf32, #tpu.memory_space<vmem>>, vector<16xf32>,
        %parallel_loop3A_460 = arith.constant 0 : i32
        %parallel_loop3A_461 = arith.constant 0 : i32
        %parallel_loop3A_462 = tpu.memref_slice %arg10[%rem3A_41, %parallel_loop3A_460, %parallel_loop3A_461] : memref<2x128x128xf32, #tpu.memory_space<vmem>> -> memref<1x128x128xf32, #tpu.memory_space<vmem>>
        %parallel_loop3A_463 = tpu.memref_squeeze %parallel_loop3A_462 : memref<1x128x128xf32, #tpu.memory_space<vmem>> -> memref<128x128xf32, #tpu.memory_space<vmem>>
        %parallel_loop3A_464 = arith.index_cast %parallel_loop3A_347 : i32 to index
        %parallel_loop3A_465 = arith.constant 112 : index
        %parallel_loop3A_466 = tpu.vector_load %parallel_loop3A_463[%parallel_loop3A_464, %parallel_loop3A_465] {strides = array<i32>} : memref<128x128xf32, #tpu.memory_space<vmem>>, vector<16xf32>,
        %parallel_loop3A_467 = arith.mulf %parallel_loop3A_459, %parallel_loop3A_466 : vector<16xf32>
        %parallel_loop3A_468 = arith.addf %parallel_loop3A_362, %parallel_loop3A_377 : vector<16xf32>
        %parallel_loop3A_469 = arith.addf %parallel_loop3A_392, %parallel_loop3A_407 : vector<16xf32>
        %parallel_loop3A_470 = arith.addf %parallel_loop3A_422, %parallel_loop3A_437 : vector<16xf32>
        %parallel_loop3A_471 = arith.addf %parallel_loop3A_452, %parallel_loop3A_467 : vector<16xf32>
        %parallel_loop3A_472 = arith.addf %parallel_loop3A_468, %parallel_loop3A_469 : vector<16xf32>
        %parallel_loop3A_473 = arith.addf %parallel_loop3A_470, %parallel_loop3A_471 : vector<16xf32>
        %parallel_loop3A_474 = arith.addf %parallel_loop3A_472, %parallel_loop3A_473 : vector<16xf32>
        %parallel_loop3A_475 = arith.constant 34 : i32
        %parallel_loop3A_476 = arith.addi %parallel_loop3A_73, %parallel_loop3A_475 : i32
        %parallel_loop3A_477 = arith.index_cast %parallel_loop3A_476 : i32 to index
        %parallel_loop3A_478 = tpu.vector_load %arg11[%parallel_loop3A_477] {strides = array<i32>} : memref<2176xf32, #tpu.memory_space<vmem>>, vector<16xf32>,
        tpu.vector_store %arg11[%parallel_loop3A_477], %parallel_loop3A_474 {strides = array<i32>} : memref<2176xf32, #tpu.memory_space<vmem>>, vector<16xf32>,
        %parallel_loop3A_479 = arith.constant 16 : i32
        %parallel_loop3A_480 = arith.muli %parallel_loop3A_71, %parallel_loop3A_479 : i32
        %parallel_loop3A_481 = arith.constant 3 : i32
        %parallel_loop3A_482 = arith.addi %parallel_loop3A_480, %parallel_loop3A_481 : i32
        %parallel_loop3A_483 = arith.constant 0 : i32
        %parallel_loop3A_484 = arith.constant 0 : i32
        %parallel_loop3A_485 = tpu.memref_slice %arg9[%rem3A_41, %parallel_loop3A_483, %parallel_loop3A_484] : memref<2x128x128xf32, #tpu.memory_space<vmem>> -> memref<1x128x128xf32, #tpu.memory_space<vmem>>
        %parallel_loop3A_486 = tpu.memref_squeeze %parallel_loop3A_485 : memref<1x128x128xf32, #tpu.memory_space<vmem>> -> memref<128x128xf32, #tpu.memory_space<vmem>>
        %parallel_loop3A_487 = arith.index_cast %parallel_loop3A_482 : i32 to index
        %parallel_loop3A_488 = arith.constant 0 : index
        %parallel_loop3A_489 = tpu.vector_load %parallel_loop3A_486[%parallel_loop3A_487, %parallel_loop3A_488] {strides = array<i32>} : memref<128x128xf32, #tpu.memory_space<vmem>>, vector<16xf32>,
        %parallel_loop3A_490 = arith.constant 0 : i32
        %parallel_loop3A_491 = arith.constant 0 : i32
        %parallel_loop3A_492 = tpu.memref_slice %arg10[%rem3A_41, %parallel_loop3A_490, %parallel_loop3A_491] : memref<2x128x128xf32, #tpu.memory_space<vmem>> -> memref<1x128x128xf32, #tpu.memory_space<vmem>>
        %parallel_loop3A_493 = tpu.memref_squeeze %parallel_loop3A_492 : memref<1x128x128xf32, #tpu.memory_space<vmem>> -> memref<128x128xf32, #tpu.memory_space<vmem>>
        %parallel_loop3A_494 = arith.index_cast %parallel_loop3A_482 : i32 to index
        %parallel_loop3A_495 = arith.constant 0 : index
        %parallel_loop3A_496 = tpu.vector_load %parallel_loop3A_493[%parallel_loop3A_494, %parallel_loop3A_495] {strides = array<i32>} : memref<128x128xf32, #tpu.memory_space<vmem>>, vector<16xf32>,
        %parallel_loop3A_497 = arith.mulf %parallel_loop3A_489, %parallel_loop3A_496 : vector<16xf32>
        %parallel_loop3A_498 = arith.constant 0 : i32
        %parallel_loop3A_499 = arith.constant 0 : i32
        %parallel_loop3A_500 = tpu.memref_slice %arg9[%rem3A_41, %parallel_loop3A_498, %parallel_loop3A_499] : memref<2x128x128xf32, #tpu.memory_space<vmem>> -> memref<1x128x128xf32, #tpu.memory_space<vmem>>
        %parallel_loop3A_501 = tpu.memref_squeeze %parallel_loop3A_500 : memref<1x128x128xf32, #tpu.memory_space<vmem>> -> memref<128x128xf32, #tpu.memory_space<vmem>>
        %parallel_loop3A_502 = arith.index_cast %parallel_loop3A_482 : i32 to index
        %parallel_loop3A_503 = arith.constant 16 : index
        %parallel_loop3A_504 = tpu.vector_load %parallel_loop3A_501[%parallel_loop3A_502, %parallel_loop3A_503] {strides = array<i32>} : memref<128x128xf32, #tpu.memory_space<vmem>>, vector<16xf32>,
        %parallel_loop3A_505 = arith.constant 0 : i32
        %parallel_loop3A_506 = arith.constant 0 : i32
        %parallel_loop3A_507 = tpu.memref_slice %arg10[%rem3A_41, %parallel_loop3A_505, %parallel_loop3A_506] : memref<2x128x128xf32, #tpu.memory_space<vmem>> -> memref<1x128x128xf32, #tpu.memory_space<vmem>>
        %parallel_loop3A_508 = tpu.memref_squeeze %parallel_loop3A_507 : memref<1x128x128xf32, #tpu.memory_space<vmem>> -> memref<128x128xf32, #tpu.memory_space<vmem>>
        %parallel_loop3A_509 = arith.index_cast %parallel_loop3A_482 : i32 to index
        %parallel_loop3A_510 = arith.constant 16 : index
        %parallel_loop3A_511 = tpu.vector_load %parallel_loop3A_508[%parallel_loop3A_509, %parallel_loop3A_510] {strides = array<i32>} : memref<128x128xf32, #tpu.memory_space<vmem>>, vector<16xf32>,
        %parallel_loop3A_512 = arith.mulf %parallel_loop3A_504, %parallel_loop3A_511 : vector<16xf32>
        %parallel_loop3A_513 = arith.constant 0 : i32
        %parallel_loop3A_514 = arith.constant 0 : i32
        %parallel_loop3A_515 = tpu.memref_slice %arg9[%rem3A_41, %parallel_loop3A_513, %parallel_loop3A_514] : memref<2x128x128xf32, #tpu.memory_space<vmem>> -> memref<1x128x128xf32, #tpu.memory_space<vmem>>
        %parallel_loop3A_516 = tpu.memref_squeeze %parallel_loop3A_515 : memref<1x128x128xf32, #tpu.memory_space<vmem>> -> memref<128x128xf32, #tpu.memory_space<vmem>>
        %parallel_loop3A_517 = arith.index_cast %parallel_loop3A_482 : i32 to index
        %parallel_loop3A_518 = arith.constant 32 : index
        %parallel_loop3A_519 = tpu.vector_load %parallel_loop3A_516[%parallel_loop3A_517, %parallel_loop3A_518] {strides = array<i32>} : memref<128x128xf32, #tpu.memory_space<vmem>>, vector<16xf32>,
        %parallel_loop3A_520 = arith.constant 0 : i32
        %parallel_loop3A_521 = arith.constant 0 : i32
        %parallel_loop3A_522 = tpu.memref_slice %arg10[%rem3A_41, %parallel_loop3A_520, %parallel_loop3A_521] : memref<2x128x128xf32, #tpu.memory_space<vmem>> -> memref<1x128x128xf32, #tpu.memory_space<vmem>>
        %parallel_loop3A_523 = tpu.memref_squeeze %parallel_loop3A_522 : memref<1x128x128xf32, #tpu.memory_space<vmem>> -> memref<128x128xf32, #tpu.memory_space<vmem>>
        %parallel_loop3A_524 = arith.index_cast %parallel_loop3A_482 : i32 to index
        %parallel_loop3A_525 = arith.constant 32 : index
        %parallel_loop3A_526 = tpu.vector_load %parallel_loop3A_523[%parallel_loop3A_524, %parallel_loop3A_525] {strides = array<i32>} : memref<128x128xf32, #tpu.memory_space<vmem>>, vector<16xf32>,
        %parallel_loop3A_527 = arith.mulf %parallel_loop3A_519, %parallel_loop3A_526 : vector<16xf32>
        %parallel_loop3A_528 = arith.constant 0 : i32
        %parallel_loop3A_529 = arith.constant 0 : i32
        %parallel_loop3A_530 = tpu.memref_slice %arg9[%rem3A_41, %parallel_loop3A_528, %parallel_loop3A_529] : memref<2x128x128xf32, #tpu.memory_space<vmem>> -> memref<1x128x128xf32, #tpu.memory_space<vmem>>
        %parallel_loop3A_531 = tpu.memref_squeeze %parallel_loop3A_530 : memref<1x128x128xf32, #tpu.memory_space<vmem>> -> memref<128x128xf32, #tpu.memory_space<vmem>>
        %parallel_loop3A_532 = arith.index_cast %parallel_loop3A_482 : i32 to index
        %parallel_loop3A_533 = arith.constant 48 : index
        %parallel_loop3A_534 = tpu.vector_load %parallel_loop3A_531[%parallel_loop3A_532, %parallel_loop3A_533] {strides = array<i32>} : memref<128x128xf32, #tpu.memory_space<vmem>>, vector<16xf32>,
        %parallel_loop3A_535 = arith.constant 0 : i32
        %parallel_loop3A_536 = arith.constant 0 : i32
        %parallel_loop3A_537 = tpu.memref_slice %arg10[%rem3A_41, %parallel_loop3A_535, %parallel_loop3A_536] : memref<2x128x128xf32, #tpu.memory_space<vmem>> -> memref<1x128x128xf32, #tpu.memory_space<vmem>>
        %parallel_loop3A_538 = tpu.memref_squeeze %parallel_loop3A_537 : memref<1x128x128xf32, #tpu.memory_space<vmem>> -> memref<128x128xf32, #tpu.memory_space<vmem>>
        %parallel_loop3A_539 = arith.index_cast %parallel_loop3A_482 : i32 to index
        %parallel_loop3A_540 = arith.constant 48 : index
        %parallel_loop3A_541 = tpu.vector_load %parallel_loop3A_538[%parallel_loop3A_539, %parallel_loop3A_540] {strides = array<i32>} : memref<128x128xf32, #tpu.memory_space<vmem>>, vector<16xf32>,
        %parallel_loop3A_542 = arith.mulf %parallel_loop3A_534, %parallel_loop3A_541 : vector<16xf32>
        %parallel_loop3A_543 = arith.constant 0 : i32
        %parallel_loop3A_544 = arith.constant 0 : i32
        %parallel_loop3A_545 = tpu.memref_slice %arg9[%rem3A_41, %parallel_loop3A_543, %parallel_loop3A_544] : memref<2x128x128xf32, #tpu.memory_space<vmem>> -> memref<1x128x128xf32, #tpu.memory_space<vmem>>
        %parallel_loop3A_546 = tpu.memref_squeeze %parallel_loop3A_545 : memref<1x128x128xf32, #tpu.memory_space<vmem>> -> memref<128x128xf32, #tpu.memory_space<vmem>>
        %parallel_loop3A_547 = arith.index_cast %parallel_loop3A_482 : i32 to index
        %parallel_loop3A_548 = arith.constant 64 : index
        %parallel_loop3A_549 = tpu.vector_load %parallel_loop3A_546[%parallel_loop3A_547, %parallel_loop3A_548] {strides = array<i32>} : memref<128x128xf32, #tpu.memory_space<vmem>>, vector<16xf32>,
        %parallel_loop3A_550 = arith.constant 0 : i32
        %parallel_loop3A_551 = arith.constant 0 : i32
        %parallel_loop3A_552 = tpu.memref_slice %arg10[%rem3A_41, %parallel_loop3A_550, %parallel_loop3A_551] : memref<2x128x128xf32, #tpu.memory_space<vmem>> -> memref<1x128x128xf32, #tpu.memory_space<vmem>>
        %parallel_loop3A_553 = tpu.memref_squeeze %parallel_loop3A_552 : memref<1x128x128xf32, #tpu.memory_space<vmem>> -> memref<128x128xf32, #tpu.memory_space<vmem>>
        %parallel_loop3A_554 = arith.index_cast %parallel_loop3A_482 : i32 to index
        %parallel_loop3A_555 = arith.constant 64 : index
        %parallel_loop3A_556 = tpu.vector_load %parallel_loop3A_553[%parallel_loop3A_554, %parallel_loop3A_555] {strides = array<i32>} : memref<128x128xf32, #tpu.memory_space<vmem>>, vector<16xf32>,
        %parallel_loop3A_557 = arith.mulf %parallel_loop3A_549, %parallel_loop3A_556 : vector<16xf32>
        %parallel_loop3A_558 = arith.constant 0 : i32
        %parallel_loop3A_559 = arith.constant 0 : i32
        %parallel_loop3A_560 = tpu.memref_slice %arg9[%rem3A_41, %parallel_loop3A_558, %parallel_loop3A_559] : memref<2x128x128xf32, #tpu.memory_space<vmem>> -> memref<1x128x128xf32, #tpu.memory_space<vmem>>
        %parallel_loop3A_561 = tpu.memref_squeeze %parallel_loop3A_560 : memref<1x128x128xf32, #tpu.memory_space<vmem>> -> memref<128x128xf32, #tpu.memory_space<vmem>>
        %parallel_loop3A_562 = arith.index_cast %parallel_loop3A_482 : i32 to index
        %parallel_loop3A_563 = arith.constant 80 : index
        %parallel_loop3A_564 = tpu.vector_load %parallel_loop3A_561[%parallel_loop3A_562, %parallel_loop3A_563] {strides = array<i32>} : memref<128x128xf32, #tpu.memory_space<vmem>>, vector<16xf32>,
        %parallel_loop3A_565 = arith.constant 0 : i32
        %parallel_loop3A_566 = arith.constant 0 : i32
        %parallel_loop3A_567 = tpu.memref_slice %arg10[%rem3A_41, %parallel_loop3A_565, %parallel_loop3A_566] : memref<2x128x128xf32, #tpu.memory_space<vmem>> -> memref<1x128x128xf32, #tpu.memory_space<vmem>>
        %parallel_loop3A_568 = tpu.memref_squeeze %parallel_loop3A_567 : memref<1x128x128xf32, #tpu.memory_space<vmem>> -> memref<128x128xf32, #tpu.memory_space<vmem>>
        %parallel_loop3A_569 = arith.index_cast %parallel_loop3A_482 : i32 to index
        %parallel_loop3A_570 = arith.constant 80 : index
        %parallel_loop3A_571 = tpu.vector_load %parallel_loop3A_568[%parallel_loop3A_569, %parallel_loop3A_570] {strides = array<i32>} : memref<128x128xf32, #tpu.memory_space<vmem>>, vector<16xf32>,
        %parallel_loop3A_572 = arith.mulf %parallel_loop3A_564, %parallel_loop3A_571 : vector<16xf32>
        %parallel_loop3A_573 = arith.constant 0 : i32
        %parallel_loop3A_574 = arith.constant 0 : i32
        %parallel_loop3A_575 = tpu.memref_slice %arg9[%rem3A_41, %parallel_loop3A_573, %parallel_loop3A_574] : memref<2x128x128xf32, #tpu.memory_space<vmem>> -> memref<1x128x128xf32, #tpu.memory_space<vmem>>
        %parallel_loop3A_576 = tpu.memref_squeeze %parallel_loop3A_575 : memref<1x128x128xf32, #tpu.memory_space<vmem>> -> memref<128x128xf32, #tpu.memory_space<vmem>>
        %parallel_loop3A_577 = arith.index_cast %parallel_loop3A_482 : i32 to index
        %parallel_loop3A_578 = arith.constant 96 : index
        %parallel_loop3A_579 = tpu.vector_load %parallel_loop3A_576[%parallel_loop3A_577, %parallel_loop3A_578] {strides = array<i32>} : memref<128x128xf32, #tpu.memory_space<vmem>>, vector<16xf32>,
        %parallel_loop3A_580 = arith.constant 0 : i32
        %parallel_loop3A_581 = arith.constant 0 : i32
        %parallel_loop3A_582 = tpu.memref_slice %arg10[%rem3A_41, %parallel_loop3A_580, %parallel_loop3A_581] : memref<2x128x128xf32, #tpu.memory_space<vmem>> -> memref<1x128x128xf32, #tpu.memory_space<vmem>>
        %parallel_loop3A_583 = tpu.memref_squeeze %parallel_loop3A_582 : memref<1x128x128xf32, #tpu.memory_space<vmem>> -> memref<128x128xf32, #tpu.memory_space<vmem>>
        %parallel_loop3A_584 = arith.index_cast %parallel_loop3A_482 : i32 to index
        %parallel_loop3A_585 = arith.constant 96 : index
        %parallel_loop3A_586 = tpu.vector_load %parallel_loop3A_583[%parallel_loop3A_584, %parallel_loop3A_585] {strides = array<i32>} : memref<128x128xf32, #tpu.memory_space<vmem>>, vector<16xf32>,
        %parallel_loop3A_587 = arith.mulf %parallel_loop3A_579, %parallel_loop3A_586 : vector<16xf32>
        %parallel_loop3A_588 = arith.constant 0 : i32
        %parallel_loop3A_589 = arith.constant 0 : i32
        %parallel_loop3A_590 = tpu.memref_slice %arg9[%rem3A_41, %parallel_loop3A_588, %parallel_loop3A_589] : memref<2x128x128xf32, #tpu.memory_space<vmem>> -> memref<1x128x128xf32, #tpu.memory_space<vmem>>
        %parallel_loop3A_591 = tpu.memref_squeeze %parallel_loop3A_590 : memref<1x128x128xf32, #tpu.memory_space<vmem>> -> memref<128x128xf32, #tpu.memory_space<vmem>>
        %parallel_loop3A_592 = arith.index_cast %parallel_loop3A_482 : i32 to index
        %parallel_loop3A_593 = arith.constant 112 : index
        %parallel_loop3A_594 = tpu.vector_load %parallel_loop3A_591[%parallel_loop3A_592, %parallel_loop3A_593] {strides = array<i32>} : memref<128x128xf32, #tpu.memory_space<vmem>>, vector<16xf32>,
        %parallel_loop3A_595 = arith.constant 0 : i32
        %parallel_loop3A_596 = arith.constant 0 : i32
        %parallel_loop3A_597 = tpu.memref_slice %arg10[%rem3A_41, %parallel_loop3A_595, %parallel_loop3A_596] : memref<2x128x128xf32, #tpu.memory_space<vmem>> -> memref<1x128x128xf32, #tpu.memory_space<vmem>>
        %parallel_loop3A_598 = tpu.memref_squeeze %parallel_loop3A_597 : memref<1x128x128xf32, #tpu.memory_space<vmem>> -> memref<128x128xf32, #tpu.memory_space<vmem>>
        %parallel_loop3A_599 = arith.index_cast %parallel_loop3A_482 : i32 to index
        %parallel_loop3A_600 = arith.constant 112 : index
        %parallel_loop3A_601 = tpu.vector_load %parallel_loop3A_598[%parallel_loop3A_599, %parallel_loop3A_600] {strides = array<i32>} : memref<128x128xf32, #tpu.memory_space<vmem>>, vector<16xf32>,
        %parallel_loop3A_602 = arith.mulf %parallel_loop3A_594, %parallel_loop3A_601 : vector<16xf32>
        %parallel_loop3A_603 = arith.addf %parallel_loop3A_497, %parallel_loop3A_512 : vector<16xf32>
        %parallel_loop3A_604 = arith.addf %parallel_loop3A_527, %parallel_loop3A_542 : vector<16xf32>
        %parallel_loop3A_605 = arith.addf %parallel_loop3A_557, %parallel_loop3A_572 : vector<16xf32>
        %parallel_loop3A_606 = arith.addf %parallel_loop3A_587, %parallel_loop3A_602 : vector<16xf32>
        %parallel_loop3A_607 = arith.addf %parallel_loop3A_603, %parallel_loop3A_604 : vector<16xf32>
        %parallel_loop3A_608 = arith.addf %parallel_loop3A_605, %parallel_loop3A_606 : vector<16xf32>
        %parallel_loop3A_609 = arith.addf %parallel_loop3A_607, %parallel_loop3A_608 : vector<16xf32>
        %parallel_loop3A_610 = arith.constant 51 : i32
        %parallel_loop3A_611 = arith.addi %parallel_loop3A_73, %parallel_loop3A_610 : i32
        %parallel_loop3A_612 = arith.index_cast %parallel_loop3A_611 : i32 to index
        %parallel_loop3A_613 = tpu.vector_load %arg11[%parallel_loop3A_612] {strides = array<i32>} : memref<2176xf32, #tpu.memory_space<vmem>>, vector<16xf32>,
        tpu.vector_store %arg11[%parallel_loop3A_612], %parallel_loop3A_609 {strides = array<i32>} : memref<2176xf32, #tpu.memory_space<vmem>>, vector<16xf32>,
        %parallel_loop3A_614 = arith.constant 16 : i32
        %parallel_loop3A_615 = arith.muli %parallel_loop3A_71, %parallel_loop3A_614 : i32
        %parallel_loop3A_616 = arith.constant 4 : i32
        %parallel_loop3A_617 = arith.addi %parallel_loop3A_615, %parallel_loop3A_616 : i32
        %parallel_loop3A_618 = arith.constant 0 : i32
        %parallel_loop3A_619 = arith.constant 0 : i32
        %parallel_loop3A_620 = tpu.memref_slice %arg9[%rem3A_41, %parallel_loop3A_618, %parallel_loop3A_619] : memref<2x128x128xf32, #tpu.memory_space<vmem>> -> memref<1x128x128xf32, #tpu.memory_space<vmem>>
        %parallel_loop3A_621 = tpu.memref_squeeze %parallel_loop3A_620 : memref<1x128x128xf32, #tpu.memory_space<vmem>> -> memref<128x128xf32, #tpu.memory_space<vmem>>
        %parallel_loop3A_622 = arith.index_cast %parallel_loop3A_617 : i32 to index
        %parallel_loop3A_623 = arith.constant 0 : index
        %parallel_loop3A_624 = tpu.vector_load %parallel_loop3A_621[%parallel_loop3A_622, %parallel_loop3A_623] {strides = array<i32>} : memref<128x128xf32, #tpu.memory_space<vmem>>, vector<16xf32>,
        %parallel_loop3A_625 = arith.constant 0 : i32
        %parallel_loop3A_626 = arith.constant 0 : i32
        %parallel_loop3A_627 = tpu.memref_slice %arg10[%rem3A_41, %parallel_loop3A_625, %parallel_loop3A_626] : memref<2x128x128xf32, #tpu.memory_space<vmem>> -> memref<1x128x128xf32, #tpu.memory_space<vmem>>
        %parallel_loop3A_628 = tpu.memref_squeeze %parallel_loop3A_627 : memref<1x128x128xf32, #tpu.memory_space<vmem>> -> memref<128x128xf32, #tpu.memory_space<vmem>>
        %parallel_loop3A_629 = arith.index_cast %parallel_loop3A_617 : i32 to index
        %parallel_loop3A_630 = arith.constant 0 : index
        %parallel_loop3A_631 = tpu.vector_load %parallel_loop3A_628[%parallel_loop3A_629, %parallel_loop3A_630] {strides = array<i32>} : memref<128x128xf32, #tpu.memory_space<vmem>>, vector<16xf32>,
        %parallel_loop3A_632 = arith.mulf %parallel_loop3A_624, %parallel_loop3A_631 : vector<16xf32>
        %parallel_loop3A_633 = arith.constant 0 : i32
        %parallel_loop3A_634 = arith.constant 0 : i32
        %parallel_loop3A_635 = tpu.memref_slice %arg9[%rem3A_41, %parallel_loop3A_633, %parallel_loop3A_634] : memref<2x128x128xf32, #tpu.memory_space<vmem>> -> memref<1x128x128xf32, #tpu.memory_space<vmem>>
        %parallel_loop3A_636 = tpu.memref_squeeze %parallel_loop3A_635 : memref<1x128x128xf32, #tpu.memory_space<vmem>> -> memref<128x128xf32, #tpu.memory_space<vmem>>
        %parallel_loop3A_637 = arith.index_cast %parallel_loop3A_617 : i32 to index
        %parallel_loop3A_638 = arith.constant 16 : index
        %parallel_loop3A_639 = tpu.vector_load %parallel_loop3A_636[%parallel_loop3A_637, %parallel_loop3A_638] {strides = array<i32>} : memref<128x128xf32, #tpu.memory_space<vmem>>, vector<16xf32>,
        %parallel_loop3A_640 = arith.constant 0 : i32
        %parallel_loop3A_641 = arith.constant 0 : i32
        %parallel_loop3A_642 = tpu.memref_slice %arg10[%rem3A_41, %parallel_loop3A_640, %parallel_loop3A_641] : memref<2x128x128xf32, #tpu.memory_space<vmem>> -> memref<1x128x128xf32, #tpu.memory_space<vmem>>
        %parallel_loop3A_643 = tpu.memref_squeeze %parallel_loop3A_642 : memref<1x128x128xf32, #tpu.memory_space<vmem>> -> memref<128x128xf32, #tpu.memory_space<vmem>>
        %parallel_loop3A_644 = arith.index_cast %parallel_loop3A_617 : i32 to index
        %parallel_loop3A_645 = arith.constant 16 : index
        %parallel_loop3A_646 = tpu.vector_load %parallel_loop3A_643[%parallel_loop3A_644, %parallel_loop3A_645] {strides = array<i32>} : memref<128x128xf32, #tpu.memory_space<vmem>>, vector<16xf32>,
        %parallel_loop3A_647 = arith.mulf %parallel_loop3A_639, %parallel_loop3A_646 : vector<16xf32>
        %parallel_loop3A_648 = arith.constant 0 : i32
        %parallel_loop3A_649 = arith.constant 0 : i32
        %parallel_loop3A_650 = tpu.memref_slice %arg9[%rem3A_41, %parallel_loop3A_648, %parallel_loop3A_649] : memref<2x128x128xf32, #tpu.memory_space<vmem>> -> memref<1x128x128xf32, #tpu.memory_space<vmem>>
        %parallel_loop3A_651 = tpu.memref_squeeze %parallel_loop3A_650 : memref<1x128x128xf32, #tpu.memory_space<vmem>> -> memref<128x128xf32, #tpu.memory_space<vmem>>
        %parallel_loop3A_652 = arith.index_cast %parallel_loop3A_617 : i32 to index
        %parallel_loop3A_653 = arith.constant 32 : index
        %parallel_loop3A_654 = tpu.vector_load %parallel_loop3A_651[%parallel_loop3A_652, %parallel_loop3A_653] {strides = array<i32>} : memref<128x128xf32, #tpu.memory_space<vmem>>, vector<16xf32>,
        %parallel_loop3A_655 = arith.constant 0 : i32
        %parallel_loop3A_656 = arith.constant 0 : i32
        %parallel_loop3A_657 = tpu.memref_slice %arg10[%rem3A_41, %parallel_loop3A_655, %parallel_loop3A_656] : memref<2x128x128xf32, #tpu.memory_space<vmem>> -> memref<1x128x128xf32, #tpu.memory_space<vmem>>
        %parallel_loop3A_658 = tpu.memref_squeeze %parallel_loop3A_657 : memref<1x128x128xf32, #tpu.memory_space<vmem>> -> memref<128x128xf32, #tpu.memory_space<vmem>>
        %parallel_loop3A_659 = arith.index_cast %parallel_loop3A_617 : i32 to index
        %parallel_loop3A_660 = arith.constant 32 : index
        %parallel_loop3A_661 = tpu.vector_load %parallel_loop3A_658[%parallel_loop3A_659, %parallel_loop3A_660] {strides = array<i32>} : memref<128x128xf32, #tpu.memory_space<vmem>>, vector<16xf32>,
        %parallel_loop3A_662 = arith.mulf %parallel_loop3A_654, %parallel_loop3A_661 : vector<16xf32>
        %parallel_loop3A_663 = arith.constant 0 : i32
        %parallel_loop3A_664 = arith.constant 0 : i32
        %parallel_loop3A_665 = tpu.memref_slice %arg9[%rem3A_41, %parallel_loop3A_663, %parallel_loop3A_664] : memref<2x128x128xf32, #tpu.memory_space<vmem>> -> memref<1x128x128xf32, #tpu.memory_space<vmem>>
        %parallel_loop3A_666 = tpu.memref_squeeze %parallel_loop3A_665 : memref<1x128x128xf32, #tpu.memory_space<vmem>> -> memref<128x128xf32, #tpu.memory_space<vmem>>
        %parallel_loop3A_667 = arith.index_cast %parallel_loop3A_617 : i32 to index
        %parallel_loop3A_668 = arith.constant 48 : index
        %parallel_loop3A_669 = tpu.vector_load %parallel_loop3A_666[%parallel_loop3A_667, %parallel_loop3A_668] {strides = array<i32>} : memref<128x128xf32, #tpu.memory_space<vmem>>, vector<16xf32>,
        %parallel_loop3A_670 = arith.constant 0 : i32
        %parallel_loop3A_671 = arith.constant 0 : i32
        %parallel_loop3A_672 = tpu.memref_slice %arg10[%rem3A_41, %parallel_loop3A_670, %parallel_loop3A_671] : memref<2x128x128xf32, #tpu.memory_space<vmem>> -> memref<1x128x128xf32, #tpu.memory_space<vmem>>
        %parallel_loop3A_673 = tpu.memref_squeeze %parallel_loop3A_672 : memref<1x128x128xf32, #tpu.memory_space<vmem>> -> memref<128x128xf32, #tpu.memory_space<vmem>>
        %parallel_loop3A_674 = arith.index_cast %parallel_loop3A_617 : i32 to index
        %parallel_loop3A_675 = arith.constant 48 : index
        %parallel_loop3A_676 = tpu.vector_load %parallel_loop3A_673[%parallel_loop3A_674, %parallel_loop3A_675] {strides = array<i32>} : memref<128x128xf32, #tpu.memory_space<vmem>>, vector<16xf32>,
        %parallel_loop3A_677 = arith.mulf %parallel_loop3A_669, %parallel_loop3A_676 : vector<16xf32>
        %parallel_loop3A_678 = arith.constant 0 : i32
        %parallel_loop3A_679 = arith.constant 0 : i32
        %parallel_loop3A_680 = tpu.memref_slice %arg9[%rem3A_41, %parallel_loop3A_678, %parallel_loop3A_679] : memref<2x128x128xf32, #tpu.memory_space<vmem>> -> memref<1x128x128xf32, #tpu.memory_space<vmem>>
        %parallel_loop3A_681 = tpu.memref_squeeze %parallel_loop3A_680 : memref<1x128x128xf32, #tpu.memory_space<vmem>> -> memref<128x128xf32, #tpu.memory_space<vmem>>
        %parallel_loop3A_682 = arith.index_cast %parallel_loop3A_617 : i32 to index
        %parallel_loop3A_683 = arith.constant 64 : index
        %parallel_loop3A_684 = tpu.vector_load %parallel_loop3A_681[%parallel_loop3A_682, %parallel_loop3A_683] {strides = array<i32>} : memref<128x128xf32, #tpu.memory_space<vmem>>, vector<16xf32>,
        %parallel_loop3A_685 = arith.constant 0 : i32
        %parallel_loop3A_686 = arith.constant 0 : i32
        %parallel_loop3A_687 = tpu.memref_slice %arg10[%rem3A_41, %parallel_loop3A_685, %parallel_loop3A_686] : memref<2x128x128xf32, #tpu.memory_space<vmem>> -> memref<1x128x128xf32, #tpu.memory_space<vmem>>
        %parallel_loop3A_688 = tpu.memref_squeeze %parallel_loop3A_687 : memref<1x128x128xf32, #tpu.memory_space<vmem>> -> memref<128x128xf32, #tpu.memory_space<vmem>>
        %parallel_loop3A_689 = arith.index_cast %parallel_loop3A_617 : i32 to index
        %parallel_loop3A_690 = arith.constant 64 : index
        %parallel_loop3A_691 = tpu.vector_load %parallel_loop3A_688[%parallel_loop3A_689, %parallel_loop3A_690] {strides = array<i32>} : memref<128x128xf32, #tpu.memory_space<vmem>>, vector<16xf32>,
        %parallel_loop3A_692 = arith.mulf %parallel_loop3A_684, %parallel_loop3A_691 : vector<16xf32>
        %parallel_loop3A_693 = arith.constant 0 : i32
        %parallel_loop3A_694 = arith.constant 0 : i32
        %parallel_loop3A_695 = tpu.memref_slice %arg9[%rem3A_41, %parallel_loop3A_693, %parallel_loop3A_694] : memref<2x128x128xf32, #tpu.memory_space<vmem>> -> memref<1x128x128xf32, #tpu.memory_space<vmem>>
        %parallel_loop3A_696 = tpu.memref_squeeze %parallel_loop3A_695 : memref<1x128x128xf32, #tpu.memory_space<vmem>> -> memref<128x128xf32, #tpu.memory_space<vmem>>
        %parallel_loop3A_697 = arith.index_cast %parallel_loop3A_617 : i32 to index
        %parallel_loop3A_698 = arith.constant 80 : index
        %parallel_loop3A_699 = tpu.vector_load %parallel_loop3A_696[%parallel_loop3A_697, %parallel_loop3A_698] {strides = array<i32>} : memref<128x128xf32, #tpu.memory_space<vmem>>, vector<16xf32>,
        %parallel_loop3A_700 = arith.constant 0 : i32
        %parallel_loop3A_701 = arith.constant 0 : i32
        %parallel_loop3A_702 = tpu.memref_slice %arg10[%rem3A_41, %parallel_loop3A_700, %parallel_loop3A_701] : memref<2x128x128xf32, #tpu.memory_space<vmem>> -> memref<1x128x128xf32, #tpu.memory_space<vmem>>
        %parallel_loop3A_703 = tpu.memref_squeeze %parallel_loop3A_702 : memref<1x128x128xf32, #tpu.memory_space<vmem>> -> memref<128x128xf32, #tpu.memory_space<vmem>>
        %parallel_loop3A_704 = arith.index_cast %parallel_loop3A_617 : i32 to index
        %parallel_loop3A_705 = arith.constant 80 : index
        %parallel_loop3A_706 = tpu.vector_load %parallel_loop3A_703[%parallel_loop3A_704, %parallel_loop3A_705] {strides = array<i32>} : memref<128x128xf32, #tpu.memory_space<vmem>>, vector<16xf32>,
        %parallel_loop3A_707 = arith.mulf %parallel_loop3A_699, %parallel_loop3A_706 : vector<16xf32>
        %parallel_loop3A_708 = arith.constant 0 : i32
        %parallel_loop3A_709 = arith.constant 0 : i32
        %parallel_loop3A_710 = tpu.memref_slice %arg9[%rem3A_41, %parallel_loop3A_708, %parallel_loop3A_709] : memref<2x128x128xf32, #tpu.memory_space<vmem>> -> memref<1x128x128xf32, #tpu.memory_space<vmem>>
        %parallel_loop3A_711 = tpu.memref_squeeze %parallel_loop3A_710 : memref<1x128x128xf32, #tpu.memory_space<vmem>> -> memref<128x128xf32, #tpu.memory_space<vmem>>
        %parallel_loop3A_712 = arith.index_cast %parallel_loop3A_617 : i32 to index
        %parallel_loop3A_713 = arith.constant 96 : index
        %parallel_loop3A_714 = tpu.vector_load %parallel_loop3A_711[%parallel_loop3A_712, %parallel_loop3A_713] {strides = array<i32>} : memref<128x128xf32, #tpu.memory_space<vmem>>, vector<16xf32>,
        %parallel_loop3A_715 = arith.constant 0 : i32
        %parallel_loop3A_716 = arith.constant 0 : i32
        %parallel_loop3A_717 = tpu.memref_slice %arg10[%rem3A_41, %parallel_loop3A_715, %parallel_loop3A_716] : memref<2x128x128xf32, #tpu.memory_space<vmem>> -> memref<1x128x128xf32, #tpu.memory_space<vmem>>
        %parallel_loop3A_718 = tpu.memref_squeeze %parallel_loop3A_717 : memref<1x128x128xf32, #tpu.memory_space<vmem>> -> memref<128x128xf32, #tpu.memory_space<vmem>>
        %parallel_loop3A_719 = arith.index_cast %parallel_loop3A_617 : i32 to index
        %parallel_loop3A_720 = arith.constant 96 : index
        %parallel_loop3A_721 = tpu.vector_load %parallel_loop3A_718[%parallel_loop3A_719, %parallel_loop3A_720] {strides = array<i32>} : memref<128x128xf32, #tpu.memory_space<vmem>>, vector<16xf32>,
        %parallel_loop3A_722 = arith.mulf %parallel_loop3A_714, %parallel_loop3A_721 : vector<16xf32>
        %parallel_loop3A_723 = arith.constant 0 : i32
        %parallel_loop3A_724 = arith.constant 0 : i32
        %parallel_loop3A_725 = tpu.memref_slice %arg9[%rem3A_41, %parallel_loop3A_723, %parallel_loop3A_724] : memref<2x128x128xf32, #tpu.memory_space<vmem>> -> memref<1x128x128xf32, #tpu.memory_space<vmem>>
        %parallel_loop3A_726 = tpu.memref_squeeze %parallel_loop3A_725 : memref<1x128x128xf32, #tpu.memory_space<vmem>> -> memref<128x128xf32, #tpu.memory_space<vmem>>
        %parallel_loop3A_727 = arith.index_cast %parallel_loop3A_617 : i32 to index
        %parallel_loop3A_728 = arith.constant 112 : index
        %parallel_loop3A_729 = tpu.vector_load %parallel_loop3A_726[%parallel_loop3A_727, %parallel_loop3A_728] {strides = array<i32>} : memref<128x128xf32, #tpu.memory_space<vmem>>, vector<16xf32>,
        %parallel_loop3A_730 = arith.constant 0 : i32
        %parallel_loop3A_731 = arith.constant 0 : i32
        %parallel_loop3A_732 = tpu.memref_slice %arg10[%rem3A_41, %parallel_loop3A_730, %parallel_loop3A_731] : memref<2x128x128xf32, #tpu.memory_space<vmem>> -> memref<1x128x128xf32, #tpu.memory_space<vmem>>
        %parallel_loop3A_733 = tpu.memref_squeeze %parallel_loop3A_732 : memref<1x128x128xf32, #tpu.memory_space<vmem>> -> memref<128x128xf32, #tpu.memory_space<vmem>>
        %parallel_loop3A_734 = arith.index_cast %parallel_loop3A_617 : i32 to index
        %parallel_loop3A_735 = arith.constant 112 : index
        %parallel_loop3A_736 = tpu.vector_load %parallel_loop3A_733[%parallel_loop3A_734, %parallel_loop3A_735] {strides = array<i32>} : memref<128x128xf32, #tpu.memory_space<vmem>>, vector<16xf32>,
        %parallel_loop3A_737 = arith.mulf %parallel_loop3A_729, %parallel_loop3A_736 : vector<16xf32>
        %parallel_loop3A_738 = arith.addf %parallel_loop3A_632, %parallel_loop3A_647 : vector<16xf32>
        %parallel_loop3A_739 = arith.addf %parallel_loop3A_662, %parallel_loop3A_677 : vector<16xf32>
        %parallel_loop3A_740 = arith.addf %parallel_loop3A_692, %parallel_loop3A_707 : vector<16xf32>
        %parallel_loop3A_741 = arith.addf %parallel_loop3A_722, %parallel_loop3A_737 : vector<16xf32>
        %parallel_loop3A_742 = arith.addf %parallel_loop3A_738, %parallel_loop3A_739 : vector<16xf32>
        %parallel_loop3A_743 = arith.addf %parallel_loop3A_740, %parallel_loop3A_741 : vector<16xf32>
        %parallel_loop3A_744 = arith.addf %parallel_loop3A_742, %parallel_loop3A_743 : vector<16xf32>
        %parallel_loop3A_745 = arith.constant 68 : i32
        %parallel_loop3A_746 = arith.addi %parallel_loop3A_73, %parallel_loop3A_745 : i32
        %parallel_loop3A_747 = arith.index_cast %parallel_loop3A_746 : i32 to index
        %parallel_loop3A_748 = tpu.vector_load %arg11[%parallel_loop3A_747] {strides = array<i32>} : memref<2176xf32, #tpu.memory_space<vmem>>, vector<16xf32>,
        tpu.vector_store %arg11[%parallel_loop3A_747], %parallel_loop3A_744 {strides = array<i32>} : memref<2176xf32, #tpu.memory_space<vmem>>, vector<16xf32>,
        %parallel_loop3A_749 = arith.constant 16 : i32
        %parallel_loop3A_750 = arith.muli %parallel_loop3A_71, %parallel_loop3A_749 : i32
        %parallel_loop3A_751 = arith.constant 5 : i32
        %parallel_loop3A_752 = arith.addi %parallel_loop3A_750, %parallel_loop3A_751 : i32
        %parallel_loop3A_753 = arith.constant 0 : i32
        %parallel_loop3A_754 = arith.constant 0 : i32
        %parallel_loop3A_755 = tpu.memref_slice %arg9[%rem3A_41, %parallel_loop3A_753, %parallel_loop3A_754] : memref<2x128x128xf32, #tpu.memory_space<vmem>> -> memref<1x128x128xf32, #tpu.memory_space<vmem>>
        %parallel_loop3A_756 = tpu.memref_squeeze %parallel_loop3A_755 : memref<1x128x128xf32, #tpu.memory_space<vmem>> -> memref<128x128xf32, #tpu.memory_space<vmem>>
        %parallel_loop3A_757 = arith.index_cast %parallel_loop3A_752 : i32 to index
        %parallel_loop3A_758 = arith.constant 0 : index
        %parallel_loop3A_759 = tpu.vector_load %parallel_loop3A_756[%parallel_loop3A_757, %parallel_loop3A_758] {strides = array<i32>} : memref<128x128xf32, #tpu.memory_space<vmem>>, vector<16xf32>,
        %parallel_loop3A_760 = arith.constant 0 : i32
        %parallel_loop3A_761 = arith.constant 0 : i32
        %parallel_loop3A_762 = tpu.memref_slice %arg10[%rem3A_41, %parallel_loop3A_760, %parallel_loop3A_761] : memref<2x128x128xf32, #tpu.memory_space<vmem>> -> memref<1x128x128xf32, #tpu.memory_space<vmem>>
        %parallel_loop3A_763 = tpu.memref_squeeze %parallel_loop3A_762 : memref<1x128x128xf32, #tpu.memory_space<vmem>> -> memref<128x128xf32, #tpu.memory_space<vmem>>
        %parallel_loop3A_764 = arith.index_cast %parallel_loop3A_752 : i32 to index
        %parallel_loop3A_765 = arith.constant 0 : index
        %parallel_loop3A_766 = tpu.vector_load %parallel_loop3A_763[%parallel_loop3A_764, %parallel_loop3A_765] {strides = array<i32>} : memref<128x128xf32, #tpu.memory_space<vmem>>, vector<16xf32>,
        %parallel_loop3A_767 = arith.mulf %parallel_loop3A_759, %parallel_loop3A_766 : vector<16xf32>
        %parallel_loop3A_768 = arith.constant 0 : i32
        %parallel_loop3A_769 = arith.constant 0 : i32
        %parallel_loop3A_770 = tpu.memref_slice %arg9[%rem3A_41, %parallel_loop3A_768, %parallel_loop3A_769] : memref<2x128x128xf32, #tpu.memory_space<vmem>> -> memref<1x128x128xf32, #tpu.memory_space<vmem>>
        %parallel_loop3A_771 = tpu.memref_squeeze %parallel_loop3A_770 : memref<1x128x128xf32, #tpu.memory_space<vmem>> -> memref<128x128xf32, #tpu.memory_space<vmem>>
        %parallel_loop3A_772 = arith.index_cast %parallel_loop3A_752 : i32 to index
        %parallel_loop3A_773 = arith.constant 16 : index
        %parallel_loop3A_774 = tpu.vector_load %parallel_loop3A_771[%parallel_loop3A_772, %parallel_loop3A_773] {strides = array<i32>} : memref<128x128xf32, #tpu.memory_space<vmem>>, vector<16xf32>,
        %parallel_loop3A_775 = arith.constant 0 : i32
        %parallel_loop3A_776 = arith.constant 0 : i32
        %parallel_loop3A_777 = tpu.memref_slice %arg10[%rem3A_41, %parallel_loop3A_775, %parallel_loop3A_776] : memref<2x128x128xf32, #tpu.memory_space<vmem>> -> memref<1x128x128xf32, #tpu.memory_space<vmem>>
        %parallel_loop3A_778 = tpu.memref_squeeze %parallel_loop3A_777 : memref<1x128x128xf32, #tpu.memory_space<vmem>> -> memref<128x128xf32, #tpu.memory_space<vmem>>
        %parallel_loop3A_779 = arith.index_cast %parallel_loop3A_752 : i32 to index
        %parallel_loop3A_780 = arith.constant 16 : index
        %parallel_loop3A_781 = tpu.vector_load %parallel_loop3A_778[%parallel_loop3A_779, %parallel_loop3A_780] {strides = array<i32>} : memref<128x128xf32, #tpu.memory_space<vmem>>, vector<16xf32>,
        %parallel_loop3A_782 = arith.mulf %parallel_loop3A_774, %parallel_loop3A_781 : vector<16xf32>
        %parallel_loop3A_783 = arith.constant 0 : i32
        %parallel_loop3A_784 = arith.constant 0 : i32
        %parallel_loop3A_785 = tpu.memref_slice %arg9[%rem3A_41, %parallel_loop3A_783, %parallel_loop3A_784] : memref<2x128x128xf32, #tpu.memory_space<vmem>> -> memref<1x128x128xf32, #tpu.memory_space<vmem>>
        %parallel_loop3A_786 = tpu.memref_squeeze %parallel_loop3A_785 : memref<1x128x128xf32, #tpu.memory_space<vmem>> -> memref<128x128xf32, #tpu.memory_space<vmem>>
        %parallel_loop3A_787 = arith.index_cast %parallel_loop3A_752 : i32 to index
        %parallel_loop3A_788 = arith.constant 32 : index
        %parallel_loop3A_789 = tpu.vector_load %parallel_loop3A_786[%parallel_loop3A_787, %parallel_loop3A_788] {strides = array<i32>} : memref<128x128xf32, #tpu.memory_space<vmem>>, vector<16xf32>,
        %parallel_loop3A_790 = arith.constant 0 : i32
        %parallel_loop3A_791 = arith.constant 0 : i32
        %parallel_loop3A_792 = tpu.memref_slice %arg10[%rem3A_41, %parallel_loop3A_790, %parallel_loop3A_791] : memref<2x128x128xf32, #tpu.memory_space<vmem>> -> memref<1x128x128xf32, #tpu.memory_space<vmem>>
        %parallel_loop3A_793 = tpu.memref_squeeze %parallel_loop3A_792 : memref<1x128x128xf32, #tpu.memory_space<vmem>> -> memref<128x128xf32, #tpu.memory_space<vmem>>
        %parallel_loop3A_794 = arith.index_cast %parallel_loop3A_752 : i32 to index
        %parallel_loop3A_795 = arith.constant 32 : index
        %parallel_loop3A_796 = tpu.vector_load %parallel_loop3A_793[%parallel_loop3A_794, %parallel_loop3A_795] {strides = array<i32>} : memref<128x128xf32, #tpu.memory_space<vmem>>, vector<16xf32>,
        %parallel_loop3A_797 = arith.mulf %parallel_loop3A_789, %parallel_loop3A_796 : vector<16xf32>
        %parallel_loop3A_798 = arith.constant 0 : i32
        %parallel_loop3A_799 = arith.constant 0 : i32
        %parallel_loop3A_800 = tpu.memref_slice %arg9[%rem3A_41, %parallel_loop3A_798, %parallel_loop3A_799] : memref<2x128x128xf32, #tpu.memory_space<vmem>> -> memref<1x128x128xf32, #tpu.memory_space<vmem>>
        %parallel_loop3A_801 = tpu.memref_squeeze %parallel_loop3A_800 : memref<1x128x128xf32, #tpu.memory_space<vmem>> -> memref<128x128xf32, #tpu.memory_space<vmem>>
        %parallel_loop3A_802 = arith.index_cast %parallel_loop3A_752 : i32 to index
        %parallel_loop3A_803 = arith.constant 48 : index
        %parallel_loop3A_804 = tpu.vector_load %parallel_loop3A_801[%parallel_loop3A_802, %parallel_loop3A_803] {strides = array<i32>} : memref<128x128xf32, #tpu.memory_space<vmem>>, vector<16xf32>,
        %parallel_loop3A_805 = arith.constant 0 : i32
        %parallel_loop3A_806 = arith.constant 0 : i32
        %parallel_loop3A_807 = tpu.memref_slice %arg10[%rem3A_41, %parallel_loop3A_805, %parallel_loop3A_806] : memref<2x128x128xf32, #tpu.memory_space<vmem>> -> memref<1x128x128xf32, #tpu.memory_space<vmem>>
        %parallel_loop3A_808 = tpu.memref_squeeze %parallel_loop3A_807 : memref<1x128x128xf32, #tpu.memory_space<vmem>> -> memref<128x128xf32, #tpu.memory_space<vmem>>
        %parallel_loop3A_809 = arith.index_cast %parallel_loop3A_752 : i32 to index
        %parallel_loop3A_810 = arith.constant 48 : index
        %parallel_loop3A_811 = tpu.vector_load %parallel_loop3A_808[%parallel_loop3A_809, %parallel_loop3A_810] {strides = array<i32>} : memref<128x128xf32, #tpu.memory_space<vmem>>, vector<16xf32>,
        %parallel_loop3A_812 = arith.mulf %parallel_loop3A_804, %parallel_loop3A_811 : vector<16xf32>
        %parallel_loop3A_813 = arith.constant 0 : i32
        %parallel_loop3A_814 = arith.constant 0 : i32
        %parallel_loop3A_815 = tpu.memref_slice %arg9[%rem3A_41, %parallel_loop3A_813, %parallel_loop3A_814] : memref<2x128x128xf32, #tpu.memory_space<vmem>> -> memref<1x128x128xf32, #tpu.memory_space<vmem>>
        %parallel_loop3A_816 = tpu.memref_squeeze %parallel_loop3A_815 : memref<1x128x128xf32, #tpu.memory_space<vmem>> -> memref<128x128xf32, #tpu.memory_space<vmem>>
        %parallel_loop3A_817 = arith.index_cast %parallel_loop3A_752 : i32 to index
        %parallel_loop3A_818 = arith.constant 64 : index
        %parallel_loop3A_819 = tpu.vector_load %parallel_loop3A_816[%parallel_loop3A_817, %parallel_loop3A_818] {strides = array<i32>} : memref<128x128xf32, #tpu.memory_space<vmem>>, vector<16xf32>,
        %parallel_loop3A_820 = arith.constant 0 : i32
        %parallel_loop3A_821 = arith.constant 0 : i32
        %parallel_loop3A_822 = tpu.memref_slice %arg10[%rem3A_41, %parallel_loop3A_820, %parallel_loop3A_821] : memref<2x128x128xf32, #tpu.memory_space<vmem>> -> memref<1x128x128xf32, #tpu.memory_space<vmem>>
        %parallel_loop3A_823 = tpu.memref_squeeze %parallel_loop3A_822 : memref<1x128x128xf32, #tpu.memory_space<vmem>> -> memref<128x128xf32, #tpu.memory_space<vmem>>
        %parallel_loop3A_824 = arith.index_cast %parallel_loop3A_752 : i32 to index
        %parallel_loop3A_825 = arith.constant 64 : index
        %parallel_loop3A_826 = tpu.vector_load %parallel_loop3A_823[%parallel_loop3A_824, %parallel_loop3A_825] {strides = array<i32>} : memref<128x128xf32, #tpu.memory_space<vmem>>, vector<16xf32>,
        %parallel_loop3A_827 = arith.mulf %parallel_loop3A_819, %parallel_loop3A_826 : vector<16xf32>
        %parallel_loop3A_828 = arith.constant 0 : i32
        %parallel_loop3A_829 = arith.constant 0 : i32
        %parallel_loop3A_830 = tpu.memref_slice %arg9[%rem3A_41, %parallel_loop3A_828, %parallel_loop3A_829] : memref<2x128x128xf32, #tpu.memory_space<vmem>> -> memref<1x128x128xf32, #tpu.memory_space<vmem>>
        %parallel_loop3A_831 = tpu.memref_squeeze %parallel_loop3A_830 : memref<1x128x128xf32, #tpu.memory_space<vmem>> -> memref<128x128xf32, #tpu.memory_space<vmem>>
        %parallel_loop3A_832 = arith.index_cast %parallel_loop3A_752 : i32 to index
        %parallel_loop3A_833 = arith.constant 80 : index
        %parallel_loop3A_834 = tpu.vector_load %parallel_loop3A_831[%parallel_loop3A_832, %parallel_loop3A_833] {strides = array<i32>} : memref<128x128xf32, #tpu.memory_space<vmem>>, vector<16xf32>,
        %parallel_loop3A_835 = arith.constant 0 : i32
        %parallel_loop3A_836 = arith.constant 0 : i32
        %parallel_loop3A_837 = tpu.memref_slice %arg10[%rem3A_41, %parallel_loop3A_835, %parallel_loop3A_836] : memref<2x128x128xf32, #tpu.memory_space<vmem>> -> memref<1x128x128xf32, #tpu.memory_space<vmem>>
        %parallel_loop3A_838 = tpu.memref_squeeze %parallel_loop3A_837 : memref<1x128x128xf32, #tpu.memory_space<vmem>> -> memref<128x128xf32, #tpu.memory_space<vmem>>
        %parallel_loop3A_839 = arith.index_cast %parallel_loop3A_752 : i32 to index
        %parallel_loop3A_840 = arith.constant 80 : index
        %parallel_loop3A_841 = tpu.vector_load %parallel_loop3A_838[%parallel_loop3A_839, %parallel_loop3A_840] {strides = array<i32>} : memref<128x128xf32, #tpu.memory_space<vmem>>, vector<16xf32>,
        %parallel_loop3A_842 = arith.mulf %parallel_loop3A_834, %parallel_loop3A_841 : vector<16xf32>
        %parallel_loop3A_843 = arith.constant 0 : i32
        %parallel_loop3A_844 = arith.constant 0 : i32
        %parallel_loop3A_845 = tpu.memref_slice %arg9[%rem3A_41, %parallel_loop3A_843, %parallel_loop3A_844] : memref<2x128x128xf32, #tpu.memory_space<vmem>> -> memref<1x128x128xf32, #tpu.memory_space<vmem>>
        %parallel_loop3A_846 = tpu.memref_squeeze %parallel_loop3A_845 : memref<1x128x128xf32, #tpu.memory_space<vmem>> -> memref<128x128xf32, #tpu.memory_space<vmem>>
        %parallel_loop3A_847 = arith.index_cast %parallel_loop3A_752 : i32 to index
        %parallel_loop3A_848 = arith.constant 96 : index
        %parallel_loop3A_849 = tpu.vector_load %parallel_loop3A_846[%parallel_loop3A_847, %parallel_loop3A_848] {strides = array<i32>} : memref<128x128xf32, #tpu.memory_space<vmem>>, vector<16xf32>,
        %parallel_loop3A_850 = arith.constant 0 : i32
        %parallel_loop3A_851 = arith.constant 0 : i32
        %parallel_loop3A_852 = tpu.memref_slice %arg10[%rem3A_41, %parallel_loop3A_850, %parallel_loop3A_851] : memref<2x128x128xf32, #tpu.memory_space<vmem>> -> memref<1x128x128xf32, #tpu.memory_space<vmem>>
        %parallel_loop3A_853 = tpu.memref_squeeze %parallel_loop3A_852 : memref<1x128x128xf32, #tpu.memory_space<vmem>> -> memref<128x128xf32, #tpu.memory_space<vmem>>
        %parallel_loop3A_854 = arith.index_cast %parallel_loop3A_752 : i32 to index
        %parallel_loop3A_855 = arith.constant 96 : index
        %parallel_loop3A_856 = tpu.vector_load %parallel_loop3A_853[%parallel_loop3A_854, %parallel_loop3A_855] {strides = array<i32>} : memref<128x128xf32, #tpu.memory_space<vmem>>, vector<16xf32>,
        %parallel_loop3A_857 = arith.mulf %parallel_loop3A_849, %parallel_loop3A_856 : vector<16xf32>
        %parallel_loop3A_858 = arith.constant 0 : i32
        %parallel_loop3A_859 = arith.constant 0 : i32
        %parallel_loop3A_860 = tpu.memref_slice %arg9[%rem3A_41, %parallel_loop3A_858, %parallel_loop3A_859] : memref<2x128x128xf32, #tpu.memory_space<vmem>> -> memref<1x128x128xf32, #tpu.memory_space<vmem>>
        %parallel_loop3A_861 = tpu.memref_squeeze %parallel_loop3A_860 : memref<1x128x128xf32, #tpu.memory_space<vmem>> -> memref<128x128xf32, #tpu.memory_space<vmem>>
        %parallel_loop3A_862 = arith.index_cast %parallel_loop3A_752 : i32 to index
        %parallel_loop3A_863 = arith.constant 112 : index
        %parallel_loop3A_864 = tpu.vector_load %parallel_loop3A_861[%parallel_loop3A_862, %parallel_loop3A_863] {strides = array<i32>} : memref<128x128xf32, #tpu.memory_space<vmem>>, vector<16xf32>,
        %parallel_loop3A_865 = arith.constant 0 : i32
        %parallel_loop3A_866 = arith.constant 0 : i32
        %parallel_loop3A_867 = tpu.memref_slice %arg10[%rem3A_41, %parallel_loop3A_865, %parallel_loop3A_866] : memref<2x128x128xf32, #tpu.memory_space<vmem>> -> memref<1x128x128xf32, #tpu.memory_space<vmem>>
        %parallel_loop3A_868 = tpu.memref_squeeze %parallel_loop3A_867 : memref<1x128x128xf32, #tpu.memory_space<vmem>> -> memref<128x128xf32, #tpu.memory_space<vmem>>
        %parallel_loop3A_869 = arith.index_cast %parallel_loop3A_752 : i32 to index
        %parallel_loop3A_870 = arith.constant 112 : index
        %parallel_loop3A_871 = tpu.vector_load %parallel_loop3A_868[%parallel_loop3A_869, %parallel_loop3A_870] {strides = array<i32>} : memref<128x128xf32, #tpu.memory_space<vmem>>, vector<16xf32>,
        %parallel_loop3A_872 = arith.mulf %parallel_loop3A_864, %parallel_loop3A_871 : vector<16xf32>
        %parallel_loop3A_873 = arith.addf %parallel_loop3A_767, %parallel_loop3A_782 : vector<16xf32>
        %parallel_loop3A_874 = arith.addf %parallel_loop3A_797, %parallel_loop3A_812 : vector<16xf32>
        %parallel_loop3A_875 = arith.addf %parallel_loop3A_827, %parallel_loop3A_842 : vector<16xf32>
        %parallel_loop3A_876 = arith.addf %parallel_loop3A_857, %parallel_loop3A_872 : vector<16xf32>
        %parallel_loop3A_877 = arith.addf %parallel_loop3A_873, %parallel_loop3A_874 : vector<16xf32>
        %parallel_loop3A_878 = arith.addf %parallel_loop3A_875, %parallel_loop3A_876 : vector<16xf32>
        %parallel_loop3A_879 = arith.addf %parallel_loop3A_877, %parallel_loop3A_878 : vector<16xf32>
        %parallel_loop3A_880 = arith.constant 85 : i32
        %parallel_loop3A_881 = arith.addi %parallel_loop3A_73, %parallel_loop3A_880 : i32
        %parallel_loop3A_882 = arith.index_cast %parallel_loop3A_881 : i32 to index
        %parallel_loop3A_883 = tpu.vector_load %arg11[%parallel_loop3A_882] {strides = array<i32>} : memref<2176xf32, #tpu.memory_space<vmem>>, vector<16xf32>,
        tpu.vector_store %arg11[%parallel_loop3A_882], %parallel_loop3A_879 {strides = array<i32>} : memref<2176xf32, #tpu.memory_space<vmem>>, vector<16xf32>,
        %parallel_loop3A_884 = arith.constant 16 : i32
        %parallel_loop3A_885 = arith.muli %parallel_loop3A_71, %parallel_loop3A_884 : i32
        %parallel_loop3A_886 = arith.constant 6 : i32
        %parallel_loop3A_887 = arith.addi %parallel_loop3A_885, %parallel_loop3A_886 : i32
        %parallel_loop3A_888 = arith.constant 0 : i32
        %parallel_loop3A_889 = arith.constant 0 : i32
        %parallel_loop3A_890 = tpu.memref_slice %arg9[%rem3A_41, %parallel_loop3A_888, %parallel_loop3A_889] : memref<2x128x128xf32, #tpu.memory_space<vmem>> -> memref<1x128x128xf32, #tpu.memory_space<vmem>>
        %parallel_loop3A_891 = tpu.memref_squeeze %parallel_loop3A_890 : memref<1x128x128xf32, #tpu.memory_space<vmem>> -> memref<128x128xf32, #tpu.memory_space<vmem>>
        %parallel_loop3A_892 = arith.index_cast %parallel_loop3A_887 : i32 to index
        %parallel_loop3A_893 = arith.constant 0 : index
        %parallel_loop3A_894 = tpu.vector_load %parallel_loop3A_891[%parallel_loop3A_892, %parallel_loop3A_893] {strides = array<i32>} : memref<128x128xf32, #tpu.memory_space<vmem>>, vector<16xf32>,
        %parallel_loop3A_895 = arith.constant 0 : i32
        %parallel_loop3A_896 = arith.constant 0 : i32
        %parallel_loop3A_897 = tpu.memref_slice %arg10[%rem3A_41, %parallel_loop3A_895, %parallel_loop3A_896] : memref<2x128x128xf32, #tpu.memory_space<vmem>> -> memref<1x128x128xf32, #tpu.memory_space<vmem>>
        %parallel_loop3A_898 = tpu.memref_squeeze %parallel_loop3A_897 : memref<1x128x128xf32, #tpu.memory_space<vmem>> -> memref<128x128xf32, #tpu.memory_space<vmem>>
        %parallel_loop3A_899 = arith.index_cast %parallel_loop3A_887 : i32 to index
        %parallel_loop3A_900 = arith.constant 0 : index
        %parallel_loop3A_901 = tpu.vector_load %parallel_loop3A_898[%parallel_loop3A_899, %parallel_loop3A_900] {strides = array<i32>} : memref<128x128xf32, #tpu.memory_space<vmem>>, vector<16xf32>,
        %parallel_loop3A_902 = arith.mulf %parallel_loop3A_894, %parallel_loop3A_901 : vector<16xf32>
        %parallel_loop3A_903 = arith.constant 0 : i32
        %parallel_loop3A_904 = arith.constant 0 : i32
        %parallel_loop3A_905 = tpu.memref_slice %arg9[%rem3A_41, %parallel_loop3A_903, %parallel_loop3A_904] : memref<2x128x128xf32, #tpu.memory_space<vmem>> -> memref<1x128x128xf32, #tpu.memory_space<vmem>>
        %parallel_loop3A_906 = tpu.memref_squeeze %parallel_loop3A_905 : memref<1x128x128xf32, #tpu.memory_space<vmem>> -> memref<128x128xf32, #tpu.memory_space<vmem>>
        %parallel_loop3A_907 = arith.index_cast %parallel_loop3A_887 : i32 to index
        %parallel_loop3A_908 = arith.constant 16 : index
        %parallel_loop3A_909 = tpu.vector_load %parallel_loop3A_906[%parallel_loop3A_907, %parallel_loop3A_908] {strides = array<i32>} : memref<128x128xf32, #tpu.memory_space<vmem>>, vector<16xf32>,
        %parallel_loop3A_910 = arith.constant 0 : i32
        %parallel_loop3A_911 = arith.constant 0 : i32
        %parallel_loop3A_912 = tpu.memref_slice %arg10[%rem3A_41, %parallel_loop3A_910, %parallel_loop3A_911] : memref<2x128x128xf32, #tpu.memory_space<vmem>> -> memref<1x128x128xf32, #tpu.memory_space<vmem>>
        %parallel_loop3A_913 = tpu.memref_squeeze %parallel_loop3A_912 : memref<1x128x128xf32, #tpu.memory_space<vmem>> -> memref<128x128xf32, #tpu.memory_space<vmem>>
        %parallel_loop3A_914 = arith.index_cast %parallel_loop3A_887 : i32 to index
        %parallel_loop3A_915 = arith.constant 16 : index
        %parallel_loop3A_916 = tpu.vector_load %parallel_loop3A_913[%parallel_loop3A_914, %parallel_loop3A_915] {strides = array<i32>} : memref<128x128xf32, #tpu.memory_space<vmem>>, vector<16xf32>,
        %parallel_loop3A_917 = arith.mulf %parallel_loop3A_909, %parallel_loop3A_916 : vector<16xf32>
        %parallel_loop3A_918 = arith.constant 0 : i32
        %parallel_loop3A_919 = arith.constant 0 : i32
        %parallel_loop3A_920 = tpu.memref_slice %arg9[%rem3A_41, %parallel_loop3A_918, %parallel_loop3A_919] : memref<2x128x128xf32, #tpu.memory_space<vmem>> -> memref<1x128x128xf32, #tpu.memory_space<vmem>>
        %parallel_loop3A_921 = tpu.memref_squeeze %parallel_loop3A_920 : memref<1x128x128xf32, #tpu.memory_space<vmem>> -> memref<128x128xf32, #tpu.memory_space<vmem>>
        %parallel_loop3A_922 = arith.index_cast %parallel_loop3A_887 : i32 to index
        %parallel_loop3A_923 = arith.constant 32 : index
        %parallel_loop3A_924 = tpu.vector_load %parallel_loop3A_921[%parallel_loop3A_922, %parallel_loop3A_923] {strides = array<i32>} : memref<128x128xf32, #tpu.memory_space<vmem>>, vector<16xf32>,
        %parallel_loop3A_925 = arith.constant 0 : i32
        %parallel_loop3A_926 = arith.constant 0 : i32
        %parallel_loop3A_927 = tpu.memref_slice %arg10[%rem3A_41, %parallel_loop3A_925, %parallel_loop3A_926] : memref<2x128x128xf32, #tpu.memory_space<vmem>> -> memref<1x128x128xf32, #tpu.memory_space<vmem>>
        %parallel_loop3A_928 = tpu.memref_squeeze %parallel_loop3A_927 : memref<1x128x128xf32, #tpu.memory_space<vmem>> -> memref<128x128xf32, #tpu.memory_space<vmem>>
        %parallel_loop3A_929 = arith.index_cast %parallel_loop3A_887 : i32 to index
        %parallel_loop3A_930 = arith.constant 32 : index
        %parallel_loop3A_931 = tpu.vector_load %parallel_loop3A_928[%parallel_loop3A_929, %parallel_loop3A_930] {strides = array<i32>} : memref<128x128xf32, #tpu.memory_space<vmem>>, vector<16xf32>,
        %parallel_loop3A_932 = arith.mulf %parallel_loop3A_924, %parallel_loop3A_931 : vector<16xf32>
        %parallel_loop3A_933 = arith.constant 0 : i32
        %parallel_loop3A_934 = arith.constant 0 : i32
        %parallel_loop3A_935 = tpu.memref_slice %arg9[%rem3A_41, %parallel_loop3A_933, %parallel_loop3A_934] : memref<2x128x128xf32, #tpu.memory_space<vmem>> -> memref<1x128x128xf32, #tpu.memory_space<vmem>>
        %parallel_loop3A_936 = tpu.memref_squeeze %parallel_loop3A_935 : memref<1x128x128xf32, #tpu.memory_space<vmem>> -> memref<128x128xf32, #tpu.memory_space<vmem>>
        %parallel_loop3A_937 = arith.index_cast %parallel_loop3A_887 : i32 to index
        %parallel_loop3A_938 = arith.constant 48 : index
        %parallel_loop3A_939 = tpu.vector_load %parallel_loop3A_936[%parallel_loop3A_937, %parallel_loop3A_938] {strides = array<i32>} : memref<128x128xf32, #tpu.memory_space<vmem>>, vector<16xf32>,
        %parallel_loop3A_940 = arith.constant 0 : i32
        %parallel_loop3A_941 = arith.constant 0 : i32
        %parallel_loop3A_942 = tpu.memref_slice %arg10[%rem3A_41, %parallel_loop3A_940, %parallel_loop3A_941] : memref<2x128x128xf32, #tpu.memory_space<vmem>> -> memref<1x128x128xf32, #tpu.memory_space<vmem>>
        %parallel_loop3A_943 = tpu.memref_squeeze %parallel_loop3A_942 : memref<1x128x128xf32, #tpu.memory_space<vmem>> -> memref<128x128xf32, #tpu.memory_space<vmem>>
        %parallel_loop3A_944 = arith.index_cast %parallel_loop3A_887 : i32 to index
        %parallel_loop3A_945 = arith.constant 48 : index
        %parallel_loop3A_946 = tpu.vector_load %parallel_loop3A_943[%parallel_loop3A_944, %parallel_loop3A_945] {strides = array<i32>} : memref<128x128xf32, #tpu.memory_space<vmem>>, vector<16xf32>,
        %parallel_loop3A_947 = arith.mulf %parallel_loop3A_939, %parallel_loop3A_946 : vector<16xf32>
        %parallel_loop3A_948 = arith.constant 0 : i32
        %parallel_loop3A_949 = arith.constant 0 : i32
        %parallel_loop3A_950 = tpu.memref_slice %arg9[%rem3A_41, %parallel_loop3A_948, %parallel_loop3A_949] : memref<2x128x128xf32, #tpu.memory_space<vmem>> -> memref<1x128x128xf32, #tpu.memory_space<vmem>>
        %parallel_loop3A_951 = tpu.memref_squeeze %parallel_loop3A_950 : memref<1x128x128xf32, #tpu.memory_space<vmem>> -> memref<128x128xf32, #tpu.memory_space<vmem>>
        %parallel_loop3A_952 = arith.index_cast %parallel_loop3A_887 : i32 to index
        %parallel_loop3A_953 = arith.constant 64 : index
        %parallel_loop3A_954 = tpu.vector_load %parallel_loop3A_951[%parallel_loop3A_952, %parallel_loop3A_953] {strides = array<i32>} : memref<128x128xf32, #tpu.memory_space<vmem>>, vector<16xf32>,
        %parallel_loop3A_955 = arith.constant 0 : i32
        %parallel_loop3A_956 = arith.constant 0 : i32
        %parallel_loop3A_957 = tpu.memref_slice %arg10[%rem3A_41, %parallel_loop3A_955, %parallel_loop3A_956] : memref<2x128x128xf32, #tpu.memory_space<vmem>> -> memref<1x128x128xf32, #tpu.memory_space<vmem>>
        %parallel_loop3A_958 = tpu.memref_squeeze %parallel_loop3A_957 : memref<1x128x128xf32, #tpu.memory_space<vmem>> -> memref<128x128xf32, #tpu.memory_space<vmem>>
        %parallel_loop3A_959 = arith.index_cast %parallel_loop3A_887 : i32 to index
        %parallel_loop3A_960 = arith.constant 64 : index
        %parallel_loop3A_961 = tpu.vector_load %parallel_loop3A_958[%parallel_loop3A_959, %parallel_loop3A_960] {strides = array<i32>} : memref<128x128xf32, #tpu.memory_space<vmem>>, vector<16xf32>,
        %parallel_loop3A_962 = arith.mulf %parallel_loop3A_954, %parallel_loop3A_961 : vector<16xf32>
        %parallel_loop3A_963 = arith.constant 0 : i32
        %parallel_loop3A_964 = arith.constant 0 : i32
        %parallel_loop3A_965 = tpu.memref_slice %arg9[%rem3A_41, %parallel_loop3A_963, %parallel_loop3A_964] : memref<2x128x128xf32, #tpu.memory_space<vmem>> -> memref<1x128x128xf32, #tpu.memory_space<vmem>>
        %parallel_loop3A_966 = tpu.memref_squeeze %parallel_loop3A_965 : memref<1x128x128xf32, #tpu.memory_space<vmem>> -> memref<128x128xf32, #tpu.memory_space<vmem>>
        %parallel_loop3A_967 = arith.index_cast %parallel_loop3A_887 : i32 to index
        %parallel_loop3A_968 = arith.constant 80 : index
        %parallel_loop3A_969 = tpu.vector_load %parallel_loop3A_966[%parallel_loop3A_967, %parallel_loop3A_968] {strides = array<i32>} : memref<128x128xf32, #tpu.memory_space<vmem>>, vector<16xf32>,
        %parallel_loop3A_970 = arith.constant 0 : i32
        %parallel_loop3A_971 = arith.constant 0 : i32
        %parallel_loop3A_972 = tpu.memref_slice %arg10[%rem3A_41, %parallel_loop3A_970, %parallel_loop3A_971] : memref<2x128x128xf32, #tpu.memory_space<vmem>> -> memref<1x128x128xf32, #tpu.memory_space<vmem>>
        %parallel_loop3A_973 = tpu.memref_squeeze %parallel_loop3A_972 : memref<1x128x128xf32, #tpu.memory_space<vmem>> -> memref<128x128xf32, #tpu.memory_space<vmem>>
        %parallel_loop3A_974 = arith.index_cast %parallel_loop3A_887 : i32 to index
        %parallel_loop3A_975 = arith.constant 80 : index
        %parallel_loop3A_976 = tpu.vector_load %parallel_loop3A_973[%parallel_loop3A_974, %parallel_loop3A_975] {strides = array<i32>} : memref<128x128xf32, #tpu.memory_space<vmem>>, vector<16xf32>,
        %parallel_loop3A_977 = arith.mulf %parallel_loop3A_969, %parallel_loop3A_976 : vector<16xf32>
        %parallel_loop3A_978 = arith.constant 0 : i32
        %parallel_loop3A_979 = arith.constant 0 : i32
        %parallel_loop3A_980 = tpu.memref_slice %arg9[%rem3A_41, %parallel_loop3A_978, %parallel_loop3A_979] : memref<2x128x128xf32, #tpu.memory_space<vmem>> -> memref<1x128x128xf32, #tpu.memory_space<vmem>>
        %parallel_loop3A_981 = tpu.memref_squeeze %parallel_loop3A_980 : memref<1x128x128xf32, #tpu.memory_space<vmem>> -> memref<128x128xf32, #tpu.memory_space<vmem>>
        %parallel_loop3A_982 = arith.index_cast %parallel_loop3A_887 : i32 to index
        %parallel_loop3A_983 = arith.constant 96 : index
        %parallel_loop3A_984 = tpu.vector_load %parallel_loop3A_981[%parallel_loop3A_982, %parallel_loop3A_983] {strides = array<i32>} : memref<128x128xf32, #tpu.memory_space<vmem>>, vector<16xf32>,
        %parallel_loop3A_985 = arith.constant 0 : i32
        %parallel_loop3A_986 = arith.constant 0 : i32
        %parallel_loop3A_987 = tpu.memref_slice %arg10[%rem3A_41, %parallel_loop3A_985, %parallel_loop3A_986] : memref<2x128x128xf32, #tpu.memory_space<vmem>> -> memref<1x128x128xf32, #tpu.memory_space<vmem>>
        %parallel_loop3A_988 = tpu.memref_squeeze %parallel_loop3A_987 : memref<1x128x128xf32, #tpu.memory_space<vmem>> -> memref<128x128xf32, #tpu.memory_space<vmem>>
        %parallel_loop3A_989 = arith.index_cast %parallel_loop3A_887 : i32 to index
        %parallel_loop3A_990 = arith.constant 96 : index
        %parallel_loop3A_991 = tpu.vector_load %parallel_loop3A_988[%parallel_loop3A_989, %parallel_loop3A_990] {strides = array<i32>} : memref<128x128xf32, #tpu.memory_space<vmem>>, vector<16xf32>,
        %parallel_loop3A_992 = arith.mulf %parallel_loop3A_984, %parallel_loop3A_991 : vector<16xf32>
        %parallel_loop3A_993 = arith.constant 0 : i32
        %parallel_loop3A_994 = arith.constant 0 : i32
        %parallel_loop3A_995 = tpu.memref_slice %arg9[%rem3A_41, %parallel_loop3A_993, %parallel_loop3A_994] : memref<2x128x128xf32, #tpu.memory_space<vmem>> -> memref<1x128x128xf32, #tpu.memory_space<vmem>>
        %parallel_loop3A_996 = tpu.memref_squeeze %parallel_loop3A_995 : memref<1x128x128xf32, #tpu.memory_space<vmem>> -> memref<128x128xf32, #tpu.memory_space<vmem>>
        %parallel_loop3A_997 = arith.index_cast %parallel_loop3A_887 : i32 to index
        %parallel_loop3A_998 = arith.constant 112 : index
        %parallel_loop3A_999 = tpu.vector_load %parallel_loop3A_996[%parallel_loop3A_997, %parallel_loop3A_998] {strides = array<i32>} : memref<128x128xf32, #tpu.memory_space<vmem>>, vector<16xf32>,
        %parallel_loop3A_1000 = arith.constant 0 : i32
        %parallel_loop3A_1001 = arith.constant 0 : i32
        %parallel_loop3A_1002 = tpu.memref_slice %arg10[%rem3A_41, %parallel_loop3A_1000, %parallel_loop3A_1001] : memref<2x128x128xf32, #tpu.memory_space<vmem>> -> memref<1x128x128xf32, #tpu.memory_space<vmem>>
        %parallel_loop3A_1003 = tpu.memref_squeeze %parallel_loop3A_1002 : memref<1x128x128xf32, #tpu.memory_space<vmem>> -> memref<128x128xf32, #tpu.memory_space<vmem>>
        %parallel_loop3A_1004 = arith.index_cast %parallel_loop3A_887 : i32 to index
        %parallel_loop3A_1005 = arith.constant 112 : index
        %parallel_loop3A_1006 = tpu.vector_load %parallel_loop3A_1003[%parallel_loop3A_1004, %parallel_loop3A_1005] {strides = array<i32>} : memref<128x128xf32, #tpu.memory_space<vmem>>, vector<16xf32>,
        %parallel_loop3A_1007 = arith.mulf %parallel_loop3A_999, %parallel_loop3A_1006 : vector<16xf32>
        %parallel_loop3A_1008 = arith.addf %parallel_loop3A_902, %parallel_loop3A_917 : vector<16xf32>
        %parallel_loop3A_1009 = arith.addf %parallel_loop3A_932, %parallel_loop3A_947 : vector<16xf32>
        %parallel_loop3A_1010 = arith.addf %parallel_loop3A_962, %parallel_loop3A_977 : vector<16xf32>
        %parallel_loop3A_1011 = arith.addf %parallel_loop3A_992, %parallel_loop3A_1007 : vector<16xf32>
        %parallel_loop3A_1012 = arith.addf %parallel_loop3A_1008, %parallel_loop3A_1009 : vector<16xf32>
        %parallel_loop3A_1013 = arith.addf %parallel_loop3A_1010, %parallel_loop3A_1011 : vector<16xf32>
        %parallel_loop3A_1014 = arith.addf %parallel_loop3A_1012, %parallel_loop3A_1013 : vector<16xf32>
        %parallel_loop3A_1015 = arith.constant 102 : i32
        %parallel_loop3A_1016 = arith.addi %parallel_loop3A_73, %parallel_loop3A_1015 : i32
        %parallel_loop3A_1017 = arith.index_cast %parallel_loop3A_1016 : i32 to index
        %parallel_loop3A_1018 = tpu.vector_load %arg11[%parallel_loop3A_1017] {strides = array<i32>} : memref<2176xf32, #tpu.memory_space<vmem>>, vector<16xf32>,
        tpu.vector_store %arg11[%parallel_loop3A_1017], %parallel_loop3A_1014 {strides = array<i32>} : memref<2176xf32, #tpu.memory_space<vmem>>, vector<16xf32>,
        %parallel_loop3A_1019 = arith.constant 16 : i32
        %parallel_loop3A_1020 = arith.muli %parallel_loop3A_71, %parallel_loop3A_1019 : i32
        %parallel_loop3A_1021 = arith.constant 7 : i32
        %parallel_loop3A_1022 = arith.addi %parallel_loop3A_1020, %parallel_loop3A_1021 : i32
        %parallel_loop3A_1023 = arith.constant 0 : i32
        %parallel_loop3A_1024 = arith.constant 0 : i32
        %parallel_loop3A_1025 = tpu.memref_slice %arg9[%rem3A_41, %parallel_loop3A_1023, %parallel_loop3A_1024] : memref<2x128x128xf32, #tpu.memory_space<vmem>> -> memref<1x128x128xf32, #tpu.memory_space<vmem>>
        %parallel_loop3A_1026 = tpu.memref_squeeze %parallel_loop3A_1025 : memref<1x128x128xf32, #tpu.memory_space<vmem>> -> memref<128x128xf32, #tpu.memory_space<vmem>>
        %parallel_loop3A_1027 = arith.index_cast %parallel_loop3A_1022 : i32 to index
        %parallel_loop3A_1028 = arith.constant 0 : index
        %parallel_loop3A_1029 = tpu.vector_load %parallel_loop3A_1026[%parallel_loop3A_1027, %parallel_loop3A_1028] {strides = array<i32>} : memref<128x128xf32, #tpu.memory_space<vmem>>, vector<16xf32>,
        %parallel_loop3A_1030 = arith.constant 0 : i32
        %parallel_loop3A_1031 = arith.constant 0 : i32
        %parallel_loop3A_1032 = tpu.memref_slice %arg10[%rem3A_41, %parallel_loop3A_1030, %parallel_loop3A_1031] : memref<2x128x128xf32, #tpu.memory_space<vmem>> -> memref<1x128x128xf32, #tpu.memory_space<vmem>>
        %parallel_loop3A_1033 = tpu.memref_squeeze %parallel_loop3A_1032 : memref<1x128x128xf32, #tpu.memory_space<vmem>> -> memref<128x128xf32, #tpu.memory_space<vmem>>
        %parallel_loop3A_1034 = arith.index_cast %parallel_loop3A_1022 : i32 to index
        %parallel_loop3A_1035 = arith.constant 0 : index
        %parallel_loop3A_1036 = tpu.vector_load %parallel_loop3A_1033[%parallel_loop3A_1034, %parallel_loop3A_1035] {strides = array<i32>} : memref<128x128xf32, #tpu.memory_space<vmem>>, vector<16xf32>,
        %parallel_loop3A_1037 = arith.mulf %parallel_loop3A_1029, %parallel_loop3A_1036 : vector<16xf32>
        %parallel_loop3A_1038 = arith.constant 0 : i32
        %parallel_loop3A_1039 = arith.constant 0 : i32
        %parallel_loop3A_1040 = tpu.memref_slice %arg9[%rem3A_41, %parallel_loop3A_1038, %parallel_loop3A_1039] : memref<2x128x128xf32, #tpu.memory_space<vmem>> -> memref<1x128x128xf32, #tpu.memory_space<vmem>>
        %parallel_loop3A_1041 = tpu.memref_squeeze %parallel_loop3A_1040 : memref<1x128x128xf32, #tpu.memory_space<vmem>> -> memref<128x128xf32, #tpu.memory_space<vmem>>
        %parallel_loop3A_1042 = arith.index_cast %parallel_loop3A_1022 : i32 to index
        %parallel_loop3A_1043 = arith.constant 16 : index
        %parallel_loop3A_1044 = tpu.vector_load %parallel_loop3A_1041[%parallel_loop3A_1042, %parallel_loop3A_1043] {strides = array<i32>} : memref<128x128xf32, #tpu.memory_space<vmem>>, vector<16xf32>,
        %parallel_loop3A_1045 = arith.constant 0 : i32
        %parallel_loop3A_1046 = arith.constant 0 : i32
        %parallel_loop3A_1047 = tpu.memref_slice %arg10[%rem3A_41, %parallel_loop3A_1045, %parallel_loop3A_1046] : memref<2x128x128xf32, #tpu.memory_space<vmem>> -> memref<1x128x128xf32, #tpu.memory_space<vmem>>
        %parallel_loop3A_1048 = tpu.memref_squeeze %parallel_loop3A_1047 : memref<1x128x128xf32, #tpu.memory_space<vmem>> -> memref<128x128xf32, #tpu.memory_space<vmem>>
        %parallel_loop3A_1049 = arith.index_cast %parallel_loop3A_1022 : i32 to index
        %parallel_loop3A_1050 = arith.constant 16 : index
        %parallel_loop3A_1051 = tpu.vector_load %parallel_loop3A_1048[%parallel_loop3A_1049, %parallel_loop3A_1050] {strides = array<i32>} : memref<128x128xf32, #tpu.memory_space<vmem>>, vector<16xf32>,
        %parallel_loop3A_1052 = arith.mulf %parallel_loop3A_1044, %parallel_loop3A_1051 : vector<16xf32>
        %parallel_loop3A_1053 = arith.constant 0 : i32
        %parallel_loop3A_1054 = arith.constant 0 : i32
        %parallel_loop3A_1055 = tpu.memref_slice %arg9[%rem3A_41, %parallel_loop3A_1053, %parallel_loop3A_1054] : memref<2x128x128xf32, #tpu.memory_space<vmem>> -> memref<1x128x128xf32, #tpu.memory_space<vmem>>
        %parallel_loop3A_1056 = tpu.memref_squeeze %parallel_loop3A_1055 : memref<1x128x128xf32, #tpu.memory_space<vmem>> -> memref<128x128xf32, #tpu.memory_space<vmem>>
        %parallel_loop3A_1057 = arith.index_cast %parallel_loop3A_1022 : i32 to index
        %parallel_loop3A_1058 = arith.constant 32 : index
        %parallel_loop3A_1059 = tpu.vector_load %parallel_loop3A_1056[%parallel_loop3A_1057, %parallel_loop3A_1058] {strides = array<i32>} : memref<128x128xf32, #tpu.memory_space<vmem>>, vector<16xf32>,
        %parallel_loop3A_1060 = arith.constant 0 : i32
        %parallel_loop3A_1061 = arith.constant 0 : i32
        %parallel_loop3A_1062 = tpu.memref_slice %arg10[%rem3A_41, %parallel_loop3A_1060, %parallel_loop3A_1061] : memref<2x128x128xf32, #tpu.memory_space<vmem>> -> memref<1x128x128xf32, #tpu.memory_space<vmem>>
        %parallel_loop3A_1063 = tpu.memref_squeeze %parallel_loop3A_1062 : memref<1x128x128xf32, #tpu.memory_space<vmem>> -> memref<128x128xf32, #tpu.memory_space<vmem>>
        %parallel_loop3A_1064 = arith.index_cast %parallel_loop3A_1022 : i32 to index
        %parallel_loop3A_1065 = arith.constant 32 : index
        %parallel_loop3A_1066 = tpu.vector_load %parallel_loop3A_1063[%parallel_loop3A_1064, %parallel_loop3A_1065] {strides = array<i32>} : memref<128x128xf32, #tpu.memory_space<vmem>>, vector<16xf32>,
        %parallel_loop3A_1067 = arith.mulf %parallel_loop3A_1059, %parallel_loop3A_1066 : vector<16xf32>
        %parallel_loop3A_1068 = arith.constant 0 : i32
        %parallel_loop3A_1069 = arith.constant 0 : i32
        %parallel_loop3A_1070 = tpu.memref_slice %arg9[%rem3A_41, %parallel_loop3A_1068, %parallel_loop3A_1069] : memref<2x128x128xf32, #tpu.memory_space<vmem>> -> memref<1x128x128xf32, #tpu.memory_space<vmem>>
        %parallel_loop3A_1071 = tpu.memref_squeeze %parallel_loop3A_1070 : memref<1x128x128xf32, #tpu.memory_space<vmem>> -> memref<128x128xf32, #tpu.memory_space<vmem>>
        %parallel_loop3A_1072 = arith.index_cast %parallel_loop3A_1022 : i32 to index
        %parallel_loop3A_1073 = arith.constant 48 : index
        %parallel_loop3A_1074 = tpu.vector_load %parallel_loop3A_1071[%parallel_loop3A_1072, %parallel_loop3A_1073] {strides = array<i32>} : memref<128x128xf32, #tpu.memory_space<vmem>>, vector<16xf32>,
        %parallel_loop3A_1075 = arith.constant 0 : i32
        %parallel_loop3A_1076 = arith.constant 0 : i32
        %parallel_loop3A_1077 = tpu.memref_slice %arg10[%rem3A_41, %parallel_loop3A_1075, %parallel_loop3A_1076] : memref<2x128x128xf32, #tpu.memory_space<vmem>> -> memref<1x128x128xf32, #tpu.memory_space<vmem>>
        %parallel_loop3A_1078 = tpu.memref_squeeze %parallel_loop3A_1077 : memref<1x128x128xf32, #tpu.memory_space<vmem>> -> memref<128x128xf32, #tpu.memory_space<vmem>>
        %parallel_loop3A_1079 = arith.index_cast %parallel_loop3A_1022 : i32 to index
        %parallel_loop3A_1080 = arith.constant 48 : index
        %parallel_loop3A_1081 = tpu.vector_load %parallel_loop3A_1078[%parallel_loop3A_1079, %parallel_loop3A_1080] {strides = array<i32>} : memref<128x128xf32, #tpu.memory_space<vmem>>, vector<16xf32>,
        %parallel_loop3A_1082 = arith.mulf %parallel_loop3A_1074, %parallel_loop3A_1081 : vector<16xf32>
        %parallel_loop3A_1083 = arith.constant 0 : i32
        %parallel_loop3A_1084 = arith.constant 0 : i32
        %parallel_loop3A_1085 = tpu.memref_slice %arg9[%rem3A_41, %parallel_loop3A_1083, %parallel_loop3A_1084] : memref<2x128x128xf32, #tpu.memory_space<vmem>> -> memref<1x128x128xf32, #tpu.memory_space<vmem>>
        %parallel_loop3A_1086 = tpu.memref_squeeze %parallel_loop3A_1085 : memref<1x128x128xf32, #tpu.memory_space<vmem>> -> memref<128x128xf32, #tpu.memory_space<vmem>>
        %parallel_loop3A_1087 = arith.index_cast %parallel_loop3A_1022 : i32 to index
        %parallel_loop3A_1088 = arith.constant 64 : index
        %parallel_loop3A_1089 = tpu.vector_load %parallel_loop3A_1086[%parallel_loop3A_1087, %parallel_loop3A_1088] {strides = array<i32>} : memref<128x128xf32, #tpu.memory_space<vmem>>, vector<16xf32>,
        %parallel_loop3A_1090 = arith.constant 0 : i32
        %parallel_loop3A_1091 = arith.constant 0 : i32
        %parallel_loop3A_1092 = tpu.memref_slice %arg10[%rem3A_41, %parallel_loop3A_1090, %parallel_loop3A_1091] : memref<2x128x128xf32, #tpu.memory_space<vmem>> -> memref<1x128x128xf32, #tpu.memory_space<vmem>>
        %parallel_loop3A_1093 = tpu.memref_squeeze %parallel_loop3A_1092 : memref<1x128x128xf32, #tpu.memory_space<vmem>> -> memref<128x128xf32, #tpu.memory_space<vmem>>
        %parallel_loop3A_1094 = arith.index_cast %parallel_loop3A_1022 : i32 to index
        %parallel_loop3A_1095 = arith.constant 64 : index
        %parallel_loop3A_1096 = tpu.vector_load %parallel_loop3A_1093[%parallel_loop3A_1094, %parallel_loop3A_1095] {strides = array<i32>} : memref<128x128xf32, #tpu.memory_space<vmem>>, vector<16xf32>,
        %parallel_loop3A_1097 = arith.mulf %parallel_loop3A_1089, %parallel_loop3A_1096 : vector<16xf32>
        %parallel_loop3A_1098 = arith.constant 0 : i32
        %parallel_loop3A_1099 = arith.constant 0 : i32
        %parallel_loop3A_1100 = tpu.memref_slice %arg9[%rem3A_41, %parallel_loop3A_1098, %parallel_loop3A_1099] : memref<2x128x128xf32, #tpu.memory_space<vmem>> -> memref<1x128x128xf32, #tpu.memory_space<vmem>>
        %parallel_loop3A_1101 = tpu.memref_squeeze %parallel_loop3A_1100 : memref<1x128x128xf32, #tpu.memory_space<vmem>> -> memref<128x128xf32, #tpu.memory_space<vmem>>
        %parallel_loop3A_1102 = arith.index_cast %parallel_loop3A_1022 : i32 to index
        %parallel_loop3A_1103 = arith.constant 80 : index
        %parallel_loop3A_1104 = tpu.vector_load %parallel_loop3A_1101[%parallel_loop3A_1102, %parallel_loop3A_1103] {strides = array<i32>} : memref<128x128xf32, #tpu.memory_space<vmem>>, vector<16xf32>,
        %parallel_loop3A_1105 = arith.constant 0 : i32
        %parallel_loop3A_1106 = arith.constant 0 : i32
        %parallel_loop3A_1107 = tpu.memref_slice %arg10[%rem3A_41, %parallel_loop3A_1105, %parallel_loop3A_1106] : memref<2x128x128xf32, #tpu.memory_space<vmem>> -> memref<1x128x128xf32, #tpu.memory_space<vmem>>
        %parallel_loop3A_1108 = tpu.memref_squeeze %parallel_loop3A_1107 : memref<1x128x128xf32, #tpu.memory_space<vmem>> -> memref<128x128xf32, #tpu.memory_space<vmem>>
        %parallel_loop3A_1109 = arith.index_cast %parallel_loop3A_1022 : i32 to index
        %parallel_loop3A_1110 = arith.constant 80 : index
        %parallel_loop3A_1111 = tpu.vector_load %parallel_loop3A_1108[%parallel_loop3A_1109, %parallel_loop3A_1110] {strides = array<i32>} : memref<128x128xf32, #tpu.memory_space<vmem>>, vector<16xf32>,
        %parallel_loop3A_1112 = arith.mulf %parallel_loop3A_1104, %parallel_loop3A_1111 : vector<16xf32>
        %parallel_loop3A_1113 = arith.constant 0 : i32
        %parallel_loop3A_1114 = arith.constant 0 : i32
        %parallel_loop3A_1115 = tpu.memref_slice %arg9[%rem3A_41, %parallel_loop3A_1113, %parallel_loop3A_1114] : memref<2x128x128xf32, #tpu.memory_space<vmem>> -> memref<1x128x128xf32, #tpu.memory_space<vmem>>
        %parallel_loop3A_1116 = tpu.memref_squeeze %parallel_loop3A_1115 : memref<1x128x128xf32, #tpu.memory_space<vmem>> -> memref<128x128xf32, #tpu.memory_space<vmem>>
        %parallel_loop3A_1117 = arith.index_cast %parallel_loop3A_1022 : i32 to index
        %parallel_loop3A_1118 = arith.constant 96 : index
        %parallel_loop3A_1119 = tpu.vector_load %parallel_loop3A_1116[%parallel_loop3A_1117, %parallel_loop3A_1118] {strides = array<i32>} : memref<128x128xf32, #tpu.memory_space<vmem>>, vector<16xf32>,
        %parallel_loop3A_1120 = arith.constant 0 : i32
        %parallel_loop3A_1121 = arith.constant 0 : i32
        %parallel_loop3A_1122 = tpu.memref_slice %arg10[%rem3A_41, %parallel_loop3A_1120, %parallel_loop3A_1121] : memref<2x128x128xf32, #tpu.memory_space<vmem>> -> memref<1x128x128xf32, #tpu.memory_space<vmem>>
        %parallel_loop3A_1123 = tpu.memref_squeeze %parallel_loop3A_1122 : memref<1x128x128xf32, #tpu.memory_space<vmem>> -> memref<128x128xf32, #tpu.memory_space<vmem>>
        %parallel_loop3A_1124 = arith.index_cast %parallel_loop3A_1022 : i32 to index
        %parallel_loop3A_1125 = arith.constant 96 : index
        %parallel_loop3A_1126 = tpu.vector_load %parallel_loop3A_1123[%parallel_loop3A_1124, %parallel_loop3A_1125] {strides = array<i32>} : memref<128x128xf32, #tpu.memory_space<vmem>>, vector<16xf32>,
        %parallel_loop3A_1127 = arith.mulf %parallel_loop3A_1119, %parallel_loop3A_1126 : vector<16xf32>
        %parallel_loop3A_1128 = arith.constant 0 : i32
        %parallel_loop3A_1129 = arith.constant 0 : i32
        %parallel_loop3A_1130 = tpu.memref_slice %arg9[%rem3A_41, %parallel_loop3A_1128, %parallel_loop3A_1129] : memref<2x128x128xf32, #tpu.memory_space<vmem>> -> memref<1x128x128xf32, #tpu.memory_space<vmem>>
        %parallel_loop3A_1131 = tpu.memref_squeeze %parallel_loop3A_1130 : memref<1x128x128xf32, #tpu.memory_space<vmem>> -> memref<128x128xf32, #tpu.memory_space<vmem>>
        %parallel_loop3A_1132 = arith.index_cast %parallel_loop3A_1022 : i32 to index
        %parallel_loop3A_1133 = arith.constant 112 : index
        %parallel_loop3A_1134 = tpu.vector_load %parallel_loop3A_1131[%parallel_loop3A_1132, %parallel_loop3A_1133] {strides = array<i32>} : memref<128x128xf32, #tpu.memory_space<vmem>>, vector<16xf32>,
        %parallel_loop3A_1135 = arith.constant 0 : i32
        %parallel_loop3A_1136 = arith.constant 0 : i32
        %parallel_loop3A_1137 = tpu.memref_slice %arg10[%rem3A_41, %parallel_loop3A_1135, %parallel_loop3A_1136] : memref<2x128x128xf32, #tpu.memory_space<vmem>> -> memref<1x128x128xf32, #tpu.memory_space<vmem>>
        %parallel_loop3A_1138 = tpu.memref_squeeze %parallel_loop3A_1137 : memref<1x128x128xf32, #tpu.memory_space<vmem>> -> memref<128x128xf32, #tpu.memory_space<vmem>>
        %parallel_loop3A_1139 = arith.index_cast %parallel_loop3A_1022 : i32 to index
        %parallel_loop3A_1140 = arith.constant 112 : index
        %parallel_loop3A_1141 = tpu.vector_load %parallel_loop3A_1138[%parallel_loop3A_1139, %parallel_loop3A_1140] {strides = array<i32>} : memref<128x128xf32, #tpu.memory_space<vmem>>, vector<16xf32>,
        %parallel_loop3A_1142 = arith.mulf %parallel_loop3A_1134, %parallel_loop3A_1141 : vector<16xf32>
        %parallel_loop3A_1143 = arith.addf %parallel_loop3A_1037, %parallel_loop3A_1052 : vector<16xf32>
        %parallel_loop3A_1144 = arith.addf %parallel_loop3A_1067, %parallel_loop3A_1082 : vector<16xf32>
        %parallel_loop3A_1145 = arith.addf %parallel_loop3A_1097, %parallel_loop3A_1112 : vector<16xf32>
        %parallel_loop3A_1146 = arith.addf %parallel_loop3A_1127, %parallel_loop3A_1142 : vector<16xf32>
        %parallel_loop3A_1147 = arith.addf %parallel_loop3A_1143, %parallel_loop3A_1144 : vector<16xf32>
        %parallel_loop3A_1148 = arith.addf %parallel_loop3A_1145, %parallel_loop3A_1146 : vector<16xf32>
        %parallel_loop3A_1149 = arith.addf %parallel_loop3A_1147, %parallel_loop3A_1148 : vector<16xf32>
        %parallel_loop3A_1150 = arith.constant 119 : i32
        %parallel_loop3A_1151 = arith.addi %parallel_loop3A_73, %parallel_loop3A_1150 : i32
        %parallel_loop3A_1152 = arith.index_cast %parallel_loop3A_1151 : i32 to index
        %parallel_loop3A_1153 = tpu.vector_load %arg11[%parallel_loop3A_1152] {strides = array<i32>} : memref<2176xf32, #tpu.memory_space<vmem>>, vector<16xf32>,
        tpu.vector_store %arg11[%parallel_loop3A_1152], %parallel_loop3A_1149 {strides = array<i32>} : memref<2176xf32, #tpu.memory_space<vmem>>, vector<16xf32>,
        %parallel_loop3A_1154 = arith.constant 16 : i32
        %parallel_loop3A_1155 = arith.muli %parallel_loop3A_71, %parallel_loop3A_1154 : i32
        %parallel_loop3A_1156 = arith.constant 8 : i32
        %parallel_loop3A_1157 = arith.addi %parallel_loop3A_1155, %parallel_loop3A_1156 : i32
        %parallel_loop3A_1158 = arith.constant 0 : i32
        %parallel_loop3A_1159 = arith.constant 0 : i32
        %parallel_loop3A_1160 = tpu.memref_slice %arg9[%rem3A_41, %parallel_loop3A_1158, %parallel_loop3A_1159] : memref<2x128x128xf32, #tpu.memory_space<vmem>> -> memref<1x128x128xf32, #tpu.memory_space<vmem>>
        %parallel_loop3A_1161 = tpu.memref_squeeze %parallel_loop3A_1160 : memref<1x128x128xf32, #tpu.memory_space<vmem>> -> memref<128x128xf32, #tpu.memory_space<vmem>>
        %parallel_loop3A_1162 = arith.index_cast %parallel_loop3A_1157 : i32 to index
        %parallel_loop3A_1163 = arith.constant 0 : index
        %parallel_loop3A_1164 = tpu.vector_load %parallel_loop3A_1161[%parallel_loop3A_1162, %parallel_loop3A_1163] {strides = array<i32>} : memref<128x128xf32, #tpu.memory_space<vmem>>, vector<16xf32>,
        %parallel_loop3A_1165 = arith.constant 0 : i32
        %parallel_loop3A_1166 = arith.constant 0 : i32
        %parallel_loop3A_1167 = tpu.memref_slice %arg10[%rem3A_41, %parallel_loop3A_1165, %parallel_loop3A_1166] : memref<2x128x128xf32, #tpu.memory_space<vmem>> -> memref<1x128x128xf32, #tpu.memory_space<vmem>>
        %parallel_loop3A_1168 = tpu.memref_squeeze %parallel_loop3A_1167 : memref<1x128x128xf32, #tpu.memory_space<vmem>> -> memref<128x128xf32, #tpu.memory_space<vmem>>
        %parallel_loop3A_1169 = arith.index_cast %parallel_loop3A_1157 : i32 to index
        %parallel_loop3A_1170 = arith.constant 0 : index
        %parallel_loop3A_1171 = tpu.vector_load %parallel_loop3A_1168[%parallel_loop3A_1169, %parallel_loop3A_1170] {strides = array<i32>} : memref<128x128xf32, #tpu.memory_space<vmem>>, vector<16xf32>,
        %parallel_loop3A_1172 = arith.mulf %parallel_loop3A_1164, %parallel_loop3A_1171 : vector<16xf32>
        %parallel_loop3A_1173 = arith.constant 0 : i32
        %parallel_loop3A_1174 = arith.constant 0 : i32
        %parallel_loop3A_1175 = tpu.memref_slice %arg9[%rem3A_41, %parallel_loop3A_1173, %parallel_loop3A_1174] : memref<2x128x128xf32, #tpu.memory_space<vmem>> -> memref<1x128x128xf32, #tpu.memory_space<vmem>>
        %parallel_loop3A_1176 = tpu.memref_squeeze %parallel_loop3A_1175 : memref<1x128x128xf32, #tpu.memory_space<vmem>> -> memref<128x128xf32, #tpu.memory_space<vmem>>
        %parallel_loop3A_1177 = arith.index_cast %parallel_loop3A_1157 : i32 to index
        %parallel_loop3A_1178 = arith.constant 16 : index
        %parallel_loop3A_1179 = tpu.vector_load %parallel_loop3A_1176[%parallel_loop3A_1177, %parallel_loop3A_1178] {strides = array<i32>} : memref<128x128xf32, #tpu.memory_space<vmem>>, vector<16xf32>,
        %parallel_loop3A_1180 = arith.constant 0 : i32
        %parallel_loop3A_1181 = arith.constant 0 : i32
        %parallel_loop3A_1182 = tpu.memref_slice %arg10[%rem3A_41, %parallel_loop3A_1180, %parallel_loop3A_1181] : memref<2x128x128xf32, #tpu.memory_space<vmem>> -> memref<1x128x128xf32, #tpu.memory_space<vmem>>
        %parallel_loop3A_1183 = tpu.memref_squeeze %parallel_loop3A_1182 : memref<1x128x128xf32, #tpu.memory_space<vmem>> -> memref<128x128xf32, #tpu.memory_space<vmem>>
        %parallel_loop3A_1184 = arith.index_cast %parallel_loop3A_1157 : i32 to index
        %parallel_loop3A_1185 = arith.constant 16 : index
        %parallel_loop3A_1186 = tpu.vector_load %parallel_loop3A_1183[%parallel_loop3A_1184, %parallel_loop3A_1185] {strides = array<i32>} : memref<128x128xf32, #tpu.memory_space<vmem>>, vector<16xf32>,
        %parallel_loop3A_1187 = arith.mulf %parallel_loop3A_1179, %parallel_loop3A_1186 : vector<16xf32>
        %parallel_loop3A_1188 = arith.constant 0 : i32
        %parallel_loop3A_1189 = arith.constant 0 : i32
        %parallel_loop3A_1190 = tpu.memref_slice %arg9[%rem3A_41, %parallel_loop3A_1188, %parallel_loop3A_1189] : memref<2x128x128xf32, #tpu.memory_space<vmem>> -> memref<1x128x128xf32, #tpu.memory_space<vmem>>
        %parallel_loop3A_1191 = tpu.memref_squeeze %parallel_loop3A_1190 : memref<1x128x128xf32, #tpu.memory_space<vmem>> -> memref<128x128xf32, #tpu.memory_space<vmem>>
        %parallel_loop3A_1192 = arith.index_cast %parallel_loop3A_1157 : i32 to index
        %parallel_loop3A_1193 = arith.constant 32 : index
        %parallel_loop3A_1194 = tpu.vector_load %parallel_loop3A_1191[%parallel_loop3A_1192, %parallel_loop3A_1193] {strides = array<i32>} : memref<128x128xf32, #tpu.memory_space<vmem>>, vector<16xf32>,
        %parallel_loop3A_1195 = arith.constant 0 : i32
        %parallel_loop3A_1196 = arith.constant 0 : i32
        %parallel_loop3A_1197 = tpu.memref_slice %arg10[%rem3A_41, %parallel_loop3A_1195, %parallel_loop3A_1196] : memref<2x128x128xf32, #tpu.memory_space<vmem>> -> memref<1x128x128xf32, #tpu.memory_space<vmem>>
        %parallel_loop3A_1198 = tpu.memref_squeeze %parallel_loop3A_1197 : memref<1x128x128xf32, #tpu.memory_space<vmem>> -> memref<128x128xf32, #tpu.memory_space<vmem>>
        %parallel_loop3A_1199 = arith.index_cast %parallel_loop3A_1157 : i32 to index
        %parallel_loop3A_1200 = arith.constant 32 : index
        %parallel_loop3A_1201 = tpu.vector_load %parallel_loop3A_1198[%parallel_loop3A_1199, %parallel_loop3A_1200] {strides = array<i32>} : memref<128x128xf32, #tpu.memory_space<vmem>>, vector<16xf32>,
        %parallel_loop3A_1202 = arith.mulf %parallel_loop3A_1194, %parallel_loop3A_1201 : vector<16xf32>
        %parallel_loop3A_1203 = arith.constant 0 : i32
        %parallel_loop3A_1204 = arith.constant 0 : i32
        %parallel_loop3A_1205 = tpu.memref_slice %arg9[%rem3A_41, %parallel_loop3A_1203, %parallel_loop3A_1204] : memref<2x128x128xf32, #tpu.memory_space<vmem>> -> memref<1x128x128xf32, #tpu.memory_space<vmem>>
        %parallel_loop3A_1206 = tpu.memref_squeeze %parallel_loop3A_1205 : memref<1x128x128xf32, #tpu.memory_space<vmem>> -> memref<128x128xf32, #tpu.memory_space<vmem>>
        %parallel_loop3A_1207 = arith.index_cast %parallel_loop3A_1157 : i32 to index
        %parallel_loop3A_1208 = arith.constant 48 : index
        %parallel_loop3A_1209 = tpu.vector_load %parallel_loop3A_1206[%parallel_loop3A_1207, %parallel_loop3A_1208] {strides = array<i32>} : memref<128x128xf32, #tpu.memory_space<vmem>>, vector<16xf32>,
        %parallel_loop3A_1210 = arith.constant 0 : i32
        %parallel_loop3A_1211 = arith.constant 0 : i32
        %parallel_loop3A_1212 = tpu.memref_slice %arg10[%rem3A_41, %parallel_loop3A_1210, %parallel_loop3A_1211] : memref<2x128x128xf32, #tpu.memory_space<vmem>> -> memref<1x128x128xf32, #tpu.memory_space<vmem>>
        %parallel_loop3A_1213 = tpu.memref_squeeze %parallel_loop3A_1212 : memref<1x128x128xf32, #tpu.memory_space<vmem>> -> memref<128x128xf32, #tpu.memory_space<vmem>>
        %parallel_loop3A_1214 = arith.index_cast %parallel_loop3A_1157 : i32 to index
        %parallel_loop3A_1215 = arith.constant 48 : index
        %parallel_loop3A_1216 = tpu.vector_load %parallel_loop3A_1213[%parallel_loop3A_1214, %parallel_loop3A_1215] {strides = array<i32>} : memref<128x128xf32, #tpu.memory_space<vmem>>, vector<16xf32>,
        %parallel_loop3A_1217 = arith.mulf %parallel_loop3A_1209, %parallel_loop3A_1216 : vector<16xf32>
        %parallel_loop3A_1218 = arith.constant 0 : i32
        %parallel_loop3A_1219 = arith.constant 0 : i32
        %parallel_loop3A_1220 = tpu.memref_slice %arg9[%rem3A_41, %parallel_loop3A_1218, %parallel_loop3A_1219] : memref<2x128x128xf32, #tpu.memory_space<vmem>> -> memref<1x128x128xf32, #tpu.memory_space<vmem>>
        %parallel_loop3A_1221 = tpu.memref_squeeze %parallel_loop3A_1220 : memref<1x128x128xf32, #tpu.memory_space<vmem>> -> memref<128x128xf32, #tpu.memory_space<vmem>>
        %parallel_loop3A_1222 = arith.index_cast %parallel_loop3A_1157 : i32 to index
        %parallel_loop3A_1223 = arith.constant 64 : index
        %parallel_loop3A_1224 = tpu.vector_load %parallel_loop3A_1221[%parallel_loop3A_1222, %parallel_loop3A_1223] {strides = array<i32>} : memref<128x128xf32, #tpu.memory_space<vmem>>, vector<16xf32>,
        %parallel_loop3A_1225 = arith.constant 0 : i32
        %parallel_loop3A_1226 = arith.constant 0 : i32
        %parallel_loop3A_1227 = tpu.memref_slice %arg10[%rem3A_41, %parallel_loop3A_1225, %parallel_loop3A_1226] : memref<2x128x128xf32, #tpu.memory_space<vmem>> -> memref<1x128x128xf32, #tpu.memory_space<vmem>>
        %parallel_loop3A_1228 = tpu.memref_squeeze %parallel_loop3A_1227 : memref<1x128x128xf32, #tpu.memory_space<vmem>> -> memref<128x128xf32, #tpu.memory_space<vmem>>
        %parallel_loop3A_1229 = arith.index_cast %parallel_loop3A_1157 : i32 to index
        %parallel_loop3A_1230 = arith.constant 64 : index
        %parallel_loop3A_1231 = tpu.vector_load %parallel_loop3A_1228[%parallel_loop3A_1229, %parallel_loop3A_1230] {strides = array<i32>} : memref<128x128xf32, #tpu.memory_space<vmem>>, vector<16xf32>,
        %parallel_loop3A_1232 = arith.mulf %parallel_loop3A_1224, %parallel_loop3A_1231 : vector<16xf32>
        %parallel_loop3A_1233 = arith.constant 0 : i32
        %parallel_loop3A_1234 = arith.constant 0 : i32
        %parallel_loop3A_1235 = tpu.memref_slice %arg9[%rem3A_41, %parallel_loop3A_1233, %parallel_loop3A_1234] : memref<2x128x128xf32, #tpu.memory_space<vmem>> -> memref<1x128x128xf32, #tpu.memory_space<vmem>>
        %parallel_loop3A_1236 = tpu.memref_squeeze %parallel_loop3A_1235 : memref<1x128x128xf32, #tpu.memory_space<vmem>> -> memref<128x128xf32, #tpu.memory_space<vmem>>
        %parallel_loop3A_1237 = arith.index_cast %parallel_loop3A_1157 : i32 to index
        %parallel_loop3A_1238 = arith.constant 80 : index
        %parallel_loop3A_1239 = tpu.vector_load %parallel_loop3A_1236[%parallel_loop3A_1237, %parallel_loop3A_1238] {strides = array<i32>} : memref<128x128xf32, #tpu.memory_space<vmem>>, vector<16xf32>,
        %parallel_loop3A_1240 = arith.constant 0 : i32
        %parallel_loop3A_1241 = arith.constant 0 : i32
        %parallel_loop3A_1242 = tpu.memref_slice %arg10[%rem3A_41, %parallel_loop3A_1240, %parallel_loop3A_1241] : memref<2x128x128xf32, #tpu.memory_space<vmem>> -> memref<1x128x128xf32, #tpu.memory_space<vmem>>
        %parallel_loop3A_1243 = tpu.memref_squeeze %parallel_loop3A_1242 : memref<1x128x128xf32, #tpu.memory_space<vmem>> -> memref<128x128xf32, #tpu.memory_space<vmem>>
        %parallel_loop3A_1244 = arith.index_cast %parallel_loop3A_1157 : i32 to index
        %parallel_loop3A_1245 = arith.constant 80 : index
        %parallel_loop3A_1246 = tpu.vector_load %parallel_loop3A_1243[%parallel_loop3A_1244, %parallel_loop3A_1245] {strides = array<i32>} : memref<128x128xf32, #tpu.memory_space<vmem>>, vector<16xf32>,
        %parallel_loop3A_1247 = arith.mulf %parallel_loop3A_1239, %parallel_loop3A_1246 : vector<16xf32>
        %parallel_loop3A_1248 = arith.constant 0 : i32
        %parallel_loop3A_1249 = arith.constant 0 : i32
        %parallel_loop3A_1250 = tpu.memref_slice %arg9[%rem3A_41, %parallel_loop3A_1248, %parallel_loop3A_1249] : memref<2x128x128xf32, #tpu.memory_space<vmem>> -> memref<1x128x128xf32, #tpu.memory_space<vmem>>
        %parallel_loop3A_1251 = tpu.memref_squeeze %parallel_loop3A_1250 : memref<1x128x128xf32, #tpu.memory_space<vmem>> -> memref<128x128xf32, #tpu.memory_space<vmem>>
        %parallel_loop3A_1252 = arith.index_cast %parallel_loop3A_1157 : i32 to index
        %parallel_loop3A_1253 = arith.constant 96 : index
        %parallel_loop3A_1254 = tpu.vector_load %parallel_loop3A_1251[%parallel_loop3A_1252, %parallel_loop3A_1253] {strides = array<i32>} : memref<128x128xf32, #tpu.memory_space<vmem>>, vector<16xf32>,
        %parallel_loop3A_1255 = arith.constant 0 : i32
        %parallel_loop3A_1256 = arith.constant 0 : i32
        %parallel_loop3A_1257 = tpu.memref_slice %arg10[%rem3A_41, %parallel_loop3A_1255, %parallel_loop3A_1256] : memref<2x128x128xf32, #tpu.memory_space<vmem>> -> memref<1x128x128xf32, #tpu.memory_space<vmem>>
        %parallel_loop3A_1258 = tpu.memref_squeeze %parallel_loop3A_1257 : memref<1x128x128xf32, #tpu.memory_space<vmem>> -> memref<128x128xf32, #tpu.memory_space<vmem>>
        %parallel_loop3A_1259 = arith.index_cast %parallel_loop3A_1157 : i32 to index
        %parallel_loop3A_1260 = arith.constant 96 : index
        %parallel_loop3A_1261 = tpu.vector_load %parallel_loop3A_1258[%parallel_loop3A_1259, %parallel_loop3A_1260] {strides = array<i32>} : memref<128x128xf32, #tpu.memory_space<vmem>>, vector<16xf32>,
        %parallel_loop3A_1262 = arith.mulf %parallel_loop3A_1254, %parallel_loop3A_1261 : vector<16xf32>
        %parallel_loop3A_1263 = arith.constant 0 : i32
        %parallel_loop3A_1264 = arith.constant 0 : i32
        %parallel_loop3A_1265 = tpu.memref_slice %arg9[%rem3A_41, %parallel_loop3A_1263, %parallel_loop3A_1264] : memref<2x128x128xf32, #tpu.memory_space<vmem>> -> memref<1x128x128xf32, #tpu.memory_space<vmem>>
        %parallel_loop3A_1266 = tpu.memref_squeeze %parallel_loop3A_1265 : memref<1x128x128xf32, #tpu.memory_space<vmem>> -> memref<128x128xf32, #tpu.memory_space<vmem>>
        %parallel_loop3A_1267 = arith.index_cast %parallel_loop3A_1157 : i32 to index
        %parallel_loop3A_1268 = arith.constant 112 : index
        %parallel_loop3A_1269 = tpu.vector_load %parallel_loop3A_1266[%parallel_loop3A_1267, %parallel_loop3A_1268] {strides = array<i32>} : memref<128x128xf32, #tpu.memory_space<vmem>>, vector<16xf32>,
        %parallel_loop3A_1270 = arith.constant 0 : i32
        %parallel_loop3A_1271 = arith.constant 0 : i32
        %parallel_loop3A_1272 = tpu.memref_slice %arg10[%rem3A_41, %parallel_loop3A_1270, %parallel_loop3A_1271] : memref<2x128x128xf32, #tpu.memory_space<vmem>> -> memref<1x128x128xf32, #tpu.memory_space<vmem>>
        %parallel_loop3A_1273 = tpu.memref_squeeze %parallel_loop3A_1272 : memref<1x128x128xf32, #tpu.memory_space<vmem>> -> memref<128x128xf32, #tpu.memory_space<vmem>>
        %parallel_loop3A_1274 = arith.index_cast %parallel_loop3A_1157 : i32 to index
        %parallel_loop3A_1275 = arith.constant 112 : index
        %parallel_loop3A_1276 = tpu.vector_load %parallel_loop3A_1273[%parallel_loop3A_1274, %parallel_loop3A_1275] {strides = array<i32>} : memref<128x128xf32, #tpu.memory_space<vmem>>, vector<16xf32>,
        %parallel_loop3A_1277 = arith.mulf %parallel_loop3A_1269, %parallel_loop3A_1276 : vector<16xf32>
        %parallel_loop3A_1278 = arith.addf %parallel_loop3A_1172, %parallel_loop3A_1187 : vector<16xf32>
        %parallel_loop3A_1279 = arith.addf %parallel_loop3A_1202, %parallel_loop3A_1217 : vector<16xf32>
        %parallel_loop3A_1280 = arith.addf %parallel_loop3A_1232, %parallel_loop3A_1247 : vector<16xf32>
        %parallel_loop3A_1281 = arith.addf %parallel_loop3A_1262, %parallel_loop3A_1277 : vector<16xf32>
        %parallel_loop3A_1282 = arith.addf %parallel_loop3A_1278, %parallel_loop3A_1279 : vector<16xf32>
        %parallel_loop3A_1283 = arith.addf %parallel_loop3A_1280, %parallel_loop3A_1281 : vector<16xf32>
        %parallel_loop3A_1284 = arith.addf %parallel_loop3A_1282, %parallel_loop3A_1283 : vector<16xf32>
        %parallel_loop3A_1285 = arith.constant 136 : i32
        %parallel_loop3A_1286 = arith.addi %parallel_loop3A_73, %parallel_loop3A_1285 : i32
        %parallel_loop3A_1287 = arith.index_cast %parallel_loop3A_1286 : i32 to index
        %parallel_loop3A_1288 = tpu.vector_load %arg11[%parallel_loop3A_1287] {strides = array<i32>} : memref<2176xf32, #tpu.memory_space<vmem>>, vector<16xf32>,
        tpu.vector_store %arg11[%parallel_loop3A_1287], %parallel_loop3A_1284 {strides = array<i32>} : memref<2176xf32, #tpu.memory_space<vmem>>, vector<16xf32>,
        %parallel_loop3A_1289 = arith.constant 16 : i32
        %parallel_loop3A_1290 = arith.muli %parallel_loop3A_71, %parallel_loop3A_1289 : i32
        %parallel_loop3A_1291 = arith.constant 9 : i32
        %parallel_loop3A_1292 = arith.addi %parallel_loop3A_1290, %parallel_loop3A_1291 : i32
        %parallel_loop3A_1293 = arith.constant 0 : i32
        %parallel_loop3A_1294 = arith.constant 0 : i32
        %parallel_loop3A_1295 = tpu.memref_slice %arg9[%rem3A_41, %parallel_loop3A_1293, %parallel_loop3A_1294] : memref<2x128x128xf32, #tpu.memory_space<vmem>> -> memref<1x128x128xf32, #tpu.memory_space<vmem>>
        %parallel_loop3A_1296 = tpu.memref_squeeze %parallel_loop3A_1295 : memref<1x128x128xf32, #tpu.memory_space<vmem>> -> memref<128x128xf32, #tpu.memory_space<vmem>>
        %parallel_loop3A_1297 = arith.index_cast %parallel_loop3A_1292 : i32 to index
        %parallel_loop3A_1298 = arith.constant 0 : index
        %parallel_loop3A_1299 = tpu.vector_load %parallel_loop3A_1296[%parallel_loop3A_1297, %parallel_loop3A_1298] {strides = array<i32>} : memref<128x128xf32, #tpu.memory_space<vmem>>, vector<16xf32>,
        %parallel_loop3A_1300 = arith.constant 0 : i32
        %parallel_loop3A_1301 = arith.constant 0 : i32
        %parallel_loop3A_1302 = tpu.memref_slice %arg10[%rem3A_41, %parallel_loop3A_1300, %parallel_loop3A_1301] : memref<2x128x128xf32, #tpu.memory_space<vmem>> -> memref<1x128x128xf32, #tpu.memory_space<vmem>>
        %parallel_loop3A_1303 = tpu.memref_squeeze %parallel_loop3A_1302 : memref<1x128x128xf32, #tpu.memory_space<vmem>> -> memref<128x128xf32, #tpu.memory_space<vmem>>
        %parallel_loop3A_1304 = arith.index_cast %parallel_loop3A_1292 : i32 to index
        %parallel_loop3A_1305 = arith.constant 0 : index
        %parallel_loop3A_1306 = tpu.vector_load %parallel_loop3A_1303[%parallel_loop3A_1304, %parallel_loop3A_1305] {strides = array<i32>} : memref<128x128xf32, #tpu.memory_space<vmem>>, vector<16xf32>,
        %parallel_loop3A_1307 = arith.mulf %parallel_loop3A_1299, %parallel_loop3A_1306 : vector<16xf32>
        %parallel_loop3A_1308 = arith.constant 0 : i32
        %parallel_loop3A_1309 = arith.constant 0 : i32
        %parallel_loop3A_1310 = tpu.memref_slice %arg9[%rem3A_41, %parallel_loop3A_1308, %parallel_loop3A_1309] : memref<2x128x128xf32, #tpu.memory_space<vmem>> -> memref<1x128x128xf32, #tpu.memory_space<vmem>>
        %parallel_loop3A_1311 = tpu.memref_squeeze %parallel_loop3A_1310 : memref<1x128x128xf32, #tpu.memory_space<vmem>> -> memref<128x128xf32, #tpu.memory_space<vmem>>
        %parallel_loop3A_1312 = arith.index_cast %parallel_loop3A_1292 : i32 to index
        %parallel_loop3A_1313 = arith.constant 16 : index
        %parallel_loop3A_1314 = tpu.vector_load %parallel_loop3A_1311[%parallel_loop3A_1312, %parallel_loop3A_1313] {strides = array<i32>} : memref<128x128xf32, #tpu.memory_space<vmem>>, vector<16xf32>,
        %parallel_loop3A_1315 = arith.constant 0 : i32
        %parallel_loop3A_1316 = arith.constant 0 : i32
        %parallel_loop3A_1317 = tpu.memref_slice %arg10[%rem3A_41, %parallel_loop3A_1315, %parallel_loop3A_1316] : memref<2x128x128xf32, #tpu.memory_space<vmem>> -> memref<1x128x128xf32, #tpu.memory_space<vmem>>
        %parallel_loop3A_1318 = tpu.memref_squeeze %parallel_loop3A_1317 : memref<1x128x128xf32, #tpu.memory_space<vmem>> -> memref<128x128xf32, #tpu.memory_space<vmem>>
        %parallel_loop3A_1319 = arith.index_cast %parallel_loop3A_1292 : i32 to index
        %parallel_loop3A_1320 = arith.constant 16 : index
        %parallel_loop3A_1321 = tpu.vector_load %parallel_loop3A_1318[%parallel_loop3A_1319, %parallel_loop3A_1320] {strides = array<i32>} : memref<128x128xf32, #tpu.memory_space<vmem>>, vector<16xf32>,
        %parallel_loop3A_1322 = arith.mulf %parallel_loop3A_1314, %parallel_loop3A_1321 : vector<16xf32>
        %parallel_loop3A_1323 = arith.constant 0 : i32
        %parallel_loop3A_1324 = arith.constant 0 : i32
        %parallel_loop3A_1325 = tpu.memref_slice %arg9[%rem3A_41, %parallel_loop3A_1323, %parallel_loop3A_1324] : memref<2x128x128xf32, #tpu.memory_space<vmem>> -> memref<1x128x128xf32, #tpu.memory_space<vmem>>
        %parallel_loop3A_1326 = tpu.memref_squeeze %parallel_loop3A_1325 : memref<1x128x128xf32, #tpu.memory_space<vmem>> -> memref<128x128xf32, #tpu.memory_space<vmem>>
        %parallel_loop3A_1327 = arith.index_cast %parallel_loop3A_1292 : i32 to index
        %parallel_loop3A_1328 = arith.constant 32 : index
        %parallel_loop3A_1329 = tpu.vector_load %parallel_loop3A_1326[%parallel_loop3A_1327, %parallel_loop3A_1328] {strides = array<i32>} : memref<128x128xf32, #tpu.memory_space<vmem>>, vector<16xf32>,
        %parallel_loop3A_1330 = arith.constant 0 : i32
        %parallel_loop3A_1331 = arith.constant 0 : i32
        %parallel_loop3A_1332 = tpu.memref_slice %arg10[%rem3A_41, %parallel_loop3A_1330, %parallel_loop3A_1331] : memref<2x128x128xf32, #tpu.memory_space<vmem>> -> memref<1x128x128xf32, #tpu.memory_space<vmem>>
        %parallel_loop3A_1333 = tpu.memref_squeeze %parallel_loop3A_1332 : memref<1x128x128xf32, #tpu.memory_space<vmem>> -> memref<128x128xf32, #tpu.memory_space<vmem>>
        %parallel_loop3A_1334 = arith.index_cast %parallel_loop3A_1292 : i32 to index
        %parallel_loop3A_1335 = arith.constant 32 : index
        %parallel_loop3A_1336 = tpu.vector_load %parallel_loop3A_1333[%parallel_loop3A_1334, %parallel_loop3A_1335] {strides = array<i32>} : memref<128x128xf32, #tpu.memory_space<vmem>>, vector<16xf32>,
        %parallel_loop3A_1337 = arith.mulf %parallel_loop3A_1329, %parallel_loop3A_1336 : vector<16xf32>
        %parallel_loop3A_1338 = arith.constant 0 : i32
        %parallel_loop3A_1339 = arith.constant 0 : i32
        %parallel_loop3A_1340 = tpu.memref_slice %arg9[%rem3A_41, %parallel_loop3A_1338, %parallel_loop3A_1339] : memref<2x128x128xf32, #tpu.memory_space<vmem>> -> memref<1x128x128xf32, #tpu.memory_space<vmem>>
        %parallel_loop3A_1341 = tpu.memref_squeeze %parallel_loop3A_1340 : memref<1x128x128xf32, #tpu.memory_space<vmem>> -> memref<128x128xf32, #tpu.memory_space<vmem>>
        %parallel_loop3A_1342 = arith.index_cast %parallel_loop3A_1292 : i32 to index
        %parallel_loop3A_1343 = arith.constant 48 : index
        %parallel_loop3A_1344 = tpu.vector_load %parallel_loop3A_1341[%parallel_loop3A_1342, %parallel_loop3A_1343] {strides = array<i32>} : memref<128x128xf32, #tpu.memory_space<vmem>>, vector<16xf32>,
        %parallel_loop3A_1345 = arith.constant 0 : i32
        %parallel_loop3A_1346 = arith.constant 0 : i32
        %parallel_loop3A_1347 = tpu.memref_slice %arg10[%rem3A_41, %parallel_loop3A_1345, %parallel_loop3A_1346] : memref<2x128x128xf32, #tpu.memory_space<vmem>> -> memref<1x128x128xf32, #tpu.memory_space<vmem>>
        %parallel_loop3A_1348 = tpu.memref_squeeze %parallel_loop3A_1347 : memref<1x128x128xf32, #tpu.memory_space<vmem>> -> memref<128x128xf32, #tpu.memory_space<vmem>>
        %parallel_loop3A_1349 = arith.index_cast %parallel_loop3A_1292 : i32 to index
        %parallel_loop3A_1350 = arith.constant 48 : index
        %parallel_loop3A_1351 = tpu.vector_load %parallel_loop3A_1348[%parallel_loop3A_1349, %parallel_loop3A_1350] {strides = array<i32>} : memref<128x128xf32, #tpu.memory_space<vmem>>, vector<16xf32>,
        %parallel_loop3A_1352 = arith.mulf %parallel_loop3A_1344, %parallel_loop3A_1351 : vector<16xf32>
        %parallel_loop3A_1353 = arith.constant 0 : i32
        %parallel_loop3A_1354 = arith.constant 0 : i32
        %parallel_loop3A_1355 = tpu.memref_slice %arg9[%rem3A_41, %parallel_loop3A_1353, %parallel_loop3A_1354] : memref<2x128x128xf32, #tpu.memory_space<vmem>> -> memref<1x128x128xf32, #tpu.memory_space<vmem>>
        %parallel_loop3A_1356 = tpu.memref_squeeze %parallel_loop3A_1355 : memref<1x128x128xf32, #tpu.memory_space<vmem>> -> memref<128x128xf32, #tpu.memory_space<vmem>>
        %parallel_loop3A_1357 = arith.index_cast %parallel_loop3A_1292 : i32 to index
        %parallel_loop3A_1358 = arith.constant 64 : index
        %parallel_loop3A_1359 = tpu.vector_load %parallel_loop3A_1356[%parallel_loop3A_1357, %parallel_loop3A_1358] {strides = array<i32>} : memref<128x128xf32, #tpu.memory_space<vmem>>, vector<16xf32>,
        %parallel_loop3A_1360 = arith.constant 0 : i32
        %parallel_loop3A_1361 = arith.constant 0 : i32
        %parallel_loop3A_1362 = tpu.memref_slice %arg10[%rem3A_41, %parallel_loop3A_1360, %parallel_loop3A_1361] : memref<2x128x128xf32, #tpu.memory_space<vmem>> -> memref<1x128x128xf32, #tpu.memory_space<vmem>>
        %parallel_loop3A_1363 = tpu.memref_squeeze %parallel_loop3A_1362 : memref<1x128x128xf32, #tpu.memory_space<vmem>> -> memref<128x128xf32, #tpu.memory_space<vmem>>
        %parallel_loop3A_1364 = arith.index_cast %parallel_loop3A_1292 : i32 to index
        %parallel_loop3A_1365 = arith.constant 64 : index
        %parallel_loop3A_1366 = tpu.vector_load %parallel_loop3A_1363[%parallel_loop3A_1364, %parallel_loop3A_1365] {strides = array<i32>} : memref<128x128xf32, #tpu.memory_space<vmem>>, vector<16xf32>,
        %parallel_loop3A_1367 = arith.mulf %parallel_loop3A_1359, %parallel_loop3A_1366 : vector<16xf32>
        %parallel_loop3A_1368 = arith.constant 0 : i32
        %parallel_loop3A_1369 = arith.constant 0 : i32
        %parallel_loop3A_1370 = tpu.memref_slice %arg9[%rem3A_41, %parallel_loop3A_1368, %parallel_loop3A_1369] : memref<2x128x128xf32, #tpu.memory_space<vmem>> -> memref<1x128x128xf32, #tpu.memory_space<vmem>>
        %parallel_loop3A_1371 = tpu.memref_squeeze %parallel_loop3A_1370 : memref<1x128x128xf32, #tpu.memory_space<vmem>> -> memref<128x128xf32, #tpu.memory_space<vmem>>
        %parallel_loop3A_1372 = arith.index_cast %parallel_loop3A_1292 : i32 to index
        %parallel_loop3A_1373 = arith.constant 80 : index
        %parallel_loop3A_1374 = tpu.vector_load %parallel_loop3A_1371[%parallel_loop3A_1372, %parallel_loop3A_1373] {strides = array<i32>} : memref<128x128xf32, #tpu.memory_space<vmem>>, vector<16xf32>,
        %parallel_loop3A_1375 = arith.constant 0 : i32
        %parallel_loop3A_1376 = arith.constant 0 : i32
        %parallel_loop3A_1377 = tpu.memref_slice %arg10[%rem3A_41, %parallel_loop3A_1375, %parallel_loop3A_1376] : memref<2x128x128xf32, #tpu.memory_space<vmem>> -> memref<1x128x128xf32, #tpu.memory_space<vmem>>
        %parallel_loop3A_1378 = tpu.memref_squeeze %parallel_loop3A_1377 : memref<1x128x128xf32, #tpu.memory_space<vmem>> -> memref<128x128xf32, #tpu.memory_space<vmem>>
        %parallel_loop3A_1379 = arith.index_cast %parallel_loop3A_1292 : i32 to index
        %parallel_loop3A_1380 = arith.constant 80 : index
        %parallel_loop3A_1381 = tpu.vector_load %parallel_loop3A_1378[%parallel_loop3A_1379, %parallel_loop3A_1380] {strides = array<i32>} : memref<128x128xf32, #tpu.memory_space<vmem>>, vector<16xf32>,
        %parallel_loop3A_1382 = arith.mulf %parallel_loop3A_1374, %parallel_loop3A_1381 : vector<16xf32>
        %parallel_loop3A_1383 = arith.constant 0 : i32
        %parallel_loop3A_1384 = arith.constant 0 : i32
        %parallel_loop3A_1385 = tpu.memref_slice %arg9[%rem3A_41, %parallel_loop3A_1383, %parallel_loop3A_1384] : memref<2x128x128xf32, #tpu.memory_space<vmem>> -> memref<1x128x128xf32, #tpu.memory_space<vmem>>
        %parallel_loop3A_1386 = tpu.memref_squeeze %parallel_loop3A_1385 : memref<1x128x128xf32, #tpu.memory_space<vmem>> -> memref<128x128xf32, #tpu.memory_space<vmem>>
        %parallel_loop3A_1387 = arith.index_cast %parallel_loop3A_1292 : i32 to index
        %parallel_loop3A_1388 = arith.constant 96 : index
        %parallel_loop3A_1389 = tpu.vector_load %parallel_loop3A_1386[%parallel_loop3A_1387, %parallel_loop3A_1388] {strides = array<i32>} : memref<128x128xf32, #tpu.memory_space<vmem>>, vector<16xf32>,
        %parallel_loop3A_1390 = arith.constant 0 : i32
        %parallel_loop3A_1391 = arith.constant 0 : i32
        %parallel_loop3A_1392 = tpu.memref_slice %arg10[%rem3A_41, %parallel_loop3A_1390, %parallel_loop3A_1391] : memref<2x128x128xf32, #tpu.memory_space<vmem>> -> memref<1x128x128xf32, #tpu.memory_space<vmem>>
        %parallel_loop3A_1393 = tpu.memref_squeeze %parallel_loop3A_1392 : memref<1x128x128xf32, #tpu.memory_space<vmem>> -> memref<128x128xf32, #tpu.memory_space<vmem>>
        %parallel_loop3A_1394 = arith.index_cast %parallel_loop3A_1292 : i32 to index
        %parallel_loop3A_1395 = arith.constant 96 : index
        %parallel_loop3A_1396 = tpu.vector_load %parallel_loop3A_1393[%parallel_loop3A_1394, %parallel_loop3A_1395] {strides = array<i32>} : memref<128x128xf32, #tpu.memory_space<vmem>>, vector<16xf32>,
        %parallel_loop3A_1397 = arith.mulf %parallel_loop3A_1389, %parallel_loop3A_1396 : vector<16xf32>
        %parallel_loop3A_1398 = arith.constant 0 : i32
        %parallel_loop3A_1399 = arith.constant 0 : i32
        %parallel_loop3A_1400 = tpu.memref_slice %arg9[%rem3A_41, %parallel_loop3A_1398, %parallel_loop3A_1399] : memref<2x128x128xf32, #tpu.memory_space<vmem>> -> memref<1x128x128xf32, #tpu.memory_space<vmem>>
        %parallel_loop3A_1401 = tpu.memref_squeeze %parallel_loop3A_1400 : memref<1x128x128xf32, #tpu.memory_space<vmem>> -> memref<128x128xf32, #tpu.memory_space<vmem>>
        %parallel_loop3A_1402 = arith.index_cast %parallel_loop3A_1292 : i32 to index
        %parallel_loop3A_1403 = arith.constant 112 : index
        %parallel_loop3A_1404 = tpu.vector_load %parallel_loop3A_1401[%parallel_loop3A_1402, %parallel_loop3A_1403] {strides = array<i32>} : memref<128x128xf32, #tpu.memory_space<vmem>>, vector<16xf32>,
        %parallel_loop3A_1405 = arith.constant 0 : i32
        %parallel_loop3A_1406 = arith.constant 0 : i32
        %parallel_loop3A_1407 = tpu.memref_slice %arg10[%rem3A_41, %parallel_loop3A_1405, %parallel_loop3A_1406] : memref<2x128x128xf32, #tpu.memory_space<vmem>> -> memref<1x128x128xf32, #tpu.memory_space<vmem>>
        %parallel_loop3A_1408 = tpu.memref_squeeze %parallel_loop3A_1407 : memref<1x128x128xf32, #tpu.memory_space<vmem>> -> memref<128x128xf32, #tpu.memory_space<vmem>>
        %parallel_loop3A_1409 = arith.index_cast %parallel_loop3A_1292 : i32 to index
        %parallel_loop3A_1410 = arith.constant 112 : index
        %parallel_loop3A_1411 = tpu.vector_load %parallel_loop3A_1408[%parallel_loop3A_1409, %parallel_loop3A_1410] {strides = array<i32>} : memref<128x128xf32, #tpu.memory_space<vmem>>, vector<16xf32>,
        %parallel_loop3A_1412 = arith.mulf %parallel_loop3A_1404, %parallel_loop3A_1411 : vector<16xf32>
        %parallel_loop3A_1413 = arith.addf %parallel_loop3A_1307, %parallel_loop3A_1322 : vector<16xf32>
        %parallel_loop3A_1414 = arith.addf %parallel_loop3A_1337, %parallel_loop3A_1352 : vector<16xf32>
        %parallel_loop3A_1415 = arith.addf %parallel_loop3A_1367, %parallel_loop3A_1382 : vector<16xf32>
        %parallel_loop3A_1416 = arith.addf %parallel_loop3A_1397, %parallel_loop3A_1412 : vector<16xf32>
        %parallel_loop3A_1417 = arith.addf %parallel_loop3A_1413, %parallel_loop3A_1414 : vector<16xf32>
        %parallel_loop3A_1418 = arith.addf %parallel_loop3A_1415, %parallel_loop3A_1416 : vector<16xf32>
        %parallel_loop3A_1419 = arith.addf %parallel_loop3A_1417, %parallel_loop3A_1418 : vector<16xf32>
        %parallel_loop3A_1420 = arith.constant 153 : i32
        %parallel_loop3A_1421 = arith.addi %parallel_loop3A_73, %parallel_loop3A_1420 : i32
        %parallel_loop3A_1422 = arith.index_cast %parallel_loop3A_1421 : i32 to index
        %parallel_loop3A_1423 = tpu.vector_load %arg11[%parallel_loop3A_1422] {strides = array<i32>} : memref<2176xf32, #tpu.memory_space<vmem>>, vector<16xf32>,
        tpu.vector_store %arg11[%parallel_loop3A_1422], %parallel_loop3A_1419 {strides = array<i32>} : memref<2176xf32, #tpu.memory_space<vmem>>, vector<16xf32>,
        %parallel_loop3A_1424 = arith.constant 16 : i32
        %parallel_loop3A_1425 = arith.muli %parallel_loop3A_71, %parallel_loop3A_1424 : i32
        %parallel_loop3A_1426 = arith.constant 10 : i32
        %parallel_loop3A_1427 = arith.addi %parallel_loop3A_1425, %parallel_loop3A_1426 : i32
        %parallel_loop3A_1428 = arith.constant 0 : i32
        %parallel_loop3A_1429 = arith.constant 0 : i32
        %parallel_loop3A_1430 = tpu.memref_slice %arg9[%rem3A_41, %parallel_loop3A_1428, %parallel_loop3A_1429] : memref<2x128x128xf32, #tpu.memory_space<vmem>> -> memref<1x128x128xf32, #tpu.memory_space<vmem>>
        %parallel_loop3A_1431 = tpu.memref_squeeze %parallel_loop3A_1430 : memref<1x128x128xf32, #tpu.memory_space<vmem>> -> memref<128x128xf32, #tpu.memory_space<vmem>>
        %parallel_loop3A_1432 = arith.index_cast %parallel_loop3A_1427 : i32 to index
        %parallel_loop3A_1433 = arith.constant 0 : index
        %parallel_loop3A_1434 = tpu.vector_load %parallel_loop3A_1431[%parallel_loop3A_1432, %parallel_loop3A_1433] {strides = array<i32>} : memref<128x128xf32, #tpu.memory_space<vmem>>, vector<16xf32>,
        %parallel_loop3A_1435 = arith.constant 0 : i32
        %parallel_loop3A_1436 = arith.constant 0 : i32
        %parallel_loop3A_1437 = tpu.memref_slice %arg10[%rem3A_41, %parallel_loop3A_1435, %parallel_loop3A_1436] : memref<2x128x128xf32, #tpu.memory_space<vmem>> -> memref<1x128x128xf32, #tpu.memory_space<vmem>>
        %parallel_loop3A_1438 = tpu.memref_squeeze %parallel_loop3A_1437 : memref<1x128x128xf32, #tpu.memory_space<vmem>> -> memref<128x128xf32, #tpu.memory_space<vmem>>
        %parallel_loop3A_1439 = arith.index_cast %parallel_loop3A_1427 : i32 to index
        %parallel_loop3A_1440 = arith.constant 0 : index
        %parallel_loop3A_1441 = tpu.vector_load %parallel_loop3A_1438[%parallel_loop3A_1439, %parallel_loop3A_1440] {strides = array<i32>} : memref<128x128xf32, #tpu.memory_space<vmem>>, vector<16xf32>,
        %parallel_loop3A_1442 = arith.mulf %parallel_loop3A_1434, %parallel_loop3A_1441 : vector<16xf32>
        %parallel_loop3A_1443 = arith.constant 0 : i32
        %parallel_loop3A_1444 = arith.constant 0 : i32
        %parallel_loop3A_1445 = tpu.memref_slice %arg9[%rem3A_41, %parallel_loop3A_1443, %parallel_loop3A_1444] : memref<2x128x128xf32, #tpu.memory_space<vmem>> -> memref<1x128x128xf32, #tpu.memory_space<vmem>>
        %parallel_loop3A_1446 = tpu.memref_squeeze %parallel_loop3A_1445 : memref<1x128x128xf32, #tpu.memory_space<vmem>> -> memref<128x128xf32, #tpu.memory_space<vmem>>
        %parallel_loop3A_1447 = arith.index_cast %parallel_loop3A_1427 : i32 to index
        %parallel_loop3A_1448 = arith.constant 16 : index
        %parallel_loop3A_1449 = tpu.vector_load %parallel_loop3A_1446[%parallel_loop3A_1447, %parallel_loop3A_1448] {strides = array<i32>} : memref<128x128xf32, #tpu.memory_space<vmem>>, vector<16xf32>,
        %parallel_loop3A_1450 = arith.constant 0 : i32
        %parallel_loop3A_1451 = arith.constant 0 : i32
        %parallel_loop3A_1452 = tpu.memref_slice %arg10[%rem3A_41, %parallel_loop3A_1450, %parallel_loop3A_1451] : memref<2x128x128xf32, #tpu.memory_space<vmem>> -> memref<1x128x128xf32, #tpu.memory_space<vmem>>
        %parallel_loop3A_1453 = tpu.memref_squeeze %parallel_loop3A_1452 : memref<1x128x128xf32, #tpu.memory_space<vmem>> -> memref<128x128xf32, #tpu.memory_space<vmem>>
        %parallel_loop3A_1454 = arith.index_cast %parallel_loop3A_1427 : i32 to index
        %parallel_loop3A_1455 = arith.constant 16 : index
        %parallel_loop3A_1456 = tpu.vector_load %parallel_loop3A_1453[%parallel_loop3A_1454, %parallel_loop3A_1455] {strides = array<i32>} : memref<128x128xf32, #tpu.memory_space<vmem>>, vector<16xf32>,
        %parallel_loop3A_1457 = arith.mulf %parallel_loop3A_1449, %parallel_loop3A_1456 : vector<16xf32>
        %parallel_loop3A_1458 = arith.constant 0 : i32
        %parallel_loop3A_1459 = arith.constant 0 : i32
        %parallel_loop3A_1460 = tpu.memref_slice %arg9[%rem3A_41, %parallel_loop3A_1458, %parallel_loop3A_1459] : memref<2x128x128xf32, #tpu.memory_space<vmem>> -> memref<1x128x128xf32, #tpu.memory_space<vmem>>
        %parallel_loop3A_1461 = tpu.memref_squeeze %parallel_loop3A_1460 : memref<1x128x128xf32, #tpu.memory_space<vmem>> -> memref<128x128xf32, #tpu.memory_space<vmem>>
        %parallel_loop3A_1462 = arith.index_cast %parallel_loop3A_1427 : i32 to index
        %parallel_loop3A_1463 = arith.constant 32 : index
        %parallel_loop3A_1464 = tpu.vector_load %parallel_loop3A_1461[%parallel_loop3A_1462, %parallel_loop3A_1463] {strides = array<i32>} : memref<128x128xf32, #tpu.memory_space<vmem>>, vector<16xf32>,
        %parallel_loop3A_1465 = arith.constant 0 : i32
        %parallel_loop3A_1466 = arith.constant 0 : i32
        %parallel_loop3A_1467 = tpu.memref_slice %arg10[%rem3A_41, %parallel_loop3A_1465, %parallel_loop3A_1466] : memref<2x128x128xf32, #tpu.memory_space<vmem>> -> memref<1x128x128xf32, #tpu.memory_space<vmem>>
        %parallel_loop3A_1468 = tpu.memref_squeeze %parallel_loop3A_1467 : memref<1x128x128xf32, #tpu.memory_space<vmem>> -> memref<128x128xf32, #tpu.memory_space<vmem>>
        %parallel_loop3A_1469 = arith.index_cast %parallel_loop3A_1427 : i32 to index
        %parallel_loop3A_1470 = arith.constant 32 : index
        %parallel_loop3A_1471 = tpu.vector_load %parallel_loop3A_1468[%parallel_loop3A_1469, %parallel_loop3A_1470] {strides = array<i32>} : memref<128x128xf32, #tpu.memory_space<vmem>>, vector<16xf32>,
        %parallel_loop3A_1472 = arith.mulf %parallel_loop3A_1464, %parallel_loop3A_1471 : vector<16xf32>
        %parallel_loop3A_1473 = arith.constant 0 : i32
        %parallel_loop3A_1474 = arith.constant 0 : i32
        %parallel_loop3A_1475 = tpu.memref_slice %arg9[%rem3A_41, %parallel_loop3A_1473, %parallel_loop3A_1474] : memref<2x128x128xf32, #tpu.memory_space<vmem>> -> memref<1x128x128xf32, #tpu.memory_space<vmem>>
        %parallel_loop3A_1476 = tpu.memref_squeeze %parallel_loop3A_1475 : memref<1x128x128xf32, #tpu.memory_space<vmem>> -> memref<128x128xf32, #tpu.memory_space<vmem>>
        %parallel_loop3A_1477 = arith.index_cast %parallel_loop3A_1427 : i32 to index
        %parallel_loop3A_1478 = arith.constant 48 : index
        %parallel_loop3A_1479 = tpu.vector_load %parallel_loop3A_1476[%parallel_loop3A_1477, %parallel_loop3A_1478] {strides = array<i32>} : memref<128x128xf32, #tpu.memory_space<vmem>>, vector<16xf32>,
        %parallel_loop3A_1480 = arith.constant 0 : i32
        %parallel_loop3A_1481 = arith.constant 0 : i32
        %parallel_loop3A_1482 = tpu.memref_slice %arg10[%rem3A_41, %parallel_loop3A_1480, %parallel_loop3A_1481] : memref<2x128x128xf32, #tpu.memory_space<vmem>> -> memref<1x128x128xf32, #tpu.memory_space<vmem>>
        %parallel_loop3A_1483 = tpu.memref_squeeze %parallel_loop3A_1482 : memref<1x128x128xf32, #tpu.memory_space<vmem>> -> memref<128x128xf32, #tpu.memory_space<vmem>>
        %parallel_loop3A_1484 = arith.index_cast %parallel_loop3A_1427 : i32 to index
        %parallel_loop3A_1485 = arith.constant 48 : index
        %parallel_loop3A_1486 = tpu.vector_load %parallel_loop3A_1483[%parallel_loop3A_1484, %parallel_loop3A_1485] {strides = array<i32>} : memref<128x128xf32, #tpu.memory_space<vmem>>, vector<16xf32>,
        %parallel_loop3A_1487 = arith.mulf %parallel_loop3A_1479, %parallel_loop3A_1486 : vector<16xf32>
        %parallel_loop3A_1488 = arith.constant 0 : i32
        %parallel_loop3A_1489 = arith.constant 0 : i32
        %parallel_loop3A_1490 = tpu.memref_slice %arg9[%rem3A_41, %parallel_loop3A_1488, %parallel_loop3A_1489] : memref<2x128x128xf32, #tpu.memory_space<vmem>> -> memref<1x128x128xf32, #tpu.memory_space<vmem>>
        %parallel_loop3A_1491 = tpu.memref_squeeze %parallel_loop3A_1490 : memref<1x128x128xf32, #tpu.memory_space<vmem>> -> memref<128x128xf32, #tpu.memory_space<vmem>>
        %parallel_loop3A_1492 = arith.index_cast %parallel_loop3A_1427 : i32 to index
        %parallel_loop3A_1493 = arith.constant 64 : index
        %parallel_loop3A_1494 = tpu.vector_load %parallel_loop3A_1491[%parallel_loop3A_1492, %parallel_loop3A_1493] {strides = array<i32>} : memref<128x128xf32, #tpu.memory_space<vmem>>, vector<16xf32>,
        %parallel_loop3A_1495 = arith.constant 0 : i32
        %parallel_loop3A_1496 = arith.constant 0 : i32
        %parallel_loop3A_1497 = tpu.memref_slice %arg10[%rem3A_41, %parallel_loop3A_1495, %parallel_loop3A_1496] : memref<2x128x128xf32, #tpu.memory_space<vmem>> -> memref<1x128x128xf32, #tpu.memory_space<vmem>>
        %parallel_loop3A_1498 = tpu.memref_squeeze %parallel_loop3A_1497 : memref<1x128x128xf32, #tpu.memory_space<vmem>> -> memref<128x128xf32, #tpu.memory_space<vmem>>
        %parallel_loop3A_1499 = arith.index_cast %parallel_loop3A_1427 : i32 to index
        %parallel_loop3A_1500 = arith.constant 64 : index
        %parallel_loop3A_1501 = tpu.vector_load %parallel_loop3A_1498[%parallel_loop3A_1499, %parallel_loop3A_1500] {strides = array<i32>} : memref<128x128xf32, #tpu.memory_space<vmem>>, vector<16xf32>,
        %parallel_loop3A_1502 = arith.mulf %parallel_loop3A_1494, %parallel_loop3A_1501 : vector<16xf32>
        %parallel_loop3A_1503 = arith.constant 0 : i32
        %parallel_loop3A_1504 = arith.constant 0 : i32
        %parallel_loop3A_1505 = tpu.memref_slice %arg9[%rem3A_41, %parallel_loop3A_1503, %parallel_loop3A_1504] : memref<2x128x128xf32, #tpu.memory_space<vmem>> -> memref<1x128x128xf32, #tpu.memory_space<vmem>>
        %parallel_loop3A_1506 = tpu.memref_squeeze %parallel_loop3A_1505 : memref<1x128x128xf32, #tpu.memory_space<vmem>> -> memref<128x128xf32, #tpu.memory_space<vmem>>
        %parallel_loop3A_1507 = arith.index_cast %parallel_loop3A_1427 : i32 to index
        %parallel_loop3A_1508 = arith.constant 80 : index
        %parallel_loop3A_1509 = tpu.vector_load %parallel_loop3A_1506[%parallel_loop3A_1507, %parallel_loop3A_1508] {strides = array<i32>} : memref<128x128xf32, #tpu.memory_space<vmem>>, vector<16xf32>,
        %parallel_loop3A_1510 = arith.constant 0 : i32
        %parallel_loop3A_1511 = arith.constant 0 : i32
        %parallel_loop3A_1512 = tpu.memref_slice %arg10[%rem3A_41, %parallel_loop3A_1510, %parallel_loop3A_1511] : memref<2x128x128xf32, #tpu.memory_space<vmem>> -> memref<1x128x128xf32, #tpu.memory_space<vmem>>
        %parallel_loop3A_1513 = tpu.memref_squeeze %parallel_loop3A_1512 : memref<1x128x128xf32, #tpu.memory_space<vmem>> -> memref<128x128xf32, #tpu.memory_space<vmem>>
        %parallel_loop3A_1514 = arith.index_cast %parallel_loop3A_1427 : i32 to index
        %parallel_loop3A_1515 = arith.constant 80 : index
        %parallel_loop3A_1516 = tpu.vector_load %parallel_loop3A_1513[%parallel_loop3A_1514, %parallel_loop3A_1515] {strides = array<i32>} : memref<128x128xf32, #tpu.memory_space<vmem>>, vector<16xf32>,
        %parallel_loop3A_1517 = arith.mulf %parallel_loop3A_1509, %parallel_loop3A_1516 : vector<16xf32>
        %parallel_loop3A_1518 = arith.constant 0 : i32
        %parallel_loop3A_1519 = arith.constant 0 : i32
        %parallel_loop3A_1520 = tpu.memref_slice %arg9[%rem3A_41, %parallel_loop3A_1518, %parallel_loop3A_1519] : memref<2x128x128xf32, #tpu.memory_space<vmem>> -> memref<1x128x128xf32, #tpu.memory_space<vmem>>
        %parallel_loop3A_1521 = tpu.memref_squeeze %parallel_loop3A_1520 : memref<1x128x128xf32, #tpu.memory_space<vmem>> -> memref<128x128xf32, #tpu.memory_space<vmem>>
        %parallel_loop3A_1522 = arith.index_cast %parallel_loop3A_1427 : i32 to index
        %parallel_loop3A_1523 = arith.constant 96 : index
        %parallel_loop3A_1524 = tpu.vector_load %parallel_loop3A_1521[%parallel_loop3A_1522, %parallel_loop3A_1523] {strides = array<i32>} : memref<128x128xf32, #tpu.memory_space<vmem>>, vector<16xf32>,
        %parallel_loop3A_1525 = arith.constant 0 : i32
        %parallel_loop3A_1526 = arith.constant 0 : i32
        %parallel_loop3A_1527 = tpu.memref_slice %arg10[%rem3A_41, %parallel_loop3A_1525, %parallel_loop3A_1526] : memref<2x128x128xf32, #tpu.memory_space<vmem>> -> memref<1x128x128xf32, #tpu.memory_space<vmem>>
        %parallel_loop3A_1528 = tpu.memref_squeeze %parallel_loop3A_1527 : memref<1x128x128xf32, #tpu.memory_space<vmem>> -> memref<128x128xf32, #tpu.memory_space<vmem>>
        %parallel_loop3A_1529 = arith.index_cast %parallel_loop3A_1427 : i32 to index
        %parallel_loop3A_1530 = arith.constant 96 : index
        %parallel_loop3A_1531 = tpu.vector_load %parallel_loop3A_1528[%parallel_loop3A_1529, %parallel_loop3A_1530] {strides = array<i32>} : memref<128x128xf32, #tpu.memory_space<vmem>>, vector<16xf32>,
        %parallel_loop3A_1532 = arith.mulf %parallel_loop3A_1524, %parallel_loop3A_1531 : vector<16xf32>
        %parallel_loop3A_1533 = arith.constant 0 : i32
        %parallel_loop3A_1534 = arith.constant 0 : i32
        %parallel_loop3A_1535 = tpu.memref_slice %arg9[%rem3A_41, %parallel_loop3A_1533, %parallel_loop3A_1534] : memref<2x128x128xf32, #tpu.memory_space<vmem>> -> memref<1x128x128xf32, #tpu.memory_space<vmem>>
        %parallel_loop3A_1536 = tpu.memref_squeeze %parallel_loop3A_1535 : memref<1x128x128xf32, #tpu.memory_space<vmem>> -> memref<128x128xf32, #tpu.memory_space<vmem>>
        %parallel_loop3A_1537 = arith.index_cast %parallel_loop3A_1427 : i32 to index
        %parallel_loop3A_1538 = arith.constant 112 : index
        %parallel_loop3A_1539 = tpu.vector_load %parallel_loop3A_1536[%parallel_loop3A_1537, %parallel_loop3A_1538] {strides = array<i32>} : memref<128x128xf32, #tpu.memory_space<vmem>>, vector<16xf32>,
        %parallel_loop3A_1540 = arith.constant 0 : i32
        %parallel_loop3A_1541 = arith.constant 0 : i32
        %parallel_loop3A_1542 = tpu.memref_slice %arg10[%rem3A_41, %parallel_loop3A_1540, %parallel_loop3A_1541] : memref<2x128x128xf32, #tpu.memory_space<vmem>> -> memref<1x128x128xf32, #tpu.memory_space<vmem>>
        %parallel_loop3A_1543 = tpu.memref_squeeze %parallel_loop3A_1542 : memref<1x128x128xf32, #tpu.memory_space<vmem>> -> memref<128x128xf32, #tpu.memory_space<vmem>>
        %parallel_loop3A_1544 = arith.index_cast %parallel_loop3A_1427 : i32 to index
        %parallel_loop3A_1545 = arith.constant 112 : index
        %parallel_loop3A_1546 = tpu.vector_load %parallel_loop3A_1543[%parallel_loop3A_1544, %parallel_loop3A_1545] {strides = array<i32>} : memref<128x128xf32, #tpu.memory_space<vmem>>, vector<16xf32>,
        %parallel_loop3A_1547 = arith.mulf %parallel_loop3A_1539, %parallel_loop3A_1546 : vector<16xf32>
        %parallel_loop3A_1548 = arith.addf %parallel_loop3A_1442, %parallel_loop3A_1457 : vector<16xf32>
        %parallel_loop3A_1549 = arith.addf %parallel_loop3A_1472, %parallel_loop3A_1487 : vector<16xf32>
        %parallel_loop3A_1550 = arith.addf %parallel_loop3A_1502, %parallel_loop3A_1517 : vector<16xf32>
        %parallel_loop3A_1551 = arith.addf %parallel_loop3A_1532, %parallel_loop3A_1547 : vector<16xf32>
        %parallel_loop3A_1552 = arith.addf %parallel_loop3A_1548, %parallel_loop3A_1549 : vector<16xf32>
        %parallel_loop3A_1553 = arith.addf %parallel_loop3A_1550, %parallel_loop3A_1551 : vector<16xf32>
        %parallel_loop3A_1554 = arith.addf %parallel_loop3A_1552, %parallel_loop3A_1553 : vector<16xf32>
        %parallel_loop3A_1555 = arith.constant 170 : i32
        %parallel_loop3A_1556 = arith.addi %parallel_loop3A_73, %parallel_loop3A_1555 : i32
        %parallel_loop3A_1557 = arith.index_cast %parallel_loop3A_1556 : i32 to index
        %parallel_loop3A_1558 = tpu.vector_load %arg11[%parallel_loop3A_1557] {strides = array<i32>} : memref<2176xf32, #tpu.memory_space<vmem>>, vector<16xf32>,
        tpu.vector_store %arg11[%parallel_loop3A_1557], %parallel_loop3A_1554 {strides = array<i32>} : memref<2176xf32, #tpu.memory_space<vmem>>, vector<16xf32>,
        %parallel_loop3A_1559 = arith.constant 16 : i32
        %parallel_loop3A_1560 = arith.muli %parallel_loop3A_71, %parallel_loop3A_1559 : i32
        %parallel_loop3A_1561 = arith.constant 11 : i32
        %parallel_loop3A_1562 = arith.addi %parallel_loop3A_1560, %parallel_loop3A_1561 : i32
        %parallel_loop3A_1563 = arith.constant 0 : i32
        %parallel_loop3A_1564 = arith.constant 0 : i32
        %parallel_loop3A_1565 = tpu.memref_slice %arg9[%rem3A_41, %parallel_loop3A_1563, %parallel_loop3A_1564] : memref<2x128x128xf32, #tpu.memory_space<vmem>> -> memref<1x128x128xf32, #tpu.memory_space<vmem>>
        %parallel_loop3A_1566 = tpu.memref_squeeze %parallel_loop3A_1565 : memref<1x128x128xf32, #tpu.memory_space<vmem>> -> memref<128x128xf32, #tpu.memory_space<vmem>>
        %parallel_loop3A_1567 = arith.index_cast %parallel_loop3A_1562 : i32 to index
        %parallel_loop3A_1568 = arith.constant 0 : index
        %parallel_loop3A_1569 = tpu.vector_load %parallel_loop3A_1566[%parallel_loop3A_1567, %parallel_loop3A_1568] {strides = array<i32>} : memref<128x128xf32, #tpu.memory_space<vmem>>, vector<16xf32>,
        %parallel_loop3A_1570 = arith.constant 0 : i32
        %parallel_loop3A_1571 = arith.constant 0 : i32
        %parallel_loop3A_1572 = tpu.memref_slice %arg10[%rem3A_41, %parallel_loop3A_1570, %parallel_loop3A_1571] : memref<2x128x128xf32, #tpu.memory_space<vmem>> -> memref<1x128x128xf32, #tpu.memory_space<vmem>>
        %parallel_loop3A_1573 = tpu.memref_squeeze %parallel_loop3A_1572 : memref<1x128x128xf32, #tpu.memory_space<vmem>> -> memref<128x128xf32, #tpu.memory_space<vmem>>
        %parallel_loop3A_1574 = arith.index_cast %parallel_loop3A_1562 : i32 to index
        %parallel_loop3A_1575 = arith.constant 0 : index
        %parallel_loop3A_1576 = tpu.vector_load %parallel_loop3A_1573[%parallel_loop3A_1574, %parallel_loop3A_1575] {strides = array<i32>} : memref<128x128xf32, #tpu.memory_space<vmem>>, vector<16xf32>,
        %parallel_loop3A_1577 = arith.mulf %parallel_loop3A_1569, %parallel_loop3A_1576 : vector<16xf32>
        %parallel_loop3A_1578 = arith.constant 0 : i32
        %parallel_loop3A_1579 = arith.constant 0 : i32
        %parallel_loop3A_1580 = tpu.memref_slice %arg9[%rem3A_41, %parallel_loop3A_1578, %parallel_loop3A_1579] : memref<2x128x128xf32, #tpu.memory_space<vmem>> -> memref<1x128x128xf32, #tpu.memory_space<vmem>>
        %parallel_loop3A_1581 = tpu.memref_squeeze %parallel_loop3A_1580 : memref<1x128x128xf32, #tpu.memory_space<vmem>> -> memref<128x128xf32, #tpu.memory_space<vmem>>
        %parallel_loop3A_1582 = arith.index_cast %parallel_loop3A_1562 : i32 to index
        %parallel_loop3A_1583 = arith.constant 16 : index
        %parallel_loop3A_1584 = tpu.vector_load %parallel_loop3A_1581[%parallel_loop3A_1582, %parallel_loop3A_1583] {strides = array<i32>} : memref<128x128xf32, #tpu.memory_space<vmem>>, vector<16xf32>,
        %parallel_loop3A_1585 = arith.constant 0 : i32
        %parallel_loop3A_1586 = arith.constant 0 : i32
        %parallel_loop3A_1587 = tpu.memref_slice %arg10[%rem3A_41, %parallel_loop3A_1585, %parallel_loop3A_1586] : memref<2x128x128xf32, #tpu.memory_space<vmem>> -> memref<1x128x128xf32, #tpu.memory_space<vmem>>
        %parallel_loop3A_1588 = tpu.memref_squeeze %parallel_loop3A_1587 : memref<1x128x128xf32, #tpu.memory_space<vmem>> -> memref<128x128xf32, #tpu.memory_space<vmem>>
        %parallel_loop3A_1589 = arith.index_cast %parallel_loop3A_1562 : i32 to index
        %parallel_loop3A_1590 = arith.constant 16 : index
        %parallel_loop3A_1591 = tpu.vector_load %parallel_loop3A_1588[%parallel_loop3A_1589, %parallel_loop3A_1590] {strides = array<i32>} : memref<128x128xf32, #tpu.memory_space<vmem>>, vector<16xf32>,
        %parallel_loop3A_1592 = arith.mulf %parallel_loop3A_1584, %parallel_loop3A_1591 : vector<16xf32>
        %parallel_loop3A_1593 = arith.constant 0 : i32
        %parallel_loop3A_1594 = arith.constant 0 : i32
        %parallel_loop3A_1595 = tpu.memref_slice %arg9[%rem3A_41, %parallel_loop3A_1593, %parallel_loop3A_1594] : memref<2x128x128xf32, #tpu.memory_space<vmem>> -> memref<1x128x128xf32, #tpu.memory_space<vmem>>
        %parallel_loop3A_1596 = tpu.memref_squeeze %parallel_loop3A_1595 : memref<1x128x128xf32, #tpu.memory_space<vmem>> -> memref<128x128xf32, #tpu.memory_space<vmem>>
        %parallel_loop3A_1597 = arith.index_cast %parallel_loop3A_1562 : i32 to index
        %parallel_loop3A_1598 = arith.constant 32 : index
        %parallel_loop3A_1599 = tpu.vector_load %parallel_loop3A_1596[%parallel_loop3A_1597, %parallel_loop3A_1598] {strides = array<i32>} : memref<128x128xf32, #tpu.memory_space<vmem>>, vector<16xf32>,
        %parallel_loop3A_1600 = arith.constant 0 : i32
        %parallel_loop3A_1601 = arith.constant 0 : i32
        %parallel_loop3A_1602 = tpu.memref_slice %arg10[%rem3A_41, %parallel_loop3A_1600, %parallel_loop3A_1601] : memref<2x128x128xf32, #tpu.memory_space<vmem>> -> memref<1x128x128xf32, #tpu.memory_space<vmem>>
        %parallel_loop3A_1603 = tpu.memref_squeeze %parallel_loop3A_1602 : memref<1x128x128xf32, #tpu.memory_space<vmem>> -> memref<128x128xf32, #tpu.memory_space<vmem>>
        %parallel_loop3A_1604 = arith.index_cast %parallel_loop3A_1562 : i32 to index
        %parallel_loop3A_1605 = arith.constant 32 : index
        %parallel_loop3A_1606 = tpu.vector_load %parallel_loop3A_1603[%parallel_loop3A_1604, %parallel_loop3A_1605] {strides = array<i32>} : memref<128x128xf32, #tpu.memory_space<vmem>>, vector<16xf32>,
        %parallel_loop3A_1607 = arith.mulf %parallel_loop3A_1599, %parallel_loop3A_1606 : vector<16xf32>
        %parallel_loop3A_1608 = arith.constant 0 : i32
        %parallel_loop3A_1609 = arith.constant 0 : i32
        %parallel_loop3A_1610 = tpu.memref_slice %arg9[%rem3A_41, %parallel_loop3A_1608, %parallel_loop3A_1609] : memref<2x128x128xf32, #tpu.memory_space<vmem>> -> memref<1x128x128xf32, #tpu.memory_space<vmem>>
        %parallel_loop3A_1611 = tpu.memref_squeeze %parallel_loop3A_1610 : memref<1x128x128xf32, #tpu.memory_space<vmem>> -> memref<128x128xf32, #tpu.memory_space<vmem>>
        %parallel_loop3A_1612 = arith.index_cast %parallel_loop3A_1562 : i32 to index
        %parallel_loop3A_1613 = arith.constant 48 : index
        %parallel_loop3A_1614 = tpu.vector_load %parallel_loop3A_1611[%parallel_loop3A_1612, %parallel_loop3A_1613] {strides = array<i32>} : memref<128x128xf32, #tpu.memory_space<vmem>>, vector<16xf32>,
        %parallel_loop3A_1615 = arith.constant 0 : i32
        %parallel_loop3A_1616 = arith.constant 0 : i32
        %parallel_loop3A_1617 = tpu.memref_slice %arg10[%rem3A_41, %parallel_loop3A_1615, %parallel_loop3A_1616] : memref<2x128x128xf32, #tpu.memory_space<vmem>> -> memref<1x128x128xf32, #tpu.memory_space<vmem>>
        %parallel_loop3A_1618 = tpu.memref_squeeze %parallel_loop3A_1617 : memref<1x128x128xf32, #tpu.memory_space<vmem>> -> memref<128x128xf32, #tpu.memory_space<vmem>>
        %parallel_loop3A_1619 = arith.index_cast %parallel_loop3A_1562 : i32 to index
        %parallel_loop3A_1620 = arith.constant 48 : index
        %parallel_loop3A_1621 = tpu.vector_load %parallel_loop3A_1618[%parallel_loop3A_1619, %parallel_loop3A_1620] {strides = array<i32>} : memref<128x128xf32, #tpu.memory_space<vmem>>, vector<16xf32>,
        %parallel_loop3A_1622 = arith.mulf %parallel_loop3A_1614, %parallel_loop3A_1621 : vector<16xf32>
        %parallel_loop3A_1623 = arith.constant 0 : i32
        %parallel_loop3A_1624 = arith.constant 0 : i32
        %parallel_loop3A_1625 = tpu.memref_slice %arg9[%rem3A_41, %parallel_loop3A_1623, %parallel_loop3A_1624] : memref<2x128x128xf32, #tpu.memory_space<vmem>> -> memref<1x128x128xf32, #tpu.memory_space<vmem>>
        %parallel_loop3A_1626 = tpu.memref_squeeze %parallel_loop3A_1625 : memref<1x128x128xf32, #tpu.memory_space<vmem>> -> memref<128x128xf32, #tpu.memory_space<vmem>>
        %parallel_loop3A_1627 = arith.index_cast %parallel_loop3A_1562 : i32 to index
        %parallel_loop3A_1628 = arith.constant 64 : index
        %parallel_loop3A_1629 = tpu.vector_load %parallel_loop3A_1626[%parallel_loop3A_1627, %parallel_loop3A_1628] {strides = array<i32>} : memref<128x128xf32, #tpu.memory_space<vmem>>, vector<16xf32>,
        %parallel_loop3A_1630 = arith.constant 0 : i32
        %parallel_loop3A_1631 = arith.constant 0 : i32
        %parallel_loop3A_1632 = tpu.memref_slice %arg10[%rem3A_41, %parallel_loop3A_1630, %parallel_loop3A_1631] : memref<2x128x128xf32, #tpu.memory_space<vmem>> -> memref<1x128x128xf32, #tpu.memory_space<vmem>>
        %parallel_loop3A_1633 = tpu.memref_squeeze %parallel_loop3A_1632 : memref<1x128x128xf32, #tpu.memory_space<vmem>> -> memref<128x128xf32, #tpu.memory_space<vmem>>
        %parallel_loop3A_1634 = arith.index_cast %parallel_loop3A_1562 : i32 to index
        %parallel_loop3A_1635 = arith.constant 64 : index
        %parallel_loop3A_1636 = tpu.vector_load %parallel_loop3A_1633[%parallel_loop3A_1634, %parallel_loop3A_1635] {strides = array<i32>} : memref<128x128xf32, #tpu.memory_space<vmem>>, vector<16xf32>,
        %parallel_loop3A_1637 = arith.mulf %parallel_loop3A_1629, %parallel_loop3A_1636 : vector<16xf32>
        %parallel_loop3A_1638 = arith.constant 0 : i32
        %parallel_loop3A_1639 = arith.constant 0 : i32
        %parallel_loop3A_1640 = tpu.memref_slice %arg9[%rem3A_41, %parallel_loop3A_1638, %parallel_loop3A_1639] : memref<2x128x128xf32, #tpu.memory_space<vmem>> -> memref<1x128x128xf32, #tpu.memory_space<vmem>>
        %parallel_loop3A_1641 = tpu.memref_squeeze %parallel_loop3A_1640 : memref<1x128x128xf32, #tpu.memory_space<vmem>> -> memref<128x128xf32, #tpu.memory_space<vmem>>
        %parallel_loop3A_1642 = arith.index_cast %parallel_loop3A_1562 : i32 to index
        %parallel_loop3A_1643 = arith.constant 80 : index
        %parallel_loop3A_1644 = tpu.vector_load %parallel_loop3A_1641[%parallel_loop3A_1642, %parallel_loop3A_1643] {strides = array<i32>} : memref<128x128xf32, #tpu.memory_space<vmem>>, vector<16xf32>,
        %parallel_loop3A_1645 = arith.constant 0 : i32
        %parallel_loop3A_1646 = arith.constant 0 : i32
        %parallel_loop3A_1647 = tpu.memref_slice %arg10[%rem3A_41, %parallel_loop3A_1645, %parallel_loop3A_1646] : memref<2x128x128xf32, #tpu.memory_space<vmem>> -> memref<1x128x128xf32, #tpu.memory_space<vmem>>
        %parallel_loop3A_1648 = tpu.memref_squeeze %parallel_loop3A_1647 : memref<1x128x128xf32, #tpu.memory_space<vmem>> -> memref<128x128xf32, #tpu.memory_space<vmem>>
        %parallel_loop3A_1649 = arith.index_cast %parallel_loop3A_1562 : i32 to index
        %parallel_loop3A_1650 = arith.constant 80 : index
        %parallel_loop3A_1651 = tpu.vector_load %parallel_loop3A_1648[%parallel_loop3A_1649, %parallel_loop3A_1650] {strides = array<i32>} : memref<128x128xf32, #tpu.memory_space<vmem>>, vector<16xf32>,
        %parallel_loop3A_1652 = arith.mulf %parallel_loop3A_1644, %parallel_loop3A_1651 : vector<16xf32>
        %parallel_loop3A_1653 = arith.constant 0 : i32
        %parallel_loop3A_1654 = arith.constant 0 : i32
        %parallel_loop3A_1655 = tpu.memref_slice %arg9[%rem3A_41, %parallel_loop3A_1653, %parallel_loop3A_1654] : memref<2x128x128xf32, #tpu.memory_space<vmem>> -> memref<1x128x128xf32, #tpu.memory_space<vmem>>
        %parallel_loop3A_1656 = tpu.memref_squeeze %parallel_loop3A_1655 : memref<1x128x128xf32, #tpu.memory_space<vmem>> -> memref<128x128xf32, #tpu.memory_space<vmem>>
        %parallel_loop3A_1657 = arith.index_cast %parallel_loop3A_1562 : i32 to index
        %parallel_loop3A_1658 = arith.constant 96 : index
        %parallel_loop3A_1659 = tpu.vector_load %parallel_loop3A_1656[%parallel_loop3A_1657, %parallel_loop3A_1658] {strides = array<i32>} : memref<128x128xf32, #tpu.memory_space<vmem>>, vector<16xf32>,
        %parallel_loop3A_1660 = arith.constant 0 : i32
        %parallel_loop3A_1661 = arith.constant 0 : i32
        %parallel_loop3A_1662 = tpu.memref_slice %arg10[%rem3A_41, %parallel_loop3A_1660, %parallel_loop3A_1661] : memref<2x128x128xf32, #tpu.memory_space<vmem>> -> memref<1x128x128xf32, #tpu.memory_space<vmem>>
        %parallel_loop3A_1663 = tpu.memref_squeeze %parallel_loop3A_1662 : memref<1x128x128xf32, #tpu.memory_space<vmem>> -> memref<128x128xf32, #tpu.memory_space<vmem>>
        %parallel_loop3A_1664 = arith.index_cast %parallel_loop3A_1562 : i32 to index
        %parallel_loop3A_1665 = arith.constant 96 : index
        %parallel_loop3A_1666 = tpu.vector_load %parallel_loop3A_1663[%parallel_loop3A_1664, %parallel_loop3A_1665] {strides = array<i32>} : memref<128x128xf32, #tpu.memory_space<vmem>>, vector<16xf32>,
        %parallel_loop3A_1667 = arith.mulf %parallel_loop3A_1659, %parallel_loop3A_1666 : vector<16xf32>
        %parallel_loop3A_1668 = arith.constant 0 : i32
        %parallel_loop3A_1669 = arith.constant 0 : i32
        %parallel_loop3A_1670 = tpu.memref_slice %arg9[%rem3A_41, %parallel_loop3A_1668, %parallel_loop3A_1669] : memref<2x128x128xf32, #tpu.memory_space<vmem>> -> memref<1x128x128xf32, #tpu.memory_space<vmem>>
        %parallel_loop3A_1671 = tpu.memref_squeeze %parallel_loop3A_1670 : memref<1x128x128xf32, #tpu.memory_space<vmem>> -> memref<128x128xf32, #tpu.memory_space<vmem>>
        %parallel_loop3A_1672 = arith.index_cast %parallel_loop3A_1562 : i32 to index
        %parallel_loop3A_1673 = arith.constant 112 : index
        %parallel_loop3A_1674 = tpu.vector_load %parallel_loop3A_1671[%parallel_loop3A_1672, %parallel_loop3A_1673] {strides = array<i32>} : memref<128x128xf32, #tpu.memory_space<vmem>>, vector<16xf32>,
        %parallel_loop3A_1675 = arith.constant 0 : i32
        %parallel_loop3A_1676 = arith.constant 0 : i32
        %parallel_loop3A_1677 = tpu.memref_slice %arg10[%rem3A_41, %parallel_loop3A_1675, %parallel_loop3A_1676] : memref<2x128x128xf32, #tpu.memory_space<vmem>> -> memref<1x128x128xf32, #tpu.memory_space<vmem>>
        %parallel_loop3A_1678 = tpu.memref_squeeze %parallel_loop3A_1677 : memref<1x128x128xf32, #tpu.memory_space<vmem>> -> memref<128x128xf32, #tpu.memory_space<vmem>>
        %parallel_loop3A_1679 = arith.index_cast %parallel_loop3A_1562 : i32 to index
        %parallel_loop3A_1680 = arith.constant 112 : index
        %parallel_loop3A_1681 = tpu.vector_load %parallel_loop3A_1678[%parallel_loop3A_1679, %parallel_loop3A_1680] {strides = array<i32>} : memref<128x128xf32, #tpu.memory_space<vmem>>, vector<16xf32>,
        %parallel_loop3A_1682 = arith.mulf %parallel_loop3A_1674, %parallel_loop3A_1681 : vector<16xf32>
        %parallel_loop3A_1683 = arith.addf %parallel_loop3A_1577, %parallel_loop3A_1592 : vector<16xf32>
        %parallel_loop3A_1684 = arith.addf %parallel_loop3A_1607, %parallel_loop3A_1622 : vector<16xf32>
        %parallel_loop3A_1685 = arith.addf %parallel_loop3A_1637, %parallel_loop3A_1652 : vector<16xf32>
        %parallel_loop3A_1686 = arith.addf %parallel_loop3A_1667, %parallel_loop3A_1682 : vector<16xf32>
        %parallel_loop3A_1687 = arith.addf %parallel_loop3A_1683, %parallel_loop3A_1684 : vector<16xf32>
        %parallel_loop3A_1688 = arith.addf %parallel_loop3A_1685, %parallel_loop3A_1686 : vector<16xf32>
        %parallel_loop3A_1689 = arith.addf %parallel_loop3A_1687, %parallel_loop3A_1688 : vector<16xf32>
        %parallel_loop3A_1690 = arith.constant 187 : i32
        %parallel_loop3A_1691 = arith.addi %parallel_loop3A_73, %parallel_loop3A_1690 : i32
        %parallel_loop3A_1692 = arith.index_cast %parallel_loop3A_1691 : i32 to index
        %parallel_loop3A_1693 = tpu.vector_load %arg11[%parallel_loop3A_1692] {strides = array<i32>} : memref<2176xf32, #tpu.memory_space<vmem>>, vector<16xf32>,
        tpu.vector_store %arg11[%parallel_loop3A_1692], %parallel_loop3A_1689 {strides = array<i32>} : memref<2176xf32, #tpu.memory_space<vmem>>, vector<16xf32>,
        %parallel_loop3A_1694 = arith.constant 16 : i32
        %parallel_loop3A_1695 = arith.muli %parallel_loop3A_71, %parallel_loop3A_1694 : i32
        %parallel_loop3A_1696 = arith.constant 12 : i32
        %parallel_loop3A_1697 = arith.addi %parallel_loop3A_1695, %parallel_loop3A_1696 : i32
        %parallel_loop3A_1698 = arith.constant 0 : i32
        %parallel_loop3A_1699 = arith.constant 0 : i32
        %parallel_loop3A_1700 = tpu.memref_slice %arg9[%rem3A_41, %parallel_loop3A_1698, %parallel_loop3A_1699] : memref<2x128x128xf32, #tpu.memory_space<vmem>> -> memref<1x128x128xf32, #tpu.memory_space<vmem>>
        %parallel_loop3A_1701 = tpu.memref_squeeze %parallel_loop3A_1700 : memref<1x128x128xf32, #tpu.memory_space<vmem>> -> memref<128x128xf32, #tpu.memory_space<vmem>>
        %parallel_loop3A_1702 = arith.index_cast %parallel_loop3A_1697 : i32 to index
        %parallel_loop3A_1703 = arith.constant 0 : index
        %parallel_loop3A_1704 = tpu.vector_load %parallel_loop3A_1701[%parallel_loop3A_1702, %parallel_loop3A_1703] {strides = array<i32>} : memref<128x128xf32, #tpu.memory_space<vmem>>, vector<16xf32>,
        %parallel_loop3A_1705 = arith.constant 0 : i32
        %parallel_loop3A_1706 = arith.constant 0 : i32
        %parallel_loop3A_1707 = tpu.memref_slice %arg10[%rem3A_41, %parallel_loop3A_1705, %parallel_loop3A_1706] : memref<2x128x128xf32, #tpu.memory_space<vmem>> -> memref<1x128x128xf32, #tpu.memory_space<vmem>>
        %parallel_loop3A_1708 = tpu.memref_squeeze %parallel_loop3A_1707 : memref<1x128x128xf32, #tpu.memory_space<vmem>> -> memref<128x128xf32, #tpu.memory_space<vmem>>
        %parallel_loop3A_1709 = arith.index_cast %parallel_loop3A_1697 : i32 to index
        %parallel_loop3A_1710 = arith.constant 0 : index
        %parallel_loop3A_1711 = tpu.vector_load %parallel_loop3A_1708[%parallel_loop3A_1709, %parallel_loop3A_1710] {strides = array<i32>} : memref<128x128xf32, #tpu.memory_space<vmem>>, vector<16xf32>,
        %parallel_loop3A_1712 = arith.mulf %parallel_loop3A_1704, %parallel_loop3A_1711 : vector<16xf32>
        %parallel_loop3A_1713 = arith.constant 0 : i32
        %parallel_loop3A_1714 = arith.constant 0 : i32
        %parallel_loop3A_1715 = tpu.memref_slice %arg9[%rem3A_41, %parallel_loop3A_1713, %parallel_loop3A_1714] : memref<2x128x128xf32, #tpu.memory_space<vmem>> -> memref<1x128x128xf32, #tpu.memory_space<vmem>>
        %parallel_loop3A_1716 = tpu.memref_squeeze %parallel_loop3A_1715 : memref<1x128x128xf32, #tpu.memory_space<vmem>> -> memref<128x128xf32, #tpu.memory_space<vmem>>
        %parallel_loop3A_1717 = arith.index_cast %parallel_loop3A_1697 : i32 to index
        %parallel_loop3A_1718 = arith.constant 16 : index
        %parallel_loop3A_1719 = tpu.vector_load %parallel_loop3A_1716[%parallel_loop3A_1717, %parallel_loop3A_1718] {strides = array<i32>} : memref<128x128xf32, #tpu.memory_space<vmem>>, vector<16xf32>,
        %parallel_loop3A_1720 = arith.constant 0 : i32
        %parallel_loop3A_1721 = arith.constant 0 : i32
        %parallel_loop3A_1722 = tpu.memref_slice %arg10[%rem3A_41, %parallel_loop3A_1720, %parallel_loop3A_1721] : memref<2x128x128xf32, #tpu.memory_space<vmem>> -> memref<1x128x128xf32, #tpu.memory_space<vmem>>
        %parallel_loop3A_1723 = tpu.memref_squeeze %parallel_loop3A_1722 : memref<1x128x128xf32, #tpu.memory_space<vmem>> -> memref<128x128xf32, #tpu.memory_space<vmem>>
        %parallel_loop3A_1724 = arith.index_cast %parallel_loop3A_1697 : i32 to index
        %parallel_loop3A_1725 = arith.constant 16 : index
        %parallel_loop3A_1726 = tpu.vector_load %parallel_loop3A_1723[%parallel_loop3A_1724, %parallel_loop3A_1725] {strides = array<i32>} : memref<128x128xf32, #tpu.memory_space<vmem>>, vector<16xf32>,
        %parallel_loop3A_1727 = arith.mulf %parallel_loop3A_1719, %parallel_loop3A_1726 : vector<16xf32>
        %parallel_loop3A_1728 = arith.constant 0 : i32
        %parallel_loop3A_1729 = arith.constant 0 : i32
        %parallel_loop3A_1730 = tpu.memref_slice %arg9[%rem3A_41, %parallel_loop3A_1728, %parallel_loop3A_1729] : memref<2x128x128xf32, #tpu.memory_space<vmem>> -> memref<1x128x128xf32, #tpu.memory_space<vmem>>
        %parallel_loop3A_1731 = tpu.memref_squeeze %parallel_loop3A_1730 : memref<1x128x128xf32, #tpu.memory_space<vmem>> -> memref<128x128xf32, #tpu.memory_space<vmem>>
        %parallel_loop3A_1732 = arith.index_cast %parallel_loop3A_1697 : i32 to index
        %parallel_loop3A_1733 = arith.constant 32 : index
        %parallel_loop3A_1734 = tpu.vector_load %parallel_loop3A_1731[%parallel_loop3A_1732, %parallel_loop3A_1733] {strides = array<i32>} : memref<128x128xf32, #tpu.memory_space<vmem>>, vector<16xf32>,
        %parallel_loop3A_1735 = arith.constant 0 : i32
        %parallel_loop3A_1736 = arith.constant 0 : i32
        %parallel_loop3A_1737 = tpu.memref_slice %arg10[%rem3A_41, %parallel_loop3A_1735, %parallel_loop3A_1736] : memref<2x128x128xf32, #tpu.memory_space<vmem>> -> memref<1x128x128xf32, #tpu.memory_space<vmem>>
        %parallel_loop3A_1738 = tpu.memref_squeeze %parallel_loop3A_1737 : memref<1x128x128xf32, #tpu.memory_space<vmem>> -> memref<128x128xf32, #tpu.memory_space<vmem>>
        %parallel_loop3A_1739 = arith.index_cast %parallel_loop3A_1697 : i32 to index
        %parallel_loop3A_1740 = arith.constant 32 : index
        %parallel_loop3A_1741 = tpu.vector_load %parallel_loop3A_1738[%parallel_loop3A_1739, %parallel_loop3A_1740] {strides = array<i32>} : memref<128x128xf32, #tpu.memory_space<vmem>>, vector<16xf32>,
        %parallel_loop3A_1742 = arith.mulf %parallel_loop3A_1734, %parallel_loop3A_1741 : vector<16xf32>
        %parallel_loop3A_1743 = arith.constant 0 : i32
        %parallel_loop3A_1744 = arith.constant 0 : i32
        %parallel_loop3A_1745 = tpu.memref_slice %arg9[%rem3A_41, %parallel_loop3A_1743, %parallel_loop3A_1744] : memref<2x128x128xf32, #tpu.memory_space<vmem>> -> memref<1x128x128xf32, #tpu.memory_space<vmem>>
        %parallel_loop3A_1746 = tpu.memref_squeeze %parallel_loop3A_1745 : memref<1x128x128xf32, #tpu.memory_space<vmem>> -> memref<128x128xf32, #tpu.memory_space<vmem>>
        %parallel_loop3A_1747 = arith.index_cast %parallel_loop3A_1697 : i32 to index
        %parallel_loop3A_1748 = arith.constant 48 : index
        %parallel_loop3A_1749 = tpu.vector_load %parallel_loop3A_1746[%parallel_loop3A_1747, %parallel_loop3A_1748] {strides = array<i32>} : memref<128x128xf32, #tpu.memory_space<vmem>>, vector<16xf32>,
        %parallel_loop3A_1750 = arith.constant 0 : i32
        %parallel_loop3A_1751 = arith.constant 0 : i32
        %parallel_loop3A_1752 = tpu.memref_slice %arg10[%rem3A_41, %parallel_loop3A_1750, %parallel_loop3A_1751] : memref<2x128x128xf32, #tpu.memory_space<vmem>> -> memref<1x128x128xf32, #tpu.memory_space<vmem>>
        %parallel_loop3A_1753 = tpu.memref_squeeze %parallel_loop3A_1752 : memref<1x128x128xf32, #tpu.memory_space<vmem>> -> memref<128x128xf32, #tpu.memory_space<vmem>>
        %parallel_loop3A_1754 = arith.index_cast %parallel_loop3A_1697 : i32 to index
        %parallel_loop3A_1755 = arith.constant 48 : index
        %parallel_loop3A_1756 = tpu.vector_load %parallel_loop3A_1753[%parallel_loop3A_1754, %parallel_loop3A_1755] {strides = array<i32>} : memref<128x128xf32, #tpu.memory_space<vmem>>, vector<16xf32>,
        %parallel_loop3A_1757 = arith.mulf %parallel_loop3A_1749, %parallel_loop3A_1756 : vector<16xf32>
        %parallel_loop3A_1758 = arith.constant 0 : i32
        %parallel_loop3A_1759 = arith.constant 0 : i32
        %parallel_loop3A_1760 = tpu.memref_slice %arg9[%rem3A_41, %parallel_loop3A_1758, %parallel_loop3A_1759] : memref<2x128x128xf32, #tpu.memory_space<vmem>> -> memref<1x128x128xf32, #tpu.memory_space<vmem>>
        %parallel_loop3A_1761 = tpu.memref_squeeze %parallel_loop3A_1760 : memref<1x128x128xf32, #tpu.memory_space<vmem>> -> memref<128x128xf32, #tpu.memory_space<vmem>>
        %parallel_loop3A_1762 = arith.index_cast %parallel_loop3A_1697 : i32 to index
        %parallel_loop3A_1763 = arith.constant 64 : index
        %parallel_loop3A_1764 = tpu.vector_load %parallel_loop3A_1761[%parallel_loop3A_1762, %parallel_loop3A_1763] {strides = array<i32>} : memref<128x128xf32, #tpu.memory_space<vmem>>, vector<16xf32>,
        %parallel_loop3A_1765 = arith.constant 0 : i32
        %parallel_loop3A_1766 = arith.constant 0 : i32
        %parallel_loop3A_1767 = tpu.memref_slice %arg10[%rem3A_41, %parallel_loop3A_1765, %parallel_loop3A_1766] : memref<2x128x128xf32, #tpu.memory_space<vmem>> -> memref<1x128x128xf32, #tpu.memory_space<vmem>>
        %parallel_loop3A_1768 = tpu.memref_squeeze %parallel_loop3A_1767 : memref<1x128x128xf32, #tpu.memory_space<vmem>> -> memref<128x128xf32, #tpu.memory_space<vmem>>
        %parallel_loop3A_1769 = arith.index_cast %parallel_loop3A_1697 : i32 to index
        %parallel_loop3A_1770 = arith.constant 64 : index
        %parallel_loop3A_1771 = tpu.vector_load %parallel_loop3A_1768[%parallel_loop3A_1769, %parallel_loop3A_1770] {strides = array<i32>} : memref<128x128xf32, #tpu.memory_space<vmem>>, vector<16xf32>,
        %parallel_loop3A_1772 = arith.mulf %parallel_loop3A_1764, %parallel_loop3A_1771 : vector<16xf32>
        %parallel_loop3A_1773 = arith.constant 0 : i32
        %parallel_loop3A_1774 = arith.constant 0 : i32
        %parallel_loop3A_1775 = tpu.memref_slice %arg9[%rem3A_41, %parallel_loop3A_1773, %parallel_loop3A_1774] : memref<2x128x128xf32, #tpu.memory_space<vmem>> -> memref<1x128x128xf32, #tpu.memory_space<vmem>>
        %parallel_loop3A_1776 = tpu.memref_squeeze %parallel_loop3A_1775 : memref<1x128x128xf32, #tpu.memory_space<vmem>> -> memref<128x128xf32, #tpu.memory_space<vmem>>
        %parallel_loop3A_1777 = arith.index_cast %parallel_loop3A_1697 : i32 to index
        %parallel_loop3A_1778 = arith.constant 80 : index
        %parallel_loop3A_1779 = tpu.vector_load %parallel_loop3A_1776[%parallel_loop3A_1777, %parallel_loop3A_1778] {strides = array<i32>} : memref<128x128xf32, #tpu.memory_space<vmem>>, vector<16xf32>,
        %parallel_loop3A_1780 = arith.constant 0 : i32
        %parallel_loop3A_1781 = arith.constant 0 : i32
        %parallel_loop3A_1782 = tpu.memref_slice %arg10[%rem3A_41, %parallel_loop3A_1780, %parallel_loop3A_1781] : memref<2x128x128xf32, #tpu.memory_space<vmem>> -> memref<1x128x128xf32, #tpu.memory_space<vmem>>
        %parallel_loop3A_1783 = tpu.memref_squeeze %parallel_loop3A_1782 : memref<1x128x128xf32, #tpu.memory_space<vmem>> -> memref<128x128xf32, #tpu.memory_space<vmem>>
        %parallel_loop3A_1784 = arith.index_cast %parallel_loop3A_1697 : i32 to index
        %parallel_loop3A_1785 = arith.constant 80 : index
        %parallel_loop3A_1786 = tpu.vector_load %parallel_loop3A_1783[%parallel_loop3A_1784, %parallel_loop3A_1785] {strides = array<i32>} : memref<128x128xf32, #tpu.memory_space<vmem>>, vector<16xf32>,
        %parallel_loop3A_1787 = arith.mulf %parallel_loop3A_1779, %parallel_loop3A_1786 : vector<16xf32>
        %parallel_loop3A_1788 = arith.constant 0 : i32
        %parallel_loop3A_1789 = arith.constant 0 : i32
        %parallel_loop3A_1790 = tpu.memref_slice %arg9[%rem3A_41, %parallel_loop3A_1788, %parallel_loop3A_1789] : memref<2x128x128xf32, #tpu.memory_space<vmem>> -> memref<1x128x128xf32, #tpu.memory_space<vmem>>
        %parallel_loop3A_1791 = tpu.memref_squeeze %parallel_loop3A_1790 : memref<1x128x128xf32, #tpu.memory_space<vmem>> -> memref<128x128xf32, #tpu.memory_space<vmem>>
        %parallel_loop3A_1792 = arith.index_cast %parallel_loop3A_1697 : i32 to index
        %parallel_loop3A_1793 = arith.constant 96 : index
        %parallel_loop3A_1794 = tpu.vector_load %parallel_loop3A_1791[%parallel_loop3A_1792, %parallel_loop3A_1793] {strides = array<i32>} : memref<128x128xf32, #tpu.memory_space<vmem>>, vector<16xf32>,
        %parallel_loop3A_1795 = arith.constant 0 : i32
        %parallel_loop3A_1796 = arith.constant 0 : i32
        %parallel_loop3A_1797 = tpu.memref_slice %arg10[%rem3A_41, %parallel_loop3A_1795, %parallel_loop3A_1796] : memref<2x128x128xf32, #tpu.memory_space<vmem>> -> memref<1x128x128xf32, #tpu.memory_space<vmem>>
        %parallel_loop3A_1798 = tpu.memref_squeeze %parallel_loop3A_1797 : memref<1x128x128xf32, #tpu.memory_space<vmem>> -> memref<128x128xf32, #tpu.memory_space<vmem>>
        %parallel_loop3A_1799 = arith.index_cast %parallel_loop3A_1697 : i32 to index
        %parallel_loop3A_1800 = arith.constant 96 : index
        %parallel_loop3A_1801 = tpu.vector_load %parallel_loop3A_1798[%parallel_loop3A_1799, %parallel_loop3A_1800] {strides = array<i32>} : memref<128x128xf32, #tpu.memory_space<vmem>>, vector<16xf32>,
        %parallel_loop3A_1802 = arith.mulf %parallel_loop3A_1794, %parallel_loop3A_1801 : vector<16xf32>
        %parallel_loop3A_1803 = arith.constant 0 : i32
        %parallel_loop3A_1804 = arith.constant 0 : i32
        %parallel_loop3A_1805 = tpu.memref_slice %arg9[%rem3A_41, %parallel_loop3A_1803, %parallel_loop3A_1804] : memref<2x128x128xf32, #tpu.memory_space<vmem>> -> memref<1x128x128xf32, #tpu.memory_space<vmem>>
        %parallel_loop3A_1806 = tpu.memref_squeeze %parallel_loop3A_1805 : memref<1x128x128xf32, #tpu.memory_space<vmem>> -> memref<128x128xf32, #tpu.memory_space<vmem>>
        %parallel_loop3A_1807 = arith.index_cast %parallel_loop3A_1697 : i32 to index
        %parallel_loop3A_1808 = arith.constant 112 : index
        %parallel_loop3A_1809 = tpu.vector_load %parallel_loop3A_1806[%parallel_loop3A_1807, %parallel_loop3A_1808] {strides = array<i32>} : memref<128x128xf32, #tpu.memory_space<vmem>>, vector<16xf32>,
        %parallel_loop3A_1810 = arith.constant 0 : i32
        %parallel_loop3A_1811 = arith.constant 0 : i32
        %parallel_loop3A_1812 = tpu.memref_slice %arg10[%rem3A_41, %parallel_loop3A_1810, %parallel_loop3A_1811] : memref<2x128x128xf32, #tpu.memory_space<vmem>> -> memref<1x128x128xf32, #tpu.memory_space<vmem>>
        %parallel_loop3A_1813 = tpu.memref_squeeze %parallel_loop3A_1812 : memref<1x128x128xf32, #tpu.memory_space<vmem>> -> memref<128x128xf32, #tpu.memory_space<vmem>>
        %parallel_loop3A_1814 = arith.index_cast %parallel_loop3A_1697 : i32 to index
        %parallel_loop3A_1815 = arith.constant 112 : index
        %parallel_loop3A_1816 = tpu.vector_load %parallel_loop3A_1813[%parallel_loop3A_1814, %parallel_loop3A_1815] {strides = array<i32>} : memref<128x128xf32, #tpu.memory_space<vmem>>, vector<16xf32>,
        %parallel_loop3A_1817 = arith.mulf %parallel_loop3A_1809, %parallel_loop3A_1816 : vector<16xf32>
        %parallel_loop3A_1818 = arith.addf %parallel_loop3A_1712, %parallel_loop3A_1727 : vector<16xf32>
        %parallel_loop3A_1819 = arith.addf %parallel_loop3A_1742, %parallel_loop3A_1757 : vector<16xf32>
        %parallel_loop3A_1820 = arith.addf %parallel_loop3A_1772, %parallel_loop3A_1787 : vector<16xf32>
        %parallel_loop3A_1821 = arith.addf %parallel_loop3A_1802, %parallel_loop3A_1817 : vector<16xf32>
        %parallel_loop3A_1822 = arith.addf %parallel_loop3A_1818, %parallel_loop3A_1819 : vector<16xf32>
        %parallel_loop3A_1823 = arith.addf %parallel_loop3A_1820, %parallel_loop3A_1821 : vector<16xf32>
        %parallel_loop3A_1824 = arith.addf %parallel_loop3A_1822, %parallel_loop3A_1823 : vector<16xf32>
        %parallel_loop3A_1825 = arith.constant 204 : i32
        %parallel_loop3A_1826 = arith.addi %parallel_loop3A_73, %parallel_loop3A_1825 : i32
        %parallel_loop3A_1827 = arith.index_cast %parallel_loop3A_1826 : i32 to index
        %parallel_loop3A_1828 = tpu.vector_load %arg11[%parallel_loop3A_1827] {strides = array<i32>} : memref<2176xf32, #tpu.memory_space<vmem>>, vector<16xf32>,
        tpu.vector_store %arg11[%parallel_loop3A_1827], %parallel_loop3A_1824 {strides = array<i32>} : memref<2176xf32, #tpu.memory_space<vmem>>, vector<16xf32>,
        %parallel_loop3A_1829 = arith.constant 16 : i32
        %parallel_loop3A_1830 = arith.muli %parallel_loop3A_71, %parallel_loop3A_1829 : i32
        %parallel_loop3A_1831 = arith.constant 13 : i32
        %parallel_loop3A_1832 = arith.addi %parallel_loop3A_1830, %parallel_loop3A_1831 : i32
        %parallel_loop3A_1833 = arith.constant 0 : i32
        %parallel_loop3A_1834 = arith.constant 0 : i32
        %parallel_loop3A_1835 = tpu.memref_slice %arg9[%rem3A_41, %parallel_loop3A_1833, %parallel_loop3A_1834] : memref<2x128x128xf32, #tpu.memory_space<vmem>> -> memref<1x128x128xf32, #tpu.memory_space<vmem>>
        %parallel_loop3A_1836 = tpu.memref_squeeze %parallel_loop3A_1835 : memref<1x128x128xf32, #tpu.memory_space<vmem>> -> memref<128x128xf32, #tpu.memory_space<vmem>>
        %parallel_loop3A_1837 = arith.index_cast %parallel_loop3A_1832 : i32 to index
        %parallel_loop3A_1838 = arith.constant 0 : index
        %parallel_loop3A_1839 = tpu.vector_load %parallel_loop3A_1836[%parallel_loop3A_1837, %parallel_loop3A_1838] {strides = array<i32>} : memref<128x128xf32, #tpu.memory_space<vmem>>, vector<16xf32>,
        %parallel_loop3A_1840 = arith.constant 0 : i32
        %parallel_loop3A_1841 = arith.constant 0 : i32
        %parallel_loop3A_1842 = tpu.memref_slice %arg10[%rem3A_41, %parallel_loop3A_1840, %parallel_loop3A_1841] : memref<2x128x128xf32, #tpu.memory_space<vmem>> -> memref<1x128x128xf32, #tpu.memory_space<vmem>>
        %parallel_loop3A_1843 = tpu.memref_squeeze %parallel_loop3A_1842 : memref<1x128x128xf32, #tpu.memory_space<vmem>> -> memref<128x128xf32, #tpu.memory_space<vmem>>
        %parallel_loop3A_1844 = arith.index_cast %parallel_loop3A_1832 : i32 to index
        %parallel_loop3A_1845 = arith.constant 0 : index
        %parallel_loop3A_1846 = tpu.vector_load %parallel_loop3A_1843[%parallel_loop3A_1844, %parallel_loop3A_1845] {strides = array<i32>} : memref<128x128xf32, #tpu.memory_space<vmem>>, vector<16xf32>,
        %parallel_loop3A_1847 = arith.mulf %parallel_loop3A_1839, %parallel_loop3A_1846 : vector<16xf32>
        %parallel_loop3A_1848 = arith.constant 0 : i32
        %parallel_loop3A_1849 = arith.constant 0 : i32
        %parallel_loop3A_1850 = tpu.memref_slice %arg9[%rem3A_41, %parallel_loop3A_1848, %parallel_loop3A_1849] : memref<2x128x128xf32, #tpu.memory_space<vmem>> -> memref<1x128x128xf32, #tpu.memory_space<vmem>>
        %parallel_loop3A_1851 = tpu.memref_squeeze %parallel_loop3A_1850 : memref<1x128x128xf32, #tpu.memory_space<vmem>> -> memref<128x128xf32, #tpu.memory_space<vmem>>
        %parallel_loop3A_1852 = arith.index_cast %parallel_loop3A_1832 : i32 to index
        %parallel_loop3A_1853 = arith.constant 16 : index
        %parallel_loop3A_1854 = tpu.vector_load %parallel_loop3A_1851[%parallel_loop3A_1852, %parallel_loop3A_1853] {strides = array<i32>} : memref<128x128xf32, #tpu.memory_space<vmem>>, vector<16xf32>,
        %parallel_loop3A_1855 = arith.constant 0 : i32
        %parallel_loop3A_1856 = arith.constant 0 : i32
        %parallel_loop3A_1857 = tpu.memref_slice %arg10[%rem3A_41, %parallel_loop3A_1855, %parallel_loop3A_1856] : memref<2x128x128xf32, #tpu.memory_space<vmem>> -> memref<1x128x128xf32, #tpu.memory_space<vmem>>
        %parallel_loop3A_1858 = tpu.memref_squeeze %parallel_loop3A_1857 : memref<1x128x128xf32, #tpu.memory_space<vmem>> -> memref<128x128xf32, #tpu.memory_space<vmem>>
        %parallel_loop3A_1859 = arith.index_cast %parallel_loop3A_1832 : i32 to index
        %parallel_loop3A_1860 = arith.constant 16 : index
        %parallel_loop3A_1861 = tpu.vector_load %parallel_loop3A_1858[%parallel_loop3A_1859, %parallel_loop3A_1860] {strides = array<i32>} : memref<128x128xf32, #tpu.memory_space<vmem>>, vector<16xf32>,
        %parallel_loop3A_1862 = arith.mulf %parallel_loop3A_1854, %parallel_loop3A_1861 : vector<16xf32>
        %parallel_loop3A_1863 = arith.constant 0 : i32
        %parallel_loop3A_1864 = arith.constant 0 : i32
        %parallel_loop3A_1865 = tpu.memref_slice %arg9[%rem3A_41, %parallel_loop3A_1863, %parallel_loop3A_1864] : memref<2x128x128xf32, #tpu.memory_space<vmem>> -> memref<1x128x128xf32, #tpu.memory_space<vmem>>
        %parallel_loop3A_1866 = tpu.memref_squeeze %parallel_loop3A_1865 : memref<1x128x128xf32, #tpu.memory_space<vmem>> -> memref<128x128xf32, #tpu.memory_space<vmem>>
        %parallel_loop3A_1867 = arith.index_cast %parallel_loop3A_1832 : i32 to index
        %parallel_loop3A_1868 = arith.constant 32 : index
        %parallel_loop3A_1869 = tpu.vector_load %parallel_loop3A_1866[%parallel_loop3A_1867, %parallel_loop3A_1868] {strides = array<i32>} : memref<128x128xf32, #tpu.memory_space<vmem>>, vector<16xf32>,
        %parallel_loop3A_1870 = arith.constant 0 : i32
        %parallel_loop3A_1871 = arith.constant 0 : i32
        %parallel_loop3A_1872 = tpu.memref_slice %arg10[%rem3A_41, %parallel_loop3A_1870, %parallel_loop3A_1871] : memref<2x128x128xf32, #tpu.memory_space<vmem>> -> memref<1x128x128xf32, #tpu.memory_space<vmem>>
        %parallel_loop3A_1873 = tpu.memref_squeeze %parallel_loop3A_1872 : memref<1x128x128xf32, #tpu.memory_space<vmem>> -> memref<128x128xf32, #tpu.memory_space<vmem>>
        %parallel_loop3A_1874 = arith.index_cast %parallel_loop3A_1832 : i32 to index
        %parallel_loop3A_1875 = arith.constant 32 : index
        %parallel_loop3A_1876 = tpu.vector_load %parallel_loop3A_1873[%parallel_loop3A_1874, %parallel_loop3A_1875] {strides = array<i32>} : memref<128x128xf32, #tpu.memory_space<vmem>>, vector<16xf32>,
        %parallel_loop3A_1877 = arith.mulf %parallel_loop3A_1869, %parallel_loop3A_1876 : vector<16xf32>
        %parallel_loop3A_1878 = arith.constant 0 : i32
        %parallel_loop3A_1879 = arith.constant 0 : i32
        %parallel_loop3A_1880 = tpu.memref_slice %arg9[%rem3A_41, %parallel_loop3A_1878, %parallel_loop3A_1879] : memref<2x128x128xf32, #tpu.memory_space<vmem>> -> memref<1x128x128xf32, #tpu.memory_space<vmem>>
        %parallel_loop3A_1881 = tpu.memref_squeeze %parallel_loop3A_1880 : memref<1x128x128xf32, #tpu.memory_space<vmem>> -> memref<128x128xf32, #tpu.memory_space<vmem>>
        %parallel_loop3A_1882 = arith.index_cast %parallel_loop3A_1832 : i32 to index
        %parallel_loop3A_1883 = arith.constant 48 : index
        %parallel_loop3A_1884 = tpu.vector_load %parallel_loop3A_1881[%parallel_loop3A_1882, %parallel_loop3A_1883] {strides = array<i32>} : memref<128x128xf32, #tpu.memory_space<vmem>>, vector<16xf32>,
        %parallel_loop3A_1885 = arith.constant 0 : i32
        %parallel_loop3A_1886 = arith.constant 0 : i32
        %parallel_loop3A_1887 = tpu.memref_slice %arg10[%rem3A_41, %parallel_loop3A_1885, %parallel_loop3A_1886] : memref<2x128x128xf32, #tpu.memory_space<vmem>> -> memref<1x128x128xf32, #tpu.memory_space<vmem>>
        %parallel_loop3A_1888 = tpu.memref_squeeze %parallel_loop3A_1887 : memref<1x128x128xf32, #tpu.memory_space<vmem>> -> memref<128x128xf32, #tpu.memory_space<vmem>>
        %parallel_loop3A_1889 = arith.index_cast %parallel_loop3A_1832 : i32 to index
        %parallel_loop3A_1890 = arith.constant 48 : index
        %parallel_loop3A_1891 = tpu.vector_load %parallel_loop3A_1888[%parallel_loop3A_1889, %parallel_loop3A_1890] {strides = array<i32>} : memref<128x128xf32, #tpu.memory_space<vmem>>, vector<16xf32>,
        %parallel_loop3A_1892 = arith.mulf %parallel_loop3A_1884, %parallel_loop3A_1891 : vector<16xf32>
        %parallel_loop3A_1893 = arith.constant 0 : i32
        %parallel_loop3A_1894 = arith.constant 0 : i32
        %parallel_loop3A_1895 = tpu.memref_slice %arg9[%rem3A_41, %parallel_loop3A_1893, %parallel_loop3A_1894] : memref<2x128x128xf32, #tpu.memory_space<vmem>> -> memref<1x128x128xf32, #tpu.memory_space<vmem>>
        %parallel_loop3A_1896 = tpu.memref_squeeze %parallel_loop3A_1895 : memref<1x128x128xf32, #tpu.memory_space<vmem>> -> memref<128x128xf32, #tpu.memory_space<vmem>>
        %parallel_loop3A_1897 = arith.index_cast %parallel_loop3A_1832 : i32 to index
        %parallel_loop3A_1898 = arith.constant 64 : index
        %parallel_loop3A_1899 = tpu.vector_load %parallel_loop3A_1896[%parallel_loop3A_1897, %parallel_loop3A_1898] {strides = array<i32>} : memref<128x128xf32, #tpu.memory_space<vmem>>, vector<16xf32>,
        %parallel_loop3A_1900 = arith.constant 0 : i32
        %parallel_loop3A_1901 = arith.constant 0 : i32
        %parallel_loop3A_1902 = tpu.memref_slice %arg10[%rem3A_41, %parallel_loop3A_1900, %parallel_loop3A_1901] : memref<2x128x128xf32, #tpu.memory_space<vmem>> -> memref<1x128x128xf32, #tpu.memory_space<vmem>>
        %parallel_loop3A_1903 = tpu.memref_squeeze %parallel_loop3A_1902 : memref<1x128x128xf32, #tpu.memory_space<vmem>> -> memref<128x128xf32, #tpu.memory_space<vmem>>
        %parallel_loop3A_1904 = arith.index_cast %parallel_loop3A_1832 : i32 to index
        %parallel_loop3A_1905 = arith.constant 64 : index
        %parallel_loop3A_1906 = tpu.vector_load %parallel_loop3A_1903[%parallel_loop3A_1904, %parallel_loop3A_1905] {strides = array<i32>} : memref<128x128xf32, #tpu.memory_space<vmem>>, vector<16xf32>,
        %parallel_loop3A_1907 = arith.mulf %parallel_loop3A_1899, %parallel_loop3A_1906 : vector<16xf32>
        %parallel_loop3A_1908 = arith.constant 0 : i32
        %parallel_loop3A_1909 = arith.constant 0 : i32
        %parallel_loop3A_1910 = tpu.memref_slice %arg9[%rem3A_41, %parallel_loop3A_1908, %parallel_loop3A_1909] : memref<2x128x128xf32, #tpu.memory_space<vmem>> -> memref<1x128x128xf32, #tpu.memory_space<vmem>>
        %parallel_loop3A_1911 = tpu.memref_squeeze %parallel_loop3A_1910 : memref<1x128x128xf32, #tpu.memory_space<vmem>> -> memref<128x128xf32, #tpu.memory_space<vmem>>
        %parallel_loop3A_1912 = arith.index_cast %parallel_loop3A_1832 : i32 to index
        %parallel_loop3A_1913 = arith.constant 80 : index
        %parallel_loop3A_1914 = tpu.vector_load %parallel_loop3A_1911[%parallel_loop3A_1912, %parallel_loop3A_1913] {strides = array<i32>} : memref<128x128xf32, #tpu.memory_space<vmem>>, vector<16xf32>,
        %parallel_loop3A_1915 = arith.constant 0 : i32
        %parallel_loop3A_1916 = arith.constant 0 : i32
        %parallel_loop3A_1917 = tpu.memref_slice %arg10[%rem3A_41, %parallel_loop3A_1915, %parallel_loop3A_1916] : memref<2x128x128xf32, #tpu.memory_space<vmem>> -> memref<1x128x128xf32, #tpu.memory_space<vmem>>
        %parallel_loop3A_1918 = tpu.memref_squeeze %parallel_loop3A_1917 : memref<1x128x128xf32, #tpu.memory_space<vmem>> -> memref<128x128xf32, #tpu.memory_space<vmem>>
        %parallel_loop3A_1919 = arith.index_cast %parallel_loop3A_1832 : i32 to index
        %parallel_loop3A_1920 = arith.constant 80 : index
        %parallel_loop3A_1921 = tpu.vector_load %parallel_loop3A_1918[%parallel_loop3A_1919, %parallel_loop3A_1920] {strides = array<i32>} : memref<128x128xf32, #tpu.memory_space<vmem>>, vector<16xf32>,
        %parallel_loop3A_1922 = arith.mulf %parallel_loop3A_1914, %parallel_loop3A_1921 : vector<16xf32>
        %parallel_loop3A_1923 = arith.constant 0 : i32
        %parallel_loop3A_1924 = arith.constant 0 : i32
        %parallel_loop3A_1925 = tpu.memref_slice %arg9[%rem3A_41, %parallel_loop3A_1923, %parallel_loop3A_1924] : memref<2x128x128xf32, #tpu.memory_space<vmem>> -> memref<1x128x128xf32, #tpu.memory_space<vmem>>
        %parallel_loop3A_1926 = tpu.memref_squeeze %parallel_loop3A_1925 : memref<1x128x128xf32, #tpu.memory_space<vmem>> -> memref<128x128xf32, #tpu.memory_space<vmem>>
        %parallel_loop3A_1927 = arith.index_cast %parallel_loop3A_1832 : i32 to index
        %parallel_loop3A_1928 = arith.constant 96 : index
        %parallel_loop3A_1929 = tpu.vector_load %parallel_loop3A_1926[%parallel_loop3A_1927, %parallel_loop3A_1928] {strides = array<i32>} : memref<128x128xf32, #tpu.memory_space<vmem>>, vector<16xf32>,
        %parallel_loop3A_1930 = arith.constant 0 : i32
        %parallel_loop3A_1931 = arith.constant 0 : i32
        %parallel_loop3A_1932 = tpu.memref_slice %arg10[%rem3A_41, %parallel_loop3A_1930, %parallel_loop3A_1931] : memref<2x128x128xf32, #tpu.memory_space<vmem>> -> memref<1x128x128xf32, #tpu.memory_space<vmem>>
        %parallel_loop3A_1933 = tpu.memref_squeeze %parallel_loop3A_1932 : memref<1x128x128xf32, #tpu.memory_space<vmem>> -> memref<128x128xf32, #tpu.memory_space<vmem>>
        %parallel_loop3A_1934 = arith.index_cast %parallel_loop3A_1832 : i32 to index
        %parallel_loop3A_1935 = arith.constant 96 : index
        %parallel_loop3A_1936 = tpu.vector_load %parallel_loop3A_1933[%parallel_loop3A_1934, %parallel_loop3A_1935] {strides = array<i32>} : memref<128x128xf32, #tpu.memory_space<vmem>>, vector<16xf32>,
        %parallel_loop3A_1937 = arith.mulf %parallel_loop3A_1929, %parallel_loop3A_1936 : vector<16xf32>
        %parallel_loop3A_1938 = arith.constant 0 : i32
        %parallel_loop3A_1939 = arith.constant 0 : i32
        %parallel_loop3A_1940 = tpu.memref_slice %arg9[%rem3A_41, %parallel_loop3A_1938, %parallel_loop3A_1939] : memref<2x128x128xf32, #tpu.memory_space<vmem>> -> memref<1x128x128xf32, #tpu.memory_space<vmem>>
        %parallel_loop3A_1941 = tpu.memref_squeeze %parallel_loop3A_1940 : memref<1x128x128xf32, #tpu.memory_space<vmem>> -> memref<128x128xf32, #tpu.memory_space<vmem>>
        %parallel_loop3A_1942 = arith.index_cast %parallel_loop3A_1832 : i32 to index
        %parallel_loop3A_1943 = arith.constant 112 : index
        %parallel_loop3A_1944 = tpu.vector_load %parallel_loop3A_1941[%parallel_loop3A_1942, %parallel_loop3A_1943] {strides = array<i32>} : memref<128x128xf32, #tpu.memory_space<vmem>>, vector<16xf32>,
        %parallel_loop3A_1945 = arith.constant 0 : i32
        %parallel_loop3A_1946 = arith.constant 0 : i32
        %parallel_loop3A_1947 = tpu.memref_slice %arg10[%rem3A_41, %parallel_loop3A_1945, %parallel_loop3A_1946] : memref<2x128x128xf32, #tpu.memory_space<vmem>> -> memref<1x128x128xf32, #tpu.memory_space<vmem>>
        %parallel_loop3A_1948 = tpu.memref_squeeze %parallel_loop3A_1947 : memref<1x128x128xf32, #tpu.memory_space<vmem>> -> memref<128x128xf32, #tpu.memory_space<vmem>>
        %parallel_loop3A_1949 = arith.index_cast %parallel_loop3A_1832 : i32 to index
        %parallel_loop3A_1950 = arith.constant 112 : index
        %parallel_loop3A_1951 = tpu.vector_load %parallel_loop3A_1948[%parallel_loop3A_1949, %parallel_loop3A_1950] {strides = array<i32>} : memref<128x128xf32, #tpu.memory_space<vmem>>, vector<16xf32>,
        %parallel_loop3A_1952 = arith.mulf %parallel_loop3A_1944, %parallel_loop3A_1951 : vector<16xf32>
        %parallel_loop3A_1953 = arith.addf %parallel_loop3A_1847, %parallel_loop3A_1862 : vector<16xf32>
        %parallel_loop3A_1954 = arith.addf %parallel_loop3A_1877, %parallel_loop3A_1892 : vector<16xf32>
        %parallel_loop3A_1955 = arith.addf %parallel_loop3A_1907, %parallel_loop3A_1922 : vector<16xf32>
        %parallel_loop3A_1956 = arith.addf %parallel_loop3A_1937, %parallel_loop3A_1952 : vector<16xf32>
        %parallel_loop3A_1957 = arith.addf %parallel_loop3A_1953, %parallel_loop3A_1954 : vector<16xf32>
        %parallel_loop3A_1958 = arith.addf %parallel_loop3A_1955, %parallel_loop3A_1956 : vector<16xf32>
        %parallel_loop3A_1959 = arith.addf %parallel_loop3A_1957, %parallel_loop3A_1958 : vector<16xf32>
        %parallel_loop3A_1960 = arith.constant 221 : i32
        %parallel_loop3A_1961 = arith.addi %parallel_loop3A_73, %parallel_loop3A_1960 : i32
        %parallel_loop3A_1962 = arith.index_cast %parallel_loop3A_1961 : i32 to index
        %parallel_loop3A_1963 = tpu.vector_load %arg11[%parallel_loop3A_1962] {strides = array<i32>} : memref<2176xf32, #tpu.memory_space<vmem>>, vector<16xf32>,
        tpu.vector_store %arg11[%parallel_loop3A_1962], %parallel_loop3A_1959 {strides = array<i32>} : memref<2176xf32, #tpu.memory_space<vmem>>, vector<16xf32>,
        %parallel_loop3A_1964 = arith.constant 16 : i32
        %parallel_loop3A_1965 = arith.muli %parallel_loop3A_71, %parallel_loop3A_1964 : i32
        %parallel_loop3A_1966 = arith.constant 14 : i32
        %parallel_loop3A_1967 = arith.addi %parallel_loop3A_1965, %parallel_loop3A_1966 : i32
        %parallel_loop3A_1968 = arith.constant 0 : i32
        %parallel_loop3A_1969 = arith.constant 0 : i32
        %parallel_loop3A_1970 = tpu.memref_slice %arg9[%rem3A_41, %parallel_loop3A_1968, %parallel_loop3A_1969] : memref<2x128x128xf32, #tpu.memory_space<vmem>> -> memref<1x128x128xf32, #tpu.memory_space<vmem>>
        %parallel_loop3A_1971 = tpu.memref_squeeze %parallel_loop3A_1970 : memref<1x128x128xf32, #tpu.memory_space<vmem>> -> memref<128x128xf32, #tpu.memory_space<vmem>>
        %parallel_loop3A_1972 = arith.index_cast %parallel_loop3A_1967 : i32 to index
        %parallel_loop3A_1973 = arith.constant 0 : index
        %parallel_loop3A_1974 = tpu.vector_load %parallel_loop3A_1971[%parallel_loop3A_1972, %parallel_loop3A_1973] {strides = array<i32>} : memref<128x128xf32, #tpu.memory_space<vmem>>, vector<16xf32>,
        %parallel_loop3A_1975 = arith.constant 0 : i32
        %parallel_loop3A_1976 = arith.constant 0 : i32
        %parallel_loop3A_1977 = tpu.memref_slice %arg10[%rem3A_41, %parallel_loop3A_1975, %parallel_loop3A_1976] : memref<2x128x128xf32, #tpu.memory_space<vmem>> -> memref<1x128x128xf32, #tpu.memory_space<vmem>>
        %parallel_loop3A_1978 = tpu.memref_squeeze %parallel_loop3A_1977 : memref<1x128x128xf32, #tpu.memory_space<vmem>> -> memref<128x128xf32, #tpu.memory_space<vmem>>
        %parallel_loop3A_1979 = arith.index_cast %parallel_loop3A_1967 : i32 to index
        %parallel_loop3A_1980 = arith.constant 0 : index
        %parallel_loop3A_1981 = tpu.vector_load %parallel_loop3A_1978[%parallel_loop3A_1979, %parallel_loop3A_1980] {strides = array<i32>} : memref<128x128xf32, #tpu.memory_space<vmem>>, vector<16xf32>,
        %parallel_loop3A_1982 = arith.mulf %parallel_loop3A_1974, %parallel_loop3A_1981 : vector<16xf32>
        %parallel_loop3A_1983 = arith.constant 0 : i32
        %parallel_loop3A_1984 = arith.constant 0 : i32
        %parallel_loop3A_1985 = tpu.memref_slice %arg9[%rem3A_41, %parallel_loop3A_1983, %parallel_loop3A_1984] : memref<2x128x128xf32, #tpu.memory_space<vmem>> -> memref<1x128x128xf32, #tpu.memory_space<vmem>>
        %parallel_loop3A_1986 = tpu.memref_squeeze %parallel_loop3A_1985 : memref<1x128x128xf32, #tpu.memory_space<vmem>> -> memref<128x128xf32, #tpu.memory_space<vmem>>
        %parallel_loop3A_1987 = arith.index_cast %parallel_loop3A_1967 : i32 to index
        %parallel_loop3A_1988 = arith.constant 16 : index
        %parallel_loop3A_1989 = tpu.vector_load %parallel_loop3A_1986[%parallel_loop3A_1987, %parallel_loop3A_1988] {strides = array<i32>} : memref<128x128xf32, #tpu.memory_space<vmem>>, vector<16xf32>,
        %parallel_loop3A_1990 = arith.constant 0 : i32
        %parallel_loop3A_1991 = arith.constant 0 : i32
        %parallel_loop3A_1992 = tpu.memref_slice %arg10[%rem3A_41, %parallel_loop3A_1990, %parallel_loop3A_1991] : memref<2x128x128xf32, #tpu.memory_space<vmem>> -> memref<1x128x128xf32, #tpu.memory_space<vmem>>
        %parallel_loop3A_1993 = tpu.memref_squeeze %parallel_loop3A_1992 : memref<1x128x128xf32, #tpu.memory_space<vmem>> -> memref<128x128xf32, #tpu.memory_space<vmem>>
        %parallel_loop3A_1994 = arith.index_cast %parallel_loop3A_1967 : i32 to index
        %parallel_loop3A_1995 = arith.constant 16 : index
        %parallel_loop3A_1996 = tpu.vector_load %parallel_loop3A_1993[%parallel_loop3A_1994, %parallel_loop3A_1995] {strides = array<i32>} : memref<128x128xf32, #tpu.memory_space<vmem>>, vector<16xf32>,
        %parallel_loop3A_1997 = arith.mulf %parallel_loop3A_1989, %parallel_loop3A_1996 : vector<16xf32>
        %parallel_loop3A_1998 = arith.constant 0 : i32
        %parallel_loop3A_1999 = arith.constant 0 : i32
        %parallel_loop3A_2000 = tpu.memref_slice %arg9[%rem3A_41, %parallel_loop3A_1998, %parallel_loop3A_1999] : memref<2x128x128xf32, #tpu.memory_space<vmem>> -> memref<1x128x128xf32, #tpu.memory_space<vmem>>
        %parallel_loop3A_2001 = tpu.memref_squeeze %parallel_loop3A_2000 : memref<1x128x128xf32, #tpu.memory_space<vmem>> -> memref<128x128xf32, #tpu.memory_space<vmem>>
        %parallel_loop3A_2002 = arith.index_cast %parallel_loop3A_1967 : i32 to index
        %parallel_loop3A_2003 = arith.constant 32 : index
        %parallel_loop3A_2004 = tpu.vector_load %parallel_loop3A_2001[%parallel_loop3A_2002, %parallel_loop3A_2003] {strides = array<i32>} : memref<128x128xf32, #tpu.memory_space<vmem>>, vector<16xf32>,
        %parallel_loop3A_2005 = arith.constant 0 : i32
        %parallel_loop3A_2006 = arith.constant 0 : i32
        %parallel_loop3A_2007 = tpu.memref_slice %arg10[%rem3A_41, %parallel_loop3A_2005, %parallel_loop3A_2006] : memref<2x128x128xf32, #tpu.memory_space<vmem>> -> memref<1x128x128xf32, #tpu.memory_space<vmem>>
        %parallel_loop3A_2008 = tpu.memref_squeeze %parallel_loop3A_2007 : memref<1x128x128xf32, #tpu.memory_space<vmem>> -> memref<128x128xf32, #tpu.memory_space<vmem>>
        %parallel_loop3A_2009 = arith.index_cast %parallel_loop3A_1967 : i32 to index
        %parallel_loop3A_2010 = arith.constant 32 : index
        %parallel_loop3A_2011 = tpu.vector_load %parallel_loop3A_2008[%parallel_loop3A_2009, %parallel_loop3A_2010] {strides = array<i32>} : memref<128x128xf32, #tpu.memory_space<vmem>>, vector<16xf32>,
        %parallel_loop3A_2012 = arith.mulf %parallel_loop3A_2004, %parallel_loop3A_2011 : vector<16xf32>
        %parallel_loop3A_2013 = arith.constant 0 : i32
        %parallel_loop3A_2014 = arith.constant 0 : i32
        %parallel_loop3A_2015 = tpu.memref_slice %arg9[%rem3A_41, %parallel_loop3A_2013, %parallel_loop3A_2014] : memref<2x128x128xf32, #tpu.memory_space<vmem>> -> memref<1x128x128xf32, #tpu.memory_space<vmem>>
        %parallel_loop3A_2016 = tpu.memref_squeeze %parallel_loop3A_2015 : memref<1x128x128xf32, #tpu.memory_space<vmem>> -> memref<128x128xf32, #tpu.memory_space<vmem>>
        %parallel_loop3A_2017 = arith.index_cast %parallel_loop3A_1967 : i32 to index
        %parallel_loop3A_2018 = arith.constant 48 : index
        %parallel_loop3A_2019 = tpu.vector_load %parallel_loop3A_2016[%parallel_loop3A_2017, %parallel_loop3A_2018] {strides = array<i32>} : memref<128x128xf32, #tpu.memory_space<vmem>>, vector<16xf32>,
        %parallel_loop3A_2020 = arith.constant 0 : i32
        %parallel_loop3A_2021 = arith.constant 0 : i32
        %parallel_loop3A_2022 = tpu.memref_slice %arg10[%rem3A_41, %parallel_loop3A_2020, %parallel_loop3A_2021] : memref<2x128x128xf32, #tpu.memory_space<vmem>> -> memref<1x128x128xf32, #tpu.memory_space<vmem>>
        %parallel_loop3A_2023 = tpu.memref_squeeze %parallel_loop3A_2022 : memref<1x128x128xf32, #tpu.memory_space<vmem>> -> memref<128x128xf32, #tpu.memory_space<vmem>>
        %parallel_loop3A_2024 = arith.index_cast %parallel_loop3A_1967 : i32 to index
        %parallel_loop3A_2025 = arith.constant 48 : index
        %parallel_loop3A_2026 = tpu.vector_load %parallel_loop3A_2023[%parallel_loop3A_2024, %parallel_loop3A_2025] {strides = array<i32>} : memref<128x128xf32, #tpu.memory_space<vmem>>, vector<16xf32>,
        %parallel_loop3A_2027 = arith.mulf %parallel_loop3A_2019, %parallel_loop3A_2026 : vector<16xf32>
        %parallel_loop3A_2028 = arith.constant 0 : i32
        %parallel_loop3A_2029 = arith.constant 0 : i32
        %parallel_loop3A_2030 = tpu.memref_slice %arg9[%rem3A_41, %parallel_loop3A_2028, %parallel_loop3A_2029] : memref<2x128x128xf32, #tpu.memory_space<vmem>> -> memref<1x128x128xf32, #tpu.memory_space<vmem>>
        %parallel_loop3A_2031 = tpu.memref_squeeze %parallel_loop3A_2030 : memref<1x128x128xf32, #tpu.memory_space<vmem>> -> memref<128x128xf32, #tpu.memory_space<vmem>>
        %parallel_loop3A_2032 = arith.index_cast %parallel_loop3A_1967 : i32 to index
        %parallel_loop3A_2033 = arith.constant 64 : index
        %parallel_loop3A_2034 = tpu.vector_load %parallel_loop3A_2031[%parallel_loop3A_2032, %parallel_loop3A_2033] {strides = array<i32>} : memref<128x128xf32, #tpu.memory_space<vmem>>, vector<16xf32>,
        %parallel_loop3A_2035 = arith.constant 0 : i32
        %parallel_loop3A_2036 = arith.constant 0 : i32
        %parallel_loop3A_2037 = tpu.memref_slice %arg10[%rem3A_41, %parallel_loop3A_2035, %parallel_loop3A_2036] : memref<2x128x128xf32, #tpu.memory_space<vmem>> -> memref<1x128x128xf32, #tpu.memory_space<vmem>>
        %parallel_loop3A_2038 = tpu.memref_squeeze %parallel_loop3A_2037 : memref<1x128x128xf32, #tpu.memory_space<vmem>> -> memref<128x128xf32, #tpu.memory_space<vmem>>
        %parallel_loop3A_2039 = arith.index_cast %parallel_loop3A_1967 : i32 to index
        %parallel_loop3A_2040 = arith.constant 64 : index
        %parallel_loop3A_2041 = tpu.vector_load %parallel_loop3A_2038[%parallel_loop3A_2039, %parallel_loop3A_2040] {strides = array<i32>} : memref<128x128xf32, #tpu.memory_space<vmem>>, vector<16xf32>,
        %parallel_loop3A_2042 = arith.mulf %parallel_loop3A_2034, %parallel_loop3A_2041 : vector<16xf32>
        %parallel_loop3A_2043 = arith.constant 0 : i32
        %parallel_loop3A_2044 = arith.constant 0 : i32
        %parallel_loop3A_2045 = tpu.memref_slice %arg9[%rem3A_41, %parallel_loop3A_2043, %parallel_loop3A_2044] : memref<2x128x128xf32, #tpu.memory_space<vmem>> -> memref<1x128x128xf32, #tpu.memory_space<vmem>>
        %parallel_loop3A_2046 = tpu.memref_squeeze %parallel_loop3A_2045 : memref<1x128x128xf32, #tpu.memory_space<vmem>> -> memref<128x128xf32, #tpu.memory_space<vmem>>
        %parallel_loop3A_2047 = arith.index_cast %parallel_loop3A_1967 : i32 to index
        %parallel_loop3A_2048 = arith.constant 80 : index
        %parallel_loop3A_2049 = tpu.vector_load %parallel_loop3A_2046[%parallel_loop3A_2047, %parallel_loop3A_2048] {strides = array<i32>} : memref<128x128xf32, #tpu.memory_space<vmem>>, vector<16xf32>,
        %parallel_loop3A_2050 = arith.constant 0 : i32
        %parallel_loop3A_2051 = arith.constant 0 : i32
        %parallel_loop3A_2052 = tpu.memref_slice %arg10[%rem3A_41, %parallel_loop3A_2050, %parallel_loop3A_2051] : memref<2x128x128xf32, #tpu.memory_space<vmem>> -> memref<1x128x128xf32, #tpu.memory_space<vmem>>
        %parallel_loop3A_2053 = tpu.memref_squeeze %parallel_loop3A_2052 : memref<1x128x128xf32, #tpu.memory_space<vmem>> -> memref<128x128xf32, #tpu.memory_space<vmem>>
        %parallel_loop3A_2054 = arith.index_cast %parallel_loop3A_1967 : i32 to index
        %parallel_loop3A_2055 = arith.constant 80 : index
        %parallel_loop3A_2056 = tpu.vector_load %parallel_loop3A_2053[%parallel_loop3A_2054, %parallel_loop3A_2055] {strides = array<i32>} : memref<128x128xf32, #tpu.memory_space<vmem>>, vector<16xf32>,
        %parallel_loop3A_2057 = arith.mulf %parallel_loop3A_2049, %parallel_loop3A_2056 : vector<16xf32>
        %parallel_loop3A_2058 = arith.constant 0 : i32
        %parallel_loop3A_2059 = arith.constant 0 : i32
        %parallel_loop3A_2060 = tpu.memref_slice %arg9[%rem3A_41, %parallel_loop3A_2058, %parallel_loop3A_2059] : memref<2x128x128xf32, #tpu.memory_space<vmem>> -> memref<1x128x128xf32, #tpu.memory_space<vmem>>
        %parallel_loop3A_2061 = tpu.memref_squeeze %parallel_loop3A_2060 : memref<1x128x128xf32, #tpu.memory_space<vmem>> -> memref<128x128xf32, #tpu.memory_space<vmem>>
        %parallel_loop3A_2062 = arith.index_cast %parallel_loop3A_1967 : i32 to index
        %parallel_loop3A_2063 = arith.constant 96 : index
        %parallel_loop3A_2064 = tpu.vector_load %parallel_loop3A_2061[%parallel_loop3A_2062, %parallel_loop3A_2063] {strides = array<i32>} : memref<128x128xf32, #tpu.memory_space<vmem>>, vector<16xf32>,
        %parallel_loop3A_2065 = arith.constant 0 : i32
        %parallel_loop3A_2066 = arith.constant 0 : i32
        %parallel_loop3A_2067 = tpu.memref_slice %arg10[%rem3A_41, %parallel_loop3A_2065, %parallel_loop3A_2066] : memref<2x128x128xf32, #tpu.memory_space<vmem>> -> memref<1x128x128xf32, #tpu.memory_space<vmem>>
        %parallel_loop3A_2068 = tpu.memref_squeeze %parallel_loop3A_2067 : memref<1x128x128xf32, #tpu.memory_space<vmem>> -> memref<128x128xf32, #tpu.memory_space<vmem>>
        %parallel_loop3A_2069 = arith.index_cast %parallel_loop3A_1967 : i32 to index
        %parallel_loop3A_2070 = arith.constant 96 : index
        %parallel_loop3A_2071 = tpu.vector_load %parallel_loop3A_2068[%parallel_loop3A_2069, %parallel_loop3A_2070] {strides = array<i32>} : memref<128x128xf32, #tpu.memory_space<vmem>>, vector<16xf32>,
        %parallel_loop3A_2072 = arith.mulf %parallel_loop3A_2064, %parallel_loop3A_2071 : vector<16xf32>
        %parallel_loop3A_2073 = arith.constant 0 : i32
        %parallel_loop3A_2074 = arith.constant 0 : i32
        %parallel_loop3A_2075 = tpu.memref_slice %arg9[%rem3A_41, %parallel_loop3A_2073, %parallel_loop3A_2074] : memref<2x128x128xf32, #tpu.memory_space<vmem>> -> memref<1x128x128xf32, #tpu.memory_space<vmem>>
        %parallel_loop3A_2076 = tpu.memref_squeeze %parallel_loop3A_2075 : memref<1x128x128xf32, #tpu.memory_space<vmem>> -> memref<128x128xf32, #tpu.memory_space<vmem>>
        %parallel_loop3A_2077 = arith.index_cast %parallel_loop3A_1967 : i32 to index
        %parallel_loop3A_2078 = arith.constant 112 : index
        %parallel_loop3A_2079 = tpu.vector_load %parallel_loop3A_2076[%parallel_loop3A_2077, %parallel_loop3A_2078] {strides = array<i32>} : memref<128x128xf32, #tpu.memory_space<vmem>>, vector<16xf32>,
        %parallel_loop3A_2080 = arith.constant 0 : i32
        %parallel_loop3A_2081 = arith.constant 0 : i32
        %parallel_loop3A_2082 = tpu.memref_slice %arg10[%rem3A_41, %parallel_loop3A_2080, %parallel_loop3A_2081] : memref<2x128x128xf32, #tpu.memory_space<vmem>> -> memref<1x128x128xf32, #tpu.memory_space<vmem>>
        %parallel_loop3A_2083 = tpu.memref_squeeze %parallel_loop3A_2082 : memref<1x128x128xf32, #tpu.memory_space<vmem>> -> memref<128x128xf32, #tpu.memory_space<vmem>>
        %parallel_loop3A_2084 = arith.index_cast %parallel_loop3A_1967 : i32 to index
        %parallel_loop3A_2085 = arith.constant 112 : index
        %parallel_loop3A_2086 = tpu.vector_load %parallel_loop3A_2083[%parallel_loop3A_2084, %parallel_loop3A_2085] {strides = array<i32>} : memref<128x128xf32, #tpu.memory_space<vmem>>, vector<16xf32>,
        %parallel_loop3A_2087 = arith.mulf %parallel_loop3A_2079, %parallel_loop3A_2086 : vector<16xf32>
        %parallel_loop3A_2088 = arith.addf %parallel_loop3A_1982, %parallel_loop3A_1997 : vector<16xf32>
        %parallel_loop3A_2089 = arith.addf %parallel_loop3A_2012, %parallel_loop3A_2027 : vector<16xf32>
        %parallel_loop3A_2090 = arith.addf %parallel_loop3A_2042, %parallel_loop3A_2057 : vector<16xf32>
        %parallel_loop3A_2091 = arith.addf %parallel_loop3A_2072, %parallel_loop3A_2087 : vector<16xf32>
        %parallel_loop3A_2092 = arith.addf %parallel_loop3A_2088, %parallel_loop3A_2089 : vector<16xf32>
        %parallel_loop3A_2093 = arith.addf %parallel_loop3A_2090, %parallel_loop3A_2091 : vector<16xf32>
        %parallel_loop3A_2094 = arith.addf %parallel_loop3A_2092, %parallel_loop3A_2093 : vector<16xf32>
        %parallel_loop3A_2095 = arith.constant 238 : i32
        %parallel_loop3A_2096 = arith.addi %parallel_loop3A_73, %parallel_loop3A_2095 : i32
        %parallel_loop3A_2097 = arith.index_cast %parallel_loop3A_2096 : i32 to index
        %parallel_loop3A_2098 = tpu.vector_load %arg11[%parallel_loop3A_2097] {strides = array<i32>} : memref<2176xf32, #tpu.memory_space<vmem>>, vector<16xf32>,
        tpu.vector_store %arg11[%parallel_loop3A_2097], %parallel_loop3A_2094 {strides = array<i32>} : memref<2176xf32, #tpu.memory_space<vmem>>, vector<16xf32>,
        %parallel_loop3A_2099 = arith.constant 16 : i32
        %parallel_loop3A_2100 = arith.muli %parallel_loop3A_71, %parallel_loop3A_2099 : i32
        %parallel_loop3A_2101 = arith.constant 15 : i32
        %parallel_loop3A_2102 = arith.addi %parallel_loop3A_2100, %parallel_loop3A_2101 : i32
        %parallel_loop3A_2103 = arith.constant 0 : i32
        %parallel_loop3A_2104 = arith.constant 0 : i32
        %parallel_loop3A_2105 = tpu.memref_slice %arg9[%rem3A_41, %parallel_loop3A_2103, %parallel_loop3A_2104] : memref<2x128x128xf32, #tpu.memory_space<vmem>> -> memref<1x128x128xf32, #tpu.memory_space<vmem>>
        %parallel_loop3A_2106 = tpu.memref_squeeze %parallel_loop3A_2105 : memref<1x128x128xf32, #tpu.memory_space<vmem>> -> memref<128x128xf32, #tpu.memory_space<vmem>>
        %parallel_loop3A_2107 = arith.index_cast %parallel_loop3A_2102 : i32 to index
        %parallel_loop3A_2108 = arith.constant 0 : index
        %parallel_loop3A_2109 = tpu.vector_load %parallel_loop3A_2106[%parallel_loop3A_2107, %parallel_loop3A_2108] {strides = array<i32>} : memref<128x128xf32, #tpu.memory_space<vmem>>, vector<16xf32>,
        %parallel_loop3A_2110 = arith.constant 0 : i32
        %parallel_loop3A_2111 = arith.constant 0 : i32
        %parallel_loop3A_2112 = tpu.memref_slice %arg10[%rem3A_41, %parallel_loop3A_2110, %parallel_loop3A_2111] : memref<2x128x128xf32, #tpu.memory_space<vmem>> -> memref<1x128x128xf32, #tpu.memory_space<vmem>>
        %parallel_loop3A_2113 = tpu.memref_squeeze %parallel_loop3A_2112 : memref<1x128x128xf32, #tpu.memory_space<vmem>> -> memref<128x128xf32, #tpu.memory_space<vmem>>
        %parallel_loop3A_2114 = arith.index_cast %parallel_loop3A_2102 : i32 to index
        %parallel_loop3A_2115 = arith.constant 0 : index
        %parallel_loop3A_2116 = tpu.vector_load %parallel_loop3A_2113[%parallel_loop3A_2114, %parallel_loop3A_2115] {strides = array<i32>} : memref<128x128xf32, #tpu.memory_space<vmem>>, vector<16xf32>,
        %parallel_loop3A_2117 = arith.mulf %parallel_loop3A_2109, %parallel_loop3A_2116 : vector<16xf32>
        %parallel_loop3A_2118 = arith.constant 0 : i32
        %parallel_loop3A_2119 = arith.constant 0 : i32
        %parallel_loop3A_2120 = tpu.memref_slice %arg9[%rem3A_41, %parallel_loop3A_2118, %parallel_loop3A_2119] : memref<2x128x128xf32, #tpu.memory_space<vmem>> -> memref<1x128x128xf32, #tpu.memory_space<vmem>>
        %parallel_loop3A_2121 = tpu.memref_squeeze %parallel_loop3A_2120 : memref<1x128x128xf32, #tpu.memory_space<vmem>> -> memref<128x128xf32, #tpu.memory_space<vmem>>
        %parallel_loop3A_2122 = arith.index_cast %parallel_loop3A_2102 : i32 to index
        %parallel_loop3A_2123 = arith.constant 16 : index
        %parallel_loop3A_2124 = tpu.vector_load %parallel_loop3A_2121[%parallel_loop3A_2122, %parallel_loop3A_2123] {strides = array<i32>} : memref<128x128xf32, #tpu.memory_space<vmem>>, vector<16xf32>,
        %parallel_loop3A_2125 = arith.constant 0 : i32
        %parallel_loop3A_2126 = arith.constant 0 : i32
        %parallel_loop3A_2127 = tpu.memref_slice %arg10[%rem3A_41, %parallel_loop3A_2125, %parallel_loop3A_2126] : memref<2x128x128xf32, #tpu.memory_space<vmem>> -> memref<1x128x128xf32, #tpu.memory_space<vmem>>
        %parallel_loop3A_2128 = tpu.memref_squeeze %parallel_loop3A_2127 : memref<1x128x128xf32, #tpu.memory_space<vmem>> -> memref<128x128xf32, #tpu.memory_space<vmem>>
        %parallel_loop3A_2129 = arith.index_cast %parallel_loop3A_2102 : i32 to index
        %parallel_loop3A_2130 = arith.constant 16 : index
        %parallel_loop3A_2131 = tpu.vector_load %parallel_loop3A_2128[%parallel_loop3A_2129, %parallel_loop3A_2130] {strides = array<i32>} : memref<128x128xf32, #tpu.memory_space<vmem>>, vector<16xf32>,
        %parallel_loop3A_2132 = arith.mulf %parallel_loop3A_2124, %parallel_loop3A_2131 : vector<16xf32>
        %parallel_loop3A_2133 = arith.constant 0 : i32
        %parallel_loop3A_2134 = arith.constant 0 : i32
        %parallel_loop3A_2135 = tpu.memref_slice %arg9[%rem3A_41, %parallel_loop3A_2133, %parallel_loop3A_2134] : memref<2x128x128xf32, #tpu.memory_space<vmem>> -> memref<1x128x128xf32, #tpu.memory_space<vmem>>
        %parallel_loop3A_2136 = tpu.memref_squeeze %parallel_loop3A_2135 : memref<1x128x128xf32, #tpu.memory_space<vmem>> -> memref<128x128xf32, #tpu.memory_space<vmem>>
        %parallel_loop3A_2137 = arith.index_cast %parallel_loop3A_2102 : i32 to index
        %parallel_loop3A_2138 = arith.constant 32 : index
        %parallel_loop3A_2139 = tpu.vector_load %parallel_loop3A_2136[%parallel_loop3A_2137, %parallel_loop3A_2138] {strides = array<i32>} : memref<128x128xf32, #tpu.memory_space<vmem>>, vector<16xf32>,
        %parallel_loop3A_2140 = arith.constant 0 : i32
        %parallel_loop3A_2141 = arith.constant 0 : i32
        %parallel_loop3A_2142 = tpu.memref_slice %arg10[%rem3A_41, %parallel_loop3A_2140, %parallel_loop3A_2141] : memref<2x128x128xf32, #tpu.memory_space<vmem>> -> memref<1x128x128xf32, #tpu.memory_space<vmem>>
        %parallel_loop3A_2143 = tpu.memref_squeeze %parallel_loop3A_2142 : memref<1x128x128xf32, #tpu.memory_space<vmem>> -> memref<128x128xf32, #tpu.memory_space<vmem>>
        %parallel_loop3A_2144 = arith.index_cast %parallel_loop3A_2102 : i32 to index
        %parallel_loop3A_2145 = arith.constant 32 : index
        %parallel_loop3A_2146 = tpu.vector_load %parallel_loop3A_2143[%parallel_loop3A_2144, %parallel_loop3A_2145] {strides = array<i32>} : memref<128x128xf32, #tpu.memory_space<vmem>>, vector<16xf32>,
        %parallel_loop3A_2147 = arith.mulf %parallel_loop3A_2139, %parallel_loop3A_2146 : vector<16xf32>
        %parallel_loop3A_2148 = arith.constant 0 : i32
        %parallel_loop3A_2149 = arith.constant 0 : i32
        %parallel_loop3A_2150 = tpu.memref_slice %arg9[%rem3A_41, %parallel_loop3A_2148, %parallel_loop3A_2149] : memref<2x128x128xf32, #tpu.memory_space<vmem>> -> memref<1x128x128xf32, #tpu.memory_space<vmem>>
        %parallel_loop3A_2151 = tpu.memref_squeeze %parallel_loop3A_2150 : memref<1x128x128xf32, #tpu.memory_space<vmem>> -> memref<128x128xf32, #tpu.memory_space<vmem>>
        %parallel_loop3A_2152 = arith.index_cast %parallel_loop3A_2102 : i32 to index
        %parallel_loop3A_2153 = arith.constant 48 : index
        %parallel_loop3A_2154 = tpu.vector_load %parallel_loop3A_2151[%parallel_loop3A_2152, %parallel_loop3A_2153] {strides = array<i32>} : memref<128x128xf32, #tpu.memory_space<vmem>>, vector<16xf32>,
        %parallel_loop3A_2155 = arith.constant 0 : i32
        %parallel_loop3A_2156 = arith.constant 0 : i32
        %parallel_loop3A_2157 = tpu.memref_slice %arg10[%rem3A_41, %parallel_loop3A_2155, %parallel_loop3A_2156] : memref<2x128x128xf32, #tpu.memory_space<vmem>> -> memref<1x128x128xf32, #tpu.memory_space<vmem>>
        %parallel_loop3A_2158 = tpu.memref_squeeze %parallel_loop3A_2157 : memref<1x128x128xf32, #tpu.memory_space<vmem>> -> memref<128x128xf32, #tpu.memory_space<vmem>>
        %parallel_loop3A_2159 = arith.index_cast %parallel_loop3A_2102 : i32 to index
        %parallel_loop3A_2160 = arith.constant 48 : index
        %parallel_loop3A_2161 = tpu.vector_load %parallel_loop3A_2158[%parallel_loop3A_2159, %parallel_loop3A_2160] {strides = array<i32>} : memref<128x128xf32, #tpu.memory_space<vmem>>, vector<16xf32>,
        %parallel_loop3A_2162 = arith.mulf %parallel_loop3A_2154, %parallel_loop3A_2161 : vector<16xf32>
        %parallel_loop3A_2163 = arith.constant 0 : i32
        %parallel_loop3A_2164 = arith.constant 0 : i32
        %parallel_loop3A_2165 = tpu.memref_slice %arg9[%rem3A_41, %parallel_loop3A_2163, %parallel_loop3A_2164] : memref<2x128x128xf32, #tpu.memory_space<vmem>> -> memref<1x128x128xf32, #tpu.memory_space<vmem>>
        %parallel_loop3A_2166 = tpu.memref_squeeze %parallel_loop3A_2165 : memref<1x128x128xf32, #tpu.memory_space<vmem>> -> memref<128x128xf32, #tpu.memory_space<vmem>>
        %parallel_loop3A_2167 = arith.index_cast %parallel_loop3A_2102 : i32 to index
        %parallel_loop3A_2168 = arith.constant 64 : index
        %parallel_loop3A_2169 = tpu.vector_load %parallel_loop3A_2166[%parallel_loop3A_2167, %parallel_loop3A_2168] {strides = array<i32>} : memref<128x128xf32, #tpu.memory_space<vmem>>, vector<16xf32>,
        %parallel_loop3A_2170 = arith.constant 0 : i32
        %parallel_loop3A_2171 = arith.constant 0 : i32
        %parallel_loop3A_2172 = tpu.memref_slice %arg10[%rem3A_41, %parallel_loop3A_2170, %parallel_loop3A_2171] : memref<2x128x128xf32, #tpu.memory_space<vmem>> -> memref<1x128x128xf32, #tpu.memory_space<vmem>>
        %parallel_loop3A_2173 = tpu.memref_squeeze %parallel_loop3A_2172 : memref<1x128x128xf32, #tpu.memory_space<vmem>> -> memref<128x128xf32, #tpu.memory_space<vmem>>
        %parallel_loop3A_2174 = arith.index_cast %parallel_loop3A_2102 : i32 to index
        %parallel_loop3A_2175 = arith.constant 64 : index
        %parallel_loop3A_2176 = tpu.vector_load %parallel_loop3A_2173[%parallel_loop3A_2174, %parallel_loop3A_2175] {strides = array<i32>} : memref<128x128xf32, #tpu.memory_space<vmem>>, vector<16xf32>,
        %parallel_loop3A_2177 = arith.mulf %parallel_loop3A_2169, %parallel_loop3A_2176 : vector<16xf32>
        %parallel_loop3A_2178 = arith.constant 0 : i32
        %parallel_loop3A_2179 = arith.constant 0 : i32
        %parallel_loop3A_2180 = tpu.memref_slice %arg9[%rem3A_41, %parallel_loop3A_2178, %parallel_loop3A_2179] : memref<2x128x128xf32, #tpu.memory_space<vmem>> -> memref<1x128x128xf32, #tpu.memory_space<vmem>>
        %parallel_loop3A_2181 = tpu.memref_squeeze %parallel_loop3A_2180 : memref<1x128x128xf32, #tpu.memory_space<vmem>> -> memref<128x128xf32, #tpu.memory_space<vmem>>
        %parallel_loop3A_2182 = arith.index_cast %parallel_loop3A_2102 : i32 to index
        %parallel_loop3A_2183 = arith.constant 80 : index
        %parallel_loop3A_2184 = tpu.vector_load %parallel_loop3A_2181[%parallel_loop3A_2182, %parallel_loop3A_2183] {strides = array<i32>} : memref<128x128xf32, #tpu.memory_space<vmem>>, vector<16xf32>,
        %parallel_loop3A_2185 = arith.constant 0 : i32
        %parallel_loop3A_2186 = arith.constant 0 : i32
        %parallel_loop3A_2187 = tpu.memref_slice %arg10[%rem3A_41, %parallel_loop3A_2185, %parallel_loop3A_2186] : memref<2x128x128xf32, #tpu.memory_space<vmem>> -> memref<1x128x128xf32, #tpu.memory_space<vmem>>
        %parallel_loop3A_2188 = tpu.memref_squeeze %parallel_loop3A_2187 : memref<1x128x128xf32, #tpu.memory_space<vmem>> -> memref<128x128xf32, #tpu.memory_space<vmem>>
        %parallel_loop3A_2189 = arith.index_cast %parallel_loop3A_2102 : i32 to index
        %parallel_loop3A_2190 = arith.constant 80 : index
        %parallel_loop3A_2191 = tpu.vector_load %parallel_loop3A_2188[%parallel_loop3A_2189, %parallel_loop3A_2190] {strides = array<i32>} : memref<128x128xf32, #tpu.memory_space<vmem>>, vector<16xf32>,
        %parallel_loop3A_2192 = arith.mulf %parallel_loop3A_2184, %parallel_loop3A_2191 : vector<16xf32>
        %parallel_loop3A_2193 = arith.constant 0 : i32
        %parallel_loop3A_2194 = arith.constant 0 : i32
        %parallel_loop3A_2195 = tpu.memref_slice %arg9[%rem3A_41, %parallel_loop3A_2193, %parallel_loop3A_2194] : memref<2x128x128xf32, #tpu.memory_space<vmem>> -> memref<1x128x128xf32, #tpu.memory_space<vmem>>
        %parallel_loop3A_2196 = tpu.memref_squeeze %parallel_loop3A_2195 : memref<1x128x128xf32, #tpu.memory_space<vmem>> -> memref<128x128xf32, #tpu.memory_space<vmem>>
        %parallel_loop3A_2197 = arith.index_cast %parallel_loop3A_2102 : i32 to index
        %parallel_loop3A_2198 = arith.constant 96 : index
        %parallel_loop3A_2199 = tpu.vector_load %parallel_loop3A_2196[%parallel_loop3A_2197, %parallel_loop3A_2198] {strides = array<i32>} : memref<128x128xf32, #tpu.memory_space<vmem>>, vector<16xf32>,
        %parallel_loop3A_2200 = arith.constant 0 : i32
        %parallel_loop3A_2201 = arith.constant 0 : i32
        %parallel_loop3A_2202 = tpu.memref_slice %arg10[%rem3A_41, %parallel_loop3A_2200, %parallel_loop3A_2201] : memref<2x128x128xf32, #tpu.memory_space<vmem>> -> memref<1x128x128xf32, #tpu.memory_space<vmem>>
        %parallel_loop3A_2203 = tpu.memref_squeeze %parallel_loop3A_2202 : memref<1x128x128xf32, #tpu.memory_space<vmem>> -> memref<128x128xf32, #tpu.memory_space<vmem>>
        %parallel_loop3A_2204 = arith.index_cast %parallel_loop3A_2102 : i32 to index
        %parallel_loop3A_2205 = arith.constant 96 : index
        %parallel_loop3A_2206 = tpu.vector_load %parallel_loop3A_2203[%parallel_loop3A_2204, %parallel_loop3A_2205] {strides = array<i32>} : memref<128x128xf32, #tpu.memory_space<vmem>>, vector<16xf32>,
        %parallel_loop3A_2207 = arith.mulf %parallel_loop3A_2199, %parallel_loop3A_2206 : vector<16xf32>
        %parallel_loop3A_2208 = arith.constant 0 : i32
        %parallel_loop3A_2209 = arith.constant 0 : i32
        %parallel_loop3A_2210 = tpu.memref_slice %arg9[%rem3A_41, %parallel_loop3A_2208, %parallel_loop3A_2209] : memref<2x128x128xf32, #tpu.memory_space<vmem>> -> memref<1x128x128xf32, #tpu.memory_space<vmem>>
        %parallel_loop3A_2211 = tpu.memref_squeeze %parallel_loop3A_2210 : memref<1x128x128xf32, #tpu.memory_space<vmem>> -> memref<128x128xf32, #tpu.memory_space<vmem>>
        %parallel_loop3A_2212 = arith.index_cast %parallel_loop3A_2102 : i32 to index
        %parallel_loop3A_2213 = arith.constant 112 : index
        %parallel_loop3A_2214 = tpu.vector_load %parallel_loop3A_2211[%parallel_loop3A_2212, %parallel_loop3A_2213] {strides = array<i32>} : memref<128x128xf32, #tpu.memory_space<vmem>>, vector<16xf32>,
        %parallel_loop3A_2215 = arith.constant 0 : i32
        %parallel_loop3A_2216 = arith.constant 0 : i32
        %parallel_loop3A_2217 = tpu.memref_slice %arg10[%rem3A_41, %parallel_loop3A_2215, %parallel_loop3A_2216] : memref<2x128x128xf32, #tpu.memory_space<vmem>> -> memref<1x128x128xf32, #tpu.memory_space<vmem>>
        %parallel_loop3A_2218 = tpu.memref_squeeze %parallel_loop3A_2217 : memref<1x128x128xf32, #tpu.memory_space<vmem>> -> memref<128x128xf32, #tpu.memory_space<vmem>>
        %parallel_loop3A_2219 = arith.index_cast %parallel_loop3A_2102 : i32 to index
        %parallel_loop3A_2220 = arith.constant 112 : index
        %parallel_loop3A_2221 = tpu.vector_load %parallel_loop3A_2218[%parallel_loop3A_2219, %parallel_loop3A_2220] {strides = array<i32>} : memref<128x128xf32, #tpu.memory_space<vmem>>, vector<16xf32>,
        %parallel_loop3A_2222 = arith.mulf %parallel_loop3A_2214, %parallel_loop3A_2221 : vector<16xf32>
        %parallel_loop3A_2223 = arith.addf %parallel_loop3A_2117, %parallel_loop3A_2132 : vector<16xf32>
        %parallel_loop3A_2224 = arith.addf %parallel_loop3A_2147, %parallel_loop3A_2162 : vector<16xf32>
        %parallel_loop3A_2225 = arith.addf %parallel_loop3A_2177, %parallel_loop3A_2192 : vector<16xf32>
        %parallel_loop3A_2226 = arith.addf %parallel_loop3A_2207, %parallel_loop3A_2222 : vector<16xf32>
        %parallel_loop3A_2227 = arith.addf %parallel_loop3A_2223, %parallel_loop3A_2224 : vector<16xf32>
        %parallel_loop3A_2228 = arith.addf %parallel_loop3A_2225, %parallel_loop3A_2226 : vector<16xf32>
        %parallel_loop3A_2229 = arith.addf %parallel_loop3A_2227, %parallel_loop3A_2228 : vector<16xf32>
        %parallel_loop3A_2230 = arith.constant 255 : i32
        %parallel_loop3A_2231 = arith.addi %parallel_loop3A_73, %parallel_loop3A_2230 : i32
        %parallel_loop3A_2232 = arith.index_cast %parallel_loop3A_2231 : i32 to index
        %parallel_loop3A_2233 = tpu.vector_load %arg11[%parallel_loop3A_2232] {strides = array<i32>} : memref<2176xf32, #tpu.memory_space<vmem>>, vector<16xf32>,
        tpu.vector_store %arg11[%parallel_loop3A_2232], %parallel_loop3A_2229 {strides = array<i32>} : memref<2176xf32, #tpu.memory_space<vmem>>, vector<16xf32>,
        %parallel_loop3A_2234 = arith.constant 17 : i32
        %parallel_loop3A_2235 = vector.broadcast %parallel_loop3A_2234 : i32 to vector<16xi32>
        %parallel_loop3A_2236 = arith.muli %iota3A, %parallel_loop3A_2235 : vector<16xi32>
        %parallel_loop3A_2237 = vector.broadcast %parallel_loop3A_73 : i32 to vector<16xi32>
        %parallel_loop3A_2238 = arith.addi %parallel_loop3A_2237, %parallel_loop3A_2236 : vector<16xi32>
        %parallel_loop3A_2239 = arith.constant 0 : i32
        %parallel_loop3A_2240 = vector.broadcast %parallel_loop3A_2239 : i32 to vector<16xi32>
        %parallel_loop3A_2241 = arith.addi %parallel_loop3A_2238, %parallel_loop3A_2240 : vector<16xi32>
        %parallel_loop3A_2242 = tpu.vector_load_idx %arg11[%parallel_loop3A_2241] : memref<2176xf32, #tpu.memory_space<vmem>>[vector<16xi32>], vector<16xf32>,
        %parallel_loop3A_2243 = arith.constant 17 : i32
        %parallel_loop3A_2244 = vector.broadcast %parallel_loop3A_2243 : i32 to vector<16xi32>
        %parallel_loop3A_2245 = arith.muli %iota3A, %parallel_loop3A_2244 : vector<16xi32>
        %parallel_loop3A_2246 = vector.broadcast %parallel_loop3A_73 : i32 to vector<16xi32>
        %parallel_loop3A_2247 = arith.addi %parallel_loop3A_2246, %parallel_loop3A_2245 : vector<16xi32>
        %parallel_loop3A_2248 = arith.constant 1 : i32
        %parallel_loop3A_2249 = vector.broadcast %parallel_loop3A_2248 : i32 to vector<16xi32>
        %parallel_loop3A_2250 = arith.addi %parallel_loop3A_2247, %parallel_loop3A_2249 : vector<16xi32>
        %parallel_loop3A_2251 = tpu.vector_load_idx %arg11[%parallel_loop3A_2250] : memref<2176xf32, #tpu.memory_space<vmem>>[vector<16xi32>], vector<16xf32>,
        %parallel_loop3A_2252 = arith.constant 17 : i32
        %parallel_loop3A_2253 = vector.broadcast %parallel_loop3A_2252 : i32 to vector<16xi32>
        %parallel_loop3A_2254 = arith.muli %iota3A, %parallel_loop3A_2253 : vector<16xi32>
        %parallel_loop3A_2255 = vector.broadcast %parallel_loop3A_73 : i32 to vector<16xi32>
        %parallel_loop3A_2256 = arith.addi %parallel_loop3A_2255, %parallel_loop3A_2254 : vector<16xi32>
        %parallel_loop3A_2257 = arith.constant 2 : i32
        %parallel_loop3A_2258 = vector.broadcast %parallel_loop3A_2257 : i32 to vector<16xi32>
        %parallel_loop3A_2259 = arith.addi %parallel_loop3A_2256, %parallel_loop3A_2258 : vector<16xi32>
        %parallel_loop3A_2260 = tpu.vector_load_idx %arg11[%parallel_loop3A_2259] : memref<2176xf32, #tpu.memory_space<vmem>>[vector<16xi32>], vector<16xf32>,
        %parallel_loop3A_2261 = arith.constant 17 : i32
        %parallel_loop3A_2262 = vector.broadcast %parallel_loop3A_2261 : i32 to vector<16xi32>
        %parallel_loop3A_2263 = arith.muli %iota3A, %parallel_loop3A_2262 : vector<16xi32>
        %parallel_loop3A_2264 = vector.broadcast %parallel_loop3A_73 : i32 to vector<16xi32>
        %parallel_loop3A_2265 = arith.addi %parallel_loop3A_2264, %parallel_loop3A_2263 : vector<16xi32>
        %parallel_loop3A_2266 = arith.constant 3 : i32
        %parallel_loop3A_2267 = vector.broadcast %parallel_loop3A_2266 : i32 to vector<16xi32>
        %parallel_loop3A_2268 = arith.addi %parallel_loop3A_2265, %parallel_loop3A_2267 : vector<16xi32>
        %parallel_loop3A_2269 = tpu.vector_load_idx %arg11[%parallel_loop3A_2268] : memref<2176xf32, #tpu.memory_space<vmem>>[vector<16xi32>], vector<16xf32>,
        %parallel_loop3A_2270 = arith.constant 17 : i32
        %parallel_loop3A_2271 = vector.broadcast %parallel_loop3A_2270 : i32 to vector<16xi32>
        %parallel_loop3A_2272 = arith.muli %iota3A, %parallel_loop3A_2271 : vector<16xi32>
        %parallel_loop3A_2273 = vector.broadcast %parallel_loop3A_73 : i32 to vector<16xi32>
        %parallel_loop3A_2274 = arith.addi %parallel_loop3A_2273, %parallel_loop3A_2272 : vector<16xi32>
        %parallel_loop3A_2275 = arith.constant 4 : i32
        %parallel_loop3A_2276 = vector.broadcast %parallel_loop3A_2275 : i32 to vector<16xi32>
        %parallel_loop3A_2277 = arith.addi %parallel_loop3A_2274, %parallel_loop3A_2276 : vector<16xi32>
        %parallel_loop3A_2278 = tpu.vector_load_idx %arg11[%parallel_loop3A_2277] : memref<2176xf32, #tpu.memory_space<vmem>>[vector<16xi32>], vector<16xf32>,
        %parallel_loop3A_2279 = arith.constant 17 : i32
        %parallel_loop3A_2280 = vector.broadcast %parallel_loop3A_2279 : i32 to vector<16xi32>
        %parallel_loop3A_2281 = arith.muli %iota3A, %parallel_loop3A_2280 : vector<16xi32>
        %parallel_loop3A_2282 = vector.broadcast %parallel_loop3A_73 : i32 to vector<16xi32>
        %parallel_loop3A_2283 = arith.addi %parallel_loop3A_2282, %parallel_loop3A_2281 : vector<16xi32>
        %parallel_loop3A_2284 = arith.constant 5 : i32
        %parallel_loop3A_2285 = vector.broadcast %parallel_loop3A_2284 : i32 to vector<16xi32>
        %parallel_loop3A_2286 = arith.addi %parallel_loop3A_2283, %parallel_loop3A_2285 : vector<16xi32>
        %parallel_loop3A_2287 = tpu.vector_load_idx %arg11[%parallel_loop3A_2286] : memref<2176xf32, #tpu.memory_space<vmem>>[vector<16xi32>], vector<16xf32>,
        %parallel_loop3A_2288 = arith.constant 17 : i32
        %parallel_loop3A_2289 = vector.broadcast %parallel_loop3A_2288 : i32 to vector<16xi32>
        %parallel_loop3A_2290 = arith.muli %iota3A, %parallel_loop3A_2289 : vector<16xi32>
        %parallel_loop3A_2291 = vector.broadcast %parallel_loop3A_73 : i32 to vector<16xi32>
        %parallel_loop3A_2292 = arith.addi %parallel_loop3A_2291, %parallel_loop3A_2290 : vector<16xi32>
        %parallel_loop3A_2293 = arith.constant 6 : i32
        %parallel_loop3A_2294 = vector.broadcast %parallel_loop3A_2293 : i32 to vector<16xi32>
        %parallel_loop3A_2295 = arith.addi %parallel_loop3A_2292, %parallel_loop3A_2294 : vector<16xi32>
        %parallel_loop3A_2296 = tpu.vector_load_idx %arg11[%parallel_loop3A_2295] : memref<2176xf32, #tpu.memory_space<vmem>>[vector<16xi32>], vector<16xf32>,
        %parallel_loop3A_2297 = arith.constant 17 : i32
        %parallel_loop3A_2298 = vector.broadcast %parallel_loop3A_2297 : i32 to vector<16xi32>
        %parallel_loop3A_2299 = arith.muli %iota3A, %parallel_loop3A_2298 : vector<16xi32>
        %parallel_loop3A_2300 = vector.broadcast %parallel_loop3A_73 : i32 to vector<16xi32>
        %parallel_loop3A_2301 = arith.addi %parallel_loop3A_2300, %parallel_loop3A_2299 : vector<16xi32>
        %parallel_loop3A_2302 = arith.constant 7 : i32
        %parallel_loop3A_2303 = vector.broadcast %parallel_loop3A_2302 : i32 to vector<16xi32>
        %parallel_loop3A_2304 = arith.addi %parallel_loop3A_2301, %parallel_loop3A_2303 : vector<16xi32>
        %parallel_loop3A_2305 = tpu.vector_load_idx %arg11[%parallel_loop3A_2304] : memref<2176xf32, #tpu.memory_space<vmem>>[vector<16xi32>], vector<16xf32>,
        %parallel_loop3A_2306 = arith.constant 17 : i32
        %parallel_loop3A_2307 = vector.broadcast %parallel_loop3A_2306 : i32 to vector<16xi32>
        %parallel_loop3A_2308 = arith.muli %iota3A, %parallel_loop3A_2307 : vector<16xi32>
        %parallel_loop3A_2309 = vector.broadcast %parallel_loop3A_73 : i32 to vector<16xi32>
        %parallel_loop3A_2310 = arith.addi %parallel_loop3A_2309, %parallel_loop3A_2308 : vector<16xi32>
        %parallel_loop3A_2311 = arith.constant 8 : i32
        %parallel_loop3A_2312 = vector.broadcast %parallel_loop3A_2311 : i32 to vector<16xi32>
        %parallel_loop3A_2313 = arith.addi %parallel_loop3A_2310, %parallel_loop3A_2312 : vector<16xi32>
        %parallel_loop3A_2314 = tpu.vector_load_idx %arg11[%parallel_loop3A_2313] : memref<2176xf32, #tpu.memory_space<vmem>>[vector<16xi32>], vector<16xf32>,
        %parallel_loop3A_2315 = arith.constant 17 : i32
        %parallel_loop3A_2316 = vector.broadcast %parallel_loop3A_2315 : i32 to vector<16xi32>
        %parallel_loop3A_2317 = arith.muli %iota3A, %parallel_loop3A_2316 : vector<16xi32>
        %parallel_loop3A_2318 = vector.broadcast %parallel_loop3A_73 : i32 to vector<16xi32>
        %parallel_loop3A_2319 = arith.addi %parallel_loop3A_2318, %parallel_loop3A_2317 : vector<16xi32>
        %parallel_loop3A_2320 = arith.constant 9 : i32
        %parallel_loop3A_2321 = vector.broadcast %parallel_loop3A_2320 : i32 to vector<16xi32>
        %parallel_loop3A_2322 = arith.addi %parallel_loop3A_2319, %parallel_loop3A_2321 : vector<16xi32>
        %parallel_loop3A_2323 = tpu.vector_load_idx %arg11[%parallel_loop3A_2322] : memref<2176xf32, #tpu.memory_space<vmem>>[vector<16xi32>], vector<16xf32>,
        %parallel_loop3A_2324 = arith.constant 17 : i32
        %parallel_loop3A_2325 = vector.broadcast %parallel_loop3A_2324 : i32 to vector<16xi32>
        %parallel_loop3A_2326 = arith.muli %iota3A, %parallel_loop3A_2325 : vector<16xi32>
        %parallel_loop3A_2327 = vector.broadcast %parallel_loop3A_73 : i32 to vector<16xi32>
        %parallel_loop3A_2328 = arith.addi %parallel_loop3A_2327, %parallel_loop3A_2326 : vector<16xi32>
        %parallel_loop3A_2329 = arith.constant 10 : i32
        %parallel_loop3A_2330 = vector.broadcast %parallel_loop3A_2329 : i32 to vector<16xi32>
        %parallel_loop3A_2331 = arith.addi %parallel_loop3A_2328, %parallel_loop3A_2330 : vector<16xi32>
        %parallel_loop3A_2332 = tpu.vector_load_idx %arg11[%parallel_loop3A_2331] : memref<2176xf32, #tpu.memory_space<vmem>>[vector<16xi32>], vector<16xf32>,
        %parallel_loop3A_2333 = arith.constant 17 : i32
        %parallel_loop3A_2334 = vector.broadcast %parallel_loop3A_2333 : i32 to vector<16xi32>
        %parallel_loop3A_2335 = arith.muli %iota3A, %parallel_loop3A_2334 : vector<16xi32>
        %parallel_loop3A_2336 = vector.broadcast %parallel_loop3A_73 : i32 to vector<16xi32>
        %parallel_loop3A_2337 = arith.addi %parallel_loop3A_2336, %parallel_loop3A_2335 : vector<16xi32>
        %parallel_loop3A_2338 = arith.constant 11 : i32
        %parallel_loop3A_2339 = vector.broadcast %parallel_loop3A_2338 : i32 to vector<16xi32>
        %parallel_loop3A_2340 = arith.addi %parallel_loop3A_2337, %parallel_loop3A_2339 : vector<16xi32>
        %parallel_loop3A_2341 = tpu.vector_load_idx %arg11[%parallel_loop3A_2340] : memref<2176xf32, #tpu.memory_space<vmem>>[vector<16xi32>], vector<16xf32>,
        %parallel_loop3A_2342 = arith.constant 17 : i32
        %parallel_loop3A_2343 = vector.broadcast %parallel_loop3A_2342 : i32 to vector<16xi32>
        %parallel_loop3A_2344 = arith.muli %iota3A, %parallel_loop3A_2343 : vector<16xi32>
        %parallel_loop3A_2345 = vector.broadcast %parallel_loop3A_73 : i32 to vector<16xi32>
        %parallel_loop3A_2346 = arith.addi %parallel_loop3A_2345, %parallel_loop3A_2344 : vector<16xi32>
        %parallel_loop3A_2347 = arith.constant 12 : i32
        %parallel_loop3A_2348 = vector.broadcast %parallel_loop3A_2347 : i32 to vector<16xi32>
        %parallel_loop3A_2349 = arith.addi %parallel_loop3A_2346, %parallel_loop3A_2348 : vector<16xi32>
        %parallel_loop3A_2350 = tpu.vector_load_idx %arg11[%parallel_loop3A_2349] : memref<2176xf32, #tpu.memory_space<vmem>>[vector<16xi32>], vector<16xf32>,
        %parallel_loop3A_2351 = arith.constant 17 : i32
        %parallel_loop3A_2352 = vector.broadcast %parallel_loop3A_2351 : i32 to vector<16xi32>
        %parallel_loop3A_2353 = arith.muli %iota3A, %parallel_loop3A_2352 : vector<16xi32>
        %parallel_loop3A_2354 = vector.broadcast %parallel_loop3A_73 : i32 to vector<16xi32>
        %parallel_loop3A_2355 = arith.addi %parallel_loop3A_2354, %parallel_loop3A_2353 : vector<16xi32>
        %parallel_loop3A_2356 = arith.constant 13 : i32
        %parallel_loop3A_2357 = vector.broadcast %parallel_loop3A_2356 : i32 to vector<16xi32>
        %parallel_loop3A_2358 = arith.addi %parallel_loop3A_2355, %parallel_loop3A_2357 : vector<16xi32>
        %parallel_loop3A_2359 = tpu.vector_load_idx %arg11[%parallel_loop3A_2358] : memref<2176xf32, #tpu.memory_space<vmem>>[vector<16xi32>], vector<16xf32>,
        %parallel_loop3A_2360 = arith.constant 17 : i32
        %parallel_loop3A_2361 = vector.broadcast %parallel_loop3A_2360 : i32 to vector<16xi32>
        %parallel_loop3A_2362 = arith.muli %iota3A, %parallel_loop3A_2361 : vector<16xi32>
        %parallel_loop3A_2363 = vector.broadcast %parallel_loop3A_73 : i32 to vector<16xi32>
        %parallel_loop3A_2364 = arith.addi %parallel_loop3A_2363, %parallel_loop3A_2362 : vector<16xi32>
        %parallel_loop3A_2365 = arith.constant 14 : i32
        %parallel_loop3A_2366 = vector.broadcast %parallel_loop3A_2365 : i32 to vector<16xi32>
        %parallel_loop3A_2367 = arith.addi %parallel_loop3A_2364, %parallel_loop3A_2366 : vector<16xi32>
        %parallel_loop3A_2368 = tpu.vector_load_idx %arg11[%parallel_loop3A_2367] : memref<2176xf32, #tpu.memory_space<vmem>>[vector<16xi32>], vector<16xf32>,
        %parallel_loop3A_2369 = arith.constant 17 : i32
        %parallel_loop3A_2370 = vector.broadcast %parallel_loop3A_2369 : i32 to vector<16xi32>
        %parallel_loop3A_2371 = arith.muli %iota3A, %parallel_loop3A_2370 : vector<16xi32>
        %parallel_loop3A_2372 = vector.broadcast %parallel_loop3A_73 : i32 to vector<16xi32>
        %parallel_loop3A_2373 = arith.addi %parallel_loop3A_2372, %parallel_loop3A_2371 : vector<16xi32>
        %parallel_loop3A_2374 = arith.constant 15 : i32
        %parallel_loop3A_2375 = vector.broadcast %parallel_loop3A_2374 : i32 to vector<16xi32>
        %parallel_loop3A_2376 = arith.addi %parallel_loop3A_2373, %parallel_loop3A_2375 : vector<16xi32>
        %parallel_loop3A_2377 = tpu.vector_load_idx %arg11[%parallel_loop3A_2376] : memref<2176xf32, #tpu.memory_space<vmem>>[vector<16xi32>], vector<16xf32>,
        %parallel_loop3A_2378 = arith.addf %parallel_loop3A_2242, %parallel_loop3A_2251 : vector<16xf32>
        %parallel_loop3A_2379 = arith.addf %parallel_loop3A_2260, %parallel_loop3A_2269 : vector<16xf32>
        %parallel_loop3A_2380 = arith.addf %parallel_loop3A_2278, %parallel_loop3A_2287 : vector<16xf32>
        %parallel_loop3A_2381 = arith.addf %parallel_loop3A_2296, %parallel_loop3A_2305 : vector<16xf32>
        %parallel_loop3A_2382 = arith.addf %parallel_loop3A_2314, %parallel_loop3A_2323 : vector<16xf32>
        %parallel_loop3A_2383 = arith.addf %parallel_loop3A_2332, %parallel_loop3A_2341 : vector<16xf32>
        %parallel_loop3A_2384 = arith.addf %parallel_loop3A_2350, %parallel_loop3A_2359 : vector<16xf32>
        %parallel_loop3A_2385 = arith.addf %parallel_loop3A_2368, %parallel_loop3A_2377 : vector<16xf32>
        %parallel_loop3A_2386 = arith.addf %parallel_loop3A_2378, %parallel_loop3A_2379 : vector<16xf32>
        %parallel_loop3A_2387 = arith.addf %parallel_loop3A_2380, %parallel_loop3A_2381 : vector<16xf32>
        %parallel_loop3A_2388 = arith.addf %parallel_loop3A_2382, %parallel_loop3A_2383 : vector<16xf32>
        %parallel_loop3A_2389 = arith.addf %parallel_loop3A_2384, %parallel_loop3A_2385 : vector<16xf32>
        %parallel_loop3A_2390 = arith.addf %parallel_loop3A_2386, %parallel_loop3A_2387 : vector<16xf32>
        %parallel_loop3A_2391 = arith.addf %parallel_loop3A_2388, %parallel_loop3A_2389 : vector<16xf32>
        %parallel_loop3A_2392 = arith.addf %parallel_loop3A_2390, %parallel_loop3A_2391 : vector<16xf32>
        %parallel_loop3A_2393 = arith.constant 128 : i32
        %parallel_loop3A_2394 = arith.muli %scan3A_40, %parallel_loop3A_2393 : i32
        %parallel_loop3A_2395 = arith.constant 16 : i32
        %parallel_loop3A_2396 = arith.muli %parallel_loop3A_71, %parallel_loop3A_2395 : i32
        %parallel_loop3A_2397 = arith.addi %parallel_loop3A_2394, %parallel_loop3A_2396 : i32
        %parallel_loop3A_2398 = arith.index_cast %parallel_loop3A_2397 : i32 to index
        %parallel_loop3A_2399 = tpu.vector_load %arg12[%parallel_loop3A_2398] {strides = array<i32>} : memref<512xf32, #tpu.memory_space<vmem>>, vector<16xf32>,
        tpu.vector_store %arg12[%parallel_loop3A_2398], %parallel_loop3A_2392 {strides = array<i32>} : memref<512xf32, #tpu.memory_space<vmem>>, vector<16xf32>,
      } {sc.loop_unroll_factor = 2 : i64, sc.parallel_access}
    }
    %scan3A_39 = arith.constant 4 : i32
    "tpu.region"() ({
      %run_scoped3A = tpu.sem_alloc : memref<!tpu.dma_semaphore, #tpu.memory_space<semaphore_mem>>
      %dma_start3A_40 = tpu.memref_slice %arg6[%mul3A_2] : memref<16384xf32, #tpu.memory_space<hbm>> -> memref<512xf32, #tpu.memory_space<hbm>>
      %dma_start3A_41 = tpu.memref_slice %arg6[%mul3A_2] : memref<16384xf32, #tpu.memory_space<hbm>> -> memref<512xf32, #tpu.memory_space<hbm>>
      tpu.enqueue_dma source(%arg12 : memref<512xf32, #tpu.memory_space<vmem>>) target(%dma_start3A_41 : memref<512xf32, #tpu.memory_space<hbm>>) target_semaphore(%run_scoped3A : memref<!tpu.dma_semaphore, #tpu.memory_space<semaphore_mem>>)
      %dma_wait3A_42 = tpu.memref_slice %arg6[%mul3A_2] : memref<16384xf32, #tpu.memory_space<hbm>> -> memref<512xf32, #tpu.memory_space<hbm>>
      %dma_wait3A_43 = tpu.memref_slice %arg6[%mul3A_2] : memref<16384xf32, #tpu.memory_space<hbm>> -> memref<512xf32, #tpu.memory_space<hbm>>
      tpu.wait_dma2 semaphore(%run_scoped3A : memref<!tpu.dma_semaphore, #tpu.memory_space<semaphore_mem>>) src(%arg12 : memref<512xf32, #tpu.memory_space<vmem>>) dst(%dma_wait3A_43 : memref<512xf32, #tpu.memory_space<hbm>>)
      tpu.yield
    }) : () -> ()
    return
  }
}

</mosaic_0001>

<sc_bundles>
// kernel: kernel.3.cloned.1.call-start
scs
__scs_entry_jumppad:
0x0: {  	(pc) =	sbr.rel $0x88, $3  }
0x1: {  	(tag) =	ssettag $0x0;
	lr =	simm.s32 $0x1  }
0x2: {  	[smem:$0x3F9D] =	sst lr;
	_ =	strace $0xD0000000  }
0x3: {  	_ = 	snop  }
0x4: {  	_ = 	snop  }
0x5: {  	_ = 	snop  }
0x6: {  	_ = 	snop  }
0x7: {  	_ = 	snop  }
__scs_overlays_trampoline_lowered:
0x8: {  	[smem:$0x3FAC] =	sst s0  }
0x9: {  	[smem:$0x3FAD] =	sst s1  }
0xa: {  	[smem:$0x3FAE] =	sst s2  }
0xb: {  	[smem:$0x3FAF] =	sst s3  }
0xc: {  	[smem:$0x3FB0] =	sst s4  }
0xd: {  	[smem:$0x3FB1] =	sst s5  }
0xe: {  	[smem:$0x3FB2] =	sst s6  }
0xf: {  	[smem:$0x3FB3] =	sst s7  }
0x10: {  	[smem:$0x3FB4] =	sst s8  }
0x11: {  	[smem:$0x3FB5] =	sst s9;
	s0 =	simm.s32 @!p0 $0x0  }
0x12: {  	s1 =	sld [smem:$0x3F9B];
	s0 =	simm.s32 @p0 $0x1  }
0x13: {  	[smem:$0x3FB6] =	sst s0;
	s0 =	simm.s32 @!p1 $0x0  }
0x14: {  	s2 =	sld [smem:$0x3F9A];
	s0 =	simm.s32 @p1 $0x1  }
0x15: {  	[smem:$0x3FB7] =	sst s0;
	s0 =	simm.s32 @!p2 $0x0  }
0x16: {  	s3 =	sld [smem:$0x3FDB];
	s0 =	simm.s32 @p2 $0x1  }
0x17: {  	s4 =	simm.s32 $0x1BF5;
	[smem:$0x3FB9] =	sst s0  }
0x18: {  	s0 =	sld [smem:$0x3F9C];
	_ =	swait.ge [sflag:s4], $0x0  }
0x19: {  	s7 =	sld [smem:$0x3F9D]  }
0x1a: {  	s8 =	sadd.s32 $0xFFFFE003, lr  }
0x1b: {  	s9 =	sadd.s32 $0xFFFFFEF7, lr;
	s5 =	simm.s32 $0xFFFFFFFF;
	p2 =	slt.u32 s8, $0xFFFFF086  }
0x1c: {  	p1 =	slt.u32 s9, $0xF7A;
	s5 =	simm.s32 @!p2 $0x0  }
0x1d: {  	s5 =	simm.s32 @p1 $0x1;
	p0 =	seq.s32 s7, s2  }
0x1e: {  	s7 =	smul.u32 @!p0 $0xF7A, s2;
	p2 =	seq.s32 @!p0 s5, $0x0  }
0x1f: {  	s9 =	smul.u32 $0xF7A, s1;
	s8 =	simm.s32 @!p0 $0x1BF5;
	p2 =	por !p2, p0  }
0x20: {  	[sflag:s8] =	ssyncset.s32 @!p0 $0xFFFFF086;
	s6 =	sadd.s32 @!p0 s3, s7;
	s7 =	simm.s32 @!p0 $0x108  }
0x21: {  	s3 =	sadd.s32 s3, s9;
	s6 =	sadd.s32 @!p0 $0x88, s6;
	s7 =	simm.s32 @p2 $0x1082  }
0x22: {  	[simem:s7], [sflag:s8] =	dma.local @!p0 [hbm:s6], $0xF7A  }
0x23: {  	s9 =	sor.u32 $0xD0000000, s2;
	s6 =	simm.s32 $0x108;
	_ =	swait.ge @!p0 [sflag:s8], $0x0  }
0x24: {  	s3 =	sadd.s32 $0x88, s3;
	s6 =	simm.s32 @!p1 $0x1082;
	[sflag:s4] =	ssyncset.s32 $0xFFFFF086  }
0x25: {  	[simem:s6], [sflag:s4] =	dma.local [hbm:s3], $0xF7A  }
0x26: {  	[smem:$0x3F9D] =	sst s1;
	(tag) =	ssettag s2;
	_ =	strace s9  }
0x27: {  	s1 =	sld [smem:$0x3FAD]  }
0x28: {  	s2 =	sld [smem:$0x3FAE]  }
0x29: {  	s4 =	sld [smem:$0x3FB0]  }
0x2a: {  	p0 =	seq.s32 s5, $0x0;
	s5 =	sld [smem:$0x3FB1]  }
0x2b: {  	s6 =	sld [smem:$0x3FB2]  }
0x2c: {  	s7 =	sld [smem:$0x3FB3]  }
0x2d: {  	s3 =	simm.s32 $0x108;
	s8 =	sld [smem:$0x3FB4]  }
0x2e: {  	s3 =	simm.s32 @!p0 $0x1082;
	s9 =	sld [smem:$0x3FB5]  }
0x2f: {  	lr =	sadd.s32 s0, s3;
	s0 =	sld [smem:$0x3FAC]  }
0x30: {  	s3 =	sld [smem:$0x3FAF]  }
0x31: {  	[smem:$0x3FB8] =	sst s10  }
0x32: {  	s10 =	sld [smem:$0x3FB6];
	_ =	sdelay $0x3  }
0x33: {  	p0 =	seq.s32 s10, $0x1;
	s10 =	sld [smem:$0x3FB8];
	_ =	sdelay $0x3  }
0x34: {  	[smem:$0x3FB8] =	sst s10  }
0x35: {  	s10 =	sld [smem:$0x3FB7];
	_ =	sdelay $0x3  }
0x36: {  	p1 =	seq.s32 s10, $0x1;
	s10 =	sld [smem:$0x3FB8];
	_ =	sdelay $0x3  }
0x37: {  	[smem:$0x3FB8] =	sst s10  }
0x38: {  	s10 =	sld [smem:$0x3FB9]  }
0x39: {  	_ = 	snop;
	(pc) =	sbr.ind lr, $3  }
0x3a: {  	_ = 	snop  }
0x3b: {  	_ = 	snop  }
0x3c: {  	p2 =	seq.s32 s10, $0x1;
	s10 =	sld [smem:$0x3FB8]  }
0x3d: {  	_ =	shalt  }
0x3e: {  	_ =	shalt  }
0x3f: {  	_ =	shalt  }
0x40: {  	_ =	shalt  }
0x41: {  	_ =	shalt  }
0x42: {  	_ =	shalt  }
0x43: {  	_ =	shalt  }
0x44: {  	_ =	shalt  }
0x45: {  	_ =	shalt  }
0x46: {  	_ =	shalt  }
0x47: {  	_ =	shalt  }
0x48: {  	_ =	shalt  }
0x49: {  	_ =	shalt  }
0x4a: {  	_ =	shalt  }
0x4b: {  	_ =	shalt  }
0x4c: {  	_ =	shalt  }
0x4d: {  	_ =	shalt  }
0x4e: {  	_ =	shalt  }
0x4f: {  	_ =	shalt  }
0x50: {  	_ =	shalt  }
0x51: {  	_ =	shalt  }
0x52: {  	_ =	shalt  }
0x53: {  	_ =	shalt  }
0x54: {  	_ =	shalt  }
0x55: {  	_ =	shalt  }
0x56: {  	_ =	shalt  }
0x57: {  	_ =	shalt  }
0x58: {  	_ =	shalt  }
0x59: {  	_ =	shalt  }
0x5a: {  	_ =	shalt  }
0x5b: {  	_ =	shalt  }
0x5c: {  	_ =	shalt  }
0x5d: {  	_ =	shalt  }
0x5e: {  	_ =	shalt  }
0x5f: {  	_ =	shalt  }
0x60: {  	_ =	shalt  }
0x61: {  	_ =	shalt  }
0x62: {  	_ =	shalt  }
0x63: {  	_ =	shalt  }
0x64: {  	_ =	shalt  }
0x65: {  	_ =	shalt  }
0x66: {  	_ =	shalt  }
0x67: {  	_ =	shalt  }
0x68: {  	_ =	shalt  }
0x69: {  	_ =	shalt  }
0x6a: {  	_ =	shalt  }
0x6b: {  	_ =	shalt  }
0x6c: {  	_ =	shalt  }
0x6d: {  	_ =	shalt  }
0x6e: {  	_ =	shalt  }
0x6f: {  	_ =	shalt  }
0x70: {  	_ =	shalt  }
0x71: {  	_ =	shalt  }
0x72: {  	_ =	shalt  }
0x73: {  	_ =	shalt  }
0x74: {  	_ =	shalt  }
0x75: {  	_ =	shalt  }
0x76: {  	_ =	shalt  }
0x77: {  	_ =	shalt  }
0x78: {  	_ =	shalt  }
0x79: {  	_ =	shalt  }
0x7a: {  	_ =	shalt  }
0x7b: {  	_ =	shalt  }
0x7c: {  	_ =	shalt  }
0x7d: {  	_ =	shalt  }
0x7e: {  	_ =	shalt  }
0x7f: {  	_ =	shalt  }
0x80: {  	_ =	shalt  }
0x81: {  	_ =	shalt  }
0x82: {  	_ =	shalt  }
0x83: {  	_ =	shalt  }
0x84: {  	_ =	shalt  }
0x85: {  	_ =	shalt  }
0x86: {  	_ =	shalt  }
0x87: {  	_ =	shalt  }
.Lfunc_end0:
.L_simem_size_0:
called_computation_lowered:
.L_overlay_start_0:
0x88: {  	s2 =	sld [smem:$0x3FD9]  }
0x89: {  	s3 =	sld [smem:$0x3FFE];
	_ =	sdelay $0x1  }
0x8a: {  	s1 =	srdreg.scid  }
0x8b: {  	s0 =	sand.u32 $0x1, s1  }
0x8c: {  	s18 =	sshll.u32 s0, $0xA;
	s2 =	sadd.s32 s3, s2  }
0x8d: {  	s2 =	sadd.s32 s2, s18  }
0x8e: {  	[smem:$0x3FC4] =	sst s2  }
0x8f: {  	_ = 	snop  }
0x90: {  	s2 =	sld [smem:$0x3FC9]  }
0x91: {  	s19 =	sld [smem:$0x3FC8]  }
0x92: {  	s4 =	sld [smem:$0x3FC7]  }
0x93: {  	s5 =	sld [smem:$0x3FC6]  }
0x94: {  	s6 =	sld [smem:$0x3FD0];
	(tm) =	ssettm $0x1  }
0x95: {  	s7 =	sld [smem:$0x3FFB];
	_ =	sdelay $0x3  }
0x96: {  	_ =	strace s7  }
0x97: {  	s7 =	sld [smem:$0x3FFC];
	_ =	sdelay $0x3  }
0x98: {  	_ =	strace s7  }
0x99: {  	s7 =	sld [smem:$0x3FFD];
	_ =	sdelay $0x3  }
0x9a: {  	_ =	strace s7  }
0x9b: {  	_ =	strace $0x8FFFFFFF  }
0x9c: {  	s20 =	sld [smem:$0x3FDB];
	_ =	sdelay $0x1  }
0x9d: {  	s8 =	simm.s32 $_scs_section_size  }
0x9e: {  	s9 =	simm.s32 $_size__tile_overlayer_lowered;
	s10 =	simm.s32 $_tile_overlayer_lowered  }
0x9f: {  	s23 =	simm.s32 $0x1BFF;
	s22 =	sshll.u32 s10, $0x1;
	s7 =	sadd.s32 s8, s20  }
0xa0: {  	s11 =	simm.s32 $0x0;
	s21 =	sshll.u32 s9, $0x1;
	s9 =	sadd.s32 s22, s7  }
0xa1: {  	[timem:s11], [sflag:s23] =	dma.local [hbm:s9], s21  }
0xa2: {  	_ =	swait.ge [sflag:s23], s21  }
0xa3: {  	s8 =	ssub.s32 $0x0, s21;
	[sflag:s23] =	ssyncset.done $0x0  }
0xa4: {  	[sflag:s23] =	ssyncadd.s32 s8;
	_ =	sdelay $0x1  }
0xa5: {  	s24 =	simm.s32 $0x1B8B  }
0xa6: {  	_ =	swait.ge [sflag:s24], $0x1  }
0xa7: {  	[sflag:s24] =	ssyncset.done $0x0  }
0xa8: {  	s25 =	simm.s32 $0x1B8E;
	[sflag:s24] =	ssyncadd.s32 $0xFFFFFFFF  }
0xa9: {  	s26 =	simm.s32 $execute0_lowered;
	[smem:$0x3FD2] =	sst s25  }
0xaa: {  	s8 =	sshll.u32 s26, $0x1;
	_ =	strace $0x80000046;
	[dreg:$0x1] =	wrdreg $0xFFFFFFFF  }
0xab: {  	s28 =	simm.s32 $_size_execute0_lowered;
	s7 =	sadd.s32 s7, s8;
	[dreg:$0x0] =	wrdreg $0x0  }
0xac: {  	s8 =	sshll.u32 s28, $0x1;
	[dreg:$0x2] =	wrdreg s7  }
0xad: {  	[dreg:$0x3] =	wrdreg s8  }
0xae: {  	[dreg:$0x4] =	wrdreg $0xC0  }
0xaf: {  	_ =	task [dreg:s11], $0x5FFFF  }
0xb0: {  	[dreg:$0x1] =	wrdreg $0xFFFFFFFF  }
0xb1: {  	[dreg:$0x0] =	wrdreg $0x60  }
0xb2: {  	[dreg:$0x2] =	wrdreg s2  }
0xb3: {  	[dreg:$0x3] =	wrdreg s19  }
0xb4: {  	[dreg:$0x4] =	wrdreg s4  }
0xb5: {  	[dreg:$0x5] =	wrdreg s5  }
0xb6: {  	[dreg:$0x6] =	wrdreg s6  }
0xb7: {  	[dreg:$0x7] =	wrdreg $0x9  }
0xb8: {  	_ =	task.clear_ibuf [dreg:s11], $0x8FFFF;
	_ =	strace $0x90000046  }
0xb9: {  	s29 =	simm.s32 $0x9;
	_ =	strace $0x80000048  }
0xba: {  	_ =	swait.ge [sflag:s29], $0x1  }
0xbb: {  	[sflag:s29] =	ssyncadd.s32 $0xFFFFFFFF  }
0xbc: {  	_ =	strace $0x90000048  }
0xbd: {  	_ =	sfence  }
0xbe: {  	s30 =	sld [smem:$0x0];
	_ =	sdelay $0x2  }
0xbf: {  	s31 =	sshll.u32 s1, $0xD;
	s1 =	sshrl.u32 s1, $0x2  }
0xc0: {  	s3 =	sand.u32 $0x4000, s31;
	s1 =	sadd.s32 s1, s30  }
0xc1: {  	s0 =	sor.u32 s3, s0;
	s1 =	sshll.u32 s1, $0x11  }
0xc2: {  	s0 =	sor.u32 s1, s0  }
0xc3: {  	s0 =	sadd.s32 $0x8F2B, s0  }
0xc4: {  	[sflag:s0] =	ssyncadd.remote.s32 $0x1  }
0xc5: {  	_ =	sfence.sel $0xFFFF  }
0xc6: {  	[dreg:$0x0] =	wrdreg $0xFFFFFFFF;
	(pc) =	sbr.abs _section_cstart, $3  }
0xc7: {  	[dreg:$0x1] =	wrdreg $0xFFFFFFFF  }
0xc8: {  	_ =	task.clear_ibuf [dreg:s11], $0x2FFFF;
	_ =	strace $0x9FFFFFFF  }
0xc9: {  	(tm) =	ssettm $0x7FFFFFFF  }
tec
execute0_lowered:
.L_overlay_start_1:
0x0: {  	(tag) =	ssettag $0x1  }
0x1: {  	s5 =	rddreg [dreg:$0x0]  }
0x2: {  	s6 =	rddreg [dreg:$0x1]  }
0x3: {  	s1 =	rddreg [dreg:$0x2]  }
0x4: {  	s2 =	rddreg [dreg:$0x3]  }
0x5: {  	s7 =	rddreg [dreg:$0x4]  }
0x6: {  	s0 =	rddreg [dreg:$0x5];
	s8 =	srdreg.scid  }
0x7: {  	s4 =	simm.s32 $0x0;
	s3 =	stileid.u32;
	v0 =	vlaneseq.u32;
	s12 =	simm.s32 $0x400  }
0x8: {  	s13 =	simm.s32 $0x8400;
	s14 =	simm.s32 $0x10400;
	s15 =	simm.s32 $0x10C80;
	v0 =	vmul.u32 $0x11, v0  }
0x9: {  	s16 =	simm.s32 $0x4;
	s17 =	simm.s32 $0x0;
	s8 =	sand.u32 $0x1, s8  }
0xa: {  	s10 =	sshll.u32 s3, $0x7;
	[smem:$0x7FF] =	sst s4;
	s9 =	ssub.s32 $0x2, s8;
	v1 =	vadd.s32 $0x1, v0;
	v2 =	vadd.s32 $0x2, v0;
	v3 =	vadd.s32 $0x3, v0  }
0xb: {  	s8 =	sshll.u32 s8, $0x6;
	_ =	strace $0x80000047;
	s11 =	sshrl.u32 s9, $0x1;
	v4 =	vadd.s32 $0x4, v0;
	v5 =	vadd.s32 $0x5, v0;
	v6 =	vadd.s32 $0x6, v0  }
0xc: {  	s8 =	sor.u32 s8, s10;
	s10 =	simm.s32 $0x3;
	v7 =	vadd.s32 $0x7, v0;
	v8 =	vadd.s32 $0x8, v0;
	v9 =	vadd.s32 $0x9, v0;
	s9 =	ssub.s32 s9, s11  }
0xd: {  	v10 =	vadd.s32 $0xA, v0;
	v11 =	vadd.s32 $0xB, v0;
	v12 =	vadd.s32 $0xC, v0;
	s5 =	sadd.s32 s5, s8;
	s6 =	sadd.s32 s6, s8;
	s7 =	sadd.s32 s7, s8  }
0xe: {  	v13 =	vadd.s32 $0xD, v0;
	v14 =	vadd.s32 $0xE, v0;
	v15 =	vadd.s32 $0xF, v0;
	s11 =	simm.s32 $0x80;
	s8 =	smax.u32 s9, $0x1;
	s9 =	simm.s32 $0x200  }
.LBB2_1:
0xf: {  	[tilespmem:s4], [sflag:$0x3] =	stream.linear.gather [hbm4b:s5+s4], $0x200, $0x38;
	[tilespmem:$0x10E80] =	vst v63  }
0x10: {  	_ = 	snop  }
0x11: {  	[tilespmem:s9], [sflag:$0x3] =	stream.linear.gather [hbm4b:s6+s4], $0x200, $0x38;
	[tilespmem:$0x10E80] =	vst v63  }
0x12: {  	_ =	swait.ge [sflag:s10], $0x200  }
0x13: {  	[sflag:s10] =	ssyncset.done $0x0  }
0x14: {  	[sflag:s10] =	ssyncadd.s32 $0xFFFFFE00  }
0x15: {  	_ =	swait.ge [sflag:s10], $0x200  }
0x16: {  	[sflag:s10] =	ssyncset.done $0x0  }
0x17: {  	[sflag:s10] =	ssyncadd.s32 $0xFFFFFE00  }
0x18: {  	[tilespmem:s12], [sflag:$0x1] =	stream.indirect.gather [hbm4b:s1+s11], $0x80, s4, s11, $0xb8;
	[tilespmem:$0x10E80] =	vst v63  }
0x19: {  	s18 =	simm.s32 $0x0  }
0x1a: {  	[tilespmem:s13], [sflag:$0x1] =	stream.indirect.gather [hbm4b:s2+s11], $0x80, s9, s11, $0xb8;
	[tilespmem:$0x10E80] =	vst v63  }
.LBB2_3:
0x1b: {  	s19 =	smov.u32 s18  }
0x1c: {  	s18 =	sadd.s32 $0x1, s18;
	p0 =	seq.s32 s19, $0x3  }
0x1d: {  	s20 =	sand.u32 @!p0 $0x1, s18  }
0x1e: {  	s28 =	sand.u32 $0x1, s19;
	s23 =	sshll.u32 @!p0 s18, $0x7;
	s21 =	sshll.u32 @!p0 s20, $0xE  }
0x1f: {  	s24 =	simm.s32 @!p0 $0x80;
	s20 =	sadd.s32 @!p0 $0x1, s20;
	s22 =	sor.u32 @!p0 $0x400, s21  }
0x20: {  	[tilespmem:s22], [sflag:s20] =	stream.indirect.gather @!p0 [hbm4b:s1+s24], $0x80, s23, s24, $0xb8;
	[tilespmem:$0x10E80] =	vst v63  }
0x21: {  	s29 =	sadd.s32 $0x1, s28;
	s21 =	sor.u32 @!p0 $0x8400, s21;
	s23 =	sadd.s32 @!p0 $0x200, s23  }
0x22: {  	[tilespmem:s21], [sflag:s20] =	stream.indirect.gather @!p0 [hbm4b:s2+s24], $0x80, s23, s24, $0xb8;
	[tilespmem:$0x10E80] =	vst v63  }
0x23: {  	s30 =	sshll.u32 s28, $0xE;
	_ =	swait.ge [sflag:s29], $0x4000  }
0x24: {  	s22 =	sor.u32 $0x400, s30;
	[sflag:s29] =	ssyncset.done $0x0  }
0x25: {  	s19 =	sshll.u32 s19, $0x7;
	v16 =	vmov s22;
	s21 =	sor.u32 $0x8400, s30;
	[sflag:s29] =	ssyncadd.s32 $0xFFFFC000  }
0x26: {  	s19 =	sand.u32 $0x3FFFFF80, s19;
	v17 =	vmov s21;
	_ =	swait.ge [sflag:s29], $0x4000  }
0x27: {  	s31 =	sadd.s32 $0x10C80, s19;
	[sflag:s29] =	ssyncset.done $0x0  }
0x28: {  	s19 =	simm.s32 $0x0;
	v18 =	vmov s31;
	[sflag:s29] =	ssyncadd.s32 $0xFFFFC000  }
.LBB2_4:
0x29: {  	s21 =	sshll.u32 s19, $0xB  }
0x2a: {  	v19 =	vld.idx.msk [tilespmem:v16+s21+$0x0 ss:$0x1], $0xffff  }
0x2b: {  	v20 =	vld.idx.msk [tilespmem:v17+s21+$0x0 ss:$0x1], $0xffff;
	s20 =	sor.u32 $0x10, s21  }
0x2c: {  	v21 =	vld.idx.msk [tilespmem:v16+s20+$0x0 ss:$0x1], $0xffff  }
0x2d: {  	s22 =	sor.u32 $0x20, s21;
	v22 =	vld.idx.msk [tilespmem:v17+s20+$0x0 ss:$0x1], $0xffff  }
0x2e: {  	v23 =	vld.idx.msk [tilespmem:v16+s22+$0x0 ss:$0x1], $0xffff  }
0x2f: {  	s23 =	sor.u32 $0x30, s21;
	v24 =	vld.idx.msk [tilespmem:v17+s22+$0x0 ss:$0x1], $0xffff  }
0x30: {  	v25 =	vld.idx.msk [tilespmem:v16+s23+$0x0 ss:$0x1], $0xffff  }
0x31: {  	s24 =	sor.u32 $0x40, s21;
	v26 =	vld.idx.msk [tilespmem:v17+s23+$0x0 ss:$0x1], $0xffff  }
0x32: {  	v27 =	vld.idx.msk [tilespmem:v16+s24+$0x0 ss:$0x1], $0xffff  }
0x33: {  	s25 =	sor.u32 $0x50, s21;
	v28 =	vld.idx.msk [tilespmem:v17+s24+$0x0 ss:$0x1], $0xffff  }
0x34: {  	v29 =	vld.idx.msk [tilespmem:v16+s25+$0x0 ss:$0x1], $0xffff  }
0x35: {  	s26 =	sor.u32 $0x60, s21;
	v30 =	vld.idx.msk [tilespmem:v17+s25+$0x0 ss:$0x1], $0xffff  }
0x36: {  	v31 =	vld.idx.msk [tilespmem:v16+s26+$0x0 ss:$0x1], $0xffff  }
0x37: {  	s28 =	sor.u32 $0x70, s21;
	v32 =	vld.idx.msk [tilespmem:v17+s26+$0x0 ss:$0x1], $0xffff  }
0x38: {  	v33 =	vld.idx.msk [tilespmem:v16+s28+$0x0 ss:$0x1], $0xffff  }
0x39: {  	v34 =	vld.idx.msk [tilespmem:v17+s28+$0x0 ss:$0x1], $0xffff;
	_ =	sdelay $0x1  }
0x3a: {  	v19 =	vmul.f32 v20, v19;
	v20 =	vmul.f32 v22, v21  }
0x3b: {  	v52 =	vmul.f32 v24, v23;
	v53 =	vmul.f32 v26, v25  }
0x3c: {  	v54 =	vmul.f32 v28, v27;
	v55 =	vmul.f32 v30, v29  }
0x3d: {  	v56 =	vmul.f32 v32, v31;
	v57 =	vmul.f32 v34, v33  }
0x3e: {  	v19 =	vadd.f32 v20, v19;
	v20 =	vadd.f32 v53, v52  }
0x3f: {  	v58 =	vadd.f32 v55, v54;
	v59 =	vadd.f32 v57, v56;
	_ =	sdelay $0x1  }
0x40: {  	v19 =	vadd.f32 v20, v19;
	v20 =	vadd.f32 v59, v58;
	_ =	sdelay $0x1  }
0x41: {  	s20 =	smul.u32 $0x110, s19;
	v19 =	vadd.f32 v20, v19;
	_ =	sdelay $0x1  }
0x42: {  	s22 =	sor.u32 $0x80, s21;
	[tilespmem:s20+$0x10400] =	vst v19  }
0x43: {  	v19 =	vld.idx.msk [tilespmem:v16+s22+$0x0 ss:$0x1], $0xffff  }
0x44: {  	s29 =	sor.u32 $0x90, s21;
	v20 =	vld.idx.msk [tilespmem:v17+s22+$0x0 ss:$0x1], $0xffff  }
0x45: {  	v60 =	vld.idx.msk [tilespmem:v16+s29+$0x0 ss:$0x1], $0xffff  }
0x46: {  	s30 =	sor.u32 $0xA0, s21;
	v61 =	vld.idx.msk [tilespmem:v17+s29+$0x0 ss:$0x1], $0xffff  }
0x47: {  	v62 =	vld.idx.msk [tilespmem:v16+s30+$0x0 ss:$0x1], $0xffff  }
0x48: {  	s31 =	sor.u32 $0xB0, s21;
	v63 =	vld.idx.msk [tilespmem:v17+s30+$0x0 ss:$0x1], $0xffff  }
0x49: {  	v36 =	vld.idx.msk [tilespmem:v16+s31+$0x0 ss:$0x1], $0xffff  }
0x4a: {  	s23 =	sor.u32 $0xC0, s21;
	v37 =	vld.idx.msk [tilespmem:v17+s31+$0x0 ss:$0x1], $0xffff  }
0x4b: {  	v38 =	vld.idx.msk [tilespmem:v16+s23+$0x0 ss:$0x1], $0xffff  }
0x4c: {  	s24 =	sor.u32 $0xD0, s21;
	v39 =	vld.idx.msk [tilespmem:v17+s23+$0x0 ss:$0x1], $0xffff  }
0x4d: {  	v40 =	vld.idx.msk [tilespmem:v16+s24+$0x0 ss:$0x1], $0xffff  }
0x4e: {  	s25 =	sor.u32 $0xE0, s21;
	v41 =	vld.idx.msk [tilespmem:v17+s24+$0x0 ss:$0x1], $0xffff  }
0x4f: {  	v42 =	vld.idx.msk [tilespmem:v16+s25+$0x0 ss:$0x1], $0xffff  }
0x50: {  	s26 =	sor.u32 $0xF0, s21;
	v43 =	vld.idx.msk [tilespmem:v17+s25+$0x0 ss:$0x1], $0xffff  }
0x51: {  	v44 =	vld.idx.msk [tilespmem:v16+s26+$0x0 ss:$0x1], $0xffff  }
0x52: {  	v45 =	vld.idx.msk [tilespmem:v17+s26+$0x0 ss:$0x1], $0xffff;
	_ =	sdelay $0x1  }
0x53: {  	v19 =	vmul.f32 v20, v19;
	v20 =	vmul.f32 v61, v60  }
0x54: {  	v46 =	vmul.f32 v63, v62;
	v47 =	vmul.f32 v37, v36  }
0x55: {  	v48 =	vmul.f32 v39, v38;
	v49 =	vmul.f32 v41, v40  }
0x56: {  	v50 =	vmul.f32 v43, v42;
	v51 =	vmul.f32 v45, v44  }
0x57: {  	v19 =	vadd.f32 v20, v19;
	v20 =	vadd.f32 v47, v46  }
0x58: {  	v52 =	vadd.f32 v49, v48;
	v53 =	vadd.f32 v51, v50;
	_ =	sdelay $0x1  }
0x59: {  	v19 =	vadd.f32 v20, v19;
	v20 =	vadd.f32 v53, v52;
	_ =	sdelay $0x1  }
0x5a: {  	v19 =	vadd.f32 v20, v19;
	_ =	sdelay $0x1  }
0x5b: {  	s28 =	sor.u32 $0x100, s21;
	[tilespmem:s20+$0x10411] =	vst v19  }
0x5c: {  	v19 =	vld.idx.msk [tilespmem:v16+s28+$0x0 ss:$0x1], $0xffff  }
0x5d: {  	s29 =	sor.u32 $0x110, s21;
	v20 =	vld.idx.msk [tilespmem:v17+s28+$0x0 ss:$0x1], $0xffff  }
0x5e: {  	v54 =	vld.idx.msk [tilespmem:v16+s29+$0x0 ss:$0x1], $0xffff  }
0x5f: {  	s30 =	sor.u32 $0x120, s21;
	v55 =	vld.idx.msk [tilespmem:v17+s29+$0x0 ss:$0x1], $0xffff  }
0x60: {  	v56 =	vld.idx.msk [tilespmem:v16+s30+$0x0 ss:$0x1], $0xffff  }
0x61: {  	s31 =	sor.u32 $0x130, s21;
	v57 =	vld.idx.msk [tilespmem:v17+s30+$0x0 ss:$0x1], $0xffff  }
0x62: {  	v58 =	vld.idx.msk [tilespmem:v16+s31+$0x0 ss:$0x1], $0xffff  }
0x63: {  	s23 =	sor.u32 $0x140, s21;
	v59 =	vld.idx.msk [tilespmem:v17+s31+$0x0 ss:$0x1], $0xffff  }
0x64: {  	v60 =	vld.idx.msk [tilespmem:v16+s23+$0x0 ss:$0x1], $0xffff  }
0x65: {  	s24 =	sor.u32 $0x150, s21;
	v61 =	vld.idx.msk [tilespmem:v17+s23+$0x0 ss:$0x1], $0xffff  }
0x66: {  	v62 =	vld.idx.msk [tilespmem:v16+s24+$0x0 ss:$0x1], $0xffff  }
0x67: {  	s25 =	sor.u32 $0x160, s21;
	v63 =	vld.idx.msk [tilespmem:v17+s24+$0x0 ss:$0x1], $0xffff  }
0x68: {  	v36 =	vld.idx.msk [tilespmem:v16+s25+$0x0 ss:$0x1], $0xffff  }
0x69: {  	s26 =	sor.u32 $0x170, s21;
	v37 =	vld.idx.msk [tilespmem:v17+s25+$0x0 ss:$0x1], $0xffff  }
0x6a: {  	v38 =	vld.idx.msk [tilespmem:v16+s26+$0x0 ss:$0x1], $0xffff  }
0x6b: {  	v39 =	vld.idx.msk [tilespmem:v17+s26+$0x0 ss:$0x1], $0xffff;
	_ =	sdelay $0x1  }
0x6c: {  	v19 =	vmul.f32 v20, v19;
	v20 =	vmul.f32 v55, v54  }
0x6d: {  	v40 =	vmul.f32 v57, v56;
	v41 =	vmul.f32 v59, v58  }
0x6e: {  	v42 =	vmul.f32 v61, v60;
	v43 =	vmul.f32 v63, v62  }
0x6f: {  	v44 =	vmul.f32 v37, v36;
	v45 =	vmul.f32 v39, v38  }
0x70: {  	v19 =	vadd.f32 v20, v19;
	v20 =	vadd.f32 v41, v40  }
0x71: {  	v46 =	vadd.f32 v43, v42;
	v47 =	vadd.f32 v45, v44;
	_ =	sdelay $0x1  }
0x72: {  	v19 =	vadd.f32 v20, v19;
	v20 =	vadd.f32 v47, v46;
	_ =	sdelay $0x1  }
0x73: {  	v19 =	vadd.f32 v20, v19;
	_ =	sdelay $0x1  }
0x74: {  	s28 =	sor.u32 $0x180, s21;
	[tilespmem:s20+$0x10422] =	vst v19  }
0x75: {  	v19 =	vld.idx.msk [tilespmem:v16+s28+$0x0 ss:$0x1], $0xffff  }
0x76: {  	s29 =	sor.u32 $0x190, s21;
	v20 =	vld.idx.msk [tilespmem:v17+s28+$0x0 ss:$0x1], $0xffff  }
0x77: {  	v48 =	vld.idx.msk [tilespmem:v16+s29+$0x0 ss:$0x1], $0xffff  }
0x78: {  	s30 =	sor.u32 $0x1A0, s21;
	v49 =	vld.idx.msk [tilespmem:v17+s29+$0x0 ss:$0x1], $0xffff  }
0x79: {  	v50 =	vld.idx.msk [tilespmem:v16+s30+$0x0 ss:$0x1], $0xffff  }
0x7a: {  	s31 =	sor.u32 $0x1B0, s21;
	v51 =	vld.idx.msk [tilespmem:v17+s30+$0x0 ss:$0x1], $0xffff  }
0x7b: {  	v52 =	vld.idx.msk [tilespmem:v16+s31+$0x0 ss:$0x1], $0xffff  }
0x7c: {  	s23 =	sor.u32 $0x1C0, s21;
	v53 =	vld.idx.msk [tilespmem:v17+s31+$0x0 ss:$0x1], $0xffff  }
0x7d: {  	v54 =	vld.idx.msk [tilespmem:v16+s23+$0x0 ss:$0x1], $0xffff  }
0x7e: {  	s24 =	sor.u32 $0x1D0, s21;
	v55 =	vld.idx.msk [tilespmem:v17+s23+$0x0 ss:$0x1], $0xffff  }
0x7f: {  	v56 =	vld.idx.msk [tilespmem:v16+s24+$0x0 ss:$0x1], $0xffff  }
0x80: {  	s25 =	sor.u32 $0x1E0, s21;
	v57 =	vld.idx.msk [tilespmem:v17+s24+$0x0 ss:$0x1], $0xffff  }
0x81: {  	v58 =	vld.idx.msk [tilespmem:v16+s25+$0x0 ss:$0x1], $0xffff  }
0x82: {  	s26 =	sor.u32 $0x1F0, s21;
	v59 =	vld.idx.msk [tilespmem:v17+s25+$0x0 ss:$0x1], $0xffff  }
0x83: {  	v60 =	vld.idx.msk [tilespmem:v16+s26+$0x0 ss:$0x1], $0xffff  }
0x84: {  	v61 =	vld.idx.msk [tilespmem:v17+s26+$0x0 ss:$0x1], $0xffff;
	_ =	sdelay $0x1  }
0x85: {  	v19 =	vmul.f32 v20, v19;
	v20 =	vmul.f32 v49, v48  }
0x86: {  	v62 =	vmul.f32 v51, v50;
	v63 =	vmul.f32 v53, v52  }
0x87: {  	v28 =	vmul.f32 v55, v54;
	v30 =	vmul.f32 v57, v56  }
0x88: {  	v35 =	vmul.f32 v59, v58;
	v36 =	vmul.f32 v61, v60  }
0x89: {  	v19 =	vadd.f32 v20, v19;
	v20 =	vadd.f32 v63, v62  }
0x8a: {  	v37 =	vadd.f32 v30, v28;
	v38 =	vadd.f32 v36, v35;
	_ =	sdelay $0x1  }
0x8b: {  	v19 =	vadd.f32 v20, v19;
	v20 =	vadd.f32 v38, v37;
	_ =	sdelay $0x1  }
0x8c: {  	v19 =	vadd.f32 v20, v19;
	_ =	sdelay $0x1  }
0x8d: {  	s28 =	sor.u32 $0x200, s21;
	[tilespmem:s20+$0x10433] =	vst v19  }
0x8e: {  	v19 =	vld.idx.msk [tilespmem:v16+s28+$0x0 ss:$0x1], $0xffff  }
0x8f: {  	s29 =	sor.u32 $0x210, s21;
	v20 =	vld.idx.msk [tilespmem:v17+s28+$0x0 ss:$0x1], $0xffff  }
0x90: {  	v39 =	vld.idx.msk [tilespmem:v16+s29+$0x0 ss:$0x1], $0xffff  }
0x91: {  	s30 =	sor.u32 $0x220, s21;
	v40 =	vld.idx.msk [tilespmem:v17+s29+$0x0 ss:$0x1], $0xffff  }
0x92: {  	v41 =	vld.idx.msk [tilespmem:v16+s30+$0x0 ss:$0x1], $0xffff  }
0x93: {  	s31 =	sor.u32 $0x230, s21;
	v42 =	vld.idx.msk [tilespmem:v17+s30+$0x0 ss:$0x1], $0xffff  }
0x94: {  	v43 =	vld.idx.msk [tilespmem:v16+s31+$0x0 ss:$0x1], $0xffff  }
0x95: {  	s23 =	sor.u32 $0x240, s21;
	v44 =	vld.idx.msk [tilespmem:v17+s31+$0x0 ss:$0x1], $0xffff  }
0x96: {  	v45 =	vld.idx.msk [tilespmem:v16+s23+$0x0 ss:$0x1], $0xffff  }
0x97: {  	s24 =	sor.u32 $0x250, s21;
	v46 =	vld.idx.msk [tilespmem:v17+s23+$0x0 ss:$0x1], $0xffff  }
0x98: {  	v47 =	vld.idx.msk [tilespmem:v16+s24+$0x0 ss:$0x1], $0xffff  }
0x99: {  	s25 =	sor.u32 $0x260, s21;
	v48 =	vld.idx.msk [tilespmem:v17+s24+$0x0 ss:$0x1], $0xffff  }
0x9a: {  	v49 =	vld.idx.msk [tilespmem:v16+s25+$0x0 ss:$0x1], $0xffff  }
0x9b: {  	s26 =	sor.u32 $0x270, s21;
	v50 =	vld.idx.msk [tilespmem:v17+s25+$0x0 ss:$0x1], $0xffff  }
0x9c: {  	v51 =	vld.idx.msk [tilespmem:v16+s26+$0x0 ss:$0x1], $0xffff  }
0x9d: {  	v52 =	vld.idx.msk [tilespmem:v17+s26+$0x0 ss:$0x1], $0xffff;
	_ =	sdelay $0x1  }
0x9e: {  	v19 =	vmul.f32 v20, v19;
	v20 =	vmul.f32 v40, v39  }
0x9f: {  	v53 =	vmul.f32 v42, v41;
	v54 =	vmul.f32 v44, v43  }
0xa0: {  	v55 =	vmul.f32 v46, v45;
	v56 =	vmul.f32 v48, v47  }
0xa1: {  	v57 =	vmul.f32 v50, v49;
	v58 =	vmul.f32 v52, v51  }
0xa2: {  	v19 =	vadd.f32 v20, v19;
	v20 =	vadd.f32 v54, v53  }
0xa3: {  	v59 =	vadd.f32 v56, v55;
	v60 =	vadd.f32 v58, v57;
	_ =	sdelay $0x1  }
0xa4: {  	v19 =	vadd.f32 v20, v19;
	v20 =	vadd.f32 v60, v59;
	_ =	sdelay $0x1  }
0xa5: {  	v19 =	vadd.f32 v20, v19;
	_ =	sdelay $0x1  }
0xa6: {  	s28 =	sor.u32 $0x280, s21;
	[tilespmem:s20+$0x10444] =	vst v19  }
0xa7: {  	v19 =	vld.idx.msk [tilespmem:v16+s28+$0x0 ss:$0x1], $0xffff  }
0xa8: {  	s29 =	sor.u32 $0x290, s21;
	v20 =	vld.idx.msk [tilespmem:v17+s28+$0x0 ss:$0x1], $0xffff  }
0xa9: {  	v61 =	vld.idx.msk [tilespmem:v16+s29+$0x0 ss:$0x1], $0xffff  }
0xaa: {  	s30 =	sor.u32 $0x2A0, s21;
	v62 =	vld.idx.msk [tilespmem:v17+s29+$0x0 ss:$0x1], $0xffff  }
0xab: {  	v63 =	vld.idx.msk [tilespmem:v16+s30+$0x0 ss:$0x1], $0xffff  }
0xac: {  	s31 =	sor.u32 $0x2B0, s21;
	v36 =	vld.idx.msk [tilespmem:v17+s30+$0x0 ss:$0x1], $0xffff  }
0xad: {  	v37 =	vld.idx.msk [tilespmem:v16+s31+$0x0 ss:$0x1], $0xffff  }
0xae: {  	s23 =	sor.u32 $0x2C0, s21;
	v38 =	vld.idx.msk [tilespmem:v17+s31+$0x0 ss:$0x1], $0xffff  }
0xaf: {  	v39 =	vld.idx.msk [tilespmem:v16+s23+$0x0 ss:$0x1], $0xffff  }
0xb0: {  	s24 =	sor.u32 $0x2D0, s21;
	v40 =	vld.idx.msk [tilespmem:v17+s23+$0x0 ss:$0x1], $0xffff  }
0xb1: {  	v41 =	vld.idx.msk [tilespmem:v16+s24+$0x0 ss:$0x1], $0xffff  }
0xb2: {  	s25 =	sor.u32 $0x2E0, s21;
	v42 =	vld.idx.msk [tilespmem:v17+s24+$0x0 ss:$0x1], $0xffff  }
0xb3: {  	v43 =	vld.idx.msk [tilespmem:v16+s25+$0x0 ss:$0x1], $0xffff  }
0xb4: {  	s26 =	sor.u32 $0x2F0, s21;
	v44 =	vld.idx.msk [tilespmem:v17+s25+$0x0 ss:$0x1], $0xffff  }
0xb5: {  	v45 =	vld.idx.msk [tilespmem:v16+s26+$0x0 ss:$0x1], $0xffff  }
0xb6: {  	v46 =	vld.idx.msk [tilespmem:v17+s26+$0x0 ss:$0x1], $0xffff;
	_ =	sdelay $0x1  }
0xb7: {  	v19 =	vmul.f32 v20, v19;
	v20 =	vmul.f32 v62, v61  }
0xb8: {  	v47 =	vmul.f32 v36, v63;
	v48 =	vmul.f32 v38, v37  }
0xb9: {  	v49 =	vmul.f32 v40, v39;
	v50 =	vmul.f32 v42, v41  }
0xba: {  	v51 =	vmul.f32 v44, v43;
	v52 =	vmul.f32 v46, v45  }
0xbb: {  	v19 =	vadd.f32 v20, v19;
	v20 =	vadd.f32 v48, v47  }
0xbc: {  	v53 =	vadd.f32 v50, v49;
	v54 =	vadd.f32 v52, v51;
	_ =	sdelay $0x1  }
0xbd: {  	v19 =	vadd.f32 v20, v19;
	v20 =	vadd.f32 v54, v53;
	_ =	sdelay $0x1  }
0xbe: {  	v19 =	vadd.f32 v20, v19;
	_ =	sdelay $0x1  }
0xbf: {  	s28 =	sor.u32 $0x300, s21;
	[tilespmem:s20+$0x10455] =	vst v19  }
0xc0: {  	v19 =	vld.idx.msk [tilespmem:v16+s28+$0x0 ss:$0x1], $0xffff  }
0xc1: {  	s29 =	sor.u32 $0x310, s21;
	v20 =	vld.idx.msk [tilespmem:v17+s28+$0x0 ss:$0x1], $0xffff  }
0xc2: {  	v55 =	vld.idx.msk [tilespmem:v16+s29+$0x0 ss:$0x1], $0xffff  }
0xc3: {  	s30 =	sor.u32 $0x320, s21;
	v56 =	vld.idx.msk [tilespmem:v17+s29+$0x0 ss:$0x1], $0xffff  }
0xc4: {  	v57 =	vld.idx.msk [tilespmem:v16+s30+$0x0 ss:$0x1], $0xffff  }
0xc5: {  	s31 =	sor.u32 $0x330, s21;
	v58 =	vld.idx.msk [tilespmem:v17+s30+$0x0 ss:$0x1], $0xffff  }
0xc6: {  	v59 =	vld.idx.msk [tilespmem:v16+s31+$0x0 ss:$0x1], $0xffff  }
0xc7: {  	s23 =	sor.u32 $0x340, s21;
	v60 =	vld.idx.msk [tilespmem:v17+s31+$0x0 ss:$0x1], $0xffff  }
0xc8: {  	v61 =	vld.idx.msk [tilespmem:v16+s23+$0x0 ss:$0x1], $0xffff  }
0xc9: {  	s24 =	sor.u32 $0x350, s21;
	v62 =	vld.idx.msk [tilespmem:v17+s23+$0x0 ss:$0x1], $0xffff  }
0xca: {  	v63 =	vld.idx.msk [tilespmem:v16+s24+$0x0 ss:$0x1], $0xffff  }
0xcb: {  	s25 =	sor.u32 $0x360, s21;
	v36 =	vld.idx.msk [tilespmem:v17+s24+$0x0 ss:$0x1], $0xffff  }
0xcc: {  	v37 =	vld.idx.msk [tilespmem:v16+s25+$0x0 ss:$0x1], $0xffff  }
0xcd: {  	s26 =	sor.u32 $0x370, s21;
	v38 =	vld.idx.msk [tilespmem:v17+s25+$0x0 ss:$0x1], $0xffff  }
0xce: {  	v39 =	vld.idx.msk [tilespmem:v16+s26+$0x0 ss:$0x1], $0xffff  }
0xcf: {  	v40 =	vld.idx.msk [tilespmem:v17+s26+$0x0 ss:$0x1], $0xffff;
	_ =	sdelay $0x1  }
0xd0: {  	v19 =	vmul.f32 v20, v19;
	v20 =	vmul.f32 v56, v55  }
0xd1: {  	v41 =	vmul.f32 v58, v57;
	v42 =	vmul.f32 v60, v59  }
0xd2: {  	v43 =	vmul.f32 v62, v61;
	v44 =	vmul.f32 v36, v63  }
0xd3: {  	v45 =	vmul.f32 v38, v37;
	v46 =	vmul.f32 v40, v39  }
0xd4: {  	v19 =	vadd.f32 v20, v19;
	v20 =	vadd.f32 v42, v41  }
0xd5: {  	v47 =	vadd.f32 v44, v43;
	v48 =	vadd.f32 v46, v45;
	_ =	sdelay $0x1  }
0xd6: {  	v19 =	vadd.f32 v20, v19;
	v20 =	vadd.f32 v48, v47;
	_ =	sdelay $0x1  }
0xd7: {  	v19 =	vadd.f32 v20, v19;
	_ =	sdelay $0x1  }
0xd8: {  	s28 =	sor.u32 $0x380, s21;
	[tilespmem:s20+$0x10466] =	vst v19  }
0xd9: {  	v19 =	vld.idx.msk [tilespmem:v16+s28+$0x0 ss:$0x1], $0xffff  }
0xda: {  	s29 =	sor.u32 $0x390, s21;
	v20 =	vld.idx.msk [tilespmem:v17+s28+$0x0 ss:$0x1], $0xffff  }
0xdb: {  	v49 =	vld.idx.msk [tilespmem:v16+s29+$0x0 ss:$0x1], $0xffff  }
0xdc: {  	s30 =	sor.u32 $0x3A0, s21;
	v50 =	vld.idx.msk [tilespmem:v17+s29+$0x0 ss:$0x1], $0xffff  }
0xdd: {  	v51 =	vld.idx.msk [tilespmem:v16+s30+$0x0 ss:$0x1], $0xffff  }
0xde: {  	s31 =	sor.u32 $0x3B0, s21;
	v52 =	vld.idx.msk [tilespmem:v17+s30+$0x0 ss:$0x1], $0xffff  }
0xdf: {  	v53 =	vld.idx.msk [tilespmem:v16+s31+$0x0 ss:$0x1], $0xffff  }
0xe0: {  	s23 =	sor.u32 $0x3C0, s21;
	v54 =	vld.idx.msk [tilespmem:v17+s31+$0x0 ss:$0x1], $0xffff  }
0xe1: {  	v55 =	vld.idx.msk [tilespmem:v16+s23+$0x0 ss:$0x1], $0xffff  }
0xe2: {  	s24 =	sor.u32 $0x3D0, s21;
	v56 =	vld.idx.msk [tilespmem:v17+s23+$0x0 ss:$0x1], $0xffff  }
0xe3: {  	v57 =	vld.idx.msk [tilespmem:v16+s24+$0x0 ss:$0x1], $0xffff  }
0xe4: {  	s25 =	sor.u32 $0x3E0, s21;
	v58 =	vld.idx.msk [tilespmem:v17+s24+$0x0 ss:$0x1], $0xffff  }
0xe5: {  	v59 =	vld.idx.msk [tilespmem:v16+s25+$0x0 ss:$0x1], $0xffff  }
0xe6: {  	s26 =	sor.u32 $0x3F0, s21;
	v60 =	vld.idx.msk [tilespmem:v17+s25+$0x0 ss:$0x1], $0xffff  }
0xe7: {  	s22 =	sor.u32 $0x1, s19;
	v61 =	vld.idx.msk [tilespmem:v16+s26+$0x0 ss:$0x1], $0xffff  }
0xe8: {  	v62 =	vld.idx.msk [tilespmem:v17+s26+$0x0 ss:$0x1], $0xffff;
	s24 =	sshll.u32 s22, $0xB  }
0xe9: {  	v42 =	vld.idx.msk [tilespmem:v16+s24+$0x0 ss:$0x1], $0xffff  }
0xea: {  	v43 =	vld.idx.msk [tilespmem:v17+s24+$0x0 ss:$0x1], $0xffff;
	s25 =	sor.u32 $0x10, s24  }
0xeb: {  	v44 =	vld.idx.msk [tilespmem:v16+s25+$0x0 ss:$0x1], $0xffff;
	v19 =	vmul.f32 v20, v19;
	v20 =	vmul.f32 v50, v49  }
0xec: {  	s29 =	sor.u32 $0x20, s24;
	v45 =	vld.idx.msk [tilespmem:v17+s25+$0x0 ss:$0x1], $0xffff;
	v63 =	vmul.f32 v52, v51;
	v35 =	vmul.f32 v54, v53  }
0xed: {  	v46 =	vld.idx.msk [tilespmem:v16+s29+$0x0 ss:$0x1], $0xffff;
	v36 =	vmul.f32 v56, v55;
	v37 =	vmul.f32 v58, v57  }
0xee: {  	s30 =	sor.u32 $0x30, s24;
	v47 =	vld.idx.msk [tilespmem:v17+s29+$0x0 ss:$0x1], $0xffff;
	v38 =	vmul.f32 v60, v59;
	v39 =	vmul.f32 v62, v61  }
0xef: {  	v48 =	vld.idx.msk [tilespmem:v16+s30+$0x0 ss:$0x1], $0xffff;
	v19 =	vadd.f32 v20, v19;
	v20 =	vadd.f32 v35, v63  }
0xf0: {  	s31 =	sor.u32 $0x40, s24;
	v49 =	vld.idx.msk [tilespmem:v17+s30+$0x0 ss:$0x1], $0xffff;
	v40 =	vadd.f32 v37, v36;
	v41 =	vadd.f32 v39, v38  }
0xf1: {  	v50 =	vld.idx.msk [tilespmem:v16+s31+$0x0 ss:$0x1], $0xffff  }
0xf2: {  	s26 =	sor.u32 $0x50, s24;
	v51 =	vld.idx.msk [tilespmem:v17+s31+$0x0 ss:$0x1], $0xffff;
	v19 =	vadd.f32 v20, v19;
	v20 =	vadd.f32 v41, v40  }
0xf3: {  	v52 =	vld.idx.msk [tilespmem:v16+s26+$0x0 ss:$0x1], $0xffff  }
0xf4: {  	s29 =	sor.u32 $0x70, s24;
	v53 =	vld.idx.msk [tilespmem:v17+s26+$0x0 ss:$0x1], $0xffff;
	v19 =	vadd.f32 v20, v19  }
0xf5: {  	v36 =	vld.idx.msk [tilespmem:v16+s29+$0x0 ss:$0x1], $0xffff  }
0xf6: {  	s28 =	sor.u32 $0x400, s21;
	v37 =	vld.idx.msk [tilespmem:v17+s29+$0x0 ss:$0x1], $0xffff;
	[tilespmem:s20+$0x10477] =	vst v19  }
0xf7: {  	v19 =	vld.idx.msk [tilespmem:v16+s28+$0x0 ss:$0x1], $0xffff  }
0xf8: {  	s23 =	sor.u32 $0x410, s21;
	v20 =	vld.idx.msk [tilespmem:v17+s28+$0x0 ss:$0x1], $0xffff  }
0xf9: {  	v21 =	vld.idx.msk [tilespmem:v16+s23+$0x0 ss:$0x1], $0xffff;
	s28 =	sor.u32 $0x60, s24  }
0xfa: {  	v54 =	vld.idx.msk [tilespmem:v16+s28+$0x0 ss:$0x1], $0xffff  }
0xfb: {  	v35 =	vld.idx.msk [tilespmem:v17+s28+$0x0 ss:$0x1], $0xffff  }
0xfc: {  	s30 =	sor.u32 $0x420, s21;
	v38 =	vld.idx.msk [tilespmem:v17+s23+$0x0 ss:$0x1], $0xffff  }
0xfd: {  	v22 =	vmul.f32 v43, v42;
	v55 =	vmul.f32 v45, v44;
	v39 =	vld.idx.msk [tilespmem:v16+s30+$0x0 ss:$0x1], $0xffff  }
0xfe: {  	s31 =	sor.u32 $0x430, s21;
	v56 =	vmul.f32 v47, v46;
	v57 =	vmul.f32 v49, v48;
	v24 =	vld.idx.msk [tilespmem:v17+s30+$0x0 ss:$0x1], $0xffff  }
0xff: {  	v58 =	vmul.f32 v51, v50;
	v59 =	vmul.f32 v53, v52;
	v27 =	vld.idx.msk [tilespmem:v16+s31+$0x0 ss:$0x1], $0xffff  }
0x100: {  	s25 =	sor.u32 $0x440, s21;
	v61 =	vmul.f32 v37, v36;
	v30 =	vld.idx.msk [tilespmem:v17+s31+$0x0 ss:$0x1], $0xffff;
	v60 =	vmul.f32 v35, v54  }
0x101: {  	v22 =	vadd.f32 v55, v22;
	v62 =	vadd.f32 v57, v56;
	v33 =	vld.idx.msk [tilespmem:v16+s25+$0x0 ss:$0x1], $0xffff  }
0x102: {  	s26 =	sor.u32 $0x450, s21;
	v48 =	vadd.f32 v59, v58;
	v63 =	vld.idx.msk [tilespmem:v17+s25+$0x0 ss:$0x1], $0xffff;
	v49 =	vadd.f32 v61, v60  }
0x103: {  	v50 =	vld.idx.msk [tilespmem:v16+s26+$0x0 ss:$0x1], $0xffff  }
0x104: {  	s29 =	sor.u32 $0x470, s21;
	v51 =	vld.idx.msk [tilespmem:v17+s26+$0x0 ss:$0x1], $0xffff;
	v22 =	vadd.f32 v62, v22;
	v52 =	vadd.f32 v49, v48  }
0x105: {  	v55 =	vld.idx.msk [tilespmem:v16+s29+$0x0 ss:$0x1], $0xffff  }
0x106: {  	s23 =	smul.u32 $0x110, s22;
	v56 =	vld.idx.msk [tilespmem:v17+s29+$0x0 ss:$0x1], $0xffff;
	s28 =	sor.u32 $0x460, s21;
	v22 =	vadd.f32 v52, v22  }
0x107: {  	v53 =	vld.idx.msk [tilespmem:v16+s28+$0x0 ss:$0x1], $0xffff  }
0x108: {  	s30 =	sor.u32 $0x80, s24;
	v54 =	vld.idx.msk [tilespmem:v17+s28+$0x0 ss:$0x1], $0xffff;
	[tilespmem:s23+$0x10400] =	vst v22  }
0x109: {  	v22 =	vld.idx.msk [tilespmem:v16+s30+$0x0 ss:$0x1], $0xffff  }
0x10a: {  	s31 =	sor.u32 $0x90, s24;
	v57 =	vld.idx.msk [tilespmem:v17+s30+$0x0 ss:$0x1], $0xffff  }
0x10b: {  	v58 =	vld.idx.msk [tilespmem:v16+s31+$0x0 ss:$0x1], $0xffff  }
0x10c: {  	s26 =	sor.u32 $0xA0, s24;
	v59 =	vld.idx.msk [tilespmem:v17+s31+$0x0 ss:$0x1], $0xffff  }
0x10d: {  	v60 =	vld.idx.msk [tilespmem:v16+s26+$0x0 ss:$0x1], $0xffff  }
0x10e: {  	s28 =	sor.u32 $0xB0, s24;
	v40 =	vld.idx.msk [tilespmem:v17+s26+$0x0 ss:$0x1], $0xffff  }
0x10f: {  	v41 =	vld.idx.msk [tilespmem:v16+s28+$0x0 ss:$0x1], $0xffff  }
0x110: {  	s29 =	sor.u32 $0xC0, s24;
	v42 =	vld.idx.msk [tilespmem:v17+s28+$0x0 ss:$0x1], $0xffff  }
0x111: {  	v43 =	vld.idx.msk [tilespmem:v16+s29+$0x0 ss:$0x1], $0xffff  }
0x112: {  	v44 =	vld.idx.msk [tilespmem:v17+s29+$0x0 ss:$0x1], $0xffff;
	s30 =	sor.u32 $0xD0, s24  }
0x113: {  	v45 =	vld.idx.msk [tilespmem:v16+s30+$0x0 ss:$0x1], $0xffff  }
0x114: {  	s31 =	sor.u32 $0xE0, s24;
	v46 =	vld.idx.msk [tilespmem:v17+s30+$0x0 ss:$0x1], $0xffff  }
0x115: {  	v19 =	vmul.f32 v20, v19;
	v20 =	vld.idx.msk [tilespmem:v16+s31+$0x0 ss:$0x1], $0xffff  }
0x116: {  	v21 =	vmul.f32 v38, v21;
	v24 =	vmul.f32 v24, v39;
	s26 =	sor.u32 $0xF0, s24;
	v61 =	vld.idx.msk [tilespmem:v17+s31+$0x0 ss:$0x1], $0xffff  }
0x117: {  	v27 =	vmul.f32 v30, v27;
	v25 =	vmul.f32 v63, v33;
	v62 =	vld.idx.msk [tilespmem:v16+s26+$0x0 ss:$0x1], $0xffff  }
0x118: {  	v29 =	vmul.f32 v51, v50;
	v23 =	vmul.f32 v56, v55;
	v63 =	vld.idx.msk [tilespmem:v17+s26+$0x0 ss:$0x1], $0xffff  }
0x119: {  	v19 =	vadd.f32 v21, v19;
	v32 =	vadd.f32 v27, v24;
	v26 =	vmul.f32 v54, v53  }
0x11a: {  	v33 =	vadd.f32 v29, v25;
	v22 =	vmul.f32 v57, v22;
	v39 =	vmul.f32 v59, v58  }
0x11b: {  	v23 =	vadd.f32 v23, v26;
	v40 =	vmul.f32 v40, v60;
	v42 =	vmul.f32 v42, v41  }
0x11c: {  	v19 =	vadd.f32 v32, v19;
	v44 =	vmul.f32 v44, v43;
	v46 =	vmul.f32 v46, v45  }
0x11d: {  	v23 =	vadd.f32 v23, v33;
	v20 =	vmul.f32 v61, v20;
	v47 =	vmul.f32 v63, v62  }
0x11e: {  	v22 =	vadd.f32 v39, v22;
	v48 =	vadd.f32 v42, v40  }
0x11f: {  	v21 =	vadd.f32 v46, v44;
	v20 =	vadd.f32 v47, v20  }
0x120: {  	v19 =	vadd.f32 v23, v19  }
0x121: {  	v22 =	vadd.f32 v48, v22;
	v20 =	vadd.f32 v20, v21;
	_ =	sdelay $0x1  }
0x122: {  	s28 =	sor.u32 $0x480, s21;
	[tilespmem:s20+$0x10488] =	vst v19;
	v19 =	vadd.f32 v20, v22  }
0x123: {  	v21 =	vld.idx.msk [tilespmem:v17+s28+$0x0 ss:$0x1], $0xffff  }
0x124: {  	s29 =	sor.u32 $0x100, s24;
	v20 =	vld.idx.msk [tilespmem:v16+s28+$0x0 ss:$0x1], $0xffff;
	[tilespmem:s23+$0x10411] =	vst v19  }
0x125: {  	v19 =	vld.idx.msk [tilespmem:v16+s29+$0x0 ss:$0x1], $0xffff  }
0x126: {  	s30 =	sor.u32 $0x110, s24;
	v49 =	vld.idx.msk [tilespmem:v17+s29+$0x0 ss:$0x1], $0xffff  }
0x127: {  	v50 =	vld.idx.msk [tilespmem:v16+s30+$0x0 ss:$0x1], $0xffff  }
0x128: {  	s31 =	sor.u32 $0x120, s24;
	v51 =	vld.idx.msk [tilespmem:v17+s30+$0x0 ss:$0x1], $0xffff  }
0x129: {  	v52 =	vld.idx.msk [tilespmem:v16+s31+$0x0 ss:$0x1], $0xffff  }
0x12a: {  	s26 =	sor.u32 $0x130, s24;
	v53 =	vld.idx.msk [tilespmem:v17+s31+$0x0 ss:$0x1], $0xffff  }
0x12b: {  	v54 =	vld.idx.msk [tilespmem:v16+s26+$0x0 ss:$0x1], $0xffff  }
0x12c: {  	s28 =	sor.u32 $0x140, s24;
	v55 =	vld.idx.msk [tilespmem:v17+s26+$0x0 ss:$0x1], $0xffff  }
0x12d: {  	v56 =	vld.idx.msk [tilespmem:v16+s28+$0x0 ss:$0x1], $0xffff  }
0x12e: {  	v57 =	vld.idx.msk [tilespmem:v17+s28+$0x0 ss:$0x1], $0xffff;
	s29 =	sor.u32 $0x150, s24  }
0x12f: {  	v58 =	vld.idx.msk [tilespmem:v16+s29+$0x0 ss:$0x1], $0xffff  }
0x130: {  	s30 =	sor.u32 $0x160, s24;
	v59 =	vld.idx.msk [tilespmem:v17+s29+$0x0 ss:$0x1], $0xffff  }
0x131: {  	v60 =	vld.idx.msk [tilespmem:v16+s30+$0x0 ss:$0x1], $0xffff  }
0x132: {  	s31 =	sor.u32 $0x170, s24;
	v61 =	vld.idx.msk [tilespmem:v17+s30+$0x0 ss:$0x1], $0xffff  }
0x133: {  	v62 =	vld.idx.msk [tilespmem:v16+s31+$0x0 ss:$0x1], $0xffff  }
0x134: {  	s26 =	sor.u32 $0x490, s21;
	v63 =	vld.idx.msk [tilespmem:v17+s31+$0x0 ss:$0x1], $0xffff  }
0x135: {  	v37 =	vld.idx.msk [tilespmem:v16+s26+$0x0 ss:$0x1], $0xffff  }
0x136: {  	s28 =	sor.u32 $0x4A0, s21;
	v38 =	vld.idx.msk [tilespmem:v17+s26+$0x0 ss:$0x1], $0xffff  }
0x137: {  	v39 =	vld.idx.msk [tilespmem:v16+s28+$0x0 ss:$0x1], $0xffff;
	v19 =	vmul.f32 v49, v19;
	v41 =	vmul.f32 v51, v50  }
0x138: {  	v23 =	vld.idx.msk [tilespmem:v17+s28+$0x0 ss:$0x1], $0xffff;
	s29 =	sor.u32 $0x4B0, s21;
	v42 =	vmul.f32 v53, v52;
	v43 =	vmul.f32 v55, v54  }
0x139: {  	v26 =	vld.idx.msk [tilespmem:v16+s29+$0x0 ss:$0x1], $0xffff;
	v44 =	vmul.f32 v57, v56;
	v45 =	vmul.f32 v59, v58  }
0x13a: {  	s30 =	sor.u32 $0x4C0, s21;
	v29 =	vld.idx.msk [tilespmem:v17+s29+$0x0 ss:$0x1], $0xffff;
	v46 =	vmul.f32 v61, v60;
	v47 =	vmul.f32 v63, v62  }
0x13b: {  	v32 =	vld.idx.msk [tilespmem:v16+s30+$0x0 ss:$0x1], $0xffff;
	v19 =	vadd.f32 v41, v19;
	v48 =	vadd.f32 v43, v42  }
0x13c: {  	s31 =	sor.u32 $0x4D0, s21;
	v24 =	vld.idx.msk [tilespmem:v17+s30+$0x0 ss:$0x1], $0xffff;
	v49 =	vadd.f32 v45, v44;
	v50 =	vadd.f32 v47, v46  }
0x13d: {  	v28 =	vld.idx.msk [tilespmem:v16+s31+$0x0 ss:$0x1], $0xffff  }
0x13e: {  	s26 =	sor.u32 $0x4E0, s21;
	v30 =	vld.idx.msk [tilespmem:v17+s31+$0x0 ss:$0x1], $0xffff;
	v19 =	vadd.f32 v48, v19;
	v51 =	vadd.f32 v50, v49  }
0x13f: {  	s28 =	sor.u32 $0x4F0, s21;
	v25 =	vld.idx.msk [tilespmem:v16+s26+$0x0 ss:$0x1], $0xffff  }
0x140: {  	v22 =	vld.idx.msk [tilespmem:v16+s28+$0x0 ss:$0x1], $0xffff;
	v19 =	vadd.f32 v51, v19  }
0x141: {  	v52 =	vld.idx.msk [tilespmem:v17+s26+$0x0 ss:$0x1], $0xffff  }
0x142: {  	s29 =	sor.u32 $0x180, s24;
	v53 =	vld.idx.msk [tilespmem:v17+s28+$0x0 ss:$0x1], $0xffff;
	[tilespmem:s23+$0x10422] =	vst v19  }
0x143: {  	v19 =	vld.idx.msk [tilespmem:v16+s29+$0x0 ss:$0x1], $0xffff  }
0x144: {  	s30 =	sor.u32 $0x190, s24;
	v54 =	vld.idx.msk [tilespmem:v17+s29+$0x0 ss:$0x1], $0xffff  }
0x145: {  	v55 =	vld.idx.msk [tilespmem:v16+s30+$0x0 ss:$0x1], $0xffff  }
0x146: {  	s31 =	sor.u32 $0x1A0, s24;
	v56 =	vld.idx.msk [tilespmem:v17+s30+$0x0 ss:$0x1], $0xffff  }
0x147: {  	v57 =	vld.idx.msk [tilespmem:v16+s31+$0x0 ss:$0x1], $0xffff  }
0x148: {  	s26 =	sor.u32 $0x1B0, s24;
	v58 =	vld.idx.msk [tilespmem:v17+s31+$0x0 ss:$0x1], $0xffff  }
0x149: {  	v59 =	vld.idx.msk [tilespmem:v16+s26+$0x0 ss:$0x1], $0xffff  }
0x14a: {  	s28 =	sor.u32 $0x1C0, s24;
	v60 =	vld.idx.msk [tilespmem:v17+s26+$0x0 ss:$0x1], $0xffff  }
0x14b: {  	v61 =	vld.idx.msk [tilespmem:v16+s28+$0x0 ss:$0x1], $0xffff  }
0x14c: {  	v62 =	vld.idx.msk [tilespmem:v17+s28+$0x0 ss:$0x1], $0xffff;
	s29 =	sor.u32 $0x1D0, s24  }
0x14d: {  	v63 =	vld.idx.msk [tilespmem:v16+s29+$0x0 ss:$0x1], $0xffff  }
0x14e: {  	s30 =	sor.u32 $0x1E0, s24;
	v48 =	vld.idx.msk [tilespmem:v17+s29+$0x0 ss:$0x1], $0xffff  }
0x14f: {  	v20 =	vmul.f32 v21, v20;
	v49 =	vld.idx.msk [tilespmem:v16+s30+$0x0 ss:$0x1], $0xffff  }
0x150: {  	v37 =	vmul.f32 v38, v37;
	v23 =	vmul.f32 v23, v39;
	s31 =	sor.u32 $0x1F0, s24;
	v50 =	vld.idx.msk [tilespmem:v17+s30+$0x0 ss:$0x1], $0xffff  }
0x151: {  	v26 =	vmul.f32 v29, v26;
	v24 =	vmul.f32 v24, v32;
	v51 =	vld.idx.msk [tilespmem:v16+s31+$0x0 ss:$0x1], $0xffff  }
0x152: {  	v28 =	vmul.f32 v30, v28;
	v25 =	vmul.f32 v52, v25;
	v52 =	vld.idx.msk [tilespmem:v17+s31+$0x0 ss:$0x1], $0xffff  }
0x153: {  	v20 =	vadd.f32 v37, v20;
	v23 =	vadd.f32 v26, v23;
	v22 =	vmul.f32 v53, v22  }
0x154: {  	v24 =	vadd.f32 v28, v24;
	v19 =	vmul.f32 v54, v19;
	v53 =	vmul.f32 v56, v55  }
0x155: {  	v22 =	vadd.f32 v22, v25;
	v54 =	vmul.f32 v58, v57;
	v55 =	vmul.f32 v60, v59  }
0x156: {  	v20 =	vadd.f32 v23, v20;
	v56 =	vmul.f32 v62, v61;
	v57 =	vmul.f32 v48, v63  }
0x157: {  	v22 =	vadd.f32 v22, v24;
	v21 =	vmul.f32 v50, v49;
	v58 =	vmul.f32 v52, v51  }
0x158: {  	v19 =	vadd.f32 v53, v19;
	v25 =	vadd.f32 v55, v54  }
0x159: {  	v23 =	vadd.f32 v57, v56;
	v21 =	vadd.f32 v58, v21  }
0x15a: {  	v20 =	vadd.f32 v22, v20  }
0x15b: {  	v19 =	vadd.f32 v25, v19;
	v21 =	vadd.f32 v21, v23;
	_ =	sdelay $0x1  }
0x15c: {  	s26 =	sor.u32 $0x500, s21;
	[tilespmem:s20+$0x10499] =	vst v20;
	v19 =	vadd.f32 v21, v19  }
0x15d: {  	v20 =	vld.idx.msk [tilespmem:v16+s26+$0x0 ss:$0x1], $0xffff  }
0x15e: {  	s28 =	sor.u32 $0x200, s24;
	v21 =	vld.idx.msk [tilespmem:v17+s26+$0x0 ss:$0x1], $0xffff;
	[tilespmem:s23+$0x10433] =	vst v19  }
0x15f: {  	v19 =	vld.idx.msk [tilespmem:v16+s28+$0x0 ss:$0x1], $0xffff  }
0x160: {  	s29 =	sor.u32 $0x210, s24;
	v59 =	vld.idx.msk [tilespmem:v17+s28+$0x0 ss:$0x1], $0xffff  }
0x161: {  	v60 =	vld.idx.msk [tilespmem:v16+s29+$0x0 ss:$0x1], $0xffff  }
0x162: {  	s30 =	sor.u32 $0x220, s24;
	v61 =	vld.idx.msk [tilespmem:v17+s29+$0x0 ss:$0x1], $0xffff  }
0x163: {  	v62 =	vld.idx.msk [tilespmem:v16+s30+$0x0 ss:$0x1], $0xffff  }
0x164: {  	s31 =	sor.u32 $0x230, s24;
	v63 =	vld.idx.msk [tilespmem:v17+s30+$0x0 ss:$0x1], $0xffff  }
0x165: {  	v42 =	vld.idx.msk [tilespmem:v16+s31+$0x0 ss:$0x1], $0xffff  }
0x166: {  	s26 =	sor.u32 $0x240, s24;
	v43 =	vld.idx.msk [tilespmem:v17+s31+$0x0 ss:$0x1], $0xffff  }
0x167: {  	v44 =	vld.idx.msk [tilespmem:v16+s26+$0x0 ss:$0x1], $0xffff  }
0x168: {  	v45 =	vld.idx.msk [tilespmem:v17+s26+$0x0 ss:$0x1], $0xffff;
	s28 =	sor.u32 $0x250, s24  }
0x169: {  	v46 =	vld.idx.msk [tilespmem:v16+s28+$0x0 ss:$0x1], $0xffff  }
0x16a: {  	s29 =	sor.u32 $0x260, s24;
	v47 =	vld.idx.msk [tilespmem:v17+s28+$0x0 ss:$0x1], $0xffff  }
0x16b: {  	v48 =	vld.idx.msk [tilespmem:v16+s29+$0x0 ss:$0x1], $0xffff  }
0x16c: {  	s30 =	sor.u32 $0x270, s24;
	v49 =	vld.idx.msk [tilespmem:v17+s29+$0x0 ss:$0x1], $0xffff  }
0x16d: {  	v50 =	vld.idx.msk [tilespmem:v16+s30+$0x0 ss:$0x1], $0xffff  }
0x16e: {  	s31 =	sor.u32 $0x510, s21;
	v51 =	vld.idx.msk [tilespmem:v17+s30+$0x0 ss:$0x1], $0xffff  }
0x16f: {  	v37 =	vld.idx.msk [tilespmem:v16+s31+$0x0 ss:$0x1], $0xffff  }
0x170: {  	s26 =	sor.u32 $0x520, s21;
	v38 =	vld.idx.msk [tilespmem:v17+s31+$0x0 ss:$0x1], $0xffff  }
0x171: {  	v39 =	vld.idx.msk [tilespmem:v16+s26+$0x0 ss:$0x1], $0xffff;
	v19 =	vmul.f32 v59, v19;
	v52 =	vmul.f32 v61, v60  }
0x172: {  	v23 =	vld.idx.msk [tilespmem:v17+s26+$0x0 ss:$0x1], $0xffff;
	s28 =	sor.u32 $0x530, s21;
	v53 =	vmul.f32 v63, v62;
	v54 =	vmul.f32 v43, v42  }
0x173: {  	v26 =	vld.idx.msk [tilespmem:v16+s28+$0x0 ss:$0x1], $0xffff;
	v55 =	vmul.f32 v45, v44;
	v56 =	vmul.f32 v47, v46  }
0x174: {  	s29 =	sor.u32 $0x540, s21;
	v29 =	vld.idx.msk [tilespmem:v17+s28+$0x0 ss:$0x1], $0xffff;
	v57 =	vmul.f32 v49, v48;
	v58 =	vmul.f32 v51, v50  }
0x175: {  	v32 =	vld.idx.msk [tilespmem:v16+s29+$0x0 ss:$0x1], $0xffff;
	v19 =	vadd.f32 v52, v19;
	v59 =	vadd.f32 v54, v53  }
0x176: {  	s30 =	sor.u32 $0x550, s21;
	v24 =	vld.idx.msk [tilespmem:v17+s29+$0x0 ss:$0x1], $0xffff;
	v60 =	vadd.f32 v56, v55;
	v61 =	vadd.f32 v58, v57  }
0x177: {  	v28 =	vld.idx.msk [tilespmem:v16+s30+$0x0 ss:$0x1], $0xffff  }
0x178: {  	s31 =	sor.u32 $0x560, s21;
	v30 =	vld.idx.msk [tilespmem:v17+s30+$0x0 ss:$0x1], $0xffff;
	v19 =	vadd.f32 v59, v19;
	v62 =	vadd.f32 v61, v60  }
0x179: {  	s26 =	sor.u32 $0x570, s21;
	v25 =	vld.idx.msk [tilespmem:v16+s31+$0x0 ss:$0x1], $0xffff  }
0x17a: {  	v22 =	vld.idx.msk [tilespmem:v16+s26+$0x0 ss:$0x1], $0xffff;
	v19 =	vadd.f32 v62, v19  }
0x17b: {  	v63 =	vld.idx.msk [tilespmem:v17+s31+$0x0 ss:$0x1], $0xffff  }
0x17c: {  	s28 =	sor.u32 $0x280, s24;
	v48 =	vld.idx.msk [tilespmem:v17+s26+$0x0 ss:$0x1], $0xffff;
	[tilespmem:s23+$0x10444] =	vst v19  }
0x17d: {  	v19 =	vld.idx.msk [tilespmem:v16+s28+$0x0 ss:$0x1], $0xffff  }
0x17e: {  	s29 =	sor.u32 $0x290, s24;
	v49 =	vld.idx.msk [tilespmem:v17+s28+$0x0 ss:$0x1], $0xffff  }
0x17f: {  	v50 =	vld.idx.msk [tilespmem:v16+s29+$0x0 ss:$0x1], $0xffff  }
0x180: {  	s30 =	sor.u32 $0x2A0, s24;
	v51 =	vld.idx.msk [tilespmem:v17+s29+$0x0 ss:$0x1], $0xffff  }
0x181: {  	v52 =	vld.idx.msk [tilespmem:v16+s30+$0x0 ss:$0x1], $0xffff  }
0x182: {  	s31 =	sor.u32 $0x2B0, s24;
	v53 =	vld.idx.msk [tilespmem:v17+s30+$0x0 ss:$0x1], $0xffff  }
0x183: {  	v54 =	vld.idx.msk [tilespmem:v16+s31+$0x0 ss:$0x1], $0xffff  }
0x184: {  	s26 =	sor.u32 $0x2C0, s24;
	v55 =	vld.idx.msk [tilespmem:v17+s31+$0x0 ss:$0x1], $0xffff  }
0x185: {  	v56 =	vld.idx.msk [tilespmem:v16+s26+$0x0 ss:$0x1], $0xffff  }
0x186: {  	v57 =	vld.idx.msk [tilespmem:v17+s26+$0x0 ss:$0x1], $0xffff;
	s28 =	sor.u32 $0x2D0, s24  }
0x187: {  	v58 =	vld.idx.msk [tilespmem:v16+s28+$0x0 ss:$0x1], $0xffff  }
0x188: {  	s29 =	sor.u32 $0x2E0, s24;
	v59 =	vld.idx.msk [tilespmem:v17+s28+$0x0 ss:$0x1], $0xffff  }
0x189: {  	v20 =	vmul.f32 v21, v20;
	v60 =	vld.idx.msk [tilespmem:v16+s29+$0x0 ss:$0x1], $0xffff  }
0x18a: {  	v37 =	vmul.f32 v38, v37;
	v23 =	vmul.f32 v23, v39;
	s30 =	sor.u32 $0x2F0, s24;
	v61 =	vld.idx.msk [tilespmem:v17+s29+$0x0 ss:$0x1], $0xffff  }
0x18b: {  	v26 =	vmul.f32 v29, v26;
	v24 =	vmul.f32 v24, v32;
	v62 =	vld.idx.msk [tilespmem:v16+s30+$0x0 ss:$0x1], $0xffff  }
0x18c: {  	v28 =	vmul.f32 v30, v28;
	v25 =	vmul.f32 v63, v25;
	v63 =	vld.idx.msk [tilespmem:v17+s30+$0x0 ss:$0x1], $0xffff  }
0x18d: {  	v20 =	vadd.f32 v37, v20;
	v23 =	vadd.f32 v26, v23;
	v22 =	vmul.f32 v48, v22  }
0x18e: {  	v24 =	vadd.f32 v28, v24;
	v19 =	vmul.f32 v49, v19;
	v39 =	vmul.f32 v51, v50  }
0x18f: {  	v22 =	vadd.f32 v22, v25;
	v40 =	vmul.f32 v53, v52;
	v42 =	vmul.f32 v55, v54  }
0x190: {  	v20 =	vadd.f32 v23, v20;
	v44 =	vmul.f32 v57, v56;
	v47 =	vmul.f32 v59, v58  }
0x191: {  	v22 =	vadd.f32 v22, v24;
	v21 =	vmul.f32 v61, v60;
	v48 =	vmul.f32 v63, v62  }
0x192: {  	v19 =	vadd.f32 v39, v19;
	v25 =	vadd.f32 v42, v40  }
0x193: {  	v23 =	vadd.f32 v47, v44;
	v21 =	vadd.f32 v48, v21  }
0x194: {  	v20 =	vadd.f32 v22, v20  }
0x195: {  	v19 =	vadd.f32 v25, v19;
	v21 =	vadd.f32 v21, v23;
	_ =	sdelay $0x1  }
0x196: {  	s31 =	sor.u32 $0x580, s21;
	[tilespmem:s20+$0x104AA] =	vst v20;
	v19 =	vadd.f32 v21, v19  }
0x197: {  	v20 =	vld.idx.msk [tilespmem:v16+s31+$0x0 ss:$0x1], $0xffff  }
0x198: {  	s26 =	sor.u32 $0x300, s24;
	v21 =	vld.idx.msk [tilespmem:v17+s31+$0x0 ss:$0x1], $0xffff;
	[tilespmem:s23+$0x10455] =	vst v19  }
0x199: {  	v19 =	vld.idx.msk [tilespmem:v16+s26+$0x0 ss:$0x1], $0xffff  }
0x19a: {  	s28 =	sor.u32 $0x310, s24;
	v49 =	vld.idx.msk [tilespmem:v17+s26+$0x0 ss:$0x1], $0xffff  }
0x19b: {  	v50 =	vld.idx.msk [tilespmem:v16+s28+$0x0 ss:$0x1], $0xffff  }
0x19c: {  	s29 =	sor.u32 $0x320, s24;
	v51 =	vld.idx.msk [tilespmem:v17+s28+$0x0 ss:$0x1], $0xffff  }
0x19d: {  	v52 =	vld.idx.msk [tilespmem:v16+s29+$0x0 ss:$0x1], $0xffff  }
0x19e: {  	s30 =	sor.u32 $0x330, s24;
	v53 =	vld.idx.msk [tilespmem:v17+s29+$0x0 ss:$0x1], $0xffff  }
0x19f: {  	v54 =	vld.idx.msk [tilespmem:v16+s30+$0x0 ss:$0x1], $0xffff  }
0x1a0: {  	s31 =	sor.u32 $0x340, s24;
	v55 =	vld.idx.msk [tilespmem:v17+s30+$0x0 ss:$0x1], $0xffff  }
0x1a1: {  	v56 =	vld.idx.msk [tilespmem:v16+s31+$0x0 ss:$0x1], $0xffff  }
0x1a2: {  	v57 =	vld.idx.msk [tilespmem:v17+s31+$0x0 ss:$0x1], $0xffff;
	s26 =	sor.u32 $0x350, s24  }
0x1a3: {  	v58 =	vld.idx.msk [tilespmem:v16+s26+$0x0 ss:$0x1], $0xffff  }
0x1a4: {  	s28 =	sor.u32 $0x360, s24;
	v59 =	vld.idx.msk [tilespmem:v17+s26+$0x0 ss:$0x1], $0xffff  }
0x1a5: {  	v60 =	vld.idx.msk [tilespmem:v16+s28+$0x0 ss:$0x1], $0xffff  }
0x1a6: {  	s29 =	sor.u32 $0x370, s24;
	v61 =	vld.idx.msk [tilespmem:v17+s28+$0x0 ss:$0x1], $0xffff  }
0x1a7: {  	v62 =	vld.idx.msk [tilespmem:v16+s29+$0x0 ss:$0x1], $0xffff  }
0x1a8: {  	s30 =	sor.u32 $0x590, s21;
	v63 =	vld.idx.msk [tilespmem:v17+s29+$0x0 ss:$0x1], $0xffff  }
0x1a9: {  	v37 =	vld.idx.msk [tilespmem:v16+s30+$0x0 ss:$0x1], $0xffff  }
0x1aa: {  	s31 =	sor.u32 $0x5A0, s21;
	v38 =	vld.idx.msk [tilespmem:v17+s30+$0x0 ss:$0x1], $0xffff  }
0x1ab: {  	v39 =	vld.idx.msk [tilespmem:v16+s31+$0x0 ss:$0x1], $0xffff;
	v19 =	vmul.f32 v49, v19;
	v41 =	vmul.f32 v51, v50  }
0x1ac: {  	v23 =	vld.idx.msk [tilespmem:v17+s31+$0x0 ss:$0x1], $0xffff;
	s26 =	sor.u32 $0x5B0, s21;
	v42 =	vmul.f32 v53, v52;
	v43 =	vmul.f32 v55, v54  }
0x1ad: {  	v26 =	vld.idx.msk [tilespmem:v16+s26+$0x0 ss:$0x1], $0xffff;
	v44 =	vmul.f32 v57, v56;
	v45 =	vmul.f32 v59, v58  }
0x1ae: {  	s28 =	sor.u32 $0x5C0, s21;
	v29 =	vld.idx.msk [tilespmem:v17+s26+$0x0 ss:$0x1], $0xffff;
	v46 =	vmul.f32 v61, v60;
	v47 =	vmul.f32 v63, v62  }
0x1af: {  	v32 =	vld.idx.msk [tilespmem:v16+s28+$0x0 ss:$0x1], $0xffff;
	v19 =	vadd.f32 v41, v19;
	v48 =	vadd.f32 v43, v42  }
0x1b0: {  	s29 =	sor.u32 $0x5D0, s21;
	v24 =	vld.idx.msk [tilespmem:v17+s28+$0x0 ss:$0x1], $0xffff;
	v49 =	vadd.f32 v45, v44;
	v50 =	vadd.f32 v47, v46  }
0x1b1: {  	v28 =	vld.idx.msk [tilespmem:v16+s29+$0x0 ss:$0x1], $0xffff  }
0x1b2: {  	s30 =	sor.u32 $0x5E0, s21;
	v30 =	vld.idx.msk [tilespmem:v17+s29+$0x0 ss:$0x1], $0xffff;
	v19 =	vadd.f32 v48, v19;
	v51 =	vadd.f32 v50, v49  }
0x1b3: {  	s31 =	sor.u32 $0x5F0, s21;
	v25 =	vld.idx.msk [tilespmem:v16+s30+$0x0 ss:$0x1], $0xffff  }
0x1b4: {  	v22 =	vld.idx.msk [tilespmem:v16+s31+$0x0 ss:$0x1], $0xffff;
	v19 =	vadd.f32 v51, v19  }
0x1b5: {  	v52 =	vld.idx.msk [tilespmem:v17+s30+$0x0 ss:$0x1], $0xffff  }
0x1b6: {  	s26 =	sor.u32 $0x380, s24;
	v53 =	vld.idx.msk [tilespmem:v17+s31+$0x0 ss:$0x1], $0xffff;
	[tilespmem:s23+$0x10466] =	vst v19  }
0x1b7: {  	v19 =	vld.idx.msk [tilespmem:v16+s26+$0x0 ss:$0x1], $0xffff  }
0x1b8: {  	s28 =	sor.u32 $0x390, s24;
	v54 =	vld.idx.msk [tilespmem:v17+s26+$0x0 ss:$0x1], $0xffff  }
0x1b9: {  	v55 =	vld.idx.msk [tilespmem:v16+s28+$0x0 ss:$0x1], $0xffff  }
0x1ba: {  	s29 =	sor.u32 $0x3A0, s24;
	v56 =	vld.idx.msk [tilespmem:v17+s28+$0x0 ss:$0x1], $0xffff  }
0x1bb: {  	v57 =	vld.idx.msk [tilespmem:v16+s29+$0x0 ss:$0x1], $0xffff  }
0x1bc: {  	s30 =	sor.u32 $0x3B0, s24;
	v58 =	vld.idx.msk [tilespmem:v17+s29+$0x0 ss:$0x1], $0xffff  }
0x1bd: {  	v59 =	vld.idx.msk [tilespmem:v16+s30+$0x0 ss:$0x1], $0xffff  }
0x1be: {  	s31 =	sor.u32 $0x3C0, s24;
	v60 =	vld.idx.msk [tilespmem:v17+s30+$0x0 ss:$0x1], $0xffff  }
0x1bf: {  	v61 =	vld.idx.msk [tilespmem:v16+s31+$0x0 ss:$0x1], $0xffff  }
0x1c0: {  	v62 =	vld.idx.msk [tilespmem:v17+s31+$0x0 ss:$0x1], $0xffff;
	s26 =	sor.u32 $0x3D0, s24  }
0x1c1: {  	v63 =	vld.idx.msk [tilespmem:v16+s26+$0x0 ss:$0x1], $0xffff  }
0x1c2: {  	s28 =	sor.u32 $0x3E0, s24;
	v48 =	vld.idx.msk [tilespmem:v17+s26+$0x0 ss:$0x1], $0xffff  }
0x1c3: {  	v20 =	vmul.f32 v21, v20;
	v49 =	vld.idx.msk [tilespmem:v16+s28+$0x0 ss:$0x1], $0xffff  }
0x1c4: {  	v37 =	vmul.f32 v38, v37;
	v23 =	vmul.f32 v23, v39;
	s29 =	sor.u32 $0x3F0, s24;
	v50 =	vld.idx.msk [tilespmem:v17+s28+$0x0 ss:$0x1], $0xffff  }
0x1c5: {  	v26 =	vmul.f32 v29, v26;
	v24 =	vmul.f32 v24, v32;
	v51 =	vld.idx.msk [tilespmem:v16+s29+$0x0 ss:$0x1], $0xffff  }
0x1c6: {  	v28 =	vmul.f32 v30, v28;
	v25 =	vmul.f32 v52, v25;
	v52 =	vld.idx.msk [tilespmem:v17+s29+$0x0 ss:$0x1], $0xffff  }
0x1c7: {  	v20 =	vadd.f32 v37, v20;
	v23 =	vadd.f32 v26, v23;
	v22 =	vmul.f32 v53, v22  }
0x1c8: {  	v24 =	vadd.f32 v28, v24;
	v19 =	vmul.f32 v54, v19;
	v53 =	vmul.f32 v56, v55  }
0x1c9: {  	v22 =	vadd.f32 v22, v25;
	v54 =	vmul.f32 v58, v57;
	v55 =	vmul.f32 v60, v59  }
0x1ca: {  	v20 =	vadd.f32 v23, v20;
	v56 =	vmul.f32 v62, v61;
	v57 =	vmul.f32 v48, v63  }
0x1cb: {  	v22 =	vadd.f32 v22, v24;
	v21 =	vmul.f32 v50, v49;
	v58 =	vmul.f32 v52, v51  }
0x1cc: {  	v19 =	vadd.f32 v53, v19;
	v25 =	vadd.f32 v55, v54  }
0x1cd: {  	v23 =	vadd.f32 v57, v56;
	v21 =	vadd.f32 v58, v21  }
0x1ce: {  	v20 =	vadd.f32 v22, v20  }
0x1cf: {  	v19 =	vadd.f32 v25, v19;
	v21 =	vadd.f32 v21, v23;
	_ =	sdelay $0x1  }
0x1d0: {  	s30 =	sor.u32 $0x600, s21;
	[tilespmem:s20+$0x104BB] =	vst v20;
	v19 =	vadd.f32 v21, v19  }
0x1d1: {  	v20 =	vld.idx.msk [tilespmem:v16+s30+$0x0 ss:$0x1], $0xffff  }
0x1d2: {  	s31 =	sor.u32 $0x400, s24;
	v21 =	vld.idx.msk [tilespmem:v17+s30+$0x0 ss:$0x1], $0xffff;
	[tilespmem:s23+$0x10477] =	vst v19  }
0x1d3: {  	v19 =	vld.idx.msk [tilespmem:v16+s31+$0x0 ss:$0x1], $0xffff  }
0x1d4: {  	s26 =	sor.u32 $0x410, s24;
	v59 =	vld.idx.msk [tilespmem:v17+s31+$0x0 ss:$0x1], $0xffff  }
0x1d5: {  	v60 =	vld.idx.msk [tilespmem:v16+s26+$0x0 ss:$0x1], $0xffff  }
0x1d6: {  	s28 =	sor.u32 $0x420, s24;
	v61 =	vld.idx.msk [tilespmem:v17+s26+$0x0 ss:$0x1], $0xffff  }
0x1d7: {  	v62 =	vld.idx.msk [tilespmem:v16+s28+$0x0 ss:$0x1], $0xffff  }
0x1d8: {  	s29 =	sor.u32 $0x430, s24;
	v63 =	vld.idx.msk [tilespmem:v17+s28+$0x0 ss:$0x1], $0xffff  }
0x1d9: {  	v42 =	vld.idx.msk [tilespmem:v16+s29+$0x0 ss:$0x1], $0xffff  }
0x1da: {  	s30 =	sor.u32 $0x440, s24;
	v43 =	vld.idx.msk [tilespmem:v17+s29+$0x0 ss:$0x1], $0xffff  }
0x1db: {  	v44 =	vld.idx.msk [tilespmem:v16+s30+$0x0 ss:$0x1], $0xffff  }
0x1dc: {  	v45 =	vld.idx.msk [tilespmem:v17+s30+$0x0 ss:$0x1], $0xffff;
	s31 =	sor.u32 $0x450, s24  }
0x1dd: {  	v46 =	vld.idx.msk [tilespmem:v16+s31+$0x0 ss:$0x1], $0xffff  }
0x1de: {  	s26 =	sor.u32 $0x460, s24;
	v47 =	vld.idx.msk [tilespmem:v17+s31+$0x0 ss:$0x1], $0xffff  }
0x1df: {  	v48 =	vld.idx.msk [tilespmem:v16+s26+$0x0 ss:$0x1], $0xffff  }
0x1e0: {  	s28 =	sor.u32 $0x470, s24;
	v49 =	vld.idx.msk [tilespmem:v17+s26+$0x0 ss:$0x1], $0xffff  }
0x1e1: {  	v50 =	vld.idx.msk [tilespmem:v16+s28+$0x0 ss:$0x1], $0xffff  }
0x1e2: {  	s29 =	sor.u32 $0x610, s21;
	v51 =	vld.idx.msk [tilespmem:v17+s28+$0x0 ss:$0x1], $0xffff  }
0x1e3: {  	v37 =	vld.idx.msk [tilespmem:v16+s29+$0x0 ss:$0x1], $0xffff  }
0x1e4: {  	s30 =	sor.u32 $0x620, s21;
	v38 =	vld.idx.msk [tilespmem:v17+s29+$0x0 ss:$0x1], $0xffff  }
0x1e5: {  	v39 =	vld.idx.msk [tilespmem:v16+s30+$0x0 ss:$0x1], $0xffff;
	v19 =	vmul.f32 v59, v19;
	v52 =	vmul.f32 v61, v60  }
0x1e6: {  	v23 =	vld.idx.msk [tilespmem:v17+s30+$0x0 ss:$0x1], $0xffff;
	s31 =	sor.u32 $0x630, s21;
	v53 =	vmul.f32 v63, v62;
	v54 =	vmul.f32 v43, v42  }
0x1e7: {  	v26 =	vld.idx.msk [tilespmem:v16+s31+$0x0 ss:$0x1], $0xffff;
	v55 =	vmul.f32 v45, v44;
	v56 =	vmul.f32 v47, v46  }
0x1e8: {  	s26 =	sor.u32 $0x640, s21;
	v29 =	vld.idx.msk [tilespmem:v17+s31+$0x0 ss:$0x1], $0xffff;
	v57 =	vmul.f32 v49, v48;
	v58 =	vmul.f32 v51, v50  }
0x1e9: {  	v32 =	vld.idx.msk [tilespmem:v16+s26+$0x0 ss:$0x1], $0xffff;
	v19 =	vadd.f32 v52, v19;
	v59 =	vadd.f32 v54, v53  }
0x1ea: {  	s28 =	sor.u32 $0x650, s21;
	v24 =	vld.idx.msk [tilespmem:v17+s26+$0x0 ss:$0x1], $0xffff;
	v60 =	vadd.f32 v56, v55;
	v61 =	vadd.f32 v58, v57  }
0x1eb: {  	v28 =	vld.idx.msk [tilespmem:v16+s28+$0x0 ss:$0x1], $0xffff  }
0x1ec: {  	s29 =	sor.u32 $0x660, s21;
	v30 =	vld.idx.msk [tilespmem:v17+s28+$0x0 ss:$0x1], $0xffff;
	v19 =	vadd.f32 v59, v19;
	v62 =	vadd.f32 v61, v60  }
0x1ed: {  	s30 =	sor.u32 $0x670, s21;
	v25 =	vld.idx.msk [tilespmem:v16+s29+$0x0 ss:$0x1], $0xffff  }
0x1ee: {  	v22 =	vld.idx.msk [tilespmem:v16+s30+$0x0 ss:$0x1], $0xffff;
	v19 =	vadd.f32 v62, v19  }
0x1ef: {  	v63 =	vld.idx.msk [tilespmem:v17+s29+$0x0 ss:$0x1], $0xffff  }
0x1f0: {  	s31 =	sor.u32 $0x480, s24;
	v48 =	vld.idx.msk [tilespmem:v17+s30+$0x0 ss:$0x1], $0xffff;
	[tilespmem:s23+$0x10488] =	vst v19  }
0x1f1: {  	v19 =	vld.idx.msk [tilespmem:v16+s31+$0x0 ss:$0x1], $0xffff  }
0x1f2: {  	s26 =	sor.u32 $0x490, s24;
	v49 =	vld.idx.msk [tilespmem:v17+s31+$0x0 ss:$0x1], $0xffff  }
0x1f3: {  	v50 =	vld.idx.msk [tilespmem:v16+s26+$0x0 ss:$0x1], $0xffff  }
0x1f4: {  	s28 =	sor.u32 $0x4A0, s24;
	v51 =	vld.idx.msk [tilespmem:v17+s26+$0x0 ss:$0x1], $0xffff  }
0x1f5: {  	v52 =	vld.idx.msk [tilespmem:v16+s28+$0x0 ss:$0x1], $0xffff  }
0x1f6: {  	s29 =	sor.u32 $0x4B0, s24;
	v53 =	vld.idx.msk [tilespmem:v17+s28+$0x0 ss:$0x1], $0xffff  }
0x1f7: {  	v54 =	vld.idx.msk [tilespmem:v16+s29+$0x0 ss:$0x1], $0xffff  }
0x1f8: {  	s30 =	sor.u32 $0x4C0, s24;
	v55 =	vld.idx.msk [tilespmem:v17+s29+$0x0 ss:$0x1], $0xffff  }
0x1f9: {  	v56 =	vld.idx.msk [tilespmem:v16+s30+$0x0 ss:$0x1], $0xffff  }
0x1fa: {  	v57 =	vld.idx.msk [tilespmem:v17+s30+$0x0 ss:$0x1], $0xffff;
	s31 =	sor.u32 $0x4D0, s24  }
0x1fb: {  	v58 =	vld.idx.msk [tilespmem:v16+s31+$0x0 ss:$0x1], $0xffff  }
0x1fc: {  	s26 =	sor.u32 $0x4E0, s24;
	v59 =	vld.idx.msk [tilespmem:v17+s31+$0x0 ss:$0x1], $0xffff  }
0x1fd: {  	v20 =	vmul.f32 v21, v20;
	v60 =	vld.idx.msk [tilespmem:v16+s26+$0x0 ss:$0x1], $0xffff  }
0x1fe: {  	v37 =	vmul.f32 v38, v37;
	v23 =	vmul.f32 v23, v39;
	s28 =	sor.u32 $0x4F0, s24;
	v61 =	vld.idx.msk [tilespmem:v17+s26+$0x0 ss:$0x1], $0xffff  }
0x1ff: {  	v26 =	vmul.f32 v29, v26;
	v24 =	vmul.f32 v24, v32;
	v62 =	vld.idx.msk [tilespmem:v16+s28+$0x0 ss:$0x1], $0xffff  }
0x200: {  	v28 =	vmul.f32 v30, v28;
	v25 =	vmul.f32 v63, v25;
	v63 =	vld.idx.msk [tilespmem:v17+s28+$0x0 ss:$0x1], $0xffff  }
0x201: {  	v20 =	vadd.f32 v37, v20;
	v23 =	vadd.f32 v26, v23;
	v22 =	vmul.f32 v48, v22  }
0x202: {  	v24 =	vadd.f32 v28, v24;
	v19 =	vmul.f32 v49, v19;
	v39 =	vmul.f32 v51, v50  }
0x203: {  	v22 =	vadd.f32 v22, v25;
	v40 =	vmul.f32 v53, v52;
	v42 =	vmul.f32 v55, v54  }
0x204: {  	v20 =	vadd.f32 v23, v20;
	v44 =	vmul.f32 v57, v56;
	v47 =	vmul.f32 v59, v58  }
0x205: {  	v22 =	vadd.f32 v22, v24;
	v21 =	vmul.f32 v61, v60;
	v48 =	vmul.f32 v63, v62  }
0x206: {  	v19 =	vadd.f32 v39, v19;
	v25 =	vadd.f32 v42, v40  }
0x207: {  	v23 =	vadd.f32 v47, v44;
	v21 =	vadd.f32 v48, v21  }
0x208: {  	v20 =	vadd.f32 v22, v20  }
0x209: {  	v19 =	vadd.f32 v25, v19;
	v21 =	vadd.f32 v21, v23;
	_ =	sdelay $0x1  }
0x20a: {  	s29 =	sor.u32 $0x680, s21;
	[tilespmem:s20+$0x104CC] =	vst v20;
	v19 =	vadd.f32 v21, v19  }
0x20b: {  	v20 =	vld.idx.msk [tilespmem:v16+s29+$0x0 ss:$0x1], $0xffff  }
0x20c: {  	s30 =	sor.u32 $0x500, s24;
	v21 =	vld.idx.msk [tilespmem:v17+s29+$0x0 ss:$0x1], $0xffff;
	[tilespmem:s23+$0x10499] =	vst v19  }
0x20d: {  	v19 =	vld.idx.msk [tilespmem:v16+s30+$0x0 ss:$0x1], $0xffff  }
0x20e: {  	s31 =	sor.u32 $0x510, s24;
	v49 =	vld.idx.msk [tilespmem:v17+s30+$0x0 ss:$0x1], $0xffff  }
0x20f: {  	v50 =	vld.idx.msk [tilespmem:v16+s31+$0x0 ss:$0x1], $0xffff  }
0x210: {  	s26 =	sor.u32 $0x520, s24;
	v51 =	vld.idx.msk [tilespmem:v17+s31+$0x0 ss:$0x1], $0xffff  }
0x211: {  	v52 =	vld.idx.msk [tilespmem:v16+s26+$0x0 ss:$0x1], $0xffff  }
0x212: {  	s28 =	sor.u32 $0x530, s24;
	v53 =	vld.idx.msk [tilespmem:v17+s26+$0x0 ss:$0x1], $0xffff  }
0x213: {  	v54 =	vld.idx.msk [tilespmem:v16+s28+$0x0 ss:$0x1], $0xffff  }
0x214: {  	s29 =	sor.u32 $0x540, s24;
	v55 =	vld.idx.msk [tilespmem:v17+s28+$0x0 ss:$0x1], $0xffff  }
0x215: {  	v56 =	vld.idx.msk [tilespmem:v16+s29+$0x0 ss:$0x1], $0xffff  }
0x216: {  	v57 =	vld.idx.msk [tilespmem:v17+s29+$0x0 ss:$0x1], $0xffff;
	s30 =	sor.u32 $0x550, s24  }
0x217: {  	v58 =	vld.idx.msk [tilespmem:v16+s30+$0x0 ss:$0x1], $0xffff  }
0x218: {  	s31 =	sor.u32 $0x560, s24;
	v59 =	vld.idx.msk [tilespmem:v17+s30+$0x0 ss:$0x1], $0xffff  }
0x219: {  	v60 =	vld.idx.msk [tilespmem:v16+s31+$0x0 ss:$0x1], $0xffff  }
0x21a: {  	s26 =	sor.u32 $0x570, s24;
	v61 =	vld.idx.msk [tilespmem:v17+s31+$0x0 ss:$0x1], $0xffff  }
0x21b: {  	v62 =	vld.idx.msk [tilespmem:v16+s26+$0x0 ss:$0x1], $0xffff  }
0x21c: {  	s28 =	sor.u32 $0x690, s21;
	v63 =	vld.idx.msk [tilespmem:v17+s26+$0x0 ss:$0x1], $0xffff  }
0x21d: {  	v37 =	vld.idx.msk [tilespmem:v16+s28+$0x0 ss:$0x1], $0xffff  }
0x21e: {  	s29 =	sor.u32 $0x6A0, s21;
	v38 =	vld.idx.msk [tilespmem:v17+s28+$0x0 ss:$0x1], $0xffff  }
0x21f: {  	v39 =	vld.idx.msk [tilespmem:v16+s29+$0x0 ss:$0x1], $0xffff;
	v19 =	vmul.f32 v49, v19;
	v41 =	vmul.f32 v51, v50  }
0x220: {  	v23 =	vld.idx.msk [tilespmem:v17+s29+$0x0 ss:$0x1], $0xffff;
	s30 =	sor.u32 $0x6B0, s21;
	v42 =	vmul.f32 v53, v52;
	v43 =	vmul.f32 v55, v54  }
0x221: {  	v26 =	vld.idx.msk [tilespmem:v16+s30+$0x0 ss:$0x1], $0xffff;
	v44 =	vmul.f32 v57, v56;
	v45 =	vmul.f32 v59, v58  }
0x222: {  	s31 =	sor.u32 $0x6C0, s21;
	v29 =	vld.idx.msk [tilespmem:v17+s30+$0x0 ss:$0x1], $0xffff;
	v46 =	vmul.f32 v61, v60;
	v47 =	vmul.f32 v63, v62  }
0x223: {  	v32 =	vld.idx.msk [tilespmem:v16+s31+$0x0 ss:$0x1], $0xffff;
	v19 =	vadd.f32 v41, v19;
	v48 =	vadd.f32 v43, v42  }
0x224: {  	s26 =	sor.u32 $0x6D0, s21;
	v24 =	vld.idx.msk [tilespmem:v17+s31+$0x0 ss:$0x1], $0xffff;
	v49 =	vadd.f32 v45, v44;
	v50 =	vadd.f32 v47, v46  }
0x225: {  	v28 =	vld.idx.msk [tilespmem:v16+s26+$0x0 ss:$0x1], $0xffff  }
0x226: {  	s28 =	sor.u32 $0x6E0, s21;
	v30 =	vld.idx.msk [tilespmem:v17+s26+$0x0 ss:$0x1], $0xffff;
	v19 =	vadd.f32 v48, v19;
	v51 =	vadd.f32 v50, v49  }
0x227: {  	s29 =	sor.u32 $0x6F0, s21;
	v25 =	vld.idx.msk [tilespmem:v16+s28+$0x0 ss:$0x1], $0xffff  }
0x228: {  	v22 =	vld.idx.msk [tilespmem:v16+s29+$0x0 ss:$0x1], $0xffff;
	v19 =	vadd.f32 v51, v19  }
0x229: {  	v52 =	vld.idx.msk [tilespmem:v17+s28+$0x0 ss:$0x1], $0xffff  }
0x22a: {  	s30 =	sor.u32 $0x580, s24;
	v53 =	vld.idx.msk [tilespmem:v17+s29+$0x0 ss:$0x1], $0xffff;
	[tilespmem:s23+$0x104AA] =	vst v19  }
0x22b: {  	v19 =	vld.idx.msk [tilespmem:v16+s30+$0x0 ss:$0x1], $0xffff  }
0x22c: {  	s31 =	sor.u32 $0x590, s24;
	v54 =	vld.idx.msk [tilespmem:v17+s30+$0x0 ss:$0x1], $0xffff  }
0x22d: {  	v55 =	vld.idx.msk [tilespmem:v16+s31+$0x0 ss:$0x1], $0xffff  }
0x22e: {  	s26 =	sor.u32 $0x5A0, s24;
	v56 =	vld.idx.msk [tilespmem:v17+s31+$0x0 ss:$0x1], $0xffff  }
0x22f: {  	v57 =	vld.idx.msk [tilespmem:v16+s26+$0x0 ss:$0x1], $0xffff  }
0x230: {  	s28 =	sor.u32 $0x5B0, s24;
	v58 =	vld.idx.msk [tilespmem:v17+s26+$0x0 ss:$0x1], $0xffff  }
0x231: {  	v59 =	vld.idx.msk [tilespmem:v16+s28+$0x0 ss:$0x1], $0xffff  }
0x232: {  	s29 =	sor.u32 $0x5C0, s24;
	v60 =	vld.idx.msk [tilespmem:v17+s28+$0x0 ss:$0x1], $0xffff  }
0x233: {  	v61 =	vld.idx.msk [tilespmem:v16+s29+$0x0 ss:$0x1], $0xffff  }
0x234: {  	v62 =	vld.idx.msk [tilespmem:v17+s29+$0x0 ss:$0x1], $0xffff;
	s30 =	sor.u32 $0x5D0, s24  }
0x235: {  	v63 =	vld.idx.msk [tilespmem:v16+s30+$0x0 ss:$0x1], $0xffff  }
0x236: {  	s31 =	sor.u32 $0x5E0, s24;
	v48 =	vld.idx.msk [tilespmem:v17+s30+$0x0 ss:$0x1], $0xffff  }
0x237: {  	v20 =	vmul.f32 v21, v20;
	v49 =	vld.idx.msk [tilespmem:v16+s31+$0x0 ss:$0x1], $0xffff  }
0x238: {  	v37 =	vmul.f32 v38, v37;
	v23 =	vmul.f32 v23, v39;
	s26 =	sor.u32 $0x5F0, s24;
	v50 =	vld.idx.msk [tilespmem:v17+s31+$0x0 ss:$0x1], $0xffff  }
0x239: {  	v26 =	vmul.f32 v29, v26;
	v24 =	vmul.f32 v24, v32;
	v51 =	vld.idx.msk [tilespmem:v16+s26+$0x0 ss:$0x1], $0xffff  }
0x23a: {  	v28 =	vmul.f32 v30, v28;
	v25 =	vmul.f32 v52, v25;
	v52 =	vld.idx.msk [tilespmem:v17+s26+$0x0 ss:$0x1], $0xffff  }
0x23b: {  	v20 =	vadd.f32 v37, v20;
	v23 =	vadd.f32 v26, v23;
	v22 =	vmul.f32 v53, v22  }
0x23c: {  	v24 =	vadd.f32 v28, v24;
	v19 =	vmul.f32 v54, v19;
	v53 =	vmul.f32 v56, v55  }
0x23d: {  	v22 =	vadd.f32 v22, v25;
	v54 =	vmul.f32 v58, v57;
	v55 =	vmul.f32 v60, v59  }
0x23e: {  	v20 =	vadd.f32 v23, v20;
	v56 =	vmul.f32 v62, v61;
	v57 =	vmul.f32 v48, v63  }
0x23f: {  	v22 =	vadd.f32 v22, v24;
	v21 =	vmul.f32 v50, v49;
	v58 =	vmul.f32 v52, v51  }
0x240: {  	v19 =	vadd.f32 v53, v19;
	v25 =	vadd.f32 v55, v54  }
0x241: {  	v23 =	vadd.f32 v57, v56;
	v21 =	vadd.f32 v58, v21  }
0x242: {  	v20 =	vadd.f32 v22, v20  }
0x243: {  	v19 =	vadd.f32 v25, v19;
	v21 =	vadd.f32 v21, v23;
	_ =	sdelay $0x1  }
0x244: {  	s28 =	sor.u32 $0x700, s21;
	[tilespmem:s20+$0x104DD] =	vst v20;
	v19 =	vadd.f32 v21, v19  }
0x245: {  	v20 =	vld.idx.msk [tilespmem:v16+s28+$0x0 ss:$0x1], $0xffff  }
0x246: {  	s29 =	sor.u32 $0x600, s24;
	v21 =	vld.idx.msk [tilespmem:v17+s28+$0x0 ss:$0x1], $0xffff;
	[tilespmem:s23+$0x104BB] =	vst v19  }
0x247: {  	v19 =	vld.idx.msk [tilespmem:v16+s29+$0x0 ss:$0x1], $0xffff  }
0x248: {  	s30 =	sor.u32 $0x610, s24;
	v59 =	vld.idx.msk [tilespmem:v17+s29+$0x0 ss:$0x1], $0xffff  }
0x249: {  	v60 =	vld.idx.msk [tilespmem:v16+s30+$0x0 ss:$0x1], $0xffff  }
0x24a: {  	s31 =	sor.u32 $0x620, s24;
	v61 =	vld.idx.msk [tilespmem:v17+s30+$0x0 ss:$0x1], $0xffff  }
0x24b: {  	v62 =	vld.idx.msk [tilespmem:v16+s31+$0x0 ss:$0x1], $0xffff  }
0x24c: {  	s26 =	sor.u32 $0x630, s24;
	v63 =	vld.idx.msk [tilespmem:v17+s31+$0x0 ss:$0x1], $0xffff  }
0x24d: {  	v42 =	vld.idx.msk [tilespmem:v16+s26+$0x0 ss:$0x1], $0xffff  }
0x24e: {  	s28 =	sor.u32 $0x640, s24;
	v43 =	vld.idx.msk [tilespmem:v17+s26+$0x0 ss:$0x1], $0xffff  }
0x24f: {  	v44 =	vld.idx.msk [tilespmem:v16+s28+$0x0 ss:$0x1], $0xffff  }
0x250: {  	v45 =	vld.idx.msk [tilespmem:v17+s28+$0x0 ss:$0x1], $0xffff;
	s29 =	sor.u32 $0x650, s24  }
0x251: {  	v46 =	vld.idx.msk [tilespmem:v16+s29+$0x0 ss:$0x1], $0xffff  }
0x252: {  	s30 =	sor.u32 $0x660, s24;
	v47 =	vld.idx.msk [tilespmem:v17+s29+$0x0 ss:$0x1], $0xffff  }
0x253: {  	v48 =	vld.idx.msk [tilespmem:v16+s30+$0x0 ss:$0x1], $0xffff  }
0x254: {  	s31 =	sor.u32 $0x670, s24;
	v49 =	vld.idx.msk [tilespmem:v17+s30+$0x0 ss:$0x1], $0xffff  }
0x255: {  	v50 =	vld.idx.msk [tilespmem:v16+s31+$0x0 ss:$0x1], $0xffff  }
0x256: {  	s26 =	sor.u32 $0x710, s21;
	v51 =	vld.idx.msk [tilespmem:v17+s31+$0x0 ss:$0x1], $0xffff  }
0x257: {  	v37 =	vld.idx.msk [tilespmem:v16+s26+$0x0 ss:$0x1], $0xffff  }
0x258: {  	s28 =	sor.u32 $0x720, s21;
	v38 =	vld.idx.msk [tilespmem:v17+s26+$0x0 ss:$0x1], $0xffff  }
0x259: {  	v39 =	vld.idx.msk [tilespmem:v16+s28+$0x0 ss:$0x1], $0xffff;
	v19 =	vmul.f32 v59, v19;
	v52 =	vmul.f32 v61, v60  }
0x25a: {  	v23 =	vld.idx.msk [tilespmem:v17+s28+$0x0 ss:$0x1], $0xffff;
	s29 =	sor.u32 $0x730, s21;
	v53 =	vmul.f32 v63, v62;
	v54 =	vmul.f32 v43, v42  }
0x25b: {  	v26 =	vld.idx.msk [tilespmem:v16+s29+$0x0 ss:$0x1], $0xffff;
	v55 =	vmul.f32 v45, v44;
	v56 =	vmul.f32 v47, v46  }
0x25c: {  	s30 =	sor.u32 $0x740, s21;
	v29 =	vld.idx.msk [tilespmem:v17+s29+$0x0 ss:$0x1], $0xffff;
	v57 =	vmul.f32 v49, v48;
	v58 =	vmul.f32 v51, v50  }
0x25d: {  	v32 =	vld.idx.msk [tilespmem:v16+s30+$0x0 ss:$0x1], $0xffff;
	v19 =	vadd.f32 v52, v19;
	v59 =	vadd.f32 v54, v53  }
0x25e: {  	s31 =	sor.u32 $0x750, s21;
	v24 =	vld.idx.msk [tilespmem:v17+s30+$0x0 ss:$0x1], $0xffff;
	v60 =	vadd.f32 v56, v55;
	v61 =	vadd.f32 v58, v57  }
0x25f: {  	v28 =	vld.idx.msk [tilespmem:v16+s31+$0x0 ss:$0x1], $0xffff  }
0x260: {  	s26 =	sor.u32 $0x760, s21;
	v30 =	vld.idx.msk [tilespmem:v17+s31+$0x0 ss:$0x1], $0xffff;
	v19 =	vadd.f32 v59, v19;
	v62 =	vadd.f32 v61, v60  }
0x261: {  	s28 =	sor.u32 $0x770, s21;
	v25 =	vld.idx.msk [tilespmem:v16+s26+$0x0 ss:$0x1], $0xffff  }
0x262: {  	v22 =	vld.idx.msk [tilespmem:v16+s28+$0x0 ss:$0x1], $0xffff;
	v19 =	vadd.f32 v62, v19  }
0x263: {  	v63 =	vld.idx.msk [tilespmem:v17+s26+$0x0 ss:$0x1], $0xffff  }
0x264: {  	s29 =	sor.u32 $0x680, s24;
	v48 =	vld.idx.msk [tilespmem:v17+s28+$0x0 ss:$0x1], $0xffff;
	[tilespmem:s23+$0x104CC] =	vst v19  }
0x265: {  	v19 =	vld.idx.msk [tilespmem:v16+s29+$0x0 ss:$0x1], $0xffff  }
0x266: {  	s30 =	sor.u32 $0x690, s24;
	v49 =	vld.idx.msk [tilespmem:v17+s29+$0x0 ss:$0x1], $0xffff  }
0x267: {  	v50 =	vld.idx.msk [tilespmem:v16+s30+$0x0 ss:$0x1], $0xffff  }
0x268: {  	s31 =	sor.u32 $0x6A0, s24;
	v51 =	vld.idx.msk [tilespmem:v17+s30+$0x0 ss:$0x1], $0xffff  }
0x269: {  	v52 =	vld.idx.msk [tilespmem:v16+s31+$0x0 ss:$0x1], $0xffff  }
0x26a: {  	s26 =	sor.u32 $0x6B0, s24;
	v53 =	vld.idx.msk [tilespmem:v17+s31+$0x0 ss:$0x1], $0xffff  }
0x26b: {  	v54 =	vld.idx.msk [tilespmem:v16+s26+$0x0 ss:$0x1], $0xffff  }
0x26c: {  	s28 =	sor.u32 $0x6C0, s24;
	v55 =	vld.idx.msk [tilespmem:v17+s26+$0x0 ss:$0x1], $0xffff  }
0x26d: {  	v56 =	vld.idx.msk [tilespmem:v16+s28+$0x0 ss:$0x1], $0xffff  }
0x26e: {  	v57 =	vld.idx.msk [tilespmem:v17+s28+$0x0 ss:$0x1], $0xffff;
	s29 =	sor.u32 $0x6D0, s24  }
0x26f: {  	v58 =	vld.idx.msk [tilespmem:v16+s29+$0x0 ss:$0x1], $0xffff  }
0x270: {  	s30 =	sor.u32 $0x6E0, s24;
	v59 =	vld.idx.msk [tilespmem:v17+s29+$0x0 ss:$0x1], $0xffff  }
0x271: {  	v20 =	vmul.f32 v21, v20;
	v60 =	vld.idx.msk [tilespmem:v16+s30+$0x0 ss:$0x1], $0xffff  }
0x272: {  	v37 =	vmul.f32 v38, v37;
	v23 =	vmul.f32 v23, v39;
	s31 =	sor.u32 $0x6F0, s24;
	v61 =	vld.idx.msk [tilespmem:v17+s30+$0x0 ss:$0x1], $0xffff  }
0x273: {  	v26 =	vmul.f32 v29, v26;
	v24 =	vmul.f32 v24, v32;
	v62 =	vld.idx.msk [tilespmem:v16+s31+$0x0 ss:$0x1], $0xffff  }
0x274: {  	v28 =	vmul.f32 v30, v28;
	v25 =	vmul.f32 v63, v25;
	v63 =	vld.idx.msk [tilespmem:v17+s31+$0x0 ss:$0x1], $0xffff  }
0x275: {  	v20 =	vadd.f32 v37, v20;
	v23 =	vadd.f32 v26, v23;
	v22 =	vmul.f32 v48, v22  }
0x276: {  	v24 =	vadd.f32 v28, v24;
	v19 =	vmul.f32 v49, v19;
	v39 =	vmul.f32 v51, v50  }
0x277: {  	v22 =	vadd.f32 v22, v25;
	v40 =	vmul.f32 v53, v52;
	v42 =	vmul.f32 v55, v54  }
0x278: {  	v20 =	vadd.f32 v23, v20;
	v43 =	vmul.f32 v57, v56;
	v44 =	vmul.f32 v59, v58  }
0x279: {  	v22 =	vadd.f32 v22, v24;
	v21 =	vmul.f32 v61, v60;
	v45 =	vmul.f32 v63, v62  }
0x27a: {  	v19 =	vadd.f32 v39, v19;
	v25 =	vadd.f32 v42, v40  }
0x27b: {  	v23 =	vadd.f32 v44, v43;
	v21 =	vadd.f32 v45, v21  }
0x27c: {  	v20 =	vadd.f32 v22, v20  }
0x27d: {  	v19 =	vadd.f32 v25, v19;
	v21 =	vadd.f32 v21, v23;
	_ =	sdelay $0x1  }
0x27e: {  	s26 =	sor.u32 $0x780, s21;
	[tilespmem:s20+$0x104EE] =	vst v20;
	v19 =	vadd.f32 v21, v19  }
0x27f: {  	v20 =	vld.idx.msk [tilespmem:v16+s26+$0x0 ss:$0x1], $0xffff  }
0x280: {  	s28 =	sor.u32 $0x700, s24;
	v21 =	vld.idx.msk [tilespmem:v17+s26+$0x0 ss:$0x1], $0xffff;
	[tilespmem:s23+$0x104DD] =	vst v19  }
0x281: {  	v19 =	vld.idx.msk [tilespmem:v16+s28+$0x0 ss:$0x1], $0xffff  }
0x282: {  	s29 =	sor.u32 $0x710, s24;
	v46 =	vld.idx.msk [tilespmem:v17+s28+$0x0 ss:$0x1], $0xffff  }
0x283: {  	v47 =	vld.idx.msk [tilespmem:v16+s29+$0x0 ss:$0x1], $0xffff  }
0x284: {  	s30 =	sor.u32 $0x720, s24;
	v48 =	vld.idx.msk [tilespmem:v17+s29+$0x0 ss:$0x1], $0xffff  }
0x285: {  	v49 =	vld.idx.msk [tilespmem:v16+s30+$0x0 ss:$0x1], $0xffff  }
0x286: {  	s31 =	sor.u32 $0x730, s24;
	v50 =	vld.idx.msk [tilespmem:v17+s30+$0x0 ss:$0x1], $0xffff  }
0x287: {  	v51 =	vld.idx.msk [tilespmem:v16+s31+$0x0 ss:$0x1], $0xffff  }
0x288: {  	s26 =	sor.u32 $0x740, s24;
	v52 =	vld.idx.msk [tilespmem:v17+s31+$0x0 ss:$0x1], $0xffff  }
0x289: {  	v53 =	vld.idx.msk [tilespmem:v16+s26+$0x0 ss:$0x1], $0xffff  }
0x28a: {  	v54 =	vld.idx.msk [tilespmem:v17+s26+$0x0 ss:$0x1], $0xffff;
	s28 =	sor.u32 $0x750, s24  }
0x28b: {  	v55 =	vld.idx.msk [tilespmem:v16+s28+$0x0 ss:$0x1], $0xffff  }
0x28c: {  	s29 =	sor.u32 $0x760, s24;
	v56 =	vld.idx.msk [tilespmem:v17+s28+$0x0 ss:$0x1], $0xffff  }
0x28d: {  	v57 =	vld.idx.msk [tilespmem:v16+s29+$0x0 ss:$0x1], $0xffff  }
0x28e: {  	s30 =	sor.u32 $0x770, s24;
	v58 =	vld.idx.msk [tilespmem:v17+s29+$0x0 ss:$0x1], $0xffff  }
0x28f: {  	v59 =	vld.idx.msk [tilespmem:v16+s30+$0x0 ss:$0x1], $0xffff  }
0x290: {  	s31 =	sor.u32 $0x790, s21;
	v60 =	vld.idx.msk [tilespmem:v17+s30+$0x0 ss:$0x1], $0xffff  }
0x291: {  	v37 =	vld.idx.msk [tilespmem:v16+s31+$0x0 ss:$0x1], $0xffff  }
0x292: {  	s26 =	sor.u32 $0x7A0, s21;
	v61 =	vld.idx.msk [tilespmem:v17+s31+$0x0 ss:$0x1], $0xffff  }
0x293: {  	v62 =	vld.idx.msk [tilespmem:v16+s26+$0x0 ss:$0x1], $0xffff;
	v19 =	vmul.f32 v46, v19;
	v63 =	vmul.f32 v48, v47  }
0x294: {  	v40 =	vld.idx.msk [tilespmem:v17+s26+$0x0 ss:$0x1], $0xffff;
	s28 =	sor.u32 $0x7B0, s21;
	v41 =	vmul.f32 v50, v49;
	v42 =	vmul.f32 v52, v51  }
0x295: {  	v43 =	vld.idx.msk [tilespmem:v16+s28+$0x0 ss:$0x1], $0xffff;
	v44 =	vmul.f32 v54, v53;
	v45 =	vmul.f32 v56, v55  }
0x296: {  	s29 =	sor.u32 $0x7C0, s21;
	v46 =	vld.idx.msk [tilespmem:v17+s28+$0x0 ss:$0x1], $0xffff;
	v47 =	vmul.f32 v58, v57;
	v48 =	vmul.f32 v60, v59  }
0x297: {  	v49 =	vld.idx.msk [tilespmem:v16+s29+$0x0 ss:$0x1], $0xffff;
	v19 =	vadd.f32 v63, v19;
	v50 =	vadd.f32 v42, v41  }
0x298: {  	s30 =	sor.u32 $0x7D0, s21;
	v51 =	vld.idx.msk [tilespmem:v17+s29+$0x0 ss:$0x1], $0xffff;
	v52 =	vadd.f32 v45, v44;
	v53 =	vadd.f32 v48, v47  }
0x299: {  	v54 =	vld.idx.msk [tilespmem:v16+s30+$0x0 ss:$0x1], $0xffff  }
0x29a: {  	s31 =	sor.u32 $0x7E0, s21;
	v55 =	vld.idx.msk [tilespmem:v17+s30+$0x0 ss:$0x1], $0xffff;
	v19 =	vadd.f32 v50, v19;
	v56 =	vadd.f32 v53, v52  }
0x29b: {  	v57 =	vld.idx.msk [tilespmem:v16+s31+$0x0 ss:$0x1], $0xffff  }
0x29c: {  	s21 =	sor.u32 $0x7F0, s21;
	v58 =	vld.idx.msk [tilespmem:v17+s31+$0x0 ss:$0x1], $0xffff;
	v19 =	vadd.f32 v56, v19  }
0x29d: {  	v59 =	vld.idx.msk [tilespmem:v16+s21+$0x0 ss:$0x1], $0xffff  }
0x29e: {  	s25 =	sor.u32 $0x780, s24;
	v60 =	vld.idx.msk [tilespmem:v17+s21+$0x0 ss:$0x1], $0xffff;
	[tilespmem:s23+$0x104EE] =	vst v19  }
0x29f: {  	v19 =	vld.idx.msk [tilespmem:v16+s25+$0x0 ss:$0x1], $0xffff  }
0x2a0: {  	s26 =	sor.u32 $0x790, s24;
	v33 =	vld.idx.msk [tilespmem:v17+s25+$0x0 ss:$0x1], $0xffff  }
0x2a1: {  	v34 =	vld.idx.msk [tilespmem:v16+s26+$0x0 ss:$0x1], $0xffff  }
0x2a2: {  	s28 =	sor.u32 $0x7A0, s24;
	v23 =	vmul.f32 v40, v62;
	v26 =	vmul.f32 v46, v43;
	v29 =	vld.idx.msk [tilespmem:v17+s26+$0x0 ss:$0x1], $0xffff  }
0x2a3: {  	v24 =	vmul.f32 v51, v49;
	v28 =	vmul.f32 v55, v54;
	v30 =	vld.idx.msk [tilespmem:v16+s28+$0x0 ss:$0x1], $0xffff  }
0x2a4: {  	s29 =	sor.u32 $0x7B0, s24;
	v25 =	vmul.f32 v58, v57;
	v22 =	vmul.f32 v60, v59;
	v27 =	vld.idx.msk [tilespmem:v17+s28+$0x0 ss:$0x1], $0xffff  }
0x2a5: {  	v20 =	vmul.f32 v21, v20;
	v62 =	vadd.f32 v26, v23;
	v23 =	vld.idx.msk [tilespmem:v16+s29+$0x0 ss:$0x1], $0xffff  }
0x2a6: {  	v61 =	vmul.f32 v61, v37;
	s30 =	sor.u32 $0x7C0, s24;
	v24 =	vadd.f32 v28, v24;
	v22 =	vadd.f32 v22, v25;
	v63 =	vld.idx.msk [tilespmem:v17+s29+$0x0 ss:$0x1], $0xffff  }
0x2a7: {  	v26 =	vld.idx.msk [tilespmem:v16+s30+$0x0 ss:$0x1], $0xffff  }
0x2a8: {  	s31 =	sor.u32 $0x7D0, s24;
	v20 =	vadd.f32 v61, v20;
	v45 =	vadd.f32 v22, v24;
	v24 =	vld.idx.msk [tilespmem:v17+s30+$0x0 ss:$0x1], $0xffff  }
0x2a9: {  	v48 =	vld.idx.msk [tilespmem:v16+s31+$0x0 ss:$0x1], $0xffff  }
0x2aa: {  	v46 =	vadd.s32 s20, v0;
	v20 =	vadd.f32 v62, v20;
	v50 =	vld.idx.msk [tilespmem:v17+s31+$0x0 ss:$0x1], $0xffff;
	s25 =	sor.u32 $0x7E0, s24  }
0x2ab: {  	v47 =	vadd.s32 s20, v1;
	v51 =	vld.idx.msk [tilespmem:v16+s25+$0x0 ss:$0x1], $0xffff  }
0x2ac: {  	v49 =	vadd.s32 s20, v2;
	s26 =	sor.u32 $0x7F0, s24;
	v52 =	vld.idx.msk [tilespmem:v17+s25+$0x0 ss:$0x1], $0xffff;
	v20 =	vadd.f32 v45, v20  }
0x2ad: {  	v53 =	vadd.s32 s20, v3;
	v57 =	vld.idx.msk [tilespmem:v16+s26+$0x0 ss:$0x1], $0xffff  }
0x2ae: {  	v54 =	vadd.s32 s20, v4;
	v59 =	vld.idx.msk [tilespmem:v17+s26+$0x0 ss:$0x1], $0xffff;
	[tilespmem:s20+$0x104FF] =	vst v20  }
0x2af: {  	v55 =	vadd.s32 s20, v5;
	v20 =	vld.idx.msk [tilespmem:v46+s14+$0x0], $0xffff  }
0x2b0: {  	v56 =	vadd.s32 s20, v6;
	v28 =	vld.idx.msk [tilespmem:v47+s14+$0x0], $0xffff  }
0x2b1: {  	v58 =	vadd.s32 s20, v7;
	v21 =	vld.idx.msk [tilespmem:v49+s14+$0x0], $0xffff  }
0x2b2: {  	v60 =	vadd.s32 s20, v8;
	v22 =	vld.idx.msk [tilespmem:v53+s14+$0x0], $0xffff  }
0x2b3: {  	v62 =	vadd.s32 s20, v10;
	v37 =	vld.idx.msk [tilespmem:v54+s14+$0x0], $0xffff;
	v19 =	vmul.f32 v33, v19;
	v29 =	vmul.f32 v29, v34  }
0x2b4: {  	v61 =	vadd.s32 s20, v9;
	v33 =	vld.idx.msk [tilespmem:v55+s14+$0x0], $0xffff;
	v27 =	vmul.f32 v27, v30;
	v23 =	vmul.f32 v63, v23  }
0x2b5: {  	v25 =	vld.idx.msk [tilespmem:v56+s14+$0x0], $0xffff;
	v63 =	vadd.s32 s20, v11;
	v24 =	vmul.f32 v24, v26;
	v45 =	vmul.f32 v50, v48  }
0x2b6: {  	v31 =	vld.idx.msk [tilespmem:v58+s14+$0x0], $0xffff;
	v46 =	vadd.s32 s20, v12;
	v35 =	vmul.f32 v52, v51;
	v47 =	vmul.f32 v59, v57  }
0x2b7: {  	v38 =	vld.idx.msk [tilespmem:v60+s14+$0x0], $0xffff;
	v48 =	vadd.s32 s20, v13;
	v19 =	vadd.f32 v29, v19;
	v23 =	vadd.f32 v23, v27  }
0x2b8: {  	v49 =	vadd.s32 s20, v14;
	v34 =	vld.idx.msk [tilespmem:v62+s14+$0x0], $0xffff;
	v24 =	vadd.f32 v45, v24;
	v50 =	vadd.f32 v47, v35  }
0x2b9: {  	v51 =	vadd.s32 s20, v15;
	v27 =	vld.idx.msk [tilespmem:v61+s14+$0x0], $0xffff  }
0x2ba: {  	v53 =	vadd.s32 s23, v0;
	v19 =	vadd.f32 v23, v19;
	v30 =	vld.idx.msk [tilespmem:v63+s14+$0x0], $0xffff;
	v52 =	vadd.f32 v50, v24  }
0x2bb: {  	v54 =	vadd.s32 s23, v1;
	v26 =	vld.idx.msk [tilespmem:v46+s14+$0x0], $0xffff  }
0x2bc: {  	v55 =	vadd.s32 s23, v2;
	v36 =	vld.idx.msk [tilespmem:v48+s14+$0x0], $0xffff;
	v19 =	vadd.f32 v52, v19  }
0x2bd: {  	v56 =	vadd.s32 s23, v3;
	v29 =	vld.idx.msk [tilespmem:v49+s14+$0x0], $0xffff  }
0x2be: {  	v57 =	vadd.s32 s23, v5;
	v35 =	vld.idx.msk [tilespmem:v51+s14+$0x0], $0xffff;
	[tilespmem:s23+$0x104FF] =	vst v19  }
0x2bf: {  	v58 =	vadd.s32 s23, v6;
	v24 =	vld.idx.msk [tilespmem:v53+s14+$0x0], $0xffff  }
0x2c0: {  	v59 =	vadd.s32 s23, v7;
	v32 =	vld.idx.msk [tilespmem:v54+s14+$0x0], $0xffff  }
0x2c1: {  	v60 =	vadd.s32 s23, v8;
	v23 =	vld.idx.msk [tilespmem:v55+s14+$0x0], $0xffff  }
0x2c2: {  	v61 =	vadd.s32 s23, v9;
	v39 =	vld.idx.msk [tilespmem:v56+s14+$0x0], $0xffff  }
0x2c3: {  	v62 =	vadd.s32 s23, v10;
	v40 =	vld.idx.msk [tilespmem:v57+s14+$0x0], $0xffff  }
0x2c4: {  	v63 =	vadd.s32 s23, v11;
	v41 =	vld.idx.msk [tilespmem:v58+s14+$0x0], $0xffff  }
0x2c5: {  	v47 =	vadd.s32 s23, v12;
	v42 =	vld.idx.msk [tilespmem:v59+s14+$0x0], $0xffff  }
0x2c6: {  	v48 =	vadd.s32 s23, v13;
	v43 =	vld.idx.msk [tilespmem:v60+s14+$0x0], $0xffff  }
0x2c7: {  	v49 =	vadd.s32 s23, v14;
	v44 =	vld.idx.msk [tilespmem:v61+s14+$0x0], $0xffff  }
0x2c8: {  	v50 =	vadd.s32 s23, v15;
	v45 =	vld.idx.msk [tilespmem:v62+s14+$0x0], $0xffff  }
0x2c9: {  	v19 =	vadd.s32 s23, v4;
	v52 =	vld.idx.msk [tilespmem:v63+s14+$0x0], $0xffff  }
0x2ca: {  	v20 =	vadd.f32 v28, v20;
	v21 =	vadd.f32 v22, v21;
	v54 =	vld.idx.msk [tilespmem:v47+s14+$0x0], $0xffff  }
0x2cb: {  	v25 =	vadd.f32 v31, v25;
	v27 =	vadd.f32 v27, v38;
	v55 =	vld.idx.msk [tilespmem:v48+s14+$0x0], $0xffff  }
0x2cc: {  	v53 =	vadd.f32 v33, v37;
	v30 =	vadd.f32 v30, v34;
	v56 =	vld.idx.msk [tilespmem:v49+s14+$0x0], $0xffff  }
0x2cd: {  	v26 =	vadd.f32 v36, v26;
	v58 =	vld.idx.msk [tilespmem:v50+s14+$0x0], $0xffff;
	v29 =	vadd.f32 v35, v29  }
0x2ce: {  	v20 =	vadd.f32 v21, v20;
	v57 =	vadd.f32 v25, v53;
	v19 =	vld.idx.msk [tilespmem:v19+s14+$0x0], $0xffff  }
0x2cf: {  	v27 =	vadd.f32 v30, v27;
	v26 =	vadd.f32 v29, v26  }
0x2d0: {  	v24 =	vadd.f32 v32, v24;
	v23 =	vadd.f32 v39, v23  }
0x2d1: {  	v59 =	vadd.f32 v42, v41;
	v60 =	vadd.f32 v44, v43  }
0x2d2: {  	v22 =	vadd.f32 v52, v45;
	v61 =	vadd.f32 v55, v54  }
0x2d3: {  	v25 =	vadd.f32 v58, v56;
	v19 =	vadd.f32 v40, v19  }
0x2d4: {  	v23 =	vadd.f32 v23, v24;
	v22 =	vadd.f32 v22, v60  }
0x2d5: {  	v62 =	vadd.f32 v25, v61;
	v19 =	vadd.f32 v59, v19  }
0x2d6: {  	p0 =	slt.u32 s19, $0x6;
	v20 =	vadd.f32 v57, v20;
	v63 =	vadd.f32 v26, v27  }
.Ltmp0:
0x2d7: {  	v22 =	vadd.f32 v62, v22;
	v19 =	vadd.f32 v19, v23;
	(pc) =	sbr.rel @p0 .LBB2_4-.Ltmp0, $4  }
0x2d8: {  	s28 =	sshll.u32 s19, $0x4;
	v20 =	vadd.f32 v63, v20  }
0x2d9: {  	s29 =	sshll.u32 s22, $0x4;
	s20 =	sand.u32 $0x3FFFFFF0, s28;
	v19 =	vadd.f32 v22, v19  }
0x2da: {  	s31 =	sadd.s32 $0x2, s19;
	s30 =	sand.u32 $0x3FFFFFF0, s29;
	[tilespmem:v18+s20+$0x0 ss:$0x1] =	vst.idx.msk $0xffff, v20  }
0x2db: {  	s19 =	smov.u32 s31;
	[tilespmem:v18+s30+$0x0 ss:$0x1] =	vst.idx.msk $0xffff, v19  }
0x2dc: {  	p0 =	seq.s32 s18, $0x4  }
.Ltmp1:
0x2dd: {  	_ = 	snop;
	(pc) =	sbr.rel @!p0 .LBB2_3-.Ltmp1, $1  }
0x2de: {  	_ =	sdelay $0x3  }
0x2df: {  	s17 =	sadd.s32 $0x1, s17  }
0x2e0: {  	p0 =	sne.s32 s17, s8  }
.Ltmp2:
0x2e1: {  	_ = 	snop;
	(pc) =	sbr.rel @p0 .LBB2_1-.Ltmp2, $4  }
0x2e2: {  	[hbm4b:s7+s4] =	stream.linear.scatter [tilespmem:s15], [sflag:$0x4], $0x200, $0x38;
	[tilespmem:$0x10E80] =	vst v63  }
0x2e3: {  	_ =	swait.ge [sflag:s16], $0x200  }
0x2e4: {  	[sflag:s16] =	ssyncset.done $0x0  }
0x2e5: {  	[sflag:s16] =	ssyncadd.s32 $0xFFFFFE00  }
0x2e6: {  	_ =	sfence.sel $0x180000  }
0x2e7: {  	[bflag:$0x0] =	sbarrier.arrive $0xFFFF  }
0x2e8: {  	p0 =	sne.s32 s3, $0x0;
	_ =	strace $0x90000047  }
0x2e9: {  	s0 =	sadd.s32 @!p0 $0x100000, s0;
	[bflag:$0x2] =	sbarrier.arrive $0xFFFF  }
0x2ea: {  	[sflag:s0] =	ssyncadd.tile.s32 @!p0 $0x1;
	_ =	shalt  }
.Lfunc_end2:
_tile_overlayer_lowered:
.L_overlay_start_2:
0x2eb: {  	(tag) =	ssettag $0x2  }
0x2ec: {  	s0 =	rddreg [dreg:$0x0];
	s2 =	stileid.u32  }
0x2ed: {  	s1 =	rddreg [dreg:$0x1];
	p0 =	sne.s32 s2, $0x0  }
0x2ee: {  	s3 =	rddreg [dreg:$0x2];
	[bflag:$0x3] =	sbarrier.arrive $0xFFFF;
	s2 =	simm.s32 @!p0 $0x1C04  }
0x2ef: {  	[timem:s3], [sflag:s2] =	dma.local @!p0 [hbm:s0], s1  }
0x2f0: {  	s0 =	simm.s32 @!p0 $0x4  }
0x2f1: {  	_ =	swait.ge @!p0 [sflag:s0], s1  }
0x2f2: {  	s1 =	ssub.s32 @!p0 $0x0, s1;
	[sflag:s0] =	ssyncset.done @!p0 $0x0  }
0x2f3: {  	[sflag:s0] =	ssyncadd.s32 @!p0 s1  }
0x2f4: {  	[bflag:$0x3] =	sbarrier.arrive $0xFFFF  }
0x2f5: {  	_ =	shalt  }

</sc_bundles>
